<compile_context>
chip_gen: v7x
topology: tpu7x:2x2x1
jax: 0.10.2.dev20260603
libtpu: 0.0.44.dev20260713+nightly
codegen_flags: <defaults>
</compile_context>

<pallas_src>
import functools

import jax
import jax.numpy as jnp
from jax import lax
from jax.experimental import pallas as pl
from jax.experimental.pallas import tpu as pltpu
from jax.experimental.pallas import tpu_sc as plsc

_R = 128
_C = 32768
_G = 256
_CR = 8
_CC = 2048
_NSB = 4
_NCH = 8

_mesh = plsc.VectorSubcoreMesh(core_axis_name="c", subcore_axis_name="s")


@functools.partial(
    pl.kernel,
    mesh=_mesh,
    out_type=jax.ShapeDtypeStruct((_R, _C), jnp.float32),
    scratch_types=[
        pltpu.VMEM((_CR, _CC), jnp.float32),
        pltpu.VMEM((_CR, _CC), jnp.float32),
        pltpu.VMEM((_CR, _CC), jnp.float32),
        pltpu.VMEM((_CR, _CC), jnp.float32),
        pltpu.SemaphoreType.DMA,
        pltpu.SemaphoreType.DMA,
        pltpu.SemaphoreType.DMA,
        pltpu.SemaphoreType.DMA,
    ],
    compiler_params=pltpu.CompilerParams(needs_layout_passes=False),
)
def _sc_kernel(x_hbm, out_hbm, in0, in1, ou0, ou1, si0, si1, so0, so1):
    ins, outs = [in0, in1], [ou0, ou1]
    isems, osems = [si0, si1], [so0, so1]
    wid = lax.axis_index("s") * 2 + lax.axis_index("c")
    r0 = (wid % 16) * _CR
    c0 = (wid // 16) * (_NCH * _CC)
    lane = lax.iota(jnp.int32, 16)
    zeros = jnp.zeros((16,), jnp.float32)
    ones = jnp.ones((16,), jnp.float32)
    neginf = jnp.full((16,), -jnp.inf, jnp.float32)

    row_idx = jnp.bitwise_and(lane, 7)
    colb = [(jnp.right_shift(lane, 3) + 2 * b) * _G for b in range(_NSB)]

    def zero_body(i, _):
        for r in range(_CR):
            ou0[r, pl.ds(i * 16, 16)] = zeros
            ou1[r, pl.ds(i * 16, 16)] = zeros
        return _

    lax.fori_loop(0, _CC // 16, zero_body, None)

    def make_scan(buf):
        def scan_elems(e, carry):
            curs, idxs = carry
            new_curs, new_idxs = [], []
            for b in range(_NSB):
                v = plsc.load_gather(buf, [row_idx, colb[b] + e])
                upd = v > curs[b]
                new_curs.append(jnp.maximum(curs[b], v))
                new_idxs.append(jnp.where(upd, e, idxs[b]))
            return tuple(new_curs), tuple(new_idxs)
        return scan_elems

    def start_in(c, b):
        cc = c0 + c * _CC
        return pltpu.async_copy(
            x_hbm.at[pl.ds(r0, _CR), pl.ds(cc, _CC)], ins[b], isems[b])

    def start_out(c, b):
        cc = c0 + c * _CC
        return pltpu.async_copy(
            outs[b], out_hbm.at[pl.ds(r0, _CR), pl.ds(cc, _CC)], osems[b])

    in_h = {0: start_in(0, 0)}
    out_h = {}
    prev_ones = [None, None]
    init = (tuple(neginf for _ in range(_NSB)),
            tuple(jnp.zeros((16,), jnp.int32) for _ in range(_NSB)))
    for c in range(_NCH):
        b = c & 1
        if c + 1 < _NCH:
            in_h[c + 1] = start_in(c + 1, 1 - b)
        in_h[c].wait()
        if c >= 2:
            out_h[c - 2].wait()
            for oc in prev_ones[b]:
                plsc.store_scatter(outs[b], [row_idx, oc], zeros)
        _, idxs = lax.fori_loop(0, _G, make_scan(ins[b]), init, unroll=8)
        onecols = [colb[k] + idxs[k] for k in range(_NSB)]
        for oc in onecols:
            plsc.store_scatter(outs[b], [row_idx, oc], ones)
        out_h[c] = start_out(c, b)
        prev_ones[b] = onecols
    out_h[_NCH - 2].wait()
    out_h[_NCH - 1].wait()


def kernel(x):
    return _sc_kernel(x)

# --- scband reference (transcript-rebuilt; emitter-appended) ---
"""Pipeline reference for scband-arg-max16-82343112999379 (READ-ONLY COPY).

The authoritative reference and input builder live on the scoring server;
editing this copy changes nothing except your own understanding.
"""

import jax, jax.numpy as jnp
import numpy as np


def setup_inputs(seed: int = 0) -> dict:
    key = jax.random.key(seed)
    x = jax.random.normal(key, (128, 32768), dtype=jnp.float32)
    return {"x": x}


def reference(x):
    xr = x.reshape(-1, 256)
    pred = jnp.argmax(xr, axis=1)
    rows = jnp.arange(xr.shape[0])
    out = jnp.zeros_like(xr).at[rows, pred].set(1.0)
    return out.reshape(x.shape)

if __name__ == "__main__":
    import jax
    _d = setup_inputs()
    print(jax.jit(kernel)(*tuple(_d.values())))

</pallas_src>

<mosaic_0001>
#map = affine_map<(d0, d1) -> (0, 0)>
module attributes {stable_mosaic.version = 14 : i64} {
  func.func @_sc_kernel(%arg0: i32, %arg1: i32, %arg2: memref<128x32768xf32, #tpu.memory_space<hbm>>, %arg3: memref<128x32768xf32, #tpu.memory_space<hbm>>, %arg4: memref<8x2048xf32, #tpu.memory_space<vmem>>, %arg5: memref<8x2048xf32, #tpu.memory_space<vmem>>, %arg6: memref<8x2048xf32, #tpu.memory_space<vmem>>, %arg7: memref<8x2048xf32, #tpu.memory_space<vmem>>, %arg8: memref<!tpu.dma_semaphore, #tpu.memory_space<semaphore_mem>>, %arg9: memref<!tpu.dma_semaphore, #tpu.memory_space<semaphore_mem>>, %arg10: memref<!tpu.dma_semaphore, #tpu.memory_space<semaphore_mem>>, %arg11: memref<!tpu.dma_semaphore, #tpu.memory_space<semaphore_mem>>) attributes {dimension_semantics = [#tpu.dimension_semantics<core_parallel>, #tpu.dimension_semantics<subcore_parallel>], iteration_bounds = array<i64: 2, 16>, scalar_prefetch = 0 : i64, scratch_operands = 8 : i64, tpu.core_type = #tpu.core_type<sc_vector_subcore>, window_params = [{transform_indices = #map}, {transform_indices = #map}]} {
    %mul3A = arith.constant 2 : i32
    %mul3A_0 = arith.muli %arg1, %mul3A : i32
    %add3A = arith.addi %mul3A_0, %arg0 : i32
    %jit3A = arith.constant 16 : i32
    %eq3A = arith.constant 0 : i32
    %eq3A_1 = arith.cmpi eq, %jit3A, %eq3A : i32
    %jit3A_2 = arith.constant 1 : i32
    %select_n3A = arith.select %eq3A_1, %jit3A_2, %jit3A : i32
    %rem3A = arith.remsi %add3A, %select_n3A : i32
    %ne3A = arith.constant 0 : i32
    %ne3A_3 = arith.cmpi ne, %rem3A, %ne3A : i32
    %lt3A = arith.constant 0 : i32
    %lt3A_4 = arith.cmpi slt, %rem3A, %lt3A : i32
    %lt3A_5 = arith.constant 0 : i32
    %lt3A_6 = arith.cmpi slt, %select_n3A, %lt3A_5 : i32
    %ne3A_7 = arith.xori %lt3A_4, %lt3A_6 : i1
    %and3A = arith.andi %ne3A_7, %ne3A_3 : i1
    %add3A_8 = arith.addi %rem3A, %select_n3A : i32
    %select_n3A_9 = arith.select %and3A, %add3A_8, %rem3A : i32
    %mul3A_10 = arith.constant 8 : i32
    %mul3A_11 = arith.muli %select_n3A_9, %mul3A_10 : i32
    %jit3A_12 = arith.constant 16 : i32
    %div3A = arith.divsi %add3A, %jit3A_12 : i32
    %sign3A = arith.constant 0 : i32
    %sign3A_13 = arith.cmpi sgt, %add3A, %sign3A : i32
    %sign3A_14 = arith.extui %sign3A_13 : i1 to i32
    %sign3A_15 = arith.constant 0 : i32
    %sign3A_16 = arith.cmpi slt, %add3A, %sign3A_15 : i32
    %sign3A_17 = arith.extui %sign3A_16 : i1 to i32
    %sign3A_18 = arith.subi %sign3A_14, %sign3A_17 : i32
    %sign3A_19 = arith.constant 0 : i32
    %sign3A_20 = arith.cmpi sgt, %jit3A_12, %sign3A_19 : i32
    %sign3A_21 = arith.extui %sign3A_20 : i1 to i32
    %sign3A_22 = arith.constant 0 : i32
    %sign3A_23 = arith.cmpi slt, %jit3A_12, %sign3A_22 : i32
    %sign3A_24 = arith.extui %sign3A_23 : i1 to i32
    %sign3A_25 = arith.subi %sign3A_21, %sign3A_24 : i32
    %ne3A_26 = arith.cmpi ne, %sign3A_18, %sign3A_25 : i32
    %rem3A_27 = arith.remsi %add3A, %jit3A_12 : i32
    %ne3A_28 = arith.constant 0 : i32
    %ne3A_29 = arith.cmpi ne, %rem3A_27, %ne3A_28 : i32
    %and3A_30 = arith.andi %ne3A_26, %ne3A_29 : i1
    %sub3A = arith.constant 1 : i32
    %sub3A_31 = arith.subi %div3A, %sub3A : i32
    %select_n3A_32 = arith.select %and3A_30, %sub3A_31, %div3A : i32
    %mul3A_33 = arith.constant 16384 : i32
    %mul3A_34 = arith.muli %select_n3A_32, %mul3A_33 : i32
    %iota3A = tpu.iota {dimensions = array<i32: 0>} : vector<16xi32>
    %broadcast_in_dim3A = arith.constant 0.000000e+00 : f32
    %broadcast_in_dim3A_35 = vector.broadcast %broadcast_in_dim3A : f32 to vector<16xf32>
    %broadcast_in_dim3A_36 = arith.constant 1.000000e+00 : f32
    %broadcast_in_dim3A_37 = vector.broadcast %broadcast_in_dim3A_36 : f32 to vector<16xf32>
    %broadcast_in_dim3A_38 = arith.constant 0xFF800000 : f32
    %broadcast_in_dim3A_39 = vector.broadcast %broadcast_in_dim3A_38 : f32 to vector<16xf32>
    %and3A_40 = arith.constant 7 : i32
    %and3A_41 = vector.broadcast %and3A_40 : i32 to vector<16xi32>
    %and3A_42 = arith.andi %iota3A, %and3A_41 : vector<16xi32>
    %shift_right_arithmetic3A = arith.constant 3 : i32
    %shift_right_arithmetic3A_43 = vector.broadcast %shift_right_arithmetic3A : i32 to vector<16xi32>
    %shift_right_arithmetic3A_44 = arith.shrsi %iota3A, %shift_right_arithmetic3A_43 : vector<16xi32>
    %add3A_45 = arith.constant 0 : i32
    %add3A_46 = vector.broadcast %add3A_45 : i32 to vector<16xi32>
    %add3A_47 = arith.addi %shift_right_arithmetic3A_44, %add3A_46 : vector<16xi32>
    %mul3A_48 = arith.constant 256 : i32
    %mul3A_49 = vector.broadcast %mul3A_48 : i32 to vector<16xi32>
    %mul3A_50 = arith.muli %add3A_47, %mul3A_49 : vector<16xi32>
    %shift_right_arithmetic3A_51 = arith.constant 3 : i32
    %shift_right_arithmetic3A_52 = vector.broadcast %shift_right_arithmetic3A_51 : i32 to vector<16xi32>
    %shift_right_arithmetic3A_53 = arith.shrsi %iota3A, %shift_right_arithmetic3A_52 : vector<16xi32>
    %add3A_54 = arith.constant 2 : i32
    %add3A_55 = vector.broadcast %add3A_54 : i32 to vector<16xi32>
    %add3A_56 = arith.addi %shift_right_arithmetic3A_53, %add3A_55 : vector<16xi32>
    %mul3A_57 = arith.constant 256 : i32
    %mul3A_58 = vector.broadcast %mul3A_57 : i32 to vector<16xi32>
    %mul3A_59 = arith.muli %add3A_56, %mul3A_58 : vector<16xi32>
    %shift_right_arithmetic3A_60 = arith.constant 3 : i32
    %shift_right_arithmetic3A_61 = vector.broadcast %shift_right_arithmetic3A_60 : i32 to vector<16xi32>
    %shift_right_arithmetic3A_62 = arith.shrsi %iota3A, %shift_right_arithmetic3A_61 : vector<16xi32>
    %add3A_63 = arith.constant 4 : i32
    %add3A_64 = vector.broadcast %add3A_63 : i32 to vector<16xi32>
    %add3A_65 = arith.addi %shift_right_arithmetic3A_62, %add3A_64 : vector<16xi32>
    %mul3A_66 = arith.constant 256 : i32
    %mul3A_67 = vector.broadcast %mul3A_66 : i32 to vector<16xi32>
    %mul3A_68 = arith.muli %add3A_65, %mul3A_67 : vector<16xi32>
    %shift_right_arithmetic3A_69 = arith.constant 3 : i32
    %shift_right_arithmetic3A_70 = vector.broadcast %shift_right_arithmetic3A_69 : i32 to vector<16xi32>
    %shift_right_arithmetic3A_71 = arith.shrsi %iota3A, %shift_right_arithmetic3A_70 : vector<16xi32>
    %add3A_72 = arith.constant 6 : i32
    %add3A_73 = vector.broadcast %add3A_72 : i32 to vector<16xi32>
    %add3A_74 = arith.addi %shift_right_arithmetic3A_71, %add3A_73 : vector<16xi32>
    %mul3A_75 = arith.constant 256 : i32
    %mul3A_76 = vector.broadcast %mul3A_75 : i32 to vector<16xi32>
    %mul3A_77 = arith.muli %add3A_74, %mul3A_76 : vector<16xi32>
    %scan3A = arith.constant 0 : i32
    %scan3A_78 = arith.constant 128 : i32
    %scan3A_79 = arith.addi %scan3A, %scan3A_78 : i32
    %scan3A_80 = arith.constant 1 : i32
    scf.for %scan3A_264 = %scan3A to %scan3A_79 step %scan3A_80  : i32 {
      %mul3A_265 = arith.constant 16 : i32
      %mul3A_266 = arith.muli %scan3A_264, %mul3A_265 : i32
      %swap3A = arith.constant 0 : i32
      %swap3A_267 = arith.index_cast %swap3A : i32 to index
      %swap3A_268 = arith.index_cast %mul3A_266 : i32 to index
      %swap3A_269 = tpu.vector_load %arg6[%swap3A_267, %swap3A_268] {strides = array<i32>} : memref<8x2048xf32, #tpu.memory_space<vmem>>, vector<16xf32>,
      tpu.vector_store %arg6[%swap3A_267, %swap3A_268], %broadcast_in_dim3A_35 {strides = array<i32>} : memref<8x2048xf32, #tpu.memory_space<vmem>>, vector<16xf32>,
      %mul3A_270 = arith.constant 16 : i32
      %mul3A_271 = arith.muli %scan3A_264, %mul3A_270 : i32
      %swap3A_272 = arith.constant 0 : i32
      %swap3A_273 = arith.index_cast %swap3A_272 : i32 to index
      %swap3A_274 = arith.index_cast %mul3A_271 : i32 to index
      %swap3A_275 = tpu.vector_load %arg7[%swap3A_273, %swap3A_274] {strides = array<i32>} : memref<8x2048xf32, #tpu.memory_space<vmem>>, vector<16xf32>,
      tpu.vector_store %arg7[%swap3A_273, %swap3A_274], %broadcast_in_dim3A_35 {strides = array<i32>} : memref<8x2048xf32, #tpu.memory_space<vmem>>, vector<16xf32>,
      %mul3A_276 = arith.constant 16 : i32
      %mul3A_277 = arith.muli %scan3A_264, %mul3A_276 : i32
      %swap3A_278 = arith.constant 1 : i32
      %swap3A_279 = arith.index_cast %swap3A_278 : i32 to index
      %swap3A_280 = arith.index_cast %mul3A_277 : i32 to index
      %swap3A_281 = tpu.vector_load %arg6[%swap3A_279, %swap3A_280] {strides = array<i32>} : memref<8x2048xf32, #tpu.memory_space<vmem>>, vector<16xf32>,
      tpu.vector_store %arg6[%swap3A_279, %swap3A_280], %broadcast_in_dim3A_35 {strides = array<i32>} : memref<8x2048xf32, #tpu.memory_space<vmem>>, vector<16xf32>,
      %mul3A_282 = arith.constant 16 : i32
      %mul3A_283 = arith.muli %scan3A_264, %mul3A_282 : i32
      %swap3A_284 = arith.constant 1 : i32
      %swap3A_285 = arith.index_cast %swap3A_284 : i32 to index
      %swap3A_286 = arith.index_cast %mul3A_283 : i32 to index
      %swap3A_287 = tpu.vector_load %arg7[%swap3A_285, %swap3A_286] {strides = array<i32>} : memref<8x2048xf32, #tpu.memory_space<vmem>>, vector<16xf32>,
      tpu.vector_store %arg7[%swap3A_285, %swap3A_286], %broadcast_in_dim3A_35 {strides = array<i32>} : memref<8x2048xf32, #tpu.memory_space<vmem>>, vector<16xf32>,
      %mul3A_288 = arith.constant 16 : i32
      %mul3A_289 = arith.muli %scan3A_264, %mul3A_288 : i32
      %swap3A_290 = arith.constant 2 : i32
      %swap3A_291 = arith.index_cast %swap3A_290 : i32 to index
      %swap3A_292 = arith.index_cast %mul3A_289 : i32 to index
      %swap3A_293 = tpu.vector_load %arg6[%swap3A_291, %swap3A_292] {strides = array<i32>} : memref<8x2048xf32, #tpu.memory_space<vmem>>, vector<16xf32>,
      tpu.vector_store %arg6[%swap3A_291, %swap3A_292], %broadcast_in_dim3A_35 {strides = array<i32>} : memref<8x2048xf32, #tpu.memory_space<vmem>>, vector<16xf32>,
      %mul3A_294 = arith.constant 16 : i32
      %mul3A_295 = arith.muli %scan3A_264, %mul3A_294 : i32
      %swap3A_296 = arith.constant 2 : i32
      %swap3A_297 = arith.index_cast %swap3A_296 : i32 to index
      %swap3A_298 = arith.index_cast %mul3A_295 : i32 to index
      %swap3A_299 = tpu.vector_load %arg7[%swap3A_297, %swap3A_298] {strides = array<i32>} : memref<8x2048xf32, #tpu.memory_space<vmem>>, vector<16xf32>,
      tpu.vector_store %arg7[%swap3A_297, %swap3A_298], %broadcast_in_dim3A_35 {strides = array<i32>} : memref<8x2048xf32, #tpu.memory_space<vmem>>, vector<16xf32>,
      %mul3A_300 = arith.constant 16 : i32
      %mul3A_301 = arith.muli %scan3A_264, %mul3A_300 : i32
      %swap3A_302 = arith.constant 3 : i32
      %swap3A_303 = arith.index_cast %swap3A_302 : i32 to index
      %swap3A_304 = arith.index_cast %mul3A_301 : i32 to index
      %swap3A_305 = tpu.vector_load %arg6[%swap3A_303, %swap3A_304] {strides = array<i32>} : memref<8x2048xf32, #tpu.memory_space<vmem>>, vector<16xf32>,
      tpu.vector_store %arg6[%swap3A_303, %swap3A_304], %broadcast_in_dim3A_35 {strides = array<i32>} : memref<8x2048xf32, #tpu.memory_space<vmem>>, vector<16xf32>,
      %mul3A_306 = arith.constant 16 : i32
      %mul3A_307 = arith.muli %scan3A_264, %mul3A_306 : i32
      %swap3A_308 = arith.constant 3 : i32
      %swap3A_309 = arith.index_cast %swap3A_308 : i32 to index
      %swap3A_310 = arith.index_cast %mul3A_307 : i32 to index
      %swap3A_311 = tpu.vector_load %arg7[%swap3A_309, %swap3A_310] {strides = array<i32>} : memref<8x2048xf32, #tpu.memory_space<vmem>>, vector<16xf32>,
      tpu.vector_store %arg7[%swap3A_309, %swap3A_310], %broadcast_in_dim3A_35 {strides = array<i32>} : memref<8x2048xf32, #tpu.memory_space<vmem>>, vector<16xf32>,
      %mul3A_312 = arith.constant 16 : i32
      %mul3A_313 = arith.muli %scan3A_264, %mul3A_312 : i32
      %swap3A_314 = arith.constant 4 : i32
      %swap3A_315 = arith.index_cast %swap3A_314 : i32 to index
      %swap3A_316 = arith.index_cast %mul3A_313 : i32 to index
      %swap3A_317 = tpu.vector_load %arg6[%swap3A_315, %swap3A_316] {strides = array<i32>} : memref<8x2048xf32, #tpu.memory_space<vmem>>, vector<16xf32>,
      tpu.vector_store %arg6[%swap3A_315, %swap3A_316], %broadcast_in_dim3A_35 {strides = array<i32>} : memref<8x2048xf32, #tpu.memory_space<vmem>>, vector<16xf32>,
      %mul3A_318 = arith.constant 16 : i32
      %mul3A_319 = arith.muli %scan3A_264, %mul3A_318 : i32
      %swap3A_320 = arith.constant 4 : i32
      %swap3A_321 = arith.index_cast %swap3A_320 : i32 to index
      %swap3A_322 = arith.index_cast %mul3A_319 : i32 to index
      %swap3A_323 = tpu.vector_load %arg7[%swap3A_321, %swap3A_322] {strides = array<i32>} : memref<8x2048xf32, #tpu.memory_space<vmem>>, vector<16xf32>,
      tpu.vector_store %arg7[%swap3A_321, %swap3A_322], %broadcast_in_dim3A_35 {strides = array<i32>} : memref<8x2048xf32, #tpu.memory_space<vmem>>, vector<16xf32>,
      %mul3A_324 = arith.constant 16 : i32
      %mul3A_325 = arith.muli %scan3A_264, %mul3A_324 : i32
      %swap3A_326 = arith.constant 5 : i32
      %swap3A_327 = arith.index_cast %swap3A_326 : i32 to index
      %swap3A_328 = arith.index_cast %mul3A_325 : i32 to index
      %swap3A_329 = tpu.vector_load %arg6[%swap3A_327, %swap3A_328] {strides = array<i32>} : memref<8x2048xf32, #tpu.memory_space<vmem>>, vector<16xf32>,
      tpu.vector_store %arg6[%swap3A_327, %swap3A_328], %broadcast_in_dim3A_35 {strides = array<i32>} : memref<8x2048xf32, #tpu.memory_space<vmem>>, vector<16xf32>,
      %mul3A_330 = arith.constant 16 : i32
      %mul3A_331 = arith.muli %scan3A_264, %mul3A_330 : i32
      %swap3A_332 = arith.constant 5 : i32
      %swap3A_333 = arith.index_cast %swap3A_332 : i32 to index
      %swap3A_334 = arith.index_cast %mul3A_331 : i32 to index
      %swap3A_335 = tpu.vector_load %arg7[%swap3A_333, %swap3A_334] {strides = array<i32>} : memref<8x2048xf32, #tpu.memory_space<vmem>>, vector<16xf32>,
      tpu.vector_store %arg7[%swap3A_333, %swap3A_334], %broadcast_in_dim3A_35 {strides = array<i32>} : memref<8x2048xf32, #tpu.memory_space<vmem>>, vector<16xf32>,
      %mul3A_336 = arith.constant 16 : i32
      %mul3A_337 = arith.muli %scan3A_264, %mul3A_336 : i32
      %swap3A_338 = arith.constant 6 : i32
      %swap3A_339 = arith.index_cast %swap3A_338 : i32 to index
      %swap3A_340 = arith.index_cast %mul3A_337 : i32 to index
      %swap3A_341 = tpu.vector_load %arg6[%swap3A_339, %swap3A_340] {strides = array<i32>} : memref<8x2048xf32, #tpu.memory_space<vmem>>, vector<16xf32>,
      tpu.vector_store %arg6[%swap3A_339, %swap3A_340], %broadcast_in_dim3A_35 {strides = array<i32>} : memref<8x2048xf32, #tpu.memory_space<vmem>>, vector<16xf32>,
      %mul3A_342 = arith.constant 16 : i32
      %mul3A_343 = arith.muli %scan3A_264, %mul3A_342 : i32
      %swap3A_344 = arith.constant 6 : i32
      %swap3A_345 = arith.index_cast %swap3A_344 : i32 to index
      %swap3A_346 = arith.index_cast %mul3A_343 : i32 to index
      %swap3A_347 = tpu.vector_load %arg7[%swap3A_345, %swap3A_346] {strides = array<i32>} : memref<8x2048xf32, #tpu.memory_space<vmem>>, vector<16xf32>,
      tpu.vector_store %arg7[%swap3A_345, %swap3A_346], %broadcast_in_dim3A_35 {strides = array<i32>} : memref<8x2048xf32, #tpu.memory_space<vmem>>, vector<16xf32>,
      %mul3A_348 = arith.constant 16 : i32
      %mul3A_349 = arith.muli %scan3A_264, %mul3A_348 : i32
      %swap3A_350 = arith.constant 7 : i32
      %swap3A_351 = arith.index_cast %swap3A_350 : i32 to index
      %swap3A_352 = arith.index_cast %mul3A_349 : i32 to index
      %swap3A_353 = tpu.vector_load %arg6[%swap3A_351, %swap3A_352] {strides = array<i32>} : memref<8x2048xf32, #tpu.memory_space<vmem>>, vector<16xf32>,
      tpu.vector_store %arg6[%swap3A_351, %swap3A_352], %broadcast_in_dim3A_35 {strides = array<i32>} : memref<8x2048xf32, #tpu.memory_space<vmem>>, vector<16xf32>,
      %mul3A_354 = arith.constant 16 : i32
      %mul3A_355 = arith.muli %scan3A_264, %mul3A_354 : i32
      %swap3A_356 = arith.constant 7 : i32
      %swap3A_357 = arith.index_cast %swap3A_356 : i32 to index
      %swap3A_358 = arith.index_cast %mul3A_355 : i32 to index
      %swap3A_359 = tpu.vector_load %arg7[%swap3A_357, %swap3A_358] {strides = array<i32>} : memref<8x2048xf32, #tpu.memory_space<vmem>>, vector<16xf32>,
      tpu.vector_store %arg7[%swap3A_357, %swap3A_358], %broadcast_in_dim3A_35 {strides = array<i32>} : memref<8x2048xf32, #tpu.memory_space<vmem>>, vector<16xf32>,
    }
    %scan3A_81 = arith.constant 128 : i32
    %add3A_82 = arith.constant 0 : i32
    %add3A_83 = arith.addi %mul3A_34, %add3A_82 : i32
    %dma_start3A = tpu.memref_slice %arg2[%mul3A_11, %add3A_83] : memref<128x32768xf32, #tpu.memory_space<hbm>> -> memref<8x2048xf32, #tpu.memory_space<hbm>>
    %dma_start3A_84 = tpu.memref_slice %arg2[%mul3A_11, %add3A_83] : memref<128x32768xf32, #tpu.memory_space<hbm>> -> memref<8x2048xf32, #tpu.memory_space<hbm>>
    tpu.enqueue_dma source(%dma_start3A_84 : memref<8x2048xf32, #tpu.memory_space<hbm>>) target(%arg4 : memref<8x2048xf32, #tpu.memory_space<vmem>>) target_semaphore(%arg8 : memref<!tpu.dma_semaphore, #tpu.memory_space<semaphore_mem>>)
    %broadcast_in_dim3A_85 = arith.constant 0 : i32
    %broadcast_in_dim3A_86 = vector.broadcast %broadcast_in_dim3A_85 : i32 to vector<16xi32>
    %broadcast_in_dim3A_87 = arith.constant 0 : i32
    %broadcast_in_dim3A_88 = vector.broadcast %broadcast_in_dim3A_87 : i32 to vector<16xi32>
    %broadcast_in_dim3A_89 = arith.constant 0 : i32
    %broadcast_in_dim3A_90 = vector.broadcast %broadcast_in_dim3A_89 : i32 to vector<16xi32>
    %broadcast_in_dim3A_91 = arith.constant 0 : i32
    %broadcast_in_dim3A_92 = vector.broadcast %broadcast_in_dim3A_91 : i32 to vector<16xi32>
    %add3A_93 = arith.constant 2048 : i32
    %add3A_94 = arith.addi %mul3A_34, %add3A_93 : i32
    %dma_start3A_95 = tpu.memref_slice %arg2[%mul3A_11, %add3A_94] : memref<128x32768xf32, #tpu.memory_space<hbm>> -> memref<8x2048xf32, #tpu.memory_space<hbm>>
    %dma_start3A_96 = tpu.memref_slice %arg2[%mul3A_11, %add3A_94] : memref<128x32768xf32, #tpu.memory_space<hbm>> -> memref<8x2048xf32, #tpu.memory_space<hbm>>
    tpu.enqueue_dma source(%dma_start3A_96 : memref<8x2048xf32, #tpu.memory_space<hbm>>) target(%arg5 : memref<8x2048xf32, #tpu.memory_space<vmem>>) target_semaphore(%arg9 : memref<!tpu.dma_semaphore, #tpu.memory_space<semaphore_mem>>)
    %dma_wait3A = tpu.memref_slice %arg2[%mul3A_11, %add3A_83] : memref<128x32768xf32, #tpu.memory_space<hbm>> -> memref<8x2048xf32, #tpu.memory_space<hbm>>
    %dma_wait3A_97 = tpu.memref_slice %arg2[%mul3A_11, %add3A_83] : memref<128x32768xf32, #tpu.memory_space<hbm>> -> memref<8x2048xf32, #tpu.memory_space<hbm>>
    tpu.wait_dma2 semaphore(%arg8 : memref<!tpu.dma_semaphore, #tpu.memory_space<semaphore_mem>>) src(%dma_wait3A_97 : memref<8x2048xf32, #tpu.memory_space<hbm>>) dst(%arg4 : memref<8x2048xf32, #tpu.memory_space<vmem>>)
    %scan3A_98 = arith.constant 0 : i32
    %scan3A_99 = arith.constant 256 : i32
    %scan3A_100 = arith.addi %scan3A_98, %scan3A_99 : i32
    %scan3A_101 = arith.constant 8 : i32
    %scan3A_102:8 = scf.for %scan3A_264 = %scan3A_98 to %scan3A_100 step %scan3A_101 iter_args(%scan3A_265 = %broadcast_in_dim3A_39, %scan3A_266 = %broadcast_in_dim3A_39, %scan3A_267 = %broadcast_in_dim3A_39, %scan3A_268 = %broadcast_in_dim3A_39, %scan3A_269 = %broadcast_in_dim3A_86, %scan3A_270 = %broadcast_in_dim3A_88, %scan3A_271 = %broadcast_in_dim3A_90, %scan3A_272 = %broadcast_in_dim3A_92) -> (vector<16xf32>, vector<16xf32>, vector<16xf32>, vector<16xf32>, vector<16xi32>, vector<16xi32>, vector<16xi32>, vector<16xi32>)  : i32 {
      %add3A_273 = vector.broadcast %scan3A_264 : i32 to vector<16xi32>
      %add3A_274 = arith.addi %mul3A_50, %add3A_273 : vector<16xi32>
      %gather3A = tpu.vector_load_idx %arg4[%and3A_42, %add3A_274] : memref<8x2048xf32, #tpu.memory_space<vmem>>[vector<16xi32>, vector<16xi32>], vector<16xf32>,
      %gt3A = arith.cmpf ogt, %gather3A, %scan3A_265 : vector<16xf32>
      %max3A = arith.maximumf %scan3A_265, %gather3A : vector<16xf32>
      %broadcast_in_dim3A_275 = vector.broadcast %scan3A_264 : i32 to vector<16xi32>
      %select_n3A_276 = arith.select %gt3A, %broadcast_in_dim3A_275, %scan3A_269 : vector<16xi1>, vector<16xi32>
      %add3A_277 = vector.broadcast %scan3A_264 : i32 to vector<16xi32>
      %add3A_278 = arith.addi %mul3A_59, %add3A_277 : vector<16xi32>
      %gather3A_279 = tpu.vector_load_idx %arg4[%and3A_42, %add3A_278] : memref<8x2048xf32, #tpu.memory_space<vmem>>[vector<16xi32>, vector<16xi32>], vector<16xf32>,
      %gt3A_280 = arith.cmpf ogt, %gather3A_279, %scan3A_266 : vector<16xf32>
      %max3A_281 = arith.maximumf %scan3A_266, %gather3A_279 : vector<16xf32>
      %broadcast_in_dim3A_282 = vector.broadcast %scan3A_264 : i32 to vector<16xi32>
      %select_n3A_283 = arith.select %gt3A_280, %broadcast_in_dim3A_282, %scan3A_270 : vector<16xi1>, vector<16xi32>
      %add3A_284 = vector.broadcast %scan3A_264 : i32 to vector<16xi32>
      %add3A_285 = arith.addi %mul3A_68, %add3A_284 : vector<16xi32>
      %gather3A_286 = tpu.vector_load_idx %arg4[%and3A_42, %add3A_285] : memref<8x2048xf32, #tpu.memory_space<vmem>>[vector<16xi32>, vector<16xi32>], vector<16xf32>,
      %gt3A_287 = arith.cmpf ogt, %gather3A_286, %scan3A_267 : vector<16xf32>
      %max3A_288 = arith.maximumf %scan3A_267, %gather3A_286 : vector<16xf32>
      %broadcast_in_dim3A_289 = vector.broadcast %scan3A_264 : i32 to vector<16xi32>
      %select_n3A_290 = arith.select %gt3A_287, %broadcast_in_dim3A_289, %scan3A_271 : vector<16xi1>, vector<16xi32>
      %add3A_291 = vector.broadcast %scan3A_264 : i32 to vector<16xi32>
      %add3A_292 = arith.addi %mul3A_77, %add3A_291 : vector<16xi32>
      %gather3A_293 = tpu.vector_load_idx %arg4[%and3A_42, %add3A_292] : memref<8x2048xf32, #tpu.memory_space<vmem>>[vector<16xi32>, vector<16xi32>], vector<16xf32>,
      %gt3A_294 = arith.cmpf ogt, %gather3A_293, %scan3A_268 : vector<16xf32>
      %max3A_295 = arith.maximumf %scan3A_268, %gather3A_293 : vector<16xf32>
      %broadcast_in_dim3A_296 = vector.broadcast %scan3A_264 : i32 to vector<16xi32>
      %select_n3A_297 = arith.select %gt3A_294, %broadcast_in_dim3A_296, %scan3A_272 : vector<16xi1>, vector<16xi32>
      %scan3A_298 = arith.constant 1 : i32
      %scan3A_299 = arith.addi %scan3A_264, %scan3A_298 : i32
      %add3A_300 = vector.broadcast %scan3A_299 : i32 to vector<16xi32>
      %add3A_301 = arith.addi %mul3A_50, %add3A_300 : vector<16xi32>
      %gather3A_302 = tpu.vector_load_idx %arg4[%and3A_42, %add3A_301] : memref<8x2048xf32, #tpu.memory_space<vmem>>[vector<16xi32>, vector<16xi32>], vector<16xf32>,
      %gt3A_303 = arith.cmpf ogt, %gather3A_302, %max3A : vector<16xf32>
      %max3A_304 = arith.maximumf %max3A, %gather3A_302 : vector<16xf32>
      %broadcast_in_dim3A_305 = vector.broadcast %scan3A_299 : i32 to vector<16xi32>
      %select_n3A_306 = arith.select %gt3A_303, %broadcast_in_dim3A_305, %select_n3A_276 : vector<16xi1>, vector<16xi32>
      %add3A_307 = vector.broadcast %scan3A_299 : i32 to vector<16xi32>
      %add3A_308 = arith.addi %mul3A_59, %add3A_307 : vector<16xi32>
      %gather3A_309 = tpu.vector_load_idx %arg4[%and3A_42, %add3A_308] : memref<8x2048xf32, #tpu.memory_space<vmem>>[vector<16xi32>, vector<16xi32>], vector<16xf32>,
      %gt3A_310 = arith.cmpf ogt, %gather3A_309, %max3A_281 : vector<16xf32>
      %max3A_311 = arith.maximumf %max3A_281, %gather3A_309 : vector<16xf32>
      %broadcast_in_dim3A_312 = vector.broadcast %scan3A_299 : i32 to vector<16xi32>
      %select_n3A_313 = arith.select %gt3A_310, %broadcast_in_dim3A_312, %select_n3A_283 : vector<16xi1>, vector<16xi32>
      %add3A_314 = vector.broadcast %scan3A_299 : i32 to vector<16xi32>
      %add3A_315 = arith.addi %mul3A_68, %add3A_314 : vector<16xi32>
      %gather3A_316 = tpu.vector_load_idx %arg4[%and3A_42, %add3A_315] : memref<8x2048xf32, #tpu.memory_space<vmem>>[vector<16xi32>, vector<16xi32>], vector<16xf32>,
      %gt3A_317 = arith.cmpf ogt, %gather3A_316, %max3A_288 : vector<16xf32>
      %max3A_318 = arith.maximumf %max3A_288, %gather3A_316 : vector<16xf32>
      %broadcast_in_dim3A_319 = vector.broadcast %scan3A_299 : i32 to vector<16xi32>
      %select_n3A_320 = arith.select %gt3A_317, %broadcast_in_dim3A_319, %select_n3A_290 : vector<16xi1>, vector<16xi32>
      %add3A_321 = vector.broadcast %scan3A_299 : i32 to vector<16xi32>
      %add3A_322 = arith.addi %mul3A_77, %add3A_321 : vector<16xi32>
      %gather3A_323 = tpu.vector_load_idx %arg4[%and3A_42, %add3A_322] : memref<8x2048xf32, #tpu.memory_space<vmem>>[vector<16xi32>, vector<16xi32>], vector<16xf32>,
      %gt3A_324 = arith.cmpf ogt, %gather3A_323, %max3A_295 : vector<16xf32>
      %max3A_325 = arith.maximumf %max3A_295, %gather3A_323 : vector<16xf32>
      %broadcast_in_dim3A_326 = vector.broadcast %scan3A_299 : i32 to vector<16xi32>
      %select_n3A_327 = arith.select %gt3A_324, %broadcast_in_dim3A_326, %select_n3A_297 : vector<16xi1>, vector<16xi32>
      %scan3A_328 = arith.constant 2 : i32
      %scan3A_329 = arith.addi %scan3A_264, %scan3A_328 : i32
      %add3A_330 = vector.broadcast %scan3A_329 : i32 to vector<16xi32>
      %add3A_331 = arith.addi %mul3A_50, %add3A_330 : vector<16xi32>
      %gather3A_332 = tpu.vector_load_idx %arg4[%and3A_42, %add3A_331] : memref<8x2048xf32, #tpu.memory_space<vmem>>[vector<16xi32>, vector<16xi32>], vector<16xf32>,
      %gt3A_333 = arith.cmpf ogt, %gather3A_332, %max3A_304 : vector<16xf32>
      %max3A_334 = arith.maximumf %max3A_304, %gather3A_332 : vector<16xf32>
      %broadcast_in_dim3A_335 = vector.broadcast %scan3A_329 : i32 to vector<16xi32>
      %select_n3A_336 = arith.select %gt3A_333, %broadcast_in_dim3A_335, %select_n3A_306 : vector<16xi1>, vector<16xi32>
      %add3A_337 = vector.broadcast %scan3A_329 : i32 to vector<16xi32>
      %add3A_338 = arith.addi %mul3A_59, %add3A_337 : vector<16xi32>
      %gather3A_339 = tpu.vector_load_idx %arg4[%and3A_42, %add3A_338] : memref<8x2048xf32, #tpu.memory_space<vmem>>[vector<16xi32>, vector<16xi32>], vector<16xf32>,
      %gt3A_340 = arith.cmpf ogt, %gather3A_339, %max3A_311 : vector<16xf32>
      %max3A_341 = arith.maximumf %max3A_311, %gather3A_339 : vector<16xf32>
      %broadcast_in_dim3A_342 = vector.broadcast %scan3A_329 : i32 to vector<16xi32>
      %select_n3A_343 = arith.select %gt3A_340, %broadcast_in_dim3A_342, %select_n3A_313 : vector<16xi1>, vector<16xi32>
      %add3A_344 = vector.broadcast %scan3A_329 : i32 to vector<16xi32>
      %add3A_345 = arith.addi %mul3A_68, %add3A_344 : vector<16xi32>
      %gather3A_346 = tpu.vector_load_idx %arg4[%and3A_42, %add3A_345] : memref<8x2048xf32, #tpu.memory_space<vmem>>[vector<16xi32>, vector<16xi32>], vector<16xf32>,
      %gt3A_347 = arith.cmpf ogt, %gather3A_346, %max3A_318 : vector<16xf32>
      %max3A_348 = arith.maximumf %max3A_318, %gather3A_346 : vector<16xf32>
      %broadcast_in_dim3A_349 = vector.broadcast %scan3A_329 : i32 to vector<16xi32>
      %select_n3A_350 = arith.select %gt3A_347, %broadcast_in_dim3A_349, %select_n3A_320 : vector<16xi1>, vector<16xi32>
      %add3A_351 = vector.broadcast %scan3A_329 : i32 to vector<16xi32>
      %add3A_352 = arith.addi %mul3A_77, %add3A_351 : vector<16xi32>
      %gather3A_353 = tpu.vector_load_idx %arg4[%and3A_42, %add3A_352] : memref<8x2048xf32, #tpu.memory_space<vmem>>[vector<16xi32>, vector<16xi32>], vector<16xf32>,
      %gt3A_354 = arith.cmpf ogt, %gather3A_353, %max3A_325 : vector<16xf32>
      %max3A_355 = arith.maximumf %max3A_325, %gather3A_353 : vector<16xf32>
      %broadcast_in_dim3A_356 = vector.broadcast %scan3A_329 : i32 to vector<16xi32>
      %select_n3A_357 = arith.select %gt3A_354, %broadcast_in_dim3A_356, %select_n3A_327 : vector<16xi1>, vector<16xi32>
      %scan3A_358 = arith.constant 3 : i32
      %scan3A_359 = arith.addi %scan3A_264, %scan3A_358 : i32
      %add3A_360 = vector.broadcast %scan3A_359 : i32 to vector<16xi32>
      %add3A_361 = arith.addi %mul3A_50, %add3A_360 : vector<16xi32>
      %gather3A_362 = tpu.vector_load_idx %arg4[%and3A_42, %add3A_361] : memref<8x2048xf32, #tpu.memory_space<vmem>>[vector<16xi32>, vector<16xi32>], vector<16xf32>,
      %gt3A_363 = arith.cmpf ogt, %gather3A_362, %max3A_334 : vector<16xf32>
      %max3A_364 = arith.maximumf %max3A_334, %gather3A_362 : vector<16xf32>
      %broadcast_in_dim3A_365 = vector.broadcast %scan3A_359 : i32 to vector<16xi32>
      %select_n3A_366 = arith.select %gt3A_363, %broadcast_in_dim3A_365, %select_n3A_336 : vector<16xi1>, vector<16xi32>
      %add3A_367 = vector.broadcast %scan3A_359 : i32 to vector<16xi32>
      %add3A_368 = arith.addi %mul3A_59, %add3A_367 : vector<16xi32>
      %gather3A_369 = tpu.vector_load_idx %arg4[%and3A_42, %add3A_368] : memref<8x2048xf32, #tpu.memory_space<vmem>>[vector<16xi32>, vector<16xi32>], vector<16xf32>,
      %gt3A_370 = arith.cmpf ogt, %gather3A_369, %max3A_341 : vector<16xf32>
      %max3A_371 = arith.maximumf %max3A_341, %gather3A_369 : vector<16xf32>
      %broadcast_in_dim3A_372 = vector.broadcast %scan3A_359 : i32 to vector<16xi32>
      %select_n3A_373 = arith.select %gt3A_370, %broadcast_in_dim3A_372, %select_n3A_343 : vector<16xi1>, vector<16xi32>
      %add3A_374 = vector.broadcast %scan3A_359 : i32 to vector<16xi32>
      %add3A_375 = arith.addi %mul3A_68, %add3A_374 : vector<16xi32>
      %gather3A_376 = tpu.vector_load_idx %arg4[%and3A_42, %add3A_375] : memref<8x2048xf32, #tpu.memory_space<vmem>>[vector<16xi32>, vector<16xi32>], vector<16xf32>,
      %gt3A_377 = arith.cmpf ogt, %gather3A_376, %max3A_348 : vector<16xf32>
      %max3A_378 = arith.maximumf %max3A_348, %gather3A_376 : vector<16xf32>
      %broadcast_in_dim3A_379 = vector.broadcast %scan3A_359 : i32 to vector<16xi32>
      %select_n3A_380 = arith.select %gt3A_377, %broadcast_in_dim3A_379, %select_n3A_350 : vector<16xi1>, vector<16xi32>
      %add3A_381 = vector.broadcast %scan3A_359 : i32 to vector<16xi32>
      %add3A_382 = arith.addi %mul3A_77, %add3A_381 : vector<16xi32>
      %gather3A_383 = tpu.vector_load_idx %arg4[%and3A_42, %add3A_382] : memref<8x2048xf32, #tpu.memory_space<vmem>>[vector<16xi32>, vector<16xi32>], vector<16xf32>,
      %gt3A_384 = arith.cmpf ogt, %gather3A_383, %max3A_355 : vector<16xf32>
      %max3A_385 = arith.maximumf %max3A_355, %gather3A_383 : vector<16xf32>
      %broadcast_in_dim3A_386 = vector.broadcast %scan3A_359 : i32 to vector<16xi32>
      %select_n3A_387 = arith.select %gt3A_384, %broadcast_in_dim3A_386, %select_n3A_357 : vector<16xi1>, vector<16xi32>
      %scan3A_388 = arith.constant 4 : i32
      %scan3A_389 = arith.addi %scan3A_264, %scan3A_388 : i32
      %add3A_390 = vector.broadcast %scan3A_389 : i32 to vector<16xi32>
      %add3A_391 = arith.addi %mul3A_50, %add3A_390 : vector<16xi32>
      %gather3A_392 = tpu.vector_load_idx %arg4[%and3A_42, %add3A_391] : memref<8x2048xf32, #tpu.memory_space<vmem>>[vector<16xi32>, vector<16xi32>], vector<16xf32>,
      %gt3A_393 = arith.cmpf ogt, %gather3A_392, %max3A_364 : vector<16xf32>
      %max3A_394 = arith.maximumf %max3A_364, %gather3A_392 : vector<16xf32>
      %broadcast_in_dim3A_395 = vector.broadcast %scan3A_389 : i32 to vector<16xi32>
      %select_n3A_396 = arith.select %gt3A_393, %broadcast_in_dim3A_395, %select_n3A_366 : vector<16xi1>, vector<16xi32>
      %add3A_397 = vector.broadcast %scan3A_389 : i32 to vector<16xi32>
      %add3A_398 = arith.addi %mul3A_59, %add3A_397 : vector<16xi32>
      %gather3A_399 = tpu.vector_load_idx %arg4[%and3A_42, %add3A_398] : memref<8x2048xf32, #tpu.memory_space<vmem>>[vector<16xi32>, vector<16xi32>], vector<16xf32>,
      %gt3A_400 = arith.cmpf ogt, %gather3A_399, %max3A_371 : vector<16xf32>
      %max3A_401 = arith.maximumf %max3A_371, %gather3A_399 : vector<16xf32>
      %broadcast_in_dim3A_402 = vector.broadcast %scan3A_389 : i32 to vector<16xi32>
      %select_n3A_403 = arith.select %gt3A_400, %broadcast_in_dim3A_402, %select_n3A_373 : vector<16xi1>, vector<16xi32>
      %add3A_404 = vector.broadcast %scan3A_389 : i32 to vector<16xi32>
      %add3A_405 = arith.addi %mul3A_68, %add3A_404 : vector<16xi32>
      %gather3A_406 = tpu.vector_load_idx %arg4[%and3A_42, %add3A_405] : memref<8x2048xf32, #tpu.memory_space<vmem>>[vector<16xi32>, vector<16xi32>], vector<16xf32>,
      %gt3A_407 = arith.cmpf ogt, %gather3A_406, %max3A_378 : vector<16xf32>
      %max3A_408 = arith.maximumf %max3A_378, %gather3A_406 : vector<16xf32>
      %broadcast_in_dim3A_409 = vector.broadcast %scan3A_389 : i32 to vector<16xi32>
      %select_n3A_410 = arith.select %gt3A_407, %broadcast_in_dim3A_409, %select_n3A_380 : vector<16xi1>, vector<16xi32>
      %add3A_411 = vector.broadcast %scan3A_389 : i32 to vector<16xi32>
      %add3A_412 = arith.addi %mul3A_77, %add3A_411 : vector<16xi32>
      %gather3A_413 = tpu.vector_load_idx %arg4[%and3A_42, %add3A_412] : memref<8x2048xf32, #tpu.memory_space<vmem>>[vector<16xi32>, vector<16xi32>], vector<16xf32>,
      %gt3A_414 = arith.cmpf ogt, %gather3A_413, %max3A_385 : vector<16xf32>
      %max3A_415 = arith.maximumf %max3A_385, %gather3A_413 : vector<16xf32>
      %broadcast_in_dim3A_416 = vector.broadcast %scan3A_389 : i32 to vector<16xi32>
      %select_n3A_417 = arith.select %gt3A_414, %broadcast_in_dim3A_416, %select_n3A_387 : vector<16xi1>, vector<16xi32>
      %scan3A_418 = arith.constant 5 : i32
      %scan3A_419 = arith.addi %scan3A_264, %scan3A_418 : i32
      %add3A_420 = vector.broadcast %scan3A_419 : i32 to vector<16xi32>
      %add3A_421 = arith.addi %mul3A_50, %add3A_420 : vector<16xi32>
      %gather3A_422 = tpu.vector_load_idx %arg4[%and3A_42, %add3A_421] : memref<8x2048xf32, #tpu.memory_space<vmem>>[vector<16xi32>, vector<16xi32>], vector<16xf32>,
      %gt3A_423 = arith.cmpf ogt, %gather3A_422, %max3A_394 : vector<16xf32>
      %max3A_424 = arith.maximumf %max3A_394, %gather3A_422 : vector<16xf32>
      %broadcast_in_dim3A_425 = vector.broadcast %scan3A_419 : i32 to vector<16xi32>
      %select_n3A_426 = arith.select %gt3A_423, %broadcast_in_dim3A_425, %select_n3A_396 : vector<16xi1>, vector<16xi32>
      %add3A_427 = vector.broadcast %scan3A_419 : i32 to vector<16xi32>
      %add3A_428 = arith.addi %mul3A_59, %add3A_427 : vector<16xi32>
      %gather3A_429 = tpu.vector_load_idx %arg4[%and3A_42, %add3A_428] : memref<8x2048xf32, #tpu.memory_space<vmem>>[vector<16xi32>, vector<16xi32>], vector<16xf32>,
      %gt3A_430 = arith.cmpf ogt, %gather3A_429, %max3A_401 : vector<16xf32>
      %max3A_431 = arith.maximumf %max3A_401, %gather3A_429 : vector<16xf32>
      %broadcast_in_dim3A_432 = vector.broadcast %scan3A_419 : i32 to vector<16xi32>
      %select_n3A_433 = arith.select %gt3A_430, %broadcast_in_dim3A_432, %select_n3A_403 : vector<16xi1>, vector<16xi32>
      %add3A_434 = vector.broadcast %scan3A_419 : i32 to vector<16xi32>
      %add3A_435 = arith.addi %mul3A_68, %add3A_434 : vector<16xi32>
      %gather3A_436 = tpu.vector_load_idx %arg4[%and3A_42, %add3A_435] : memref<8x2048xf32, #tpu.memory_space<vmem>>[vector<16xi32>, vector<16xi32>], vector<16xf32>,
      %gt3A_437 = arith.cmpf ogt, %gather3A_436, %max3A_408 : vector<16xf32>
      %max3A_438 = arith.maximumf %max3A_408, %gather3A_436 : vector<16xf32>
      %broadcast_in_dim3A_439 = vector.broadcast %scan3A_419 : i32 to vector<16xi32>
      %select_n3A_440 = arith.select %gt3A_437, %broadcast_in_dim3A_439, %select_n3A_410 : vector<16xi1>, vector<16xi32>
      %add3A_441 = vector.broadcast %scan3A_419 : i32 to vector<16xi32>
      %add3A_442 = arith.addi %mul3A_77, %add3A_441 : vector<16xi32>
      %gather3A_443 = tpu.vector_load_idx %arg4[%and3A_42, %add3A_442] : memref<8x2048xf32, #tpu.memory_space<vmem>>[vector<16xi32>, vector<16xi32>], vector<16xf32>,
      %gt3A_444 = arith.cmpf ogt, %gather3A_443, %max3A_415 : vector<16xf32>
      %max3A_445 = arith.maximumf %max3A_415, %gather3A_443 : vector<16xf32>
      %broadcast_in_dim3A_446 = vector.broadcast %scan3A_419 : i32 to vector<16xi32>
      %select_n3A_447 = arith.select %gt3A_444, %broadcast_in_dim3A_446, %select_n3A_417 : vector<16xi1>, vector<16xi32>
      %scan3A_448 = arith.constant 6 : i32
      %scan3A_449 = arith.addi %scan3A_264, %scan3A_448 : i32
      %add3A_450 = vector.broadcast %scan3A_449 : i32 to vector<16xi32>
      %add3A_451 = arith.addi %mul3A_50, %add3A_450 : vector<16xi32>
      %gather3A_452 = tpu.vector_load_idx %arg4[%and3A_42, %add3A_451] : memref<8x2048xf32, #tpu.memory_space<vmem>>[vector<16xi32>, vector<16xi32>], vector<16xf32>,
      %gt3A_453 = arith.cmpf ogt, %gather3A_452, %max3A_424 : vector<16xf32>
      %max3A_454 = arith.maximumf %max3A_424, %gather3A_452 : vector<16xf32>
      %broadcast_in_dim3A_455 = vector.broadcast %scan3A_449 : i32 to vector<16xi32>
      %select_n3A_456 = arith.select %gt3A_453, %broadcast_in_dim3A_455, %select_n3A_426 : vector<16xi1>, vector<16xi32>
      %add3A_457 = vector.broadcast %scan3A_449 : i32 to vector<16xi32>
      %add3A_458 = arith.addi %mul3A_59, %add3A_457 : vector<16xi32>
      %gather3A_459 = tpu.vector_load_idx %arg4[%and3A_42, %add3A_458] : memref<8x2048xf32, #tpu.memory_space<vmem>>[vector<16xi32>, vector<16xi32>], vector<16xf32>,
      %gt3A_460 = arith.cmpf ogt, %gather3A_459, %max3A_431 : vector<16xf32>
      %max3A_461 = arith.maximumf %max3A_431, %gather3A_459 : vector<16xf32>
      %broadcast_in_dim3A_462 = vector.broadcast %scan3A_449 : i32 to vector<16xi32>
      %select_n3A_463 = arith.select %gt3A_460, %broadcast_in_dim3A_462, %select_n3A_433 : vector<16xi1>, vector<16xi32>
      %add3A_464 = vector.broadcast %scan3A_449 : i32 to vector<16xi32>
      %add3A_465 = arith.addi %mul3A_68, %add3A_464 : vector<16xi32>
      %gather3A_466 = tpu.vector_load_idx %arg4[%and3A_42, %add3A_465] : memref<8x2048xf32, #tpu.memory_space<vmem>>[vector<16xi32>, vector<16xi32>], vector<16xf32>,
      %gt3A_467 = arith.cmpf ogt, %gather3A_466, %max3A_438 : vector<16xf32>
      %max3A_468 = arith.maximumf %max3A_438, %gather3A_466 : vector<16xf32>
      %broadcast_in_dim3A_469 = vector.broadcast %scan3A_449 : i32 to vector<16xi32>
      %select_n3A_470 = arith.select %gt3A_467, %broadcast_in_dim3A_469, %select_n3A_440 : vector<16xi1>, vector<16xi32>
      %add3A_471 = vector.broadcast %scan3A_449 : i32 to vector<16xi32>
      %add3A_472 = arith.addi %mul3A_77, %add3A_471 : vector<16xi32>
      %gather3A_473 = tpu.vector_load_idx %arg4[%and3A_42, %add3A_472] : memref<8x2048xf32, #tpu.memory_space<vmem>>[vector<16xi32>, vector<16xi32>], vector<16xf32>,
      %gt3A_474 = arith.cmpf ogt, %gather3A_473, %max3A_445 : vector<16xf32>
      %max3A_475 = arith.maximumf %max3A_445, %gather3A_473 : vector<16xf32>
      %broadcast_in_dim3A_476 = vector.broadcast %scan3A_449 : i32 to vector<16xi32>
      %select_n3A_477 = arith.select %gt3A_474, %broadcast_in_dim3A_476, %select_n3A_447 : vector<16xi1>, vector<16xi32>
      %scan3A_478 = arith.constant 7 : i32
      %scan3A_479 = arith.addi %scan3A_264, %scan3A_478 : i32
      %add3A_480 = vector.broadcast %scan3A_479 : i32 to vector<16xi32>
      %add3A_481 = arith.addi %mul3A_50, %add3A_480 : vector<16xi32>
      %gather3A_482 = tpu.vector_load_idx %arg4[%and3A_42, %add3A_481] : memref<8x2048xf32, #tpu.memory_space<vmem>>[vector<16xi32>, vector<16xi32>], vector<16xf32>,
      %gt3A_483 = arith.cmpf ogt, %gather3A_482, %max3A_454 : vector<16xf32>
      %max3A_484 = arith.maximumf %max3A_454, %gather3A_482 : vector<16xf32>
      %broadcast_in_dim3A_485 = vector.broadcast %scan3A_479 : i32 to vector<16xi32>
      %select_n3A_486 = arith.select %gt3A_483, %broadcast_in_dim3A_485, %select_n3A_456 : vector<16xi1>, vector<16xi32>
      %add3A_487 = vector.broadcast %scan3A_479 : i32 to vector<16xi32>
      %add3A_488 = arith.addi %mul3A_59, %add3A_487 : vector<16xi32>
      %gather3A_489 = tpu.vector_load_idx %arg4[%and3A_42, %add3A_488] : memref<8x2048xf32, #tpu.memory_space<vmem>>[vector<16xi32>, vector<16xi32>], vector<16xf32>,
      %gt3A_490 = arith.cmpf ogt, %gather3A_489, %max3A_461 : vector<16xf32>
      %max3A_491 = arith.maximumf %max3A_461, %gather3A_489 : vector<16xf32>
      %broadcast_in_dim3A_492 = vector.broadcast %scan3A_479 : i32 to vector<16xi32>
      %select_n3A_493 = arith.select %gt3A_490, %broadcast_in_dim3A_492, %select_n3A_463 : vector<16xi1>, vector<16xi32>
      %add3A_494 = vector.broadcast %scan3A_479 : i32 to vector<16xi32>
      %add3A_495 = arith.addi %mul3A_68, %add3A_494 : vector<16xi32>
      %gather3A_496 = tpu.vector_load_idx %arg4[%and3A_42, %add3A_495] : memref<8x2048xf32, #tpu.memory_space<vmem>>[vector<16xi32>, vector<16xi32>], vector<16xf32>,
      %gt3A_497 = arith.cmpf ogt, %gather3A_496, %max3A_468 : vector<16xf32>
      %max3A_498 = arith.maximumf %max3A_468, %gather3A_496 : vector<16xf32>
      %broadcast_in_dim3A_499 = vector.broadcast %scan3A_479 : i32 to vector<16xi32>
      %select_n3A_500 = arith.select %gt3A_497, %broadcast_in_dim3A_499, %select_n3A_470 : vector<16xi1>, vector<16xi32>
      %add3A_501 = vector.broadcast %scan3A_479 : i32 to vector<16xi32>
      %add3A_502 = arith.addi %mul3A_77, %add3A_501 : vector<16xi32>
      %gather3A_503 = tpu.vector_load_idx %arg4[%and3A_42, %add3A_502] : memref<8x2048xf32, #tpu.memory_space<vmem>>[vector<16xi32>, vector<16xi32>], vector<16xf32>,
      %gt3A_504 = arith.cmpf ogt, %gather3A_503, %max3A_475 : vector<16xf32>
      %max3A_505 = arith.maximumf %max3A_475, %gather3A_503 : vector<16xf32>
      %broadcast_in_dim3A_506 = vector.broadcast %scan3A_479 : i32 to vector<16xi32>
      %select_n3A_507 = arith.select %gt3A_504, %broadcast_in_dim3A_506, %select_n3A_477 : vector<16xi1>, vector<16xi32>
      scf.yield %max3A_484, %max3A_491, %max3A_498, %max3A_505, %select_n3A_486, %select_n3A_493, %select_n3A_500, %select_n3A_507 : vector<16xf32>, vector<16xf32>, vector<16xf32>, vector<16xf32>, vector<16xi32>, vector<16xi32>, vector<16xi32>, vector<16xi32>
    }
    %scan3A_103 = arith.constant 256 : i32
    %add3A_104 = arith.addi %mul3A_50, %scan3A_102#4 : vector<16xi32>
    %add3A_105 = arith.addi %mul3A_59, %scan3A_102#5 : vector<16xi32>
    %add3A_106 = arith.addi %mul3A_68, %scan3A_102#6 : vector<16xi32>
    %add3A_107 = arith.addi %mul3A_77, %scan3A_102#7 : vector<16xi32>
    tpu.vector_store_idx %arg6[%and3A_42, %add3A_104], %broadcast_in_dim3A_37 : memref<8x2048xf32, #tpu.memory_space<vmem>>[vector<16xi32>, vector<16xi32>], vector<16xf32>,
    tpu.vector_store_idx %arg6[%and3A_42, %add3A_105], %broadcast_in_dim3A_37 : memref<8x2048xf32, #tpu.memory_space<vmem>>[vector<16xi32>, vector<16xi32>], vector<16xf32>,
    tpu.vector_store_idx %arg6[%and3A_42, %add3A_106], %broadcast_in_dim3A_37 : memref<8x2048xf32, #tpu.memory_space<vmem>>[vector<16xi32>, vector<16xi32>], vector<16xf32>,
    tpu.vector_store_idx %arg6[%and3A_42, %add3A_107], %broadcast_in_dim3A_37 : memref<8x2048xf32, #tpu.memory_space<vmem>>[vector<16xi32>, vector<16xi32>], vector<16xf32>,
    %add3A_108 = arith.constant 0 : i32
    %add3A_109 = arith.addi %mul3A_34, %add3A_108 : i32
    %dma_start3A_110 = tpu.memref_slice %arg3[%mul3A_11, %add3A_109] : memref<128x32768xf32, #tpu.memory_space<hbm>> -> memref<8x2048xf32, #tpu.memory_space<hbm>>
    %dma_start3A_111 = tpu.memref_slice %arg3[%mul3A_11, %add3A_109] : memref<128x32768xf32, #tpu.memory_space<hbm>> -> memref<8x2048xf32, #tpu.memory_space<hbm>>
    tpu.enqueue_dma source(%arg6 : memref<8x2048xf32, #tpu.memory_space<vmem>>) target(%dma_start3A_111 : memref<8x2048xf32, #tpu.memory_space<hbm>>) target_semaphore(%arg10 : memref<!tpu.dma_semaphore, #tpu.memory_space<semaphore_mem>>)
    %add3A_112 = arith.constant 4096 : i32
    %add3A_113 = arith.addi %mul3A_34, %add3A_112 : i32
    %dma_start3A_114 = tpu.memref_slice %arg2[%mul3A_11, %add3A_113] : memref<128x32768xf32, #tpu.memory_space<hbm>> -> memref<8x2048xf32, #tpu.memory_space<hbm>>
    %dma_start3A_115 = tpu.memref_slice %arg2[%mul3A_11, %add3A_113] : memref<128x32768xf32, #tpu.memory_space<hbm>> -> memref<8x2048xf32, #tpu.memory_space<hbm>>
    tpu.enqueue_dma source(%dma_start3A_115 : memref<8x2048xf32, #tpu.memory_space<hbm>>) target(%arg4 : memref<8x2048xf32, #tpu.memory_space<vmem>>) target_semaphore(%arg8 : memref<!tpu.dma_semaphore, #tpu.memory_space<semaphore_mem>>)
    %dma_wait3A_116 = tpu.memref_slice %arg2[%mul3A_11, %add3A_94] : memref<128x32768xf32, #tpu.memory_space<hbm>> -> memref<8x2048xf32, #tpu.memory_space<hbm>>
    %dma_wait3A_117 = tpu.memref_slice %arg2[%mul3A_11, %add3A_94] : memref<128x32768xf32, #tpu.memory_space<hbm>> -> memref<8x2048xf32, #tpu.memory_space<hbm>>
    tpu.wait_dma2 semaphore(%arg9 : memref<!tpu.dma_semaphore, #tpu.memory_space<semaphore_mem>>) src(%dma_wait3A_117 : memref<8x2048xf32, #tpu.memory_space<hbm>>) dst(%arg5 : memref<8x2048xf32, #tpu.memory_space<vmem>>)
    %scan3A_118 = arith.constant 0 : i32
    %scan3A_119 = arith.constant 256 : i32
    %scan3A_120 = arith.addi %scan3A_118, %scan3A_119 : i32
    %scan3A_121 = arith.constant 8 : i32
    %scan3A_122:8 = scf.for %scan3A_264 = %scan3A_118 to %scan3A_120 step %scan3A_121 iter_args(%scan3A_265 = %broadcast_in_dim3A_39, %scan3A_266 = %broadcast_in_dim3A_39, %scan3A_267 = %broadcast_in_dim3A_39, %scan3A_268 = %broadcast_in_dim3A_39, %scan3A_269 = %broadcast_in_dim3A_86, %scan3A_270 = %broadcast_in_dim3A_88, %scan3A_271 = %broadcast_in_dim3A_90, %scan3A_272 = %broadcast_in_dim3A_92) -> (vector<16xf32>, vector<16xf32>, vector<16xf32>, vector<16xf32>, vector<16xi32>, vector<16xi32>, vector<16xi32>, vector<16xi32>)  : i32 {
      %add3A_273 = vector.broadcast %scan3A_264 : i32 to vector<16xi32>
      %add3A_274 = arith.addi %mul3A_50, %add3A_273 : vector<16xi32>
      %gather3A = tpu.vector_load_idx %arg5[%and3A_42, %add3A_274] : memref<8x2048xf32, #tpu.memory_space<vmem>>[vector<16xi32>, vector<16xi32>], vector<16xf32>,
      %gt3A = arith.cmpf ogt, %gather3A, %scan3A_265 : vector<16xf32>
      %max3A = arith.maximumf %scan3A_265, %gather3A : vector<16xf32>
      %broadcast_in_dim3A_275 = vector.broadcast %scan3A_264 : i32 to vector<16xi32>
      %select_n3A_276 = arith.select %gt3A, %broadcast_in_dim3A_275, %scan3A_269 : vector<16xi1>, vector<16xi32>
      %add3A_277 = vector.broadcast %scan3A_264 : i32 to vector<16xi32>
      %add3A_278 = arith.addi %mul3A_59, %add3A_277 : vector<16xi32>
      %gather3A_279 = tpu.vector_load_idx %arg5[%and3A_42, %add3A_278] : memref<8x2048xf32, #tpu.memory_space<vmem>>[vector<16xi32>, vector<16xi32>], vector<16xf32>,
      %gt3A_280 = arith.cmpf ogt, %gather3A_279, %scan3A_266 : vector<16xf32>
      %max3A_281 = arith.maximumf %scan3A_266, %gather3A_279 : vector<16xf32>
      %broadcast_in_dim3A_282 = vector.broadcast %scan3A_264 : i32 to vector<16xi32>
      %select_n3A_283 = arith.select %gt3A_280, %broadcast_in_dim3A_282, %scan3A_270 : vector<16xi1>, vector<16xi32>
      %add3A_284 = vector.broadcast %scan3A_264 : i32 to vector<16xi32>
      %add3A_285 = arith.addi %mul3A_68, %add3A_284 : vector<16xi32>
      %gather3A_286 = tpu.vector_load_idx %arg5[%and3A_42, %add3A_285] : memref<8x2048xf32, #tpu.memory_space<vmem>>[vector<16xi32>, vector<16xi32>], vector<16xf32>,
      %gt3A_287 = arith.cmpf ogt, %gather3A_286, %scan3A_267 : vector<16xf32>
      %max3A_288 = arith.maximumf %scan3A_267, %gather3A_286 : vector<16xf32>
      %broadcast_in_dim3A_289 = vector.broadcast %scan3A_264 : i32 to vector<16xi32>
      %select_n3A_290 = arith.select %gt3A_287, %broadcast_in_dim3A_289, %scan3A_271 : vector<16xi1>, vector<16xi32>
      %add3A_291 = vector.broadcast %scan3A_264 : i32 to vector<16xi32>
      %add3A_292 = arith.addi %mul3A_77, %add3A_291 : vector<16xi32>
      %gather3A_293 = tpu.vector_load_idx %arg5[%and3A_42, %add3A_292] : memref<8x2048xf32, #tpu.memory_space<vmem>>[vector<16xi32>, vector<16xi32>], vector<16xf32>,
      %gt3A_294 = arith.cmpf ogt, %gather3A_293, %scan3A_268 : vector<16xf32>
      %max3A_295 = arith.maximumf %scan3A_268, %gather3A_293 : vector<16xf32>
      %broadcast_in_dim3A_296 = vector.broadcast %scan3A_264 : i32 to vector<16xi32>
      %select_n3A_297 = arith.select %gt3A_294, %broadcast_in_dim3A_296, %scan3A_272 : vector<16xi1>, vector<16xi32>
      %scan3A_298 = arith.constant 1 : i32
      %scan3A_299 = arith.addi %scan3A_264, %scan3A_298 : i32
      %add3A_300 = vector.broadcast %scan3A_299 : i32 to vector<16xi32>
      %add3A_301 = arith.addi %mul3A_50, %add3A_300 : vector<16xi32>
      %gather3A_302 = tpu.vector_load_idx %arg5[%and3A_42, %add3A_301] : memref<8x2048xf32, #tpu.memory_space<vmem>>[vector<16xi32>, vector<16xi32>], vector<16xf32>,
      %gt3A_303 = arith.cmpf ogt, %gather3A_302, %max3A : vector<16xf32>
      %max3A_304 = arith.maximumf %max3A, %gather3A_302 : vector<16xf32>
      %broadcast_in_dim3A_305 = vector.broadcast %scan3A_299 : i32 to vector<16xi32>
      %select_n3A_306 = arith.select %gt3A_303, %broadcast_in_dim3A_305, %select_n3A_276 : vector<16xi1>, vector<16xi32>
      %add3A_307 = vector.broadcast %scan3A_299 : i32 to vector<16xi32>
      %add3A_308 = arith.addi %mul3A_59, %add3A_307 : vector<16xi32>
      %gather3A_309 = tpu.vector_load_idx %arg5[%and3A_42, %add3A_308] : memref<8x2048xf32, #tpu.memory_space<vmem>>[vector<16xi32>, vector<16xi32>], vector<16xf32>,
      %gt3A_310 = arith.cmpf ogt, %gather3A_309, %max3A_281 : vector<16xf32>
      %max3A_311 = arith.maximumf %max3A_281, %gather3A_309 : vector<16xf32>
      %broadcast_in_dim3A_312 = vector.broadcast %scan3A_299 : i32 to vector<16xi32>
      %select_n3A_313 = arith.select %gt3A_310, %broadcast_in_dim3A_312, %select_n3A_283 : vector<16xi1>, vector<16xi32>
      %add3A_314 = vector.broadcast %scan3A_299 : i32 to vector<16xi32>
      %add3A_315 = arith.addi %mul3A_68, %add3A_314 : vector<16xi32>
      %gather3A_316 = tpu.vector_load_idx %arg5[%and3A_42, %add3A_315] : memref<8x2048xf32, #tpu.memory_space<vmem>>[vector<16xi32>, vector<16xi32>], vector<16xf32>,
      %gt3A_317 = arith.cmpf ogt, %gather3A_316, %max3A_288 : vector<16xf32>
      %max3A_318 = arith.maximumf %max3A_288, %gather3A_316 : vector<16xf32>
      %broadcast_in_dim3A_319 = vector.broadcast %scan3A_299 : i32 to vector<16xi32>
      %select_n3A_320 = arith.select %gt3A_317, %broadcast_in_dim3A_319, %select_n3A_290 : vector<16xi1>, vector<16xi32>
      %add3A_321 = vector.broadcast %scan3A_299 : i32 to vector<16xi32>
      %add3A_322 = arith.addi %mul3A_77, %add3A_321 : vector<16xi32>
      %gather3A_323 = tpu.vector_load_idx %arg5[%and3A_42, %add3A_322] : memref<8x2048xf32, #tpu.memory_space<vmem>>[vector<16xi32>, vector<16xi32>], vector<16xf32>,
      %gt3A_324 = arith.cmpf ogt, %gather3A_323, %max3A_295 : vector<16xf32>
      %max3A_325 = arith.maximumf %max3A_295, %gather3A_323 : vector<16xf32>
      %broadcast_in_dim3A_326 = vector.broadcast %scan3A_299 : i32 to vector<16xi32>
      %select_n3A_327 = arith.select %gt3A_324, %broadcast_in_dim3A_326, %select_n3A_297 : vector<16xi1>, vector<16xi32>
      %scan3A_328 = arith.constant 2 : i32
      %scan3A_329 = arith.addi %scan3A_264, %scan3A_328 : i32
      %add3A_330 = vector.broadcast %scan3A_329 : i32 to vector<16xi32>
      %add3A_331 = arith.addi %mul3A_50, %add3A_330 : vector<16xi32>
      %gather3A_332 = tpu.vector_load_idx %arg5[%and3A_42, %add3A_331] : memref<8x2048xf32, #tpu.memory_space<vmem>>[vector<16xi32>, vector<16xi32>], vector<16xf32>,
      %gt3A_333 = arith.cmpf ogt, %gather3A_332, %max3A_304 : vector<16xf32>
      %max3A_334 = arith.maximumf %max3A_304, %gather3A_332 : vector<16xf32>
      %broadcast_in_dim3A_335 = vector.broadcast %scan3A_329 : i32 to vector<16xi32>
      %select_n3A_336 = arith.select %gt3A_333, %broadcast_in_dim3A_335, %select_n3A_306 : vector<16xi1>, vector<16xi32>
      %add3A_337 = vector.broadcast %scan3A_329 : i32 to vector<16xi32>
      %add3A_338 = arith.addi %mul3A_59, %add3A_337 : vector<16xi32>
      %gather3A_339 = tpu.vector_load_idx %arg5[%and3A_42, %add3A_338] : memref<8x2048xf32, #tpu.memory_space<vmem>>[vector<16xi32>, vector<16xi32>], vector<16xf32>,
      %gt3A_340 = arith.cmpf ogt, %gather3A_339, %max3A_311 : vector<16xf32>
      %max3A_341 = arith.maximumf %max3A_311, %gather3A_339 : vector<16xf32>
      %broadcast_in_dim3A_342 = vector.broadcast %scan3A_329 : i32 to vector<16xi32>
      %select_n3A_343 = arith.select %gt3A_340, %broadcast_in_dim3A_342, %select_n3A_313 : vector<16xi1>, vector<16xi32>
      %add3A_344 = vector.broadcast %scan3A_329 : i32 to vector<16xi32>
      %add3A_345 = arith.addi %mul3A_68, %add3A_344 : vector<16xi32>
      %gather3A_346 = tpu.vector_load_idx %arg5[%and3A_42, %add3A_345] : memref<8x2048xf32, #tpu.memory_space<vmem>>[vector<16xi32>, vector<16xi32>], vector<16xf32>,
      %gt3A_347 = arith.cmpf ogt, %gather3A_346, %max3A_318 : vector<16xf32>
      %max3A_348 = arith.maximumf %max3A_318, %gather3A_346 : vector<16xf32>
      %broadcast_in_dim3A_349 = vector.broadcast %scan3A_329 : i32 to vector<16xi32>
      %select_n3A_350 = arith.select %gt3A_347, %broadcast_in_dim3A_349, %select_n3A_320 : vector<16xi1>, vector<16xi32>
      %add3A_351 = vector.broadcast %scan3A_329 : i32 to vector<16xi32>
      %add3A_352 = arith.addi %mul3A_77, %add3A_351 : vector<16xi32>
      %gather3A_353 = tpu.vector_load_idx %arg5[%and3A_42, %add3A_352] : memref<8x2048xf32, #tpu.memory_space<vmem>>[vector<16xi32>, vector<16xi32>], vector<16xf32>,
      %gt3A_354 = arith.cmpf ogt, %gather3A_353, %max3A_325 : vector<16xf32>
      %max3A_355 = arith.maximumf %max3A_325, %gather3A_353 : vector<16xf32>
      %broadcast_in_dim3A_356 = vector.broadcast %scan3A_329 : i32 to vector<16xi32>
      %select_n3A_357 = arith.select %gt3A_354, %broadcast_in_dim3A_356, %select_n3A_327 : vector<16xi1>, vector<16xi32>
      %scan3A_358 = arith.constant 3 : i32
      %scan3A_359 = arith.addi %scan3A_264, %scan3A_358 : i32
      %add3A_360 = vector.broadcast %scan3A_359 : i32 to vector<16xi32>
      %add3A_361 = arith.addi %mul3A_50, %add3A_360 : vector<16xi32>
      %gather3A_362 = tpu.vector_load_idx %arg5[%and3A_42, %add3A_361] : memref<8x2048xf32, #tpu.memory_space<vmem>>[vector<16xi32>, vector<16xi32>], vector<16xf32>,
      %gt3A_363 = arith.cmpf ogt, %gather3A_362, %max3A_334 : vector<16xf32>
      %max3A_364 = arith.maximumf %max3A_334, %gather3A_362 : vector<16xf32>
      %broadcast_in_dim3A_365 = vector.broadcast %scan3A_359 : i32 to vector<16xi32>
      %select_n3A_366 = arith.select %gt3A_363, %broadcast_in_dim3A_365, %select_n3A_336 : vector<16xi1>, vector<16xi32>
      %add3A_367 = vector.broadcast %scan3A_359 : i32 to vector<16xi32>
      %add3A_368 = arith.addi %mul3A_59, %add3A_367 : vector<16xi32>
      %gather3A_369 = tpu.vector_load_idx %arg5[%and3A_42, %add3A_368] : memref<8x2048xf32, #tpu.memory_space<vmem>>[vector<16xi32>, vector<16xi32>], vector<16xf32>,
      %gt3A_370 = arith.cmpf ogt, %gather3A_369, %max3A_341 : vector<16xf32>
      %max3A_371 = arith.maximumf %max3A_341, %gather3A_369 : vector<16xf32>
      %broadcast_in_dim3A_372 = vector.broadcast %scan3A_359 : i32 to vector<16xi32>
      %select_n3A_373 = arith.select %gt3A_370, %broadcast_in_dim3A_372, %select_n3A_343 : vector<16xi1>, vector<16xi32>
      %add3A_374 = vector.broadcast %scan3A_359 : i32 to vector<16xi32>
      %add3A_375 = arith.addi %mul3A_68, %add3A_374 : vector<16xi32>
      %gather3A_376 = tpu.vector_load_idx %arg5[%and3A_42, %add3A_375] : memref<8x2048xf32, #tpu.memory_space<vmem>>[vector<16xi32>, vector<16xi32>], vector<16xf32>,
      %gt3A_377 = arith.cmpf ogt, %gather3A_376, %max3A_348 : vector<16xf32>
      %max3A_378 = arith.maximumf %max3A_348, %gather3A_376 : vector<16xf32>
      %broadcast_in_dim3A_379 = vector.broadcast %scan3A_359 : i32 to vector<16xi32>
      %select_n3A_380 = arith.select %gt3A_377, %broadcast_in_dim3A_379, %select_n3A_350 : vector<16xi1>, vector<16xi32>
      %add3A_381 = vector.broadcast %scan3A_359 : i32 to vector<16xi32>
      %add3A_382 = arith.addi %mul3A_77, %add3A_381 : vector<16xi32>
      %gather3A_383 = tpu.vector_load_idx %arg5[%and3A_42, %add3A_382] : memref<8x2048xf32, #tpu.memory_space<vmem>>[vector<16xi32>, vector<16xi32>], vector<16xf32>,
      %gt3A_384 = arith.cmpf ogt, %gather3A_383, %max3A_355 : vector<16xf32>
      %max3A_385 = arith.maximumf %max3A_355, %gather3A_383 : vector<16xf32>
      %broadcast_in_dim3A_386 = vector.broadcast %scan3A_359 : i32 to vector<16xi32>
      %select_n3A_387 = arith.select %gt3A_384, %broadcast_in_dim3A_386, %select_n3A_357 : vector<16xi1>, vector<16xi32>
      %scan3A_388 = arith.constant 4 : i32
      %scan3A_389 = arith.addi %scan3A_264, %scan3A_388 : i32
      %add3A_390 = vector.broadcast %scan3A_389 : i32 to vector<16xi32>
      %add3A_391 = arith.addi %mul3A_50, %add3A_390 : vector<16xi32>
      %gather3A_392 = tpu.vector_load_idx %arg5[%and3A_42, %add3A_391] : memref<8x2048xf32, #tpu.memory_space<vmem>>[vector<16xi32>, vector<16xi32>], vector<16xf32>,
      %gt3A_393 = arith.cmpf ogt, %gather3A_392, %max3A_364 : vector<16xf32>
      %max3A_394 = arith.maximumf %max3A_364, %gather3A_392 : vector<16xf32>
      %broadcast_in_dim3A_395 = vector.broadcast %scan3A_389 : i32 to vector<16xi32>
      %select_n3A_396 = arith.select %gt3A_393, %broadcast_in_dim3A_395, %select_n3A_366 : vector<16xi1>, vector<16xi32>
      %add3A_397 = vector.broadcast %scan3A_389 : i32 to vector<16xi32>
      %add3A_398 = arith.addi %mul3A_59, %add3A_397 : vector<16xi32>
      %gather3A_399 = tpu.vector_load_idx %arg5[%and3A_42, %add3A_398] : memref<8x2048xf32, #tpu.memory_space<vmem>>[vector<16xi32>, vector<16xi32>], vector<16xf32>,
      %gt3A_400 = arith.cmpf ogt, %gather3A_399, %max3A_371 : vector<16xf32>
      %max3A_401 = arith.maximumf %max3A_371, %gather3A_399 : vector<16xf32>
      %broadcast_in_dim3A_402 = vector.broadcast %scan3A_389 : i32 to vector<16xi32>
      %select_n3A_403 = arith.select %gt3A_400, %broadcast_in_dim3A_402, %select_n3A_373 : vector<16xi1>, vector<16xi32>
      %add3A_404 = vector.broadcast %scan3A_389 : i32 to vector<16xi32>
      %add3A_405 = arith.addi %mul3A_68, %add3A_404 : vector<16xi32>
      %gather3A_406 = tpu.vector_load_idx %arg5[%and3A_42, %add3A_405] : memref<8x2048xf32, #tpu.memory_space<vmem>>[vector<16xi32>, vector<16xi32>], vector<16xf32>,
      %gt3A_407 = arith.cmpf ogt, %gather3A_406, %max3A_378 : vector<16xf32>
      %max3A_408 = arith.maximumf %max3A_378, %gather3A_406 : vector<16xf32>
      %broadcast_in_dim3A_409 = vector.broadcast %scan3A_389 : i32 to vector<16xi32>
      %select_n3A_410 = arith.select %gt3A_407, %broadcast_in_dim3A_409, %select_n3A_380 : vector<16xi1>, vector<16xi32>
      %add3A_411 = vector.broadcast %scan3A_389 : i32 to vector<16xi32>
      %add3A_412 = arith.addi %mul3A_77, %add3A_411 : vector<16xi32>
      %gather3A_413 = tpu.vector_load_idx %arg5[%and3A_42, %add3A_412] : memref<8x2048xf32, #tpu.memory_space<vmem>>[vector<16xi32>, vector<16xi32>], vector<16xf32>,
      %gt3A_414 = arith.cmpf ogt, %gather3A_413, %max3A_385 : vector<16xf32>
      %max3A_415 = arith.maximumf %max3A_385, %gather3A_413 : vector<16xf32>
      %broadcast_in_dim3A_416 = vector.broadcast %scan3A_389 : i32 to vector<16xi32>
      %select_n3A_417 = arith.select %gt3A_414, %broadcast_in_dim3A_416, %select_n3A_387 : vector<16xi1>, vector<16xi32>
      %scan3A_418 = arith.constant 5 : i32
      %scan3A_419 = arith.addi %scan3A_264, %scan3A_418 : i32
      %add3A_420 = vector.broadcast %scan3A_419 : i32 to vector<16xi32>
      %add3A_421 = arith.addi %mul3A_50, %add3A_420 : vector<16xi32>
      %gather3A_422 = tpu.vector_load_idx %arg5[%and3A_42, %add3A_421] : memref<8x2048xf32, #tpu.memory_space<vmem>>[vector<16xi32>, vector<16xi32>], vector<16xf32>,
      %gt3A_423 = arith.cmpf ogt, %gather3A_422, %max3A_394 : vector<16xf32>
      %max3A_424 = arith.maximumf %max3A_394, %gather3A_422 : vector<16xf32>
      %broadcast_in_dim3A_425 = vector.broadcast %scan3A_419 : i32 to vector<16xi32>
      %select_n3A_426 = arith.select %gt3A_423, %broadcast_in_dim3A_425, %select_n3A_396 : vector<16xi1>, vector<16xi32>
      %add3A_427 = vector.broadcast %scan3A_419 : i32 to vector<16xi32>
      %add3A_428 = arith.addi %mul3A_59, %add3A_427 : vector<16xi32>
      %gather3A_429 = tpu.vector_load_idx %arg5[%and3A_42, %add3A_428] : memref<8x2048xf32, #tpu.memory_space<vmem>>[vector<16xi32>, vector<16xi32>], vector<16xf32>,
      %gt3A_430 = arith.cmpf ogt, %gather3A_429, %max3A_401 : vector<16xf32>
      %max3A_431 = arith.maximumf %max3A_401, %gather3A_429 : vector<16xf32>
      %broadcast_in_dim3A_432 = vector.broadcast %scan3A_419 : i32 to vector<16xi32>
      %select_n3A_433 = arith.select %gt3A_430, %broadcast_in_dim3A_432, %select_n3A_403 : vector<16xi1>, vector<16xi32>
      %add3A_434 = vector.broadcast %scan3A_419 : i32 to vector<16xi32>
      %add3A_435 = arith.addi %mul3A_68, %add3A_434 : vector<16xi32>
      %gather3A_436 = tpu.vector_load_idx %arg5[%and3A_42, %add3A_435] : memref<8x2048xf32, #tpu.memory_space<vmem>>[vector<16xi32>, vector<16xi32>], vector<16xf32>,
      %gt3A_437 = arith.cmpf ogt, %gather3A_436, %max3A_408 : vector<16xf32>
      %max3A_438 = arith.maximumf %max3A_408, %gather3A_436 : vector<16xf32>
      %broadcast_in_dim3A_439 = vector.broadcast %scan3A_419 : i32 to vector<16xi32>
      %select_n3A_440 = arith.select %gt3A_437, %broadcast_in_dim3A_439, %select_n3A_410 : vector<16xi1>, vector<16xi32>
      %add3A_441 = vector.broadcast %scan3A_419 : i32 to vector<16xi32>
      %add3A_442 = arith.addi %mul3A_77, %add3A_441 : vector<16xi32>
      %gather3A_443 = tpu.vector_load_idx %arg5[%and3A_42, %add3A_442] : memref<8x2048xf32, #tpu.memory_space<vmem>>[vector<16xi32>, vector<16xi32>], vector<16xf32>,
      %gt3A_444 = arith.cmpf ogt, %gather3A_443, %max3A_415 : vector<16xf32>
      %max3A_445 = arith.maximumf %max3A_415, %gather3A_443 : vector<16xf32>
      %broadcast_in_dim3A_446 = vector.broadcast %scan3A_419 : i32 to vector<16xi32>
      %select_n3A_447 = arith.select %gt3A_444, %broadcast_in_dim3A_446, %select_n3A_417 : vector<16xi1>, vector<16xi32>
      %scan3A_448 = arith.constant 6 : i32
      %scan3A_449 = arith.addi %scan3A_264, %scan3A_448 : i32
      %add3A_450 = vector.broadcast %scan3A_449 : i32 to vector<16xi32>
      %add3A_451 = arith.addi %mul3A_50, %add3A_450 : vector<16xi32>
      %gather3A_452 = tpu.vector_load_idx %arg5[%and3A_42, %add3A_451] : memref<8x2048xf32, #tpu.memory_space<vmem>>[vector<16xi32>, vector<16xi32>], vector<16xf32>,
      %gt3A_453 = arith.cmpf ogt, %gather3A_452, %max3A_424 : vector<16xf32>
      %max3A_454 = arith.maximumf %max3A_424, %gather3A_452 : vector<16xf32>
      %broadcast_in_dim3A_455 = vector.broadcast %scan3A_449 : i32 to vector<16xi32>
      %select_n3A_456 = arith.select %gt3A_453, %broadcast_in_dim3A_455, %select_n3A_426 : vector<16xi1>, vector<16xi32>
      %add3A_457 = vector.broadcast %scan3A_449 : i32 to vector<16xi32>
      %add3A_458 = arith.addi %mul3A_59, %add3A_457 : vector<16xi32>
      %gather3A_459 = tpu.vector_load_idx %arg5[%and3A_42, %add3A_458] : memref<8x2048xf32, #tpu.memory_space<vmem>>[vector<16xi32>, vector<16xi32>], vector<16xf32>,
      %gt3A_460 = arith.cmpf ogt, %gather3A_459, %max3A_431 : vector<16xf32>
      %max3A_461 = arith.maximumf %max3A_431, %gather3A_459 : vector<16xf32>
      %broadcast_in_dim3A_462 = vector.broadcast %scan3A_449 : i32 to vector<16xi32>
      %select_n3A_463 = arith.select %gt3A_460, %broadcast_in_dim3A_462, %select_n3A_433 : vector<16xi1>, vector<16xi32>
      %add3A_464 = vector.broadcast %scan3A_449 : i32 to vector<16xi32>
      %add3A_465 = arith.addi %mul3A_68, %add3A_464 : vector<16xi32>
      %gather3A_466 = tpu.vector_load_idx %arg5[%and3A_42, %add3A_465] : memref<8x2048xf32, #tpu.memory_space<vmem>>[vector<16xi32>, vector<16xi32>], vector<16xf32>,
      %gt3A_467 = arith.cmpf ogt, %gather3A_466, %max3A_438 : vector<16xf32>
      %max3A_468 = arith.maximumf %max3A_438, %gather3A_466 : vector<16xf32>
      %broadcast_in_dim3A_469 = vector.broadcast %scan3A_449 : i32 to vector<16xi32>
      %select_n3A_470 = arith.select %gt3A_467, %broadcast_in_dim3A_469, %select_n3A_440 : vector<16xi1>, vector<16xi32>
      %add3A_471 = vector.broadcast %scan3A_449 : i32 to vector<16xi32>
      %add3A_472 = arith.addi %mul3A_77, %add3A_471 : vector<16xi32>
      %gather3A_473 = tpu.vector_load_idx %arg5[%and3A_42, %add3A_472] : memref<8x2048xf32, #tpu.memory_space<vmem>>[vector<16xi32>, vector<16xi32>], vector<16xf32>,
      %gt3A_474 = arith.cmpf ogt, %gather3A_473, %max3A_445 : vector<16xf32>
      %max3A_475 = arith.maximumf %max3A_445, %gather3A_473 : vector<16xf32>
      %broadcast_in_dim3A_476 = vector.broadcast %scan3A_449 : i32 to vector<16xi32>
      %select_n3A_477 = arith.select %gt3A_474, %broadcast_in_dim3A_476, %select_n3A_447 : vector<16xi1>, vector<16xi32>
      %scan3A_478 = arith.constant 7 : i32
      %scan3A_479 = arith.addi %scan3A_264, %scan3A_478 : i32
      %add3A_480 = vector.broadcast %scan3A_479 : i32 to vector<16xi32>
      %add3A_481 = arith.addi %mul3A_50, %add3A_480 : vector<16xi32>
      %gather3A_482 = tpu.vector_load_idx %arg5[%and3A_42, %add3A_481] : memref<8x2048xf32, #tpu.memory_space<vmem>>[vector<16xi32>, vector<16xi32>], vector<16xf32>,
      %gt3A_483 = arith.cmpf ogt, %gather3A_482, %max3A_454 : vector<16xf32>
      %max3A_484 = arith.maximumf %max3A_454, %gather3A_482 : vector<16xf32>
      %broadcast_in_dim3A_485 = vector.broadcast %scan3A_479 : i32 to vector<16xi32>
      %select_n3A_486 = arith.select %gt3A_483, %broadcast_in_dim3A_485, %select_n3A_456 : vector<16xi1>, vector<16xi32>
      %add3A_487 = vector.broadcast %scan3A_479 : i32 to vector<16xi32>
      %add3A_488 = arith.addi %mul3A_59, %add3A_487 : vector<16xi32>
      %gather3A_489 = tpu.vector_load_idx %arg5[%and3A_42, %add3A_488] : memref<8x2048xf32, #tpu.memory_space<vmem>>[vector<16xi32>, vector<16xi32>], vector<16xf32>,
      %gt3A_490 = arith.cmpf ogt, %gather3A_489, %max3A_461 : vector<16xf32>
      %max3A_491 = arith.maximumf %max3A_461, %gather3A_489 : vector<16xf32>
      %broadcast_in_dim3A_492 = vector.broadcast %scan3A_479 : i32 to vector<16xi32>
      %select_n3A_493 = arith.select %gt3A_490, %broadcast_in_dim3A_492, %select_n3A_463 : vector<16xi1>, vector<16xi32>
      %add3A_494 = vector.broadcast %scan3A_479 : i32 to vector<16xi32>
      %add3A_495 = arith.addi %mul3A_68, %add3A_494 : vector<16xi32>
      %gather3A_496 = tpu.vector_load_idx %arg5[%and3A_42, %add3A_495] : memref<8x2048xf32, #tpu.memory_space<vmem>>[vector<16xi32>, vector<16xi32>], vector<16xf32>,
      %gt3A_497 = arith.cmpf ogt, %gather3A_496, %max3A_468 : vector<16xf32>
      %max3A_498 = arith.maximumf %max3A_468, %gather3A_496 : vector<16xf32>
      %broadcast_in_dim3A_499 = vector.broadcast %scan3A_479 : i32 to vector<16xi32>
      %select_n3A_500 = arith.select %gt3A_497, %broadcast_in_dim3A_499, %select_n3A_470 : vector<16xi1>, vector<16xi32>
      %add3A_501 = vector.broadcast %scan3A_479 : i32 to vector<16xi32>
      %add3A_502 = arith.addi %mul3A_77, %add3A_501 : vector<16xi32>
      %gather3A_503 = tpu.vector_load_idx %arg5[%and3A_42, %add3A_502] : memref<8x2048xf32, #tpu.memory_space<vmem>>[vector<16xi32>, vector<16xi32>], vector<16xf32>,
      %gt3A_504 = arith.cmpf ogt, %gather3A_503, %max3A_475 : vector<16xf32>
      %max3A_505 = arith.maximumf %max3A_475, %gather3A_503 : vector<16xf32>
      %broadcast_in_dim3A_506 = vector.broadcast %scan3A_479 : i32 to vector<16xi32>
      %select_n3A_507 = arith.select %gt3A_504, %broadcast_in_dim3A_506, %select_n3A_477 : vector<16xi1>, vector<16xi32>
      scf.yield %max3A_484, %max3A_491, %max3A_498, %max3A_505, %select_n3A_486, %select_n3A_493, %select_n3A_500, %select_n3A_507 : vector<16xf32>, vector<16xf32>, vector<16xf32>, vector<16xf32>, vector<16xi32>, vector<16xi32>, vector<16xi32>, vector<16xi32>
    }
    %scan3A_123 = arith.constant 256 : i32
    %add3A_124 = arith.addi %mul3A_50, %scan3A_122#4 : vector<16xi32>
    %add3A_125 = arith.addi %mul3A_59, %scan3A_122#5 : vector<16xi32>
    %add3A_126 = arith.addi %mul3A_68, %scan3A_122#6 : vector<16xi32>
    %add3A_127 = arith.addi %mul3A_77, %scan3A_122#7 : vector<16xi32>
    tpu.vector_store_idx %arg7[%and3A_42, %add3A_124], %broadcast_in_dim3A_37 : memref<8x2048xf32, #tpu.memory_space<vmem>>[vector<16xi32>, vector<16xi32>], vector<16xf32>,
    tpu.vector_store_idx %arg7[%and3A_42, %add3A_125], %broadcast_in_dim3A_37 : memref<8x2048xf32, #tpu.memory_space<vmem>>[vector<16xi32>, vector<16xi32>], vector<16xf32>,
    tpu.vector_store_idx %arg7[%and3A_42, %add3A_126], %broadcast_in_dim3A_37 : memref<8x2048xf32, #tpu.memory_space<vmem>>[vector<16xi32>, vector<16xi32>], vector<16xf32>,
    tpu.vector_store_idx %arg7[%and3A_42, %add3A_127], %broadcast_in_dim3A_37 : memref<8x2048xf32, #tpu.memory_space<vmem>>[vector<16xi32>, vector<16xi32>], vector<16xf32>,
    %add3A_128 = arith.constant 2048 : i32
    %add3A_129 = arith.addi %mul3A_34, %add3A_128 : i32
    %dma_start3A_130 = tpu.memref_slice %arg3[%mul3A_11, %add3A_129] : memref<128x32768xf32, #tpu.memory_space<hbm>> -> memref<8x2048xf32, #tpu.memory_space<hbm>>
    %dma_start3A_131 = tpu.memref_slice %arg3[%mul3A_11, %add3A_129] : memref<128x32768xf32, #tpu.memory_space<hbm>> -> memref<8x2048xf32, #tpu.memory_space<hbm>>
    tpu.enqueue_dma source(%arg7 : memref<8x2048xf32, #tpu.memory_space<vmem>>) target(%dma_start3A_131 : memref<8x2048xf32, #tpu.memory_space<hbm>>) target_semaphore(%arg11 : memref<!tpu.dma_semaphore, #tpu.memory_space<semaphore_mem>>)
    %add3A_132 = arith.constant 6144 : i32
    %add3A_133 = arith.addi %mul3A_34, %add3A_132 : i32
    %dma_start3A_134 = tpu.memref_slice %arg2[%mul3A_11, %add3A_133] : memref<128x32768xf32, #tpu.memory_space<hbm>> -> memref<8x2048xf32, #tpu.memory_space<hbm>>
    %dma_start3A_135 = tpu.memref_slice %arg2[%mul3A_11, %add3A_133] : memref<128x32768xf32, #tpu.memory_space<hbm>> -> memref<8x2048xf32, #tpu.memory_space<hbm>>
    tpu.enqueue_dma source(%dma_start3A_135 : memref<8x2048xf32, #tpu.memory_space<hbm>>) target(%arg5 : memref<8x2048xf32, #tpu.memory_space<vmem>>) target_semaphore(%arg9 : memref<!tpu.dma_semaphore, #tpu.memory_space<semaphore_mem>>)
    %dma_wait3A_136 = tpu.memref_slice %arg2[%mul3A_11, %add3A_113] : memref<128x32768xf32, #tpu.memory_space<hbm>> -> memref<8x2048xf32, #tpu.memory_space<hbm>>
    %dma_wait3A_137 = tpu.memref_slice %arg2[%mul3A_11, %add3A_113] : memref<128x32768xf32, #tpu.memory_space<hbm>> -> memref<8x2048xf32, #tpu.memory_space<hbm>>
    tpu.wait_dma2 semaphore(%arg8 : memref<!tpu.dma_semaphore, #tpu.memory_space<semaphore_mem>>) src(%dma_wait3A_137 : memref<8x2048xf32, #tpu.memory_space<hbm>>) dst(%arg4 : memref<8x2048xf32, #tpu.memory_space<vmem>>)
    %dma_wait3A_138 = tpu.memref_slice %arg3[%mul3A_11, %add3A_109] : memref<128x32768xf32, #tpu.memory_space<hbm>> -> memref<8x2048xf32, #tpu.memory_space<hbm>>
    %dma_wait3A_139 = tpu.memref_slice %arg3[%mul3A_11, %add3A_109] : memref<128x32768xf32, #tpu.memory_space<hbm>> -> memref<8x2048xf32, #tpu.memory_space<hbm>>
    tpu.wait_dma2 semaphore(%arg10 : memref<!tpu.dma_semaphore, #tpu.memory_space<semaphore_mem>>) src(%arg6 : memref<8x2048xf32, #tpu.memory_space<vmem>>) dst(%dma_wait3A_139 : memref<8x2048xf32, #tpu.memory_space<hbm>>)
    tpu.vector_store_idx %arg6[%and3A_42, %add3A_104], %broadcast_in_dim3A_35 : memref<8x2048xf32, #tpu.memory_space<vmem>>[vector<16xi32>, vector<16xi32>], vector<16xf32>,
    tpu.vector_store_idx %arg6[%and3A_42, %add3A_105], %broadcast_in_dim3A_35 : memref<8x2048xf32, #tpu.memory_space<vmem>>[vector<16xi32>, vector<16xi32>], vector<16xf32>,
    tpu.vector_store_idx %arg6[%and3A_42, %add3A_106], %broadcast_in_dim3A_35 : memref<8x2048xf32, #tpu.memory_space<vmem>>[vector<16xi32>, vector<16xi32>], vector<16xf32>,
    tpu.vector_store_idx %arg6[%and3A_42, %add3A_107], %broadcast_in_dim3A_35 : memref<8x2048xf32, #tpu.memory_space<vmem>>[vector<16xi32>, vector<16xi32>], vector<16xf32>,
    %scan3A_140 = arith.constant 0 : i32
    %scan3A_141 = arith.constant 256 : i32
    %scan3A_142 = arith.addi %scan3A_140, %scan3A_141 : i32
    %scan3A_143 = arith.constant 8 : i32
    %scan3A_144:8 = scf.for %scan3A_264 = %scan3A_140 to %scan3A_142 step %scan3A_143 iter_args(%scan3A_265 = %broadcast_in_dim3A_39, %scan3A_266 = %broadcast_in_dim3A_39, %scan3A_267 = %broadcast_in_dim3A_39, %scan3A_268 = %broadcast_in_dim3A_39, %scan3A_269 = %broadcast_in_dim3A_86, %scan3A_270 = %broadcast_in_dim3A_88, %scan3A_271 = %broadcast_in_dim3A_90, %scan3A_272 = %broadcast_in_dim3A_92) -> (vector<16xf32>, vector<16xf32>, vector<16xf32>, vector<16xf32>, vector<16xi32>, vector<16xi32>, vector<16xi32>, vector<16xi32>)  : i32 {
      %add3A_273 = vector.broadcast %scan3A_264 : i32 to vector<16xi32>
      %add3A_274 = arith.addi %mul3A_50, %add3A_273 : vector<16xi32>
      %gather3A = tpu.vector_load_idx %arg4[%and3A_42, %add3A_274] : memref<8x2048xf32, #tpu.memory_space<vmem>>[vector<16xi32>, vector<16xi32>], vector<16xf32>,
      %gt3A = arith.cmpf ogt, %gather3A, %scan3A_265 : vector<16xf32>
      %max3A = arith.maximumf %scan3A_265, %gather3A : vector<16xf32>
      %broadcast_in_dim3A_275 = vector.broadcast %scan3A_264 : i32 to vector<16xi32>
      %select_n3A_276 = arith.select %gt3A, %broadcast_in_dim3A_275, %scan3A_269 : vector<16xi1>, vector<16xi32>
      %add3A_277 = vector.broadcast %scan3A_264 : i32 to vector<16xi32>
      %add3A_278 = arith.addi %mul3A_59, %add3A_277 : vector<16xi32>
      %gather3A_279 = tpu.vector_load_idx %arg4[%and3A_42, %add3A_278] : memref<8x2048xf32, #tpu.memory_space<vmem>>[vector<16xi32>, vector<16xi32>], vector<16xf32>,
      %gt3A_280 = arith.cmpf ogt, %gather3A_279, %scan3A_266 : vector<16xf32>
      %max3A_281 = arith.maximumf %scan3A_266, %gather3A_279 : vector<16xf32>
      %broadcast_in_dim3A_282 = vector.broadcast %scan3A_264 : i32 to vector<16xi32>
      %select_n3A_283 = arith.select %gt3A_280, %broadcast_in_dim3A_282, %scan3A_270 : vector<16xi1>, vector<16xi32>
      %add3A_284 = vector.broadcast %scan3A_264 : i32 to vector<16xi32>
      %add3A_285 = arith.addi %mul3A_68, %add3A_284 : vector<16xi32>
      %gather3A_286 = tpu.vector_load_idx %arg4[%and3A_42, %add3A_285] : memref<8x2048xf32, #tpu.memory_space<vmem>>[vector<16xi32>, vector<16xi32>], vector<16xf32>,
      %gt3A_287 = arith.cmpf ogt, %gather3A_286, %scan3A_267 : vector<16xf32>
      %max3A_288 = arith.maximumf %scan3A_267, %gather3A_286 : vector<16xf32>
      %broadcast_in_dim3A_289 = vector.broadcast %scan3A_264 : i32 to vector<16xi32>
      %select_n3A_290 = arith.select %gt3A_287, %broadcast_in_dim3A_289, %scan3A_271 : vector<16xi1>, vector<16xi32>
      %add3A_291 = vector.broadcast %scan3A_264 : i32 to vector<16xi32>
      %add3A_292 = arith.addi %mul3A_77, %add3A_291 : vector<16xi32>
      %gather3A_293 = tpu.vector_load_idx %arg4[%and3A_42, %add3A_292] : memref<8x2048xf32, #tpu.memory_space<vmem>>[vector<16xi32>, vector<16xi32>], vector<16xf32>,
      %gt3A_294 = arith.cmpf ogt, %gather3A_293, %scan3A_268 : vector<16xf32>
      %max3A_295 = arith.maximumf %scan3A_268, %gather3A_293 : vector<16xf32>
      %broadcast_in_dim3A_296 = vector.broadcast %scan3A_264 : i32 to vector<16xi32>
      %select_n3A_297 = arith.select %gt3A_294, %broadcast_in_dim3A_296, %scan3A_272 : vector<16xi1>, vector<16xi32>
      %scan3A_298 = arith.constant 1 : i32
      %scan3A_299 = arith.addi %scan3A_264, %scan3A_298 : i32
      %add3A_300 = vector.broadcast %scan3A_299 : i32 to vector<16xi32>
      %add3A_301 = arith.addi %mul3A_50, %add3A_300 : vector<16xi32>
      %gather3A_302 = tpu.vector_load_idx %arg4[%and3A_42, %add3A_301] : memref<8x2048xf32, #tpu.memory_space<vmem>>[vector<16xi32>, vector<16xi32>], vector<16xf32>,
      %gt3A_303 = arith.cmpf ogt, %gather3A_302, %max3A : vector<16xf32>
      %max3A_304 = arith.maximumf %max3A, %gather3A_302 : vector<16xf32>
      %broadcast_in_dim3A_305 = vector.broadcast %scan3A_299 : i32 to vector<16xi32>
      %select_n3A_306 = arith.select %gt3A_303, %broadcast_in_dim3A_305, %select_n3A_276 : vector<16xi1>, vector<16xi32>
      %add3A_307 = vector.broadcast %scan3A_299 : i32 to vector<16xi32>
      %add3A_308 = arith.addi %mul3A_59, %add3A_307 : vector<16xi32>
      %gather3A_309 = tpu.vector_load_idx %arg4[%and3A_42, %add3A_308] : memref<8x2048xf32, #tpu.memory_space<vmem>>[vector<16xi32>, vector<16xi32>], vector<16xf32>,
      %gt3A_310 = arith.cmpf ogt, %gather3A_309, %max3A_281 : vector<16xf32>
      %max3A_311 = arith.maximumf %max3A_281, %gather3A_309 : vector<16xf32>
      %broadcast_in_dim3A_312 = vector.broadcast %scan3A_299 : i32 to vector<16xi32>
      %select_n3A_313 = arith.select %gt3A_310, %broadcast_in_dim3A_312, %select_n3A_283 : vector<16xi1>, vector<16xi32>
      %add3A_314 = vector.broadcast %scan3A_299 : i32 to vector<16xi32>
      %add3A_315 = arith.addi %mul3A_68, %add3A_314 : vector<16xi32>
      %gather3A_316 = tpu.vector_load_idx %arg4[%and3A_42, %add3A_315] : memref<8x2048xf32, #tpu.memory_space<vmem>>[vector<16xi32>, vector<16xi32>], vector<16xf32>,
      %gt3A_317 = arith.cmpf ogt, %gather3A_316, %max3A_288 : vector<16xf32>
      %max3A_318 = arith.maximumf %max3A_288, %gather3A_316 : vector<16xf32>
      %broadcast_in_dim3A_319 = vector.broadcast %scan3A_299 : i32 to vector<16xi32>
      %select_n3A_320 = arith.select %gt3A_317, %broadcast_in_dim3A_319, %select_n3A_290 : vector<16xi1>, vector<16xi32>
      %add3A_321 = vector.broadcast %scan3A_299 : i32 to vector<16xi32>
      %add3A_322 = arith.addi %mul3A_77, %add3A_321 : vector<16xi32>
      %gather3A_323 = tpu.vector_load_idx %arg4[%and3A_42, %add3A_322] : memref<8x2048xf32, #tpu.memory_space<vmem>>[vector<16xi32>, vector<16xi32>], vector<16xf32>,
      %gt3A_324 = arith.cmpf ogt, %gather3A_323, %max3A_295 : vector<16xf32>
      %max3A_325 = arith.maximumf %max3A_295, %gather3A_323 : vector<16xf32>
      %broadcast_in_dim3A_326 = vector.broadcast %scan3A_299 : i32 to vector<16xi32>
      %select_n3A_327 = arith.select %gt3A_324, %broadcast_in_dim3A_326, %select_n3A_297 : vector<16xi1>, vector<16xi32>
      %scan3A_328 = arith.constant 2 : i32
      %scan3A_329 = arith.addi %scan3A_264, %scan3A_328 : i32
      %add3A_330 = vector.broadcast %scan3A_329 : i32 to vector<16xi32>
      %add3A_331 = arith.addi %mul3A_50, %add3A_330 : vector<16xi32>
      %gather3A_332 = tpu.vector_load_idx %arg4[%and3A_42, %add3A_331] : memref<8x2048xf32, #tpu.memory_space<vmem>>[vector<16xi32>, vector<16xi32>], vector<16xf32>,
      %gt3A_333 = arith.cmpf ogt, %gather3A_332, %max3A_304 : vector<16xf32>
      %max3A_334 = arith.maximumf %max3A_304, %gather3A_332 : vector<16xf32>
      %broadcast_in_dim3A_335 = vector.broadcast %scan3A_329 : i32 to vector<16xi32>
      %select_n3A_336 = arith.select %gt3A_333, %broadcast_in_dim3A_335, %select_n3A_306 : vector<16xi1>, vector<16xi32>
      %add3A_337 = vector.broadcast %scan3A_329 : i32 to vector<16xi32>
      %add3A_338 = arith.addi %mul3A_59, %add3A_337 : vector<16xi32>
      %gather3A_339 = tpu.vector_load_idx %arg4[%and3A_42, %add3A_338] : memref<8x2048xf32, #tpu.memory_space<vmem>>[vector<16xi32>, vector<16xi32>], vector<16xf32>,
      %gt3A_340 = arith.cmpf ogt, %gather3A_339, %max3A_311 : vector<16xf32>
      %max3A_341 = arith.maximumf %max3A_311, %gather3A_339 : vector<16xf32>
      %broadcast_in_dim3A_342 = vector.broadcast %scan3A_329 : i32 to vector<16xi32>
      %select_n3A_343 = arith.select %gt3A_340, %broadcast_in_dim3A_342, %select_n3A_313 : vector<16xi1>, vector<16xi32>
      %add3A_344 = vector.broadcast %scan3A_329 : i32 to vector<16xi32>
      %add3A_345 = arith.addi %mul3A_68, %add3A_344 : vector<16xi32>
      %gather3A_346 = tpu.vector_load_idx %arg4[%and3A_42, %add3A_345] : memref<8x2048xf32, #tpu.memory_space<vmem>>[vector<16xi32>, vector<16xi32>], vector<16xf32>,
      %gt3A_347 = arith.cmpf ogt, %gather3A_346, %max3A_318 : vector<16xf32>
      %max3A_348 = arith.maximumf %max3A_318, %gather3A_346 : vector<16xf32>
      %broadcast_in_dim3A_349 = vector.broadcast %scan3A_329 : i32 to vector<16xi32>
      %select_n3A_350 = arith.select %gt3A_347, %broadcast_in_dim3A_349, %select_n3A_320 : vector<16xi1>, vector<16xi32>
      %add3A_351 = vector.broadcast %scan3A_329 : i32 to vector<16xi32>
      %add3A_352 = arith.addi %mul3A_77, %add3A_351 : vector<16xi32>
      %gather3A_353 = tpu.vector_load_idx %arg4[%and3A_42, %add3A_352] : memref<8x2048xf32, #tpu.memory_space<vmem>>[vector<16xi32>, vector<16xi32>], vector<16xf32>,
      %gt3A_354 = arith.cmpf ogt, %gather3A_353, %max3A_325 : vector<16xf32>
      %max3A_355 = arith.maximumf %max3A_325, %gather3A_353 : vector<16xf32>
      %broadcast_in_dim3A_356 = vector.broadcast %scan3A_329 : i32 to vector<16xi32>
      %select_n3A_357 = arith.select %gt3A_354, %broadcast_in_dim3A_356, %select_n3A_327 : vector<16xi1>, vector<16xi32>
      %scan3A_358 = arith.constant 3 : i32
      %scan3A_359 = arith.addi %scan3A_264, %scan3A_358 : i32
      %add3A_360 = vector.broadcast %scan3A_359 : i32 to vector<16xi32>
      %add3A_361 = arith.addi %mul3A_50, %add3A_360 : vector<16xi32>
      %gather3A_362 = tpu.vector_load_idx %arg4[%and3A_42, %add3A_361] : memref<8x2048xf32, #tpu.memory_space<vmem>>[vector<16xi32>, vector<16xi32>], vector<16xf32>,
      %gt3A_363 = arith.cmpf ogt, %gather3A_362, %max3A_334 : vector<16xf32>
      %max3A_364 = arith.maximumf %max3A_334, %gather3A_362 : vector<16xf32>
      %broadcast_in_dim3A_365 = vector.broadcast %scan3A_359 : i32 to vector<16xi32>
      %select_n3A_366 = arith.select %gt3A_363, %broadcast_in_dim3A_365, %select_n3A_336 : vector<16xi1>, vector<16xi32>
      %add3A_367 = vector.broadcast %scan3A_359 : i32 to vector<16xi32>
      %add3A_368 = arith.addi %mul3A_59, %add3A_367 : vector<16xi32>
      %gather3A_369 = tpu.vector_load_idx %arg4[%and3A_42, %add3A_368] : memref<8x2048xf32, #tpu.memory_space<vmem>>[vector<16xi32>, vector<16xi32>], vector<16xf32>,
      %gt3A_370 = arith.cmpf ogt, %gather3A_369, %max3A_341 : vector<16xf32>
      %max3A_371 = arith.maximumf %max3A_341, %gather3A_369 : vector<16xf32>
      %broadcast_in_dim3A_372 = vector.broadcast %scan3A_359 : i32 to vector<16xi32>
      %select_n3A_373 = arith.select %gt3A_370, %broadcast_in_dim3A_372, %select_n3A_343 : vector<16xi1>, vector<16xi32>
      %add3A_374 = vector.broadcast %scan3A_359 : i32 to vector<16xi32>
      %add3A_375 = arith.addi %mul3A_68, %add3A_374 : vector<16xi32>
      %gather3A_376 = tpu.vector_load_idx %arg4[%and3A_42, %add3A_375] : memref<8x2048xf32, #tpu.memory_space<vmem>>[vector<16xi32>, vector<16xi32>], vector<16xf32>,
      %gt3A_377 = arith.cmpf ogt, %gather3A_376, %max3A_348 : vector<16xf32>
      %max3A_378 = arith.maximumf %max3A_348, %gather3A_376 : vector<16xf32>
      %broadcast_in_dim3A_379 = vector.broadcast %scan3A_359 : i32 to vector<16xi32>
      %select_n3A_380 = arith.select %gt3A_377, %broadcast_in_dim3A_379, %select_n3A_350 : vector<16xi1>, vector<16xi32>
      %add3A_381 = vector.broadcast %scan3A_359 : i32 to vector<16xi32>
      %add3A_382 = arith.addi %mul3A_77, %add3A_381 : vector<16xi32>
      %gather3A_383 = tpu.vector_load_idx %arg4[%and3A_42, %add3A_382] : memref<8x2048xf32, #tpu.memory_space<vmem>>[vector<16xi32>, vector<16xi32>], vector<16xf32>,
      %gt3A_384 = arith.cmpf ogt, %gather3A_383, %max3A_355 : vector<16xf32>
      %max3A_385 = arith.maximumf %max3A_355, %gather3A_383 : vector<16xf32>
      %broadcast_in_dim3A_386 = vector.broadcast %scan3A_359 : i32 to vector<16xi32>
      %select_n3A_387 = arith.select %gt3A_384, %broadcast_in_dim3A_386, %select_n3A_357 : vector<16xi1>, vector<16xi32>
      %scan3A_388 = arith.constant 4 : i32
      %scan3A_389 = arith.addi %scan3A_264, %scan3A_388 : i32
      %add3A_390 = vector.broadcast %scan3A_389 : i32 to vector<16xi32>
      %add3A_391 = arith.addi %mul3A_50, %add3A_390 : vector<16xi32>
      %gather3A_392 = tpu.vector_load_idx %arg4[%and3A_42, %add3A_391] : memref<8x2048xf32, #tpu.memory_space<vmem>>[vector<16xi32>, vector<16xi32>], vector<16xf32>,
      %gt3A_393 = arith.cmpf ogt, %gather3A_392, %max3A_364 : vector<16xf32>
      %max3A_394 = arith.maximumf %max3A_364, %gather3A_392 : vector<16xf32>
      %broadcast_in_dim3A_395 = vector.broadcast %scan3A_389 : i32 to vector<16xi32>
      %select_n3A_396 = arith.select %gt3A_393, %broadcast_in_dim3A_395, %select_n3A_366 : vector<16xi1>, vector<16xi32>
      %add3A_397 = vector.broadcast %scan3A_389 : i32 to vector<16xi32>
      %add3A_398 = arith.addi %mul3A_59, %add3A_397 : vector<16xi32>
      %gather3A_399 = tpu.vector_load_idx %arg4[%and3A_42, %add3A_398] : memref<8x2048xf32, #tpu.memory_space<vmem>>[vector<16xi32>, vector<16xi32>], vector<16xf32>,
      %gt3A_400 = arith.cmpf ogt, %gather3A_399, %max3A_371 : vector<16xf32>
      %max3A_401 = arith.maximumf %max3A_371, %gather3A_399 : vector<16xf32>
      %broadcast_in_dim3A_402 = vector.broadcast %scan3A_389 : i32 to vector<16xi32>
      %select_n3A_403 = arith.select %gt3A_400, %broadcast_in_dim3A_402, %select_n3A_373 : vector<16xi1>, vector<16xi32>
      %add3A_404 = vector.broadcast %scan3A_389 : i32 to vector<16xi32>
      %add3A_405 = arith.addi %mul3A_68, %add3A_404 : vector<16xi32>
      %gather3A_406 = tpu.vector_load_idx %arg4[%and3A_42, %add3A_405] : memref<8x2048xf32, #tpu.memory_space<vmem>>[vector<16xi32>, vector<16xi32>], vector<16xf32>,
      %gt3A_407 = arith.cmpf ogt, %gather3A_406, %max3A_378 : vector<16xf32>
      %max3A_408 = arith.maximumf %max3A_378, %gather3A_406 : vector<16xf32>
      %broadcast_in_dim3A_409 = vector.broadcast %scan3A_389 : i32 to vector<16xi32>
      %select_n3A_410 = arith.select %gt3A_407, %broadcast_in_dim3A_409, %select_n3A_380 : vector<16xi1>, vector<16xi32>
      %add3A_411 = vector.broadcast %scan3A_389 : i32 to vector<16xi32>
      %add3A_412 = arith.addi %mul3A_77, %add3A_411 : vector<16xi32>
      %gather3A_413 = tpu.vector_load_idx %arg4[%and3A_42, %add3A_412] : memref<8x2048xf32, #tpu.memory_space<vmem>>[vector<16xi32>, vector<16xi32>], vector<16xf32>,
      %gt3A_414 = arith.cmpf ogt, %gather3A_413, %max3A_385 : vector<16xf32>
      %max3A_415 = arith.maximumf %max3A_385, %gather3A_413 : vector<16xf32>
      %broadcast_in_dim3A_416 = vector.broadcast %scan3A_389 : i32 to vector<16xi32>
      %select_n3A_417 = arith.select %gt3A_414, %broadcast_in_dim3A_416, %select_n3A_387 : vector<16xi1>, vector<16xi32>
      %scan3A_418 = arith.constant 5 : i32
      %scan3A_419 = arith.addi %scan3A_264, %scan3A_418 : i32
      %add3A_420 = vector.broadcast %scan3A_419 : i32 to vector<16xi32>
      %add3A_421 = arith.addi %mul3A_50, %add3A_420 : vector<16xi32>
      %gather3A_422 = tpu.vector_load_idx %arg4[%and3A_42, %add3A_421] : memref<8x2048xf32, #tpu.memory_space<vmem>>[vector<16xi32>, vector<16xi32>], vector<16xf32>,
      %gt3A_423 = arith.cmpf ogt, %gather3A_422, %max3A_394 : vector<16xf32>
      %max3A_424 = arith.maximumf %max3A_394, %gather3A_422 : vector<16xf32>
      %broadcast_in_dim3A_425 = vector.broadcast %scan3A_419 : i32 to vector<16xi32>
      %select_n3A_426 = arith.select %gt3A_423, %broadcast_in_dim3A_425, %select_n3A_396 : vector<16xi1>, vector<16xi32>
      %add3A_427 = vector.broadcast %scan3A_419 : i32 to vector<16xi32>
      %add3A_428 = arith.addi %mul3A_59, %add3A_427 : vector<16xi32>
      %gather3A_429 = tpu.vector_load_idx %arg4[%and3A_42, %add3A_428] : memref<8x2048xf32, #tpu.memory_space<vmem>>[vector<16xi32>, vector<16xi32>], vector<16xf32>,
      %gt3A_430 = arith.cmpf ogt, %gather3A_429, %max3A_401 : vector<16xf32>
      %max3A_431 = arith.maximumf %max3A_401, %gather3A_429 : vector<16xf32>
      %broadcast_in_dim3A_432 = vector.broadcast %scan3A_419 : i32 to vector<16xi32>
      %select_n3A_433 = arith.select %gt3A_430, %broadcast_in_dim3A_432, %select_n3A_403 : vector<16xi1>, vector<16xi32>
      %add3A_434 = vector.broadcast %scan3A_419 : i32 to vector<16xi32>
      %add3A_435 = arith.addi %mul3A_68, %add3A_434 : vector<16xi32>
      %gather3A_436 = tpu.vector_load_idx %arg4[%and3A_42, %add3A_435] : memref<8x2048xf32, #tpu.memory_space<vmem>>[vector<16xi32>, vector<16xi32>], vector<16xf32>,
      %gt3A_437 = arith.cmpf ogt, %gather3A_436, %max3A_408 : vector<16xf32>
      %max3A_438 = arith.maximumf %max3A_408, %gather3A_436 : vector<16xf32>
      %broadcast_in_dim3A_439 = vector.broadcast %scan3A_419 : i32 to vector<16xi32>
      %select_n3A_440 = arith.select %gt3A_437, %broadcast_in_dim3A_439, %select_n3A_410 : vector<16xi1>, vector<16xi32>
      %add3A_441 = vector.broadcast %scan3A_419 : i32 to vector<16xi32>
      %add3A_442 = arith.addi %mul3A_77, %add3A_441 : vector<16xi32>
      %gather3A_443 = tpu.vector_load_idx %arg4[%and3A_42, %add3A_442] : memref<8x2048xf32, #tpu.memory_space<vmem>>[vector<16xi32>, vector<16xi32>], vector<16xf32>,
      %gt3A_444 = arith.cmpf ogt, %gather3A_443, %max3A_415 : vector<16xf32>
      %max3A_445 = arith.maximumf %max3A_415, %gather3A_443 : vector<16xf32>
      %broadcast_in_dim3A_446 = vector.broadcast %scan3A_419 : i32 to vector<16xi32>
      %select_n3A_447 = arith.select %gt3A_444, %broadcast_in_dim3A_446, %select_n3A_417 : vector<16xi1>, vector<16xi32>
      %scan3A_448 = arith.constant 6 : i32
      %scan3A_449 = arith.addi %scan3A_264, %scan3A_448 : i32
      %add3A_450 = vector.broadcast %scan3A_449 : i32 to vector<16xi32>
      %add3A_451 = arith.addi %mul3A_50, %add3A_450 : vector<16xi32>
      %gather3A_452 = tpu.vector_load_idx %arg4[%and3A_42, %add3A_451] : memref<8x2048xf32, #tpu.memory_space<vmem>>[vector<16xi32>, vector<16xi32>], vector<16xf32>,
      %gt3A_453 = arith.cmpf ogt, %gather3A_452, %max3A_424 : vector<16xf32>
      %max3A_454 = arith.maximumf %max3A_424, %gather3A_452 : vector<16xf32>
      %broadcast_in_dim3A_455 = vector.broadcast %scan3A_449 : i32 to vector<16xi32>
      %select_n3A_456 = arith.select %gt3A_453, %broadcast_in_dim3A_455, %select_n3A_426 : vector<16xi1>, vector<16xi32>
      %add3A_457 = vector.broadcast %scan3A_449 : i32 to vector<16xi32>
      %add3A_458 = arith.addi %mul3A_59, %add3A_457 : vector<16xi32>
      %gather3A_459 = tpu.vector_load_idx %arg4[%and3A_42, %add3A_458] : memref<8x2048xf32, #tpu.memory_space<vmem>>[vector<16xi32>, vector<16xi32>], vector<16xf32>,
      %gt3A_460 = arith.cmpf ogt, %gather3A_459, %max3A_431 : vector<16xf32>
      %max3A_461 = arith.maximumf %max3A_431, %gather3A_459 : vector<16xf32>
      %broadcast_in_dim3A_462 = vector.broadcast %scan3A_449 : i32 to vector<16xi32>
      %select_n3A_463 = arith.select %gt3A_460, %broadcast_in_dim3A_462, %select_n3A_433 : vector<16xi1>, vector<16xi32>
      %add3A_464 = vector.broadcast %scan3A_449 : i32 to vector<16xi32>
      %add3A_465 = arith.addi %mul3A_68, %add3A_464 : vector<16xi32>
      %gather3A_466 = tpu.vector_load_idx %arg4[%and3A_42, %add3A_465] : memref<8x2048xf32, #tpu.memory_space<vmem>>[vector<16xi32>, vector<16xi32>], vector<16xf32>,
      %gt3A_467 = arith.cmpf ogt, %gather3A_466, %max3A_438 : vector<16xf32>
      %max3A_468 = arith.maximumf %max3A_438, %gather3A_466 : vector<16xf32>
      %broadcast_in_dim3A_469 = vector.broadcast %scan3A_449 : i32 to vector<16xi32>
      %select_n3A_470 = arith.select %gt3A_467, %broadcast_in_dim3A_469, %select_n3A_440 : vector<16xi1>, vector<16xi32>
      %add3A_471 = vector.broadcast %scan3A_449 : i32 to vector<16xi32>
      %add3A_472 = arith.addi %mul3A_77, %add3A_471 : vector<16xi32>
      %gather3A_473 = tpu.vector_load_idx %arg4[%and3A_42, %add3A_472] : memref<8x2048xf32, #tpu.memory_space<vmem>>[vector<16xi32>, vector<16xi32>], vector<16xf32>,
      %gt3A_474 = arith.cmpf ogt, %gather3A_473, %max3A_445 : vector<16xf32>
      %max3A_475 = arith.maximumf %max3A_445, %gather3A_473 : vector<16xf32>
      %broadcast_in_dim3A_476 = vector.broadcast %scan3A_449 : i32 to vector<16xi32>
      %select_n3A_477 = arith.select %gt3A_474, %broadcast_in_dim3A_476, %select_n3A_447 : vector<16xi1>, vector<16xi32>
      %scan3A_478 = arith.constant 7 : i32
      %scan3A_479 = arith.addi %scan3A_264, %scan3A_478 : i32
      %add3A_480 = vector.broadcast %scan3A_479 : i32 to vector<16xi32>
      %add3A_481 = arith.addi %mul3A_50, %add3A_480 : vector<16xi32>
      %gather3A_482 = tpu.vector_load_idx %arg4[%and3A_42, %add3A_481] : memref<8x2048xf32, #tpu.memory_space<vmem>>[vector<16xi32>, vector<16xi32>], vector<16xf32>,
      %gt3A_483 = arith.cmpf ogt, %gather3A_482, %max3A_454 : vector<16xf32>
      %max3A_484 = arith.maximumf %max3A_454, %gather3A_482 : vector<16xf32>
      %broadcast_in_dim3A_485 = vector.broadcast %scan3A_479 : i32 to vector<16xi32>
      %select_n3A_486 = arith.select %gt3A_483, %broadcast_in_dim3A_485, %select_n3A_456 : vector<16xi1>, vector<16xi32>
      %add3A_487 = vector.broadcast %scan3A_479 : i32 to vector<16xi32>
      %add3A_488 = arith.addi %mul3A_59, %add3A_487 : vector<16xi32>
      %gather3A_489 = tpu.vector_load_idx %arg4[%and3A_42, %add3A_488] : memref<8x2048xf32, #tpu.memory_space<vmem>>[vector<16xi32>, vector<16xi32>], vector<16xf32>,
      %gt3A_490 = arith.cmpf ogt, %gather3A_489, %max3A_461 : vector<16xf32>
      %max3A_491 = arith.maximumf %max3A_461, %gather3A_489 : vector<16xf32>
      %broadcast_in_dim3A_492 = vector.broadcast %scan3A_479 : i32 to vector<16xi32>
      %select_n3A_493 = arith.select %gt3A_490, %broadcast_in_dim3A_492, %select_n3A_463 : vector<16xi1>, vector<16xi32>
      %add3A_494 = vector.broadcast %scan3A_479 : i32 to vector<16xi32>
      %add3A_495 = arith.addi %mul3A_68, %add3A_494 : vector<16xi32>
      %gather3A_496 = tpu.vector_load_idx %arg4[%and3A_42, %add3A_495] : memref<8x2048xf32, #tpu.memory_space<vmem>>[vector<16xi32>, vector<16xi32>], vector<16xf32>,
      %gt3A_497 = arith.cmpf ogt, %gather3A_496, %max3A_468 : vector<16xf32>
      %max3A_498 = arith.maximumf %max3A_468, %gather3A_496 : vector<16xf32>
      %broadcast_in_dim3A_499 = vector.broadcast %scan3A_479 : i32 to vector<16xi32>
      %select_n3A_500 = arith.select %gt3A_497, %broadcast_in_dim3A_499, %select_n3A_470 : vector<16xi1>, vector<16xi32>
      %add3A_501 = vector.broadcast %scan3A_479 : i32 to vector<16xi32>
      %add3A_502 = arith.addi %mul3A_77, %add3A_501 : vector<16xi32>
      %gather3A_503 = tpu.vector_load_idx %arg4[%and3A_42, %add3A_502] : memref<8x2048xf32, #tpu.memory_space<vmem>>[vector<16xi32>, vector<16xi32>], vector<16xf32>,
      %gt3A_504 = arith.cmpf ogt, %gather3A_503, %max3A_475 : vector<16xf32>
      %max3A_505 = arith.maximumf %max3A_475, %gather3A_503 : vector<16xf32>
      %broadcast_in_dim3A_506 = vector.broadcast %scan3A_479 : i32 to vector<16xi32>
      %select_n3A_507 = arith.select %gt3A_504, %broadcast_in_dim3A_506, %select_n3A_477 : vector<16xi1>, vector<16xi32>
      scf.yield %max3A_484, %max3A_491, %max3A_498, %max3A_505, %select_n3A_486, %select_n3A_493, %select_n3A_500, %select_n3A_507 : vector<16xf32>, vector<16xf32>, vector<16xf32>, vector<16xf32>, vector<16xi32>, vector<16xi32>, vector<16xi32>, vector<16xi32>
    }
    %scan3A_145 = arith.constant 256 : i32
    %add3A_146 = arith.addi %mul3A_50, %scan3A_144#4 : vector<16xi32>
    %add3A_147 = arith.addi %mul3A_59, %scan3A_144#5 : vector<16xi32>
    %add3A_148 = arith.addi %mul3A_68, %scan3A_144#6 : vector<16xi32>
    %add3A_149 = arith.addi %mul3A_77, %scan3A_144#7 : vector<16xi32>
    tpu.vector_store_idx %arg6[%and3A_42, %add3A_146], %broadcast_in_dim3A_37 : memref<8x2048xf32, #tpu.memory_space<vmem>>[vector<16xi32>, vector<16xi32>], vector<16xf32>,
    tpu.vector_store_idx %arg6[%and3A_42, %add3A_147], %broadcast_in_dim3A_37 : memref<8x2048xf32, #tpu.memory_space<vmem>>[vector<16xi32>, vector<16xi32>], vector<16xf32>,
    tpu.vector_store_idx %arg6[%and3A_42, %add3A_148], %broadcast_in_dim3A_37 : memref<8x2048xf32, #tpu.memory_space<vmem>>[vector<16xi32>, vector<16xi32>], vector<16xf32>,
    tpu.vector_store_idx %arg6[%and3A_42, %add3A_149], %broadcast_in_dim3A_37 : memref<8x2048xf32, #tpu.memory_space<vmem>>[vector<16xi32>, vector<16xi32>], vector<16xf32>,
    %add3A_150 = arith.constant 4096 : i32
    %add3A_151 = arith.addi %mul3A_34, %add3A_150 : i32
    %dma_start3A_152 = tpu.memref_slice %arg3[%mul3A_11, %add3A_151] : memref<128x32768xf32, #tpu.memory_space<hbm>> -> memref<8x2048xf32, #tpu.memory_space<hbm>>
    %dma_start3A_153 = tpu.memref_slice %arg3[%mul3A_11, %add3A_151] : memref<128x32768xf32, #tpu.memory_space<hbm>> -> memref<8x2048xf32, #tpu.memory_space<hbm>>
    tpu.enqueue_dma source(%arg6 : memref<8x2048xf32, #tpu.memory_space<vmem>>) target(%dma_start3A_153 : memref<8x2048xf32, #tpu.memory_space<hbm>>) target_semaphore(%arg10 : memref<!tpu.dma_semaphore, #tpu.memory_space<semaphore_mem>>)
    %add3A_154 = arith.constant 8192 : i32
    %add3A_155 = arith.addi %mul3A_34, %add3A_154 : i32
    %dma_start3A_156 = tpu.memref_slice %arg2[%mul3A_11, %add3A_155] : memref<128x32768xf32, #tpu.memory_space<hbm>> -> memref<8x2048xf32, #tpu.memory_space<hbm>>
    %dma_start3A_157 = tpu.memref_slice %arg2[%mul3A_11, %add3A_155] : memref<128x32768xf32, #tpu.memory_space<hbm>> -> memref<8x2048xf32, #tpu.memory_space<hbm>>
    tpu.enqueue_dma source(%dma_start3A_157 : memref<8x2048xf32, #tpu.memory_space<hbm>>) target(%arg4 : memref<8x2048xf32, #tpu.memory_space<vmem>>) target_semaphore(%arg8 : memref<!tpu.dma_semaphore, #tpu.memory_space<semaphore_mem>>)
    %dma_wait3A_158 = tpu.memref_slice %arg2[%mul3A_11, %add3A_133] : memref<128x32768xf32, #tpu.memory_space<hbm>> -> memref<8x2048xf32, #tpu.memory_space<hbm>>
    %dma_wait3A_159 = tpu.memref_slice %arg2[%mul3A_11, %add3A_133] : memref<128x32768xf32, #tpu.memory_space<hbm>> -> memref<8x2048xf32, #tpu.memory_space<hbm>>
    tpu.wait_dma2 semaphore(%arg9 : memref<!tpu.dma_semaphore, #tpu.memory_space<semaphore_mem>>) src(%dma_wait3A_159 : memref<8x2048xf32, #tpu.memory_space<hbm>>) dst(%arg5 : memref<8x2048xf32, #tpu.memory_space<vmem>>)
    %dma_wait3A_160 = tpu.memref_slice %arg3[%mul3A_11, %add3A_129] : memref<128x32768xf32, #tpu.memory_space<hbm>> -> memref<8x2048xf32, #tpu.memory_space<hbm>>
    %dma_wait3A_161 = tpu.memref_slice %arg3[%mul3A_11, %add3A_129] : memref<128x32768xf32, #tpu.memory_space<hbm>> -> memref<8x2048xf32, #tpu.memory_space<hbm>>
    tpu.wait_dma2 semaphore(%arg11 : memref<!tpu.dma_semaphore, #tpu.memory_space<semaphore_mem>>) src(%arg7 : memref<8x2048xf32, #tpu.memory_space<vmem>>) dst(%dma_wait3A_161 : memref<8x2048xf32, #tpu.memory_space<hbm>>)
    tpu.vector_store_idx %arg7[%and3A_42, %add3A_124], %broadcast_in_dim3A_35 : memref<8x2048xf32, #tpu.memory_space<vmem>>[vector<16xi32>, vector<16xi32>], vector<16xf32>,
    tpu.vector_store_idx %arg7[%and3A_42, %add3A_125], %broadcast_in_dim3A_35 : memref<8x2048xf32, #tpu.memory_space<vmem>>[vector<16xi32>, vector<16xi32>], vector<16xf32>,
    tpu.vector_store_idx %arg7[%and3A_42, %add3A_126], %broadcast_in_dim3A_35 : memref<8x2048xf32, #tpu.memory_space<vmem>>[vector<16xi32>, vector<16xi32>], vector<16xf32>,
    tpu.vector_store_idx %arg7[%and3A_42, %add3A_127], %broadcast_in_dim3A_35 : memref<8x2048xf32, #tpu.memory_space<vmem>>[vector<16xi32>, vector<16xi32>], vector<16xf32>,
    %scan3A_162 = arith.constant 0 : i32
    %scan3A_163 = arith.constant 256 : i32
    %scan3A_164 = arith.addi %scan3A_162, %scan3A_163 : i32
    %scan3A_165 = arith.constant 8 : i32
    %scan3A_166:8 = scf.for %scan3A_264 = %scan3A_162 to %scan3A_164 step %scan3A_165 iter_args(%scan3A_265 = %broadcast_in_dim3A_39, %scan3A_266 = %broadcast_in_dim3A_39, %scan3A_267 = %broadcast_in_dim3A_39, %scan3A_268 = %broadcast_in_dim3A_39, %scan3A_269 = %broadcast_in_dim3A_86, %scan3A_270 = %broadcast_in_dim3A_88, %scan3A_271 = %broadcast_in_dim3A_90, %scan3A_272 = %broadcast_in_dim3A_92) -> (vector<16xf32>, vector<16xf32>, vector<16xf32>, vector<16xf32>, vector<16xi32>, vector<16xi32>, vector<16xi32>, vector<16xi32>)  : i32 {
      %add3A_273 = vector.broadcast %scan3A_264 : i32 to vector<16xi32>
      %add3A_274 = arith.addi %mul3A_50, %add3A_273 : vector<16xi32>
      %gather3A = tpu.vector_load_idx %arg5[%and3A_42, %add3A_274] : memref<8x2048xf32, #tpu.memory_space<vmem>>[vector<16xi32>, vector<16xi32>], vector<16xf32>,
      %gt3A = arith.cmpf ogt, %gather3A, %scan3A_265 : vector<16xf32>
      %max3A = arith.maximumf %scan3A_265, %gather3A : vector<16xf32>
      %broadcast_in_dim3A_275 = vector.broadcast %scan3A_264 : i32 to vector<16xi32>
      %select_n3A_276 = arith.select %gt3A, %broadcast_in_dim3A_275, %scan3A_269 : vector<16xi1>, vector<16xi32>
      %add3A_277 = vector.broadcast %scan3A_264 : i32 to vector<16xi32>
      %add3A_278 = arith.addi %mul3A_59, %add3A_277 : vector<16xi32>
      %gather3A_279 = tpu.vector_load_idx %arg5[%and3A_42, %add3A_278] : memref<8x2048xf32, #tpu.memory_space<vmem>>[vector<16xi32>, vector<16xi32>], vector<16xf32>,
      %gt3A_280 = arith.cmpf ogt, %gather3A_279, %scan3A_266 : vector<16xf32>
      %max3A_281 = arith.maximumf %scan3A_266, %gather3A_279 : vector<16xf32>
      %broadcast_in_dim3A_282 = vector.broadcast %scan3A_264 : i32 to vector<16xi32>
      %select_n3A_283 = arith.select %gt3A_280, %broadcast_in_dim3A_282, %scan3A_270 : vector<16xi1>, vector<16xi32>
      %add3A_284 = vector.broadcast %scan3A_264 : i32 to vector<16xi32>
      %add3A_285 = arith.addi %mul3A_68, %add3A_284 : vector<16xi32>
      %gather3A_286 = tpu.vector_load_idx %arg5[%and3A_42, %add3A_285] : memref<8x2048xf32, #tpu.memory_space<vmem>>[vector<16xi32>, vector<16xi32>], vector<16xf32>,
      %gt3A_287 = arith.cmpf ogt, %gather3A_286, %scan3A_267 : vector<16xf32>
      %max3A_288 = arith.maximumf %scan3A_267, %gather3A_286 : vector<16xf32>
      %broadcast_in_dim3A_289 = vector.broadcast %scan3A_264 : i32 to vector<16xi32>
      %select_n3A_290 = arith.select %gt3A_287, %broadcast_in_dim3A_289, %scan3A_271 : vector<16xi1>, vector<16xi32>
      %add3A_291 = vector.broadcast %scan3A_264 : i32 to vector<16xi32>
      %add3A_292 = arith.addi %mul3A_77, %add3A_291 : vector<16xi32>
      %gather3A_293 = tpu.vector_load_idx %arg5[%and3A_42, %add3A_292] : memref<8x2048xf32, #tpu.memory_space<vmem>>[vector<16xi32>, vector<16xi32>], vector<16xf32>,
      %gt3A_294 = arith.cmpf ogt, %gather3A_293, %scan3A_268 : vector<16xf32>
      %max3A_295 = arith.maximumf %scan3A_268, %gather3A_293 : vector<16xf32>
      %broadcast_in_dim3A_296 = vector.broadcast %scan3A_264 : i32 to vector<16xi32>
      %select_n3A_297 = arith.select %gt3A_294, %broadcast_in_dim3A_296, %scan3A_272 : vector<16xi1>, vector<16xi32>
      %scan3A_298 = arith.constant 1 : i32
      %scan3A_299 = arith.addi %scan3A_264, %scan3A_298 : i32
      %add3A_300 = vector.broadcast %scan3A_299 : i32 to vector<16xi32>
      %add3A_301 = arith.addi %mul3A_50, %add3A_300 : vector<16xi32>
      %gather3A_302 = tpu.vector_load_idx %arg5[%and3A_42, %add3A_301] : memref<8x2048xf32, #tpu.memory_space<vmem>>[vector<16xi32>, vector<16xi32>], vector<16xf32>,
      %gt3A_303 = arith.cmpf ogt, %gather3A_302, %max3A : vector<16xf32>
      %max3A_304 = arith.maximumf %max3A, %gather3A_302 : vector<16xf32>
      %broadcast_in_dim3A_305 = vector.broadcast %scan3A_299 : i32 to vector<16xi32>
      %select_n3A_306 = arith.select %gt3A_303, %broadcast_in_dim3A_305, %select_n3A_276 : vector<16xi1>, vector<16xi32>
      %add3A_307 = vector.broadcast %scan3A_299 : i32 to vector<16xi32>
      %add3A_308 = arith.addi %mul3A_59, %add3A_307 : vector<16xi32>
      %gather3A_309 = tpu.vector_load_idx %arg5[%and3A_42, %add3A_308] : memref<8x2048xf32, #tpu.memory_space<vmem>>[vector<16xi32>, vector<16xi32>], vector<16xf32>,
      %gt3A_310 = arith.cmpf ogt, %gather3A_309, %max3A_281 : vector<16xf32>
      %max3A_311 = arith.maximumf %max3A_281, %gather3A_309 : vector<16xf32>
      %broadcast_in_dim3A_312 = vector.broadcast %scan3A_299 : i32 to vector<16xi32>
      %select_n3A_313 = arith.select %gt3A_310, %broadcast_in_dim3A_312, %select_n3A_283 : vector<16xi1>, vector<16xi32>
      %add3A_314 = vector.broadcast %scan3A_299 : i32 to vector<16xi32>
      %add3A_315 = arith.addi %mul3A_68, %add3A_314 : vector<16xi32>
      %gather3A_316 = tpu.vector_load_idx %arg5[%and3A_42, %add3A_315] : memref<8x2048xf32, #tpu.memory_space<vmem>>[vector<16xi32>, vector<16xi32>], vector<16xf32>,
      %gt3A_317 = arith.cmpf ogt, %gather3A_316, %max3A_288 : vector<16xf32>
      %max3A_318 = arith.maximumf %max3A_288, %gather3A_316 : vector<16xf32>
      %broadcast_in_dim3A_319 = vector.broadcast %scan3A_299 : i32 to vector<16xi32>
      %select_n3A_320 = arith.select %gt3A_317, %broadcast_in_dim3A_319, %select_n3A_290 : vector<16xi1>, vector<16xi32>
      %add3A_321 = vector.broadcast %scan3A_299 : i32 to vector<16xi32>
      %add3A_322 = arith.addi %mul3A_77, %add3A_321 : vector<16xi32>
      %gather3A_323 = tpu.vector_load_idx %arg5[%and3A_42, %add3A_322] : memref<8x2048xf32, #tpu.memory_space<vmem>>[vector<16xi32>, vector<16xi32>], vector<16xf32>,
      %gt3A_324 = arith.cmpf ogt, %gather3A_323, %max3A_295 : vector<16xf32>
      %max3A_325 = arith.maximumf %max3A_295, %gather3A_323 : vector<16xf32>
      %broadcast_in_dim3A_326 = vector.broadcast %scan3A_299 : i32 to vector<16xi32>
      %select_n3A_327 = arith.select %gt3A_324, %broadcast_in_dim3A_326, %select_n3A_297 : vector<16xi1>, vector<16xi32>
      %scan3A_328 = arith.constant 2 : i32
      %scan3A_329 = arith.addi %scan3A_264, %scan3A_328 : i32
      %add3A_330 = vector.broadcast %scan3A_329 : i32 to vector<16xi32>
      %add3A_331 = arith.addi %mul3A_50, %add3A_330 : vector<16xi32>
      %gather3A_332 = tpu.vector_load_idx %arg5[%and3A_42, %add3A_331] : memref<8x2048xf32, #tpu.memory_space<vmem>>[vector<16xi32>, vector<16xi32>], vector<16xf32>,
      %gt3A_333 = arith.cmpf ogt, %gather3A_332, %max3A_304 : vector<16xf32>
      %max3A_334 = arith.maximumf %max3A_304, %gather3A_332 : vector<16xf32>
      %broadcast_in_dim3A_335 = vector.broadcast %scan3A_329 : i32 to vector<16xi32>
      %select_n3A_336 = arith.select %gt3A_333, %broadcast_in_dim3A_335, %select_n3A_306 : vector<16xi1>, vector<16xi32>
      %add3A_337 = vector.broadcast %scan3A_329 : i32 to vector<16xi32>
      %add3A_338 = arith.addi %mul3A_59, %add3A_337 : vector<16xi32>
      %gather3A_339 = tpu.vector_load_idx %arg5[%and3A_42, %add3A_338] : memref<8x2048xf32, #tpu.memory_space<vmem>>[vector<16xi32>, vector<16xi32>], vector<16xf32>,
      %gt3A_340 = arith.cmpf ogt, %gather3A_339, %max3A_311 : vector<16xf32>
      %max3A_341 = arith.maximumf %max3A_311, %gather3A_339 : vector<16xf32>
      %broadcast_in_dim3A_342 = vector.broadcast %scan3A_329 : i32 to vector<16xi32>
      %select_n3A_343 = arith.select %gt3A_340, %broadcast_in_dim3A_342, %select_n3A_313 : vector<16xi1>, vector<16xi32>
      %add3A_344 = vector.broadcast %scan3A_329 : i32 to vector<16xi32>
      %add3A_345 = arith.addi %mul3A_68, %add3A_344 : vector<16xi32>
      %gather3A_346 = tpu.vector_load_idx %arg5[%and3A_42, %add3A_345] : memref<8x2048xf32, #tpu.memory_space<vmem>>[vector<16xi32>, vector<16xi32>], vector<16xf32>,
      %gt3A_347 = arith.cmpf ogt, %gather3A_346, %max3A_318 : vector<16xf32>
      %max3A_348 = arith.maximumf %max3A_318, %gather3A_346 : vector<16xf32>
      %broadcast_in_dim3A_349 = vector.broadcast %scan3A_329 : i32 to vector<16xi32>
      %select_n3A_350 = arith.select %gt3A_347, %broadcast_in_dim3A_349, %select_n3A_320 : vector<16xi1>, vector<16xi32>
      %add3A_351 = vector.broadcast %scan3A_329 : i32 to vector<16xi32>
      %add3A_352 = arith.addi %mul3A_77, %add3A_351 : vector<16xi32>
      %gather3A_353 = tpu.vector_load_idx %arg5[%and3A_42, %add3A_352] : memref<8x2048xf32, #tpu.memory_space<vmem>>[vector<16xi32>, vector<16xi32>], vector<16xf32>,
      %gt3A_354 = arith.cmpf ogt, %gather3A_353, %max3A_325 : vector<16xf32>
      %max3A_355 = arith.maximumf %max3A_325, %gather3A_353 : vector<16xf32>
      %broadcast_in_dim3A_356 = vector.broadcast %scan3A_329 : i32 to vector<16xi32>
      %select_n3A_357 = arith.select %gt3A_354, %broadcast_in_dim3A_356, %select_n3A_327 : vector<16xi1>, vector<16xi32>
      %scan3A_358 = arith.constant 3 : i32
      %scan3A_359 = arith.addi %scan3A_264, %scan3A_358 : i32
      %add3A_360 = vector.broadcast %scan3A_359 : i32 to vector<16xi32>
      %add3A_361 = arith.addi %mul3A_50, %add3A_360 : vector<16xi32>
      %gather3A_362 = tpu.vector_load_idx %arg5[%and3A_42, %add3A_361] : memref<8x2048xf32, #tpu.memory_space<vmem>>[vector<16xi32>, vector<16xi32>], vector<16xf32>,
      %gt3A_363 = arith.cmpf ogt, %gather3A_362, %max3A_334 : vector<16xf32>
      %max3A_364 = arith.maximumf %max3A_334, %gather3A_362 : vector<16xf32>
      %broadcast_in_dim3A_365 = vector.broadcast %scan3A_359 : i32 to vector<16xi32>
      %select_n3A_366 = arith.select %gt3A_363, %broadcast_in_dim3A_365, %select_n3A_336 : vector<16xi1>, vector<16xi32>
      %add3A_367 = vector.broadcast %scan3A_359 : i32 to vector<16xi32>
      %add3A_368 = arith.addi %mul3A_59, %add3A_367 : vector<16xi32>
      %gather3A_369 = tpu.vector_load_idx %arg5[%and3A_42, %add3A_368] : memref<8x2048xf32, #tpu.memory_space<vmem>>[vector<16xi32>, vector<16xi32>], vector<16xf32>,
      %gt3A_370 = arith.cmpf ogt, %gather3A_369, %max3A_341 : vector<16xf32>
      %max3A_371 = arith.maximumf %max3A_341, %gather3A_369 : vector<16xf32>
      %broadcast_in_dim3A_372 = vector.broadcast %scan3A_359 : i32 to vector<16xi32>
      %select_n3A_373 = arith.select %gt3A_370, %broadcast_in_dim3A_372, %select_n3A_343 : vector<16xi1>, vector<16xi32>
      %add3A_374 = vector.broadcast %scan3A_359 : i32 to vector<16xi32>
      %add3A_375 = arith.addi %mul3A_68, %add3A_374 : vector<16xi32>
      %gather3A_376 = tpu.vector_load_idx %arg5[%and3A_42, %add3A_375] : memref<8x2048xf32, #tpu.memory_space<vmem>>[vector<16xi32>, vector<16xi32>], vector<16xf32>,
      %gt3A_377 = arith.cmpf ogt, %gather3A_376, %max3A_348 : vector<16xf32>
      %max3A_378 = arith.maximumf %max3A_348, %gather3A_376 : vector<16xf32>
      %broadcast_in_dim3A_379 = vector.broadcast %scan3A_359 : i32 to vector<16xi32>
      %select_n3A_380 = arith.select %gt3A_377, %broadcast_in_dim3A_379, %select_n3A_350 : vector<16xi1>, vector<16xi32>
      %add3A_381 = vector.broadcast %scan3A_359 : i32 to vector<16xi32>
      %add3A_382 = arith.addi %mul3A_77, %add3A_381 : vector<16xi32>
      %gather3A_383 = tpu.vector_load_idx %arg5[%and3A_42, %add3A_382] : memref<8x2048xf32, #tpu.memory_space<vmem>>[vector<16xi32>, vector<16xi32>], vector<16xf32>,
      %gt3A_384 = arith.cmpf ogt, %gather3A_383, %max3A_355 : vector<16xf32>
      %max3A_385 = arith.maximumf %max3A_355, %gather3A_383 : vector<16xf32>
      %broadcast_in_dim3A_386 = vector.broadcast %scan3A_359 : i32 to vector<16xi32>
      %select_n3A_387 = arith.select %gt3A_384, %broadcast_in_dim3A_386, %select_n3A_357 : vector<16xi1>, vector<16xi32>
      %scan3A_388 = arith.constant 4 : i32
      %scan3A_389 = arith.addi %scan3A_264, %scan3A_388 : i32
      %add3A_390 = vector.broadcast %scan3A_389 : i32 to vector<16xi32>
      %add3A_391 = arith.addi %mul3A_50, %add3A_390 : vector<16xi32>
      %gather3A_392 = tpu.vector_load_idx %arg5[%and3A_42, %add3A_391] : memref<8x2048xf32, #tpu.memory_space<vmem>>[vector<16xi32>, vector<16xi32>], vector<16xf32>,
      %gt3A_393 = arith.cmpf ogt, %gather3A_392, %max3A_364 : vector<16xf32>
      %max3A_394 = arith.maximumf %max3A_364, %gather3A_392 : vector<16xf32>
      %broadcast_in_dim3A_395 = vector.broadcast %scan3A_389 : i32 to vector<16xi32>
      %select_n3A_396 = arith.select %gt3A_393, %broadcast_in_dim3A_395, %select_n3A_366 : vector<16xi1>, vector<16xi32>
      %add3A_397 = vector.broadcast %scan3A_389 : i32 to vector<16xi32>
      %add3A_398 = arith.addi %mul3A_59, %add3A_397 : vector<16xi32>
      %gather3A_399 = tpu.vector_load_idx %arg5[%and3A_42, %add3A_398] : memref<8x2048xf32, #tpu.memory_space<vmem>>[vector<16xi32>, vector<16xi32>], vector<16xf32>,
      %gt3A_400 = arith.cmpf ogt, %gather3A_399, %max3A_371 : vector<16xf32>
      %max3A_401 = arith.maximumf %max3A_371, %gather3A_399 : vector<16xf32>
      %broadcast_in_dim3A_402 = vector.broadcast %scan3A_389 : i32 to vector<16xi32>
      %select_n3A_403 = arith.select %gt3A_400, %broadcast_in_dim3A_402, %select_n3A_373 : vector<16xi1>, vector<16xi32>
      %add3A_404 = vector.broadcast %scan3A_389 : i32 to vector<16xi32>
      %add3A_405 = arith.addi %mul3A_68, %add3A_404 : vector<16xi32>
      %gather3A_406 = tpu.vector_load_idx %arg5[%and3A_42, %add3A_405] : memref<8x2048xf32, #tpu.memory_space<vmem>>[vector<16xi32>, vector<16xi32>], vector<16xf32>,
      %gt3A_407 = arith.cmpf ogt, %gather3A_406, %max3A_378 : vector<16xf32>
      %max3A_408 = arith.maximumf %max3A_378, %gather3A_406 : vector<16xf32>
      %broadcast_in_dim3A_409 = vector.broadcast %scan3A_389 : i32 to vector<16xi32>
      %select_n3A_410 = arith.select %gt3A_407, %broadcast_in_dim3A_409, %select_n3A_380 : vector<16xi1>, vector<16xi32>
      %add3A_411 = vector.broadcast %scan3A_389 : i32 to vector<16xi32>
      %add3A_412 = arith.addi %mul3A_77, %add3A_411 : vector<16xi32>
      %gather3A_413 = tpu.vector_load_idx %arg5[%and3A_42, %add3A_412] : memref<8x2048xf32, #tpu.memory_space<vmem>>[vector<16xi32>, vector<16xi32>], vector<16xf32>,
      %gt3A_414 = arith.cmpf ogt, %gather3A_413, %max3A_385 : vector<16xf32>
      %max3A_415 = arith.maximumf %max3A_385, %gather3A_413 : vector<16xf32>
      %broadcast_in_dim3A_416 = vector.broadcast %scan3A_389 : i32 to vector<16xi32>
      %select_n3A_417 = arith.select %gt3A_414, %broadcast_in_dim3A_416, %select_n3A_387 : vector<16xi1>, vector<16xi32>
      %scan3A_418 = arith.constant 5 : i32
      %scan3A_419 = arith.addi %scan3A_264, %scan3A_418 : i32
      %add3A_420 = vector.broadcast %scan3A_419 : i32 to vector<16xi32>
      %add3A_421 = arith.addi %mul3A_50, %add3A_420 : vector<16xi32>
      %gather3A_422 = tpu.vector_load_idx %arg5[%and3A_42, %add3A_421] : memref<8x2048xf32, #tpu.memory_space<vmem>>[vector<16xi32>, vector<16xi32>], vector<16xf32>,
      %gt3A_423 = arith.cmpf ogt, %gather3A_422, %max3A_394 : vector<16xf32>
      %max3A_424 = arith.maximumf %max3A_394, %gather3A_422 : vector<16xf32>
      %broadcast_in_dim3A_425 = vector.broadcast %scan3A_419 : i32 to vector<16xi32>
      %select_n3A_426 = arith.select %gt3A_423, %broadcast_in_dim3A_425, %select_n3A_396 : vector<16xi1>, vector<16xi32>
      %add3A_427 = vector.broadcast %scan3A_419 : i32 to vector<16xi32>
      %add3A_428 = arith.addi %mul3A_59, %add3A_427 : vector<16xi32>
      %gather3A_429 = tpu.vector_load_idx %arg5[%and3A_42, %add3A_428] : memref<8x2048xf32, #tpu.memory_space<vmem>>[vector<16xi32>, vector<16xi32>], vector<16xf32>,
      %gt3A_430 = arith.cmpf ogt, %gather3A_429, %max3A_401 : vector<16xf32>
      %max3A_431 = arith.maximumf %max3A_401, %gather3A_429 : vector<16xf32>
      %broadcast_in_dim3A_432 = vector.broadcast %scan3A_419 : i32 to vector<16xi32>
      %select_n3A_433 = arith.select %gt3A_430, %broadcast_in_dim3A_432, %select_n3A_403 : vector<16xi1>, vector<16xi32>
      %add3A_434 = vector.broadcast %scan3A_419 : i32 to vector<16xi32>
      %add3A_435 = arith.addi %mul3A_68, %add3A_434 : vector<16xi32>
      %gather3A_436 = tpu.vector_load_idx %arg5[%and3A_42, %add3A_435] : memref<8x2048xf32, #tpu.memory_space<vmem>>[vector<16xi32>, vector<16xi32>], vector<16xf32>,
      %gt3A_437 = arith.cmpf ogt, %gather3A_436, %max3A_408 : vector<16xf32>
      %max3A_438 = arith.maximumf %max3A_408, %gather3A_436 : vector<16xf32>
      %broadcast_in_dim3A_439 = vector.broadcast %scan3A_419 : i32 to vector<16xi32>
      %select_n3A_440 = arith.select %gt3A_437, %broadcast_in_dim3A_439, %select_n3A_410 : vector<16xi1>, vector<16xi32>
      %add3A_441 = vector.broadcast %scan3A_419 : i32 to vector<16xi32>
      %add3A_442 = arith.addi %mul3A_77, %add3A_441 : vector<16xi32>
      %gather3A_443 = tpu.vector_load_idx %arg5[%and3A_42, %add3A_442] : memref<8x2048xf32, #tpu.memory_space<vmem>>[vector<16xi32>, vector<16xi32>], vector<16xf32>,
      %gt3A_444 = arith.cmpf ogt, %gather3A_443, %max3A_415 : vector<16xf32>
      %max3A_445 = arith.maximumf %max3A_415, %gather3A_443 : vector<16xf32>
      %broadcast_in_dim3A_446 = vector.broadcast %scan3A_419 : i32 to vector<16xi32>
      %select_n3A_447 = arith.select %gt3A_444, %broadcast_in_dim3A_446, %select_n3A_417 : vector<16xi1>, vector<16xi32>
      %scan3A_448 = arith.constant 6 : i32
      %scan3A_449 = arith.addi %scan3A_264, %scan3A_448 : i32
      %add3A_450 = vector.broadcast %scan3A_449 : i32 to vector<16xi32>
      %add3A_451 = arith.addi %mul3A_50, %add3A_450 : vector<16xi32>
      %gather3A_452 = tpu.vector_load_idx %arg5[%and3A_42, %add3A_451] : memref<8x2048xf32, #tpu.memory_space<vmem>>[vector<16xi32>, vector<16xi32>], vector<16xf32>,
      %gt3A_453 = arith.cmpf ogt, %gather3A_452, %max3A_424 : vector<16xf32>
      %max3A_454 = arith.maximumf %max3A_424, %gather3A_452 : vector<16xf32>
      %broadcast_in_dim3A_455 = vector.broadcast %scan3A_449 : i32 to vector<16xi32>
      %select_n3A_456 = arith.select %gt3A_453, %broadcast_in_dim3A_455, %select_n3A_426 : vector<16xi1>, vector<16xi32>
      %add3A_457 = vector.broadcast %scan3A_449 : i32 to vector<16xi32>
      %add3A_458 = arith.addi %mul3A_59, %add3A_457 : vector<16xi32>
      %gather3A_459 = tpu.vector_load_idx %arg5[%and3A_42, %add3A_458] : memref<8x2048xf32, #tpu.memory_space<vmem>>[vector<16xi32>, vector<16xi32>], vector<16xf32>,
      %gt3A_460 = arith.cmpf ogt, %gather3A_459, %max3A_431 : vector<16xf32>
      %max3A_461 = arith.maximumf %max3A_431, %gather3A_459 : vector<16xf32>
      %broadcast_in_dim3A_462 = vector.broadcast %scan3A_449 : i32 to vector<16xi32>
      %select_n3A_463 = arith.select %gt3A_460, %broadcast_in_dim3A_462, %select_n3A_433 : vector<16xi1>, vector<16xi32>
      %add3A_464 = vector.broadcast %scan3A_449 : i32 to vector<16xi32>
      %add3A_465 = arith.addi %mul3A_68, %add3A_464 : vector<16xi32>
      %gather3A_466 = tpu.vector_load_idx %arg5[%and3A_42, %add3A_465] : memref<8x2048xf32, #tpu.memory_space<vmem>>[vector<16xi32>, vector<16xi32>], vector<16xf32>,
      %gt3A_467 = arith.cmpf ogt, %gather3A_466, %max3A_438 : vector<16xf32>
      %max3A_468 = arith.maximumf %max3A_438, %gather3A_466 : vector<16xf32>
      %broadcast_in_dim3A_469 = vector.broadcast %scan3A_449 : i32 to vector<16xi32>
      %select_n3A_470 = arith.select %gt3A_467, %broadcast_in_dim3A_469, %select_n3A_440 : vector<16xi1>, vector<16xi32>
      %add3A_471 = vector.broadcast %scan3A_449 : i32 to vector<16xi32>
      %add3A_472 = arith.addi %mul3A_77, %add3A_471 : vector<16xi32>
      %gather3A_473 = tpu.vector_load_idx %arg5[%and3A_42, %add3A_472] : memref<8x2048xf32, #tpu.memory_space<vmem>>[vector<16xi32>, vector<16xi32>], vector<16xf32>,
      %gt3A_474 = arith.cmpf ogt, %gather3A_473, %max3A_445 : vector<16xf32>
      %max3A_475 = arith.maximumf %max3A_445, %gather3A_473 : vector<16xf32>
      %broadcast_in_dim3A_476 = vector.broadcast %scan3A_449 : i32 to vector<16xi32>
      %select_n3A_477 = arith.select %gt3A_474, %broadcast_in_dim3A_476, %select_n3A_447 : vector<16xi1>, vector<16xi32>
      %scan3A_478 = arith.constant 7 : i32
      %scan3A_479 = arith.addi %scan3A_264, %scan3A_478 : i32
      %add3A_480 = vector.broadcast %scan3A_479 : i32 to vector<16xi32>
      %add3A_481 = arith.addi %mul3A_50, %add3A_480 : vector<16xi32>
      %gather3A_482 = tpu.vector_load_idx %arg5[%and3A_42, %add3A_481] : memref<8x2048xf32, #tpu.memory_space<vmem>>[vector<16xi32>, vector<16xi32>], vector<16xf32>,
      %gt3A_483 = arith.cmpf ogt, %gather3A_482, %max3A_454 : vector<16xf32>
      %max3A_484 = arith.maximumf %max3A_454, %gather3A_482 : vector<16xf32>
      %broadcast_in_dim3A_485 = vector.broadcast %scan3A_479 : i32 to vector<16xi32>
      %select_n3A_486 = arith.select %gt3A_483, %broadcast_in_dim3A_485, %select_n3A_456 : vector<16xi1>, vector<16xi32>
      %add3A_487 = vector.broadcast %scan3A_479 : i32 to vector<16xi32>
      %add3A_488 = arith.addi %mul3A_59, %add3A_487 : vector<16xi32>
      %gather3A_489 = tpu.vector_load_idx %arg5[%and3A_42, %add3A_488] : memref<8x2048xf32, #tpu.memory_space<vmem>>[vector<16xi32>, vector<16xi32>], vector<16xf32>,
      %gt3A_490 = arith.cmpf ogt, %gather3A_489, %max3A_461 : vector<16xf32>
      %max3A_491 = arith.maximumf %max3A_461, %gather3A_489 : vector<16xf32>
      %broadcast_in_dim3A_492 = vector.broadcast %scan3A_479 : i32 to vector<16xi32>
      %select_n3A_493 = arith.select %gt3A_490, %broadcast_in_dim3A_492, %select_n3A_463 : vector<16xi1>, vector<16xi32>
      %add3A_494 = vector.broadcast %scan3A_479 : i32 to vector<16xi32>
      %add3A_495 = arith.addi %mul3A_68, %add3A_494 : vector<16xi32>
      %gather3A_496 = tpu.vector_load_idx %arg5[%and3A_42, %add3A_495] : memref<8x2048xf32, #tpu.memory_space<vmem>>[vector<16xi32>, vector<16xi32>], vector<16xf32>,
      %gt3A_497 = arith.cmpf ogt, %gather3A_496, %max3A_468 : vector<16xf32>
      %max3A_498 = arith.maximumf %max3A_468, %gather3A_496 : vector<16xf32>
      %broadcast_in_dim3A_499 = vector.broadcast %scan3A_479 : i32 to vector<16xi32>
      %select_n3A_500 = arith.select %gt3A_497, %broadcast_in_dim3A_499, %select_n3A_470 : vector<16xi1>, vector<16xi32>
      %add3A_501 = vector.broadcast %scan3A_479 : i32 to vector<16xi32>
      %add3A_502 = arith.addi %mul3A_77, %add3A_501 : vector<16xi32>
      %gather3A_503 = tpu.vector_load_idx %arg5[%and3A_42, %add3A_502] : memref<8x2048xf32, #tpu.memory_space<vmem>>[vector<16xi32>, vector<16xi32>], vector<16xf32>,
      %gt3A_504 = arith.cmpf ogt, %gather3A_503, %max3A_475 : vector<16xf32>
      %max3A_505 = arith.maximumf %max3A_475, %gather3A_503 : vector<16xf32>
      %broadcast_in_dim3A_506 = vector.broadcast %scan3A_479 : i32 to vector<16xi32>
      %select_n3A_507 = arith.select %gt3A_504, %broadcast_in_dim3A_506, %select_n3A_477 : vector<16xi1>, vector<16xi32>
      scf.yield %max3A_484, %max3A_491, %max3A_498, %max3A_505, %select_n3A_486, %select_n3A_493, %select_n3A_500, %select_n3A_507 : vector<16xf32>, vector<16xf32>, vector<16xf32>, vector<16xf32>, vector<16xi32>, vector<16xi32>, vector<16xi32>, vector<16xi32>
    }
    %scan3A_167 = arith.constant 256 : i32
    %add3A_168 = arith.addi %mul3A_50, %scan3A_166#4 : vector<16xi32>
    %add3A_169 = arith.addi %mul3A_59, %scan3A_166#5 : vector<16xi32>
    %add3A_170 = arith.addi %mul3A_68, %scan3A_166#6 : vector<16xi32>
    %add3A_171 = arith.addi %mul3A_77, %scan3A_166#7 : vector<16xi32>
    tpu.vector_store_idx %arg7[%and3A_42, %add3A_168], %broadcast_in_dim3A_37 : memref<8x2048xf32, #tpu.memory_space<vmem>>[vector<16xi32>, vector<16xi32>], vector<16xf32>,
    tpu.vector_store_idx %arg7[%and3A_42, %add3A_169], %broadcast_in_dim3A_37 : memref<8x2048xf32, #tpu.memory_space<vmem>>[vector<16xi32>, vector<16xi32>], vector<16xf32>,
    tpu.vector_store_idx %arg7[%and3A_42, %add3A_170], %broadcast_in_dim3A_37 : memref<8x2048xf32, #tpu.memory_space<vmem>>[vector<16xi32>, vector<16xi32>], vector<16xf32>,
    tpu.vector_store_idx %arg7[%and3A_42, %add3A_171], %broadcast_in_dim3A_37 : memref<8x2048xf32, #tpu.memory_space<vmem>>[vector<16xi32>, vector<16xi32>], vector<16xf32>,
    %add3A_172 = arith.constant 6144 : i32
    %add3A_173 = arith.addi %mul3A_34, %add3A_172 : i32
    %dma_start3A_174 = tpu.memref_slice %arg3[%mul3A_11, %add3A_173] : memref<128x32768xf32, #tpu.memory_space<hbm>> -> memref<8x2048xf32, #tpu.memory_space<hbm>>
    %dma_start3A_175 = tpu.memref_slice %arg3[%mul3A_11, %add3A_173] : memref<128x32768xf32, #tpu.memory_space<hbm>> -> memref<8x2048xf32, #tpu.memory_space<hbm>>
    tpu.enqueue_dma source(%arg7 : memref<8x2048xf32, #tpu.memory_space<vmem>>) target(%dma_start3A_175 : memref<8x2048xf32, #tpu.memory_space<hbm>>) target_semaphore(%arg11 : memref<!tpu.dma_semaphore, #tpu.memory_space<semaphore_mem>>)
    %add3A_176 = arith.constant 10240 : i32
    %add3A_177 = arith.addi %mul3A_34, %add3A_176 : i32
    %dma_start3A_178 = tpu.memref_slice %arg2[%mul3A_11, %add3A_177] : memref<128x32768xf32, #tpu.memory_space<hbm>> -> memref<8x2048xf32, #tpu.memory_space<hbm>>
    %dma_start3A_179 = tpu.memref_slice %arg2[%mul3A_11, %add3A_177] : memref<128x32768xf32, #tpu.memory_space<hbm>> -> memref<8x2048xf32, #tpu.memory_space<hbm>>
    tpu.enqueue_dma source(%dma_start3A_179 : memref<8x2048xf32, #tpu.memory_space<hbm>>) target(%arg5 : memref<8x2048xf32, #tpu.memory_space<vmem>>) target_semaphore(%arg9 : memref<!tpu.dma_semaphore, #tpu.memory_space<semaphore_mem>>)
    %dma_wait3A_180 = tpu.memref_slice %arg2[%mul3A_11, %add3A_155] : memref<128x32768xf32, #tpu.memory_space<hbm>> -> memref<8x2048xf32, #tpu.memory_space<hbm>>
    %dma_wait3A_181 = tpu.memref_slice %arg2[%mul3A_11, %add3A_155] : memref<128x32768xf32, #tpu.memory_space<hbm>> -> memref<8x2048xf32, #tpu.memory_space<hbm>>
    tpu.wait_dma2 semaphore(%arg8 : memref<!tpu.dma_semaphore, #tpu.memory_space<semaphore_mem>>) src(%dma_wait3A_181 : memref<8x2048xf32, #tpu.memory_space<hbm>>) dst(%arg4 : memref<8x2048xf32, #tpu.memory_space<vmem>>)
    %dma_wait3A_182 = tpu.memref_slice %arg3[%mul3A_11, %add3A_151] : memref<128x32768xf32, #tpu.memory_space<hbm>> -> memref<8x2048xf32, #tpu.memory_space<hbm>>
    %dma_wait3A_183 = tpu.memref_slice %arg3[%mul3A_11, %add3A_151] : memref<128x32768xf32, #tpu.memory_space<hbm>> -> memref<8x2048xf32, #tpu.memory_space<hbm>>
    tpu.wait_dma2 semaphore(%arg10 : memref<!tpu.dma_semaphore, #tpu.memory_space<semaphore_mem>>) src(%arg6 : memref<8x2048xf32, #tpu.memory_space<vmem>>) dst(%dma_wait3A_183 : memref<8x2048xf32, #tpu.memory_space<hbm>>)
    tpu.vector_store_idx %arg6[%and3A_42, %add3A_146], %broadcast_in_dim3A_35 : memref<8x2048xf32, #tpu.memory_space<vmem>>[vector<16xi32>, vector<16xi32>], vector<16xf32>,
    tpu.vector_store_idx %arg6[%and3A_42, %add3A_147], %broadcast_in_dim3A_35 : memref<8x2048xf32, #tpu.memory_space<vmem>>[vector<16xi32>, vector<16xi32>], vector<16xf32>,
    tpu.vector_store_idx %arg6[%and3A_42, %add3A_148], %broadcast_in_dim3A_35 : memref<8x2048xf32, #tpu.memory_space<vmem>>[vector<16xi32>, vector<16xi32>], vector<16xf32>,
    tpu.vector_store_idx %arg6[%and3A_42, %add3A_149], %broadcast_in_dim3A_35 : memref<8x2048xf32, #tpu.memory_space<vmem>>[vector<16xi32>, vector<16xi32>], vector<16xf32>,
    %scan3A_184 = arith.constant 0 : i32
    %scan3A_185 = arith.constant 256 : i32
    %scan3A_186 = arith.addi %scan3A_184, %scan3A_185 : i32
    %scan3A_187 = arith.constant 8 : i32
    %scan3A_188:8 = scf.for %scan3A_264 = %scan3A_184 to %scan3A_186 step %scan3A_187 iter_args(%scan3A_265 = %broadcast_in_dim3A_39, %scan3A_266 = %broadcast_in_dim3A_39, %scan3A_267 = %broadcast_in_dim3A_39, %scan3A_268 = %broadcast_in_dim3A_39, %scan3A_269 = %broadcast_in_dim3A_86, %scan3A_270 = %broadcast_in_dim3A_88, %scan3A_271 = %broadcast_in_dim3A_90, %scan3A_272 = %broadcast_in_dim3A_92) -> (vector<16xf32>, vector<16xf32>, vector<16xf32>, vector<16xf32>, vector<16xi32>, vector<16xi32>, vector<16xi32>, vector<16xi32>)  : i32 {
      %add3A_273 = vector.broadcast %scan3A_264 : i32 to vector<16xi32>
      %add3A_274 = arith.addi %mul3A_50, %add3A_273 : vector<16xi32>
      %gather3A = tpu.vector_load_idx %arg4[%and3A_42, %add3A_274] : memref<8x2048xf32, #tpu.memory_space<vmem>>[vector<16xi32>, vector<16xi32>], vector<16xf32>,
      %gt3A = arith.cmpf ogt, %gather3A, %scan3A_265 : vector<16xf32>
      %max3A = arith.maximumf %scan3A_265, %gather3A : vector<16xf32>
      %broadcast_in_dim3A_275 = vector.broadcast %scan3A_264 : i32 to vector<16xi32>
      %select_n3A_276 = arith.select %gt3A, %broadcast_in_dim3A_275, %scan3A_269 : vector<16xi1>, vector<16xi32>
      %add3A_277 = vector.broadcast %scan3A_264 : i32 to vector<16xi32>
      %add3A_278 = arith.addi %mul3A_59, %add3A_277 : vector<16xi32>
      %gather3A_279 = tpu.vector_load_idx %arg4[%and3A_42, %add3A_278] : memref<8x2048xf32, #tpu.memory_space<vmem>>[vector<16xi32>, vector<16xi32>], vector<16xf32>,
      %gt3A_280 = arith.cmpf ogt, %gather3A_279, %scan3A_266 : vector<16xf32>
      %max3A_281 = arith.maximumf %scan3A_266, %gather3A_279 : vector<16xf32>
      %broadcast_in_dim3A_282 = vector.broadcast %scan3A_264 : i32 to vector<16xi32>
      %select_n3A_283 = arith.select %gt3A_280, %broadcast_in_dim3A_282, %scan3A_270 : vector<16xi1>, vector<16xi32>
      %add3A_284 = vector.broadcast %scan3A_264 : i32 to vector<16xi32>
      %add3A_285 = arith.addi %mul3A_68, %add3A_284 : vector<16xi32>
      %gather3A_286 = tpu.vector_load_idx %arg4[%and3A_42, %add3A_285] : memref<8x2048xf32, #tpu.memory_space<vmem>>[vector<16xi32>, vector<16xi32>], vector<16xf32>,
      %gt3A_287 = arith.cmpf ogt, %gather3A_286, %scan3A_267 : vector<16xf32>
      %max3A_288 = arith.maximumf %scan3A_267, %gather3A_286 : vector<16xf32>
      %broadcast_in_dim3A_289 = vector.broadcast %scan3A_264 : i32 to vector<16xi32>
      %select_n3A_290 = arith.select %gt3A_287, %broadcast_in_dim3A_289, %scan3A_271 : vector<16xi1>, vector<16xi32>
      %add3A_291 = vector.broadcast %scan3A_264 : i32 to vector<16xi32>
      %add3A_292 = arith.addi %mul3A_77, %add3A_291 : vector<16xi32>
      %gather3A_293 = tpu.vector_load_idx %arg4[%and3A_42, %add3A_292] : memref<8x2048xf32, #tpu.memory_space<vmem>>[vector<16xi32>, vector<16xi32>], vector<16xf32>,
      %gt3A_294 = arith.cmpf ogt, %gather3A_293, %scan3A_268 : vector<16xf32>
      %max3A_295 = arith.maximumf %scan3A_268, %gather3A_293 : vector<16xf32>
      %broadcast_in_dim3A_296 = vector.broadcast %scan3A_264 : i32 to vector<16xi32>
      %select_n3A_297 = arith.select %gt3A_294, %broadcast_in_dim3A_296, %scan3A_272 : vector<16xi1>, vector<16xi32>
      %scan3A_298 = arith.constant 1 : i32
      %scan3A_299 = arith.addi %scan3A_264, %scan3A_298 : i32
      %add3A_300 = vector.broadcast %scan3A_299 : i32 to vector<16xi32>
      %add3A_301 = arith.addi %mul3A_50, %add3A_300 : vector<16xi32>
      %gather3A_302 = tpu.vector_load_idx %arg4[%and3A_42, %add3A_301] : memref<8x2048xf32, #tpu.memory_space<vmem>>[vector<16xi32>, vector<16xi32>], vector<16xf32>,
      %gt3A_303 = arith.cmpf ogt, %gather3A_302, %max3A : vector<16xf32>
      %max3A_304 = arith.maximumf %max3A, %gather3A_302 : vector<16xf32>
      %broadcast_in_dim3A_305 = vector.broadcast %scan3A_299 : i32 to vector<16xi32>
      %select_n3A_306 = arith.select %gt3A_303, %broadcast_in_dim3A_305, %select_n3A_276 : vector<16xi1>, vector<16xi32>
      %add3A_307 = vector.broadcast %scan3A_299 : i32 to vector<16xi32>
      %add3A_308 = arith.addi %mul3A_59, %add3A_307 : vector<16xi32>
      %gather3A_309 = tpu.vector_load_idx %arg4[%and3A_42, %add3A_308] : memref<8x2048xf32, #tpu.memory_space<vmem>>[vector<16xi32>, vector<16xi32>], vector<16xf32>,
      %gt3A_310 = arith.cmpf ogt, %gather3A_309, %max3A_281 : vector<16xf32>
      %max3A_311 = arith.maximumf %max3A_281, %gather3A_309 : vector<16xf32>
      %broadcast_in_dim3A_312 = vector.broadcast %scan3A_299 : i32 to vector<16xi32>
      %select_n3A_313 = arith.select %gt3A_310, %broadcast_in_dim3A_312, %select_n3A_283 : vector<16xi1>, vector<16xi32>
      %add3A_314 = vector.broadcast %scan3A_299 : i32 to vector<16xi32>
      %add3A_315 = arith.addi %mul3A_68, %add3A_314 : vector<16xi32>
      %gather3A_316 = tpu.vector_load_idx %arg4[%and3A_42, %add3A_315] : memref<8x2048xf32, #tpu.memory_space<vmem>>[vector<16xi32>, vector<16xi32>], vector<16xf32>,
      %gt3A_317 = arith.cmpf ogt, %gather3A_316, %max3A_288 : vector<16xf32>
      %max3A_318 = arith.maximumf %max3A_288, %gather3A_316 : vector<16xf32>
      %broadcast_in_dim3A_319 = vector.broadcast %scan3A_299 : i32 to vector<16xi32>
      %select_n3A_320 = arith.select %gt3A_317, %broadcast_in_dim3A_319, %select_n3A_290 : vector<16xi1>, vector<16xi32>
      %add3A_321 = vector.broadcast %scan3A_299 : i32 to vector<16xi32>
      %add3A_322 = arith.addi %mul3A_77, %add3A_321 : vector<16xi32>
      %gather3A_323 = tpu.vector_load_idx %arg4[%and3A_42, %add3A_322] : memref<8x2048xf32, #tpu.memory_space<vmem>>[vector<16xi32>, vector<16xi32>], vector<16xf32>,
      %gt3A_324 = arith.cmpf ogt, %gather3A_323, %max3A_295 : vector<16xf32>
      %max3A_325 = arith.maximumf %max3A_295, %gather3A_323 : vector<16xf32>
      %broadcast_in_dim3A_326 = vector.broadcast %scan3A_299 : i32 to vector<16xi32>
      %select_n3A_327 = arith.select %gt3A_324, %broadcast_in_dim3A_326, %select_n3A_297 : vector<16xi1>, vector<16xi32>
      %scan3A_328 = arith.constant 2 : i32
      %scan3A_329 = arith.addi %scan3A_264, %scan3A_328 : i32
      %add3A_330 = vector.broadcast %scan3A_329 : i32 to vector<16xi32>
      %add3A_331 = arith.addi %mul3A_50, %add3A_330 : vector<16xi32>
      %gather3A_332 = tpu.vector_load_idx %arg4[%and3A_42, %add3A_331] : memref<8x2048xf32, #tpu.memory_space<vmem>>[vector<16xi32>, vector<16xi32>], vector<16xf32>,
      %gt3A_333 = arith.cmpf ogt, %gather3A_332, %max3A_304 : vector<16xf32>
      %max3A_334 = arith.maximumf %max3A_304, %gather3A_332 : vector<16xf32>
      %broadcast_in_dim3A_335 = vector.broadcast %scan3A_329 : i32 to vector<16xi32>
      %select_n3A_336 = arith.select %gt3A_333, %broadcast_in_dim3A_335, %select_n3A_306 : vector<16xi1>, vector<16xi32>
      %add3A_337 = vector.broadcast %scan3A_329 : i32 to vector<16xi32>
      %add3A_338 = arith.addi %mul3A_59, %add3A_337 : vector<16xi32>
      %gather3A_339 = tpu.vector_load_idx %arg4[%and3A_42, %add3A_338] : memref<8x2048xf32, #tpu.memory_space<vmem>>[vector<16xi32>, vector<16xi32>], vector<16xf32>,
      %gt3A_340 = arith.cmpf ogt, %gather3A_339, %max3A_311 : vector<16xf32>
      %max3A_341 = arith.maximumf %max3A_311, %gather3A_339 : vector<16xf32>
      %broadcast_in_dim3A_342 = vector.broadcast %scan3A_329 : i32 to vector<16xi32>
      %select_n3A_343 = arith.select %gt3A_340, %broadcast_in_dim3A_342, %select_n3A_313 : vector<16xi1>, vector<16xi32>
      %add3A_344 = vector.broadcast %scan3A_329 : i32 to vector<16xi32>
      %add3A_345 = arith.addi %mul3A_68, %add3A_344 : vector<16xi32>
      %gather3A_346 = tpu.vector_load_idx %arg4[%and3A_42, %add3A_345] : memref<8x2048xf32, #tpu.memory_space<vmem>>[vector<16xi32>, vector<16xi32>], vector<16xf32>,
      %gt3A_347 = arith.cmpf ogt, %gather3A_346, %max3A_318 : vector<16xf32>
      %max3A_348 = arith.maximumf %max3A_318, %gather3A_346 : vector<16xf32>
      %broadcast_in_dim3A_349 = vector.broadcast %scan3A_329 : i32 to vector<16xi32>
      %select_n3A_350 = arith.select %gt3A_347, %broadcast_in_dim3A_349, %select_n3A_320 : vector<16xi1>, vector<16xi32>
      %add3A_351 = vector.broadcast %scan3A_329 : i32 to vector<16xi32>
      %add3A_352 = arith.addi %mul3A_77, %add3A_351 : vector<16xi32>
      %gather3A_353 = tpu.vector_load_idx %arg4[%and3A_42, %add3A_352] : memref<8x2048xf32, #tpu.memory_space<vmem>>[vector<16xi32>, vector<16xi32>], vector<16xf32>,
      %gt3A_354 = arith.cmpf ogt, %gather3A_353, %max3A_325 : vector<16xf32>
      %max3A_355 = arith.maximumf %max3A_325, %gather3A_353 : vector<16xf32>
      %broadcast_in_dim3A_356 = vector.broadcast %scan3A_329 : i32 to vector<16xi32>
      %select_n3A_357 = arith.select %gt3A_354, %broadcast_in_dim3A_356, %select_n3A_327 : vector<16xi1>, vector<16xi32>
      %scan3A_358 = arith.constant 3 : i32
      %scan3A_359 = arith.addi %scan3A_264, %scan3A_358 : i32
      %add3A_360 = vector.broadcast %scan3A_359 : i32 to vector<16xi32>
      %add3A_361 = arith.addi %mul3A_50, %add3A_360 : vector<16xi32>
      %gather3A_362 = tpu.vector_load_idx %arg4[%and3A_42, %add3A_361] : memref<8x2048xf32, #tpu.memory_space<vmem>>[vector<16xi32>, vector<16xi32>], vector<16xf32>,
      %gt3A_363 = arith.cmpf ogt, %gather3A_362, %max3A_334 : vector<16xf32>
      %max3A_364 = arith.maximumf %max3A_334, %gather3A_362 : vector<16xf32>
      %broadcast_in_dim3A_365 = vector.broadcast %scan3A_359 : i32 to vector<16xi32>
      %select_n3A_366 = arith.select %gt3A_363, %broadcast_in_dim3A_365, %select_n3A_336 : vector<16xi1>, vector<16xi32>
      %add3A_367 = vector.broadcast %scan3A_359 : i32 to vector<16xi32>
      %add3A_368 = arith.addi %mul3A_59, %add3A_367 : vector<16xi32>
      %gather3A_369 = tpu.vector_load_idx %arg4[%and3A_42, %add3A_368] : memref<8x2048xf32, #tpu.memory_space<vmem>>[vector<16xi32>, vector<16xi32>], vector<16xf32>,
      %gt3A_370 = arith.cmpf ogt, %gather3A_369, %max3A_341 : vector<16xf32>
      %max3A_371 = arith.maximumf %max3A_341, %gather3A_369 : vector<16xf32>
      %broadcast_in_dim3A_372 = vector.broadcast %scan3A_359 : i32 to vector<16xi32>
      %select_n3A_373 = arith.select %gt3A_370, %broadcast_in_dim3A_372, %select_n3A_343 : vector<16xi1>, vector<16xi32>
      %add3A_374 = vector.broadcast %scan3A_359 : i32 to vector<16xi32>
      %add3A_375 = arith.addi %mul3A_68, %add3A_374 : vector<16xi32>
      %gather3A_376 = tpu.vector_load_idx %arg4[%and3A_42, %add3A_375] : memref<8x2048xf32, #tpu.memory_space<vmem>>[vector<16xi32>, vector<16xi32>], vector<16xf32>,
      %gt3A_377 = arith.cmpf ogt, %gather3A_376, %max3A_348 : vector<16xf32>
      %max3A_378 = arith.maximumf %max3A_348, %gather3A_376 : vector<16xf32>
      %broadcast_in_dim3A_379 = vector.broadcast %scan3A_359 : i32 to vector<16xi32>
      %select_n3A_380 = arith.select %gt3A_377, %broadcast_in_dim3A_379, %select_n3A_350 : vector<16xi1>, vector<16xi32>
      %add3A_381 = vector.broadcast %scan3A_359 : i32 to vector<16xi32>
      %add3A_382 = arith.addi %mul3A_77, %add3A_381 : vector<16xi32>
      %gather3A_383 = tpu.vector_load_idx %arg4[%and3A_42, %add3A_382] : memref<8x2048xf32, #tpu.memory_space<vmem>>[vector<16xi32>, vector<16xi32>], vector<16xf32>,
      %gt3A_384 = arith.cmpf ogt, %gather3A_383, %max3A_355 : vector<16xf32>
      %max3A_385 = arith.maximumf %max3A_355, %gather3A_383 : vector<16xf32>
      %broadcast_in_dim3A_386 = vector.broadcast %scan3A_359 : i32 to vector<16xi32>
      %select_n3A_387 = arith.select %gt3A_384, %broadcast_in_dim3A_386, %select_n3A_357 : vector<16xi1>, vector<16xi32>
      %scan3A_388 = arith.constant 4 : i32
      %scan3A_389 = arith.addi %scan3A_264, %scan3A_388 : i32
      %add3A_390 = vector.broadcast %scan3A_389 : i32 to vector<16xi32>
      %add3A_391 = arith.addi %mul3A_50, %add3A_390 : vector<16xi32>
      %gather3A_392 = tpu.vector_load_idx %arg4[%and3A_42, %add3A_391] : memref<8x2048xf32, #tpu.memory_space<vmem>>[vector<16xi32>, vector<16xi32>], vector<16xf32>,
      %gt3A_393 = arith.cmpf ogt, %gather3A_392, %max3A_364 : vector<16xf32>
      %max3A_394 = arith.maximumf %max3A_364, %gather3A_392 : vector<16xf32>
      %broadcast_in_dim3A_395 = vector.broadcast %scan3A_389 : i32 to vector<16xi32>
      %select_n3A_396 = arith.select %gt3A_393, %broadcast_in_dim3A_395, %select_n3A_366 : vector<16xi1>, vector<16xi32>
      %add3A_397 = vector.broadcast %scan3A_389 : i32 to vector<16xi32>
      %add3A_398 = arith.addi %mul3A_59, %add3A_397 : vector<16xi32>
      %gather3A_399 = tpu.vector_load_idx %arg4[%and3A_42, %add3A_398] : memref<8x2048xf32, #tpu.memory_space<vmem>>[vector<16xi32>, vector<16xi32>], vector<16xf32>,
      %gt3A_400 = arith.cmpf ogt, %gather3A_399, %max3A_371 : vector<16xf32>
      %max3A_401 = arith.maximumf %max3A_371, %gather3A_399 : vector<16xf32>
      %broadcast_in_dim3A_402 = vector.broadcast %scan3A_389 : i32 to vector<16xi32>
      %select_n3A_403 = arith.select %gt3A_400, %broadcast_in_dim3A_402, %select_n3A_373 : vector<16xi1>, vector<16xi32>
      %add3A_404 = vector.broadcast %scan3A_389 : i32 to vector<16xi32>
      %add3A_405 = arith.addi %mul3A_68, %add3A_404 : vector<16xi32>
      %gather3A_406 = tpu.vector_load_idx %arg4[%and3A_42, %add3A_405] : memref<8x2048xf32, #tpu.memory_space<vmem>>[vector<16xi32>, vector<16xi32>], vector<16xf32>,
      %gt3A_407 = arith.cmpf ogt, %gather3A_406, %max3A_378 : vector<16xf32>
      %max3A_408 = arith.maximumf %max3A_378, %gather3A_406 : vector<16xf32>
      %broadcast_in_dim3A_409 = vector.broadcast %scan3A_389 : i32 to vector<16xi32>
      %select_n3A_410 = arith.select %gt3A_407, %broadcast_in_dim3A_409, %select_n3A_380 : vector<16xi1>, vector<16xi32>
      %add3A_411 = vector.broadcast %scan3A_389 : i32 to vector<16xi32>
      %add3A_412 = arith.addi %mul3A_77, %add3A_411 : vector<16xi32>
      %gather3A_413 = tpu.vector_load_idx %arg4[%and3A_42, %add3A_412] : memref<8x2048xf32, #tpu.memory_space<vmem>>[vector<16xi32>, vector<16xi32>], vector<16xf32>,
      %gt3A_414 = arith.cmpf ogt, %gather3A_413, %max3A_385 : vector<16xf32>
      %max3A_415 = arith.maximumf %max3A_385, %gather3A_413 : vector<16xf32>
      %broadcast_in_dim3A_416 = vector.broadcast %scan3A_389 : i32 to vector<16xi32>
      %select_n3A_417 = arith.select %gt3A_414, %broadcast_in_dim3A_416, %select_n3A_387 : vector<16xi1>, vector<16xi32>
      %scan3A_418 = arith.constant 5 : i32
      %scan3A_419 = arith.addi %scan3A_264, %scan3A_418 : i32
      %add3A_420 = vector.broadcast %scan3A_419 : i32 to vector<16xi32>
      %add3A_421 = arith.addi %mul3A_50, %add3A_420 : vector<16xi32>
      %gather3A_422 = tpu.vector_load_idx %arg4[%and3A_42, %add3A_421] : memref<8x2048xf32, #tpu.memory_space<vmem>>[vector<16xi32>, vector<16xi32>], vector<16xf32>,
      %gt3A_423 = arith.cmpf ogt, %gather3A_422, %max3A_394 : vector<16xf32>
      %max3A_424 = arith.maximumf %max3A_394, %gather3A_422 : vector<16xf32>
      %broadcast_in_dim3A_425 = vector.broadcast %scan3A_419 : i32 to vector<16xi32>
      %select_n3A_426 = arith.select %gt3A_423, %broadcast_in_dim3A_425, %select_n3A_396 : vector<16xi1>, vector<16xi32>
      %add3A_427 = vector.broadcast %scan3A_419 : i32 to vector<16xi32>
      %add3A_428 = arith.addi %mul3A_59, %add3A_427 : vector<16xi32>
      %gather3A_429 = tpu.vector_load_idx %arg4[%and3A_42, %add3A_428] : memref<8x2048xf32, #tpu.memory_space<vmem>>[vector<16xi32>, vector<16xi32>], vector<16xf32>,
      %gt3A_430 = arith.cmpf ogt, %gather3A_429, %max3A_401 : vector<16xf32>
      %max3A_431 = arith.maximumf %max3A_401, %gather3A_429 : vector<16xf32>
      %broadcast_in_dim3A_432 = vector.broadcast %scan3A_419 : i32 to vector<16xi32>
      %select_n3A_433 = arith.select %gt3A_430, %broadcast_in_dim3A_432, %select_n3A_403 : vector<16xi1>, vector<16xi32>
      %add3A_434 = vector.broadcast %scan3A_419 : i32 to vector<16xi32>
      %add3A_435 = arith.addi %mul3A_68, %add3A_434 : vector<16xi32>
      %gather3A_436 = tpu.vector_load_idx %arg4[%and3A_42, %add3A_435] : memref<8x2048xf32, #tpu.memory_space<vmem>>[vector<16xi32>, vector<16xi32>], vector<16xf32>,
      %gt3A_437 = arith.cmpf ogt, %gather3A_436, %max3A_408 : vector<16xf32>
      %max3A_438 = arith.maximumf %max3A_408, %gather3A_436 : vector<16xf32>
      %broadcast_in_dim3A_439 = vector.broadcast %scan3A_419 : i32 to vector<16xi32>
      %select_n3A_440 = arith.select %gt3A_437, %broadcast_in_dim3A_439, %select_n3A_410 : vector<16xi1>, vector<16xi32>
      %add3A_441 = vector.broadcast %scan3A_419 : i32 to vector<16xi32>
      %add3A_442 = arith.addi %mul3A_77, %add3A_441 : vector<16xi32>
      %gather3A_443 = tpu.vector_load_idx %arg4[%and3A_42, %add3A_442] : memref<8x2048xf32, #tpu.memory_space<vmem>>[vector<16xi32>, vector<16xi32>], vector<16xf32>,
      %gt3A_444 = arith.cmpf ogt, %gather3A_443, %max3A_415 : vector<16xf32>
      %max3A_445 = arith.maximumf %max3A_415, %gather3A_443 : vector<16xf32>
      %broadcast_in_dim3A_446 = vector.broadcast %scan3A_419 : i32 to vector<16xi32>
      %select_n3A_447 = arith.select %gt3A_444, %broadcast_in_dim3A_446, %select_n3A_417 : vector<16xi1>, vector<16xi32>
      %scan3A_448 = arith.constant 6 : i32
      %scan3A_449 = arith.addi %scan3A_264, %scan3A_448 : i32
      %add3A_450 = vector.broadcast %scan3A_449 : i32 to vector<16xi32>
      %add3A_451 = arith.addi %mul3A_50, %add3A_450 : vector<16xi32>
      %gather3A_452 = tpu.vector_load_idx %arg4[%and3A_42, %add3A_451] : memref<8x2048xf32, #tpu.memory_space<vmem>>[vector<16xi32>, vector<16xi32>], vector<16xf32>,
      %gt3A_453 = arith.cmpf ogt, %gather3A_452, %max3A_424 : vector<16xf32>
      %max3A_454 = arith.maximumf %max3A_424, %gather3A_452 : vector<16xf32>
      %broadcast_in_dim3A_455 = vector.broadcast %scan3A_449 : i32 to vector<16xi32>
      %select_n3A_456 = arith.select %gt3A_453, %broadcast_in_dim3A_455, %select_n3A_426 : vector<16xi1>, vector<16xi32>
      %add3A_457 = vector.broadcast %scan3A_449 : i32 to vector<16xi32>
      %add3A_458 = arith.addi %mul3A_59, %add3A_457 : vector<16xi32>
      %gather3A_459 = tpu.vector_load_idx %arg4[%and3A_42, %add3A_458] : memref<8x2048xf32, #tpu.memory_space<vmem>>[vector<16xi32>, vector<16xi32>], vector<16xf32>,
      %gt3A_460 = arith.cmpf ogt, %gather3A_459, %max3A_431 : vector<16xf32>
      %max3A_461 = arith.maximumf %max3A_431, %gather3A_459 : vector<16xf32>
      %broadcast_in_dim3A_462 = vector.broadcast %scan3A_449 : i32 to vector<16xi32>
      %select_n3A_463 = arith.select %gt3A_460, %broadcast_in_dim3A_462, %select_n3A_433 : vector<16xi1>, vector<16xi32>
      %add3A_464 = vector.broadcast %scan3A_449 : i32 to vector<16xi32>
      %add3A_465 = arith.addi %mul3A_68, %add3A_464 : vector<16xi32>
      %gather3A_466 = tpu.vector_load_idx %arg4[%and3A_42, %add3A_465] : memref<8x2048xf32, #tpu.memory_space<vmem>>[vector<16xi32>, vector<16xi32>], vector<16xf32>,
      %gt3A_467 = arith.cmpf ogt, %gather3A_466, %max3A_438 : vector<16xf32>
      %max3A_468 = arith.maximumf %max3A_438, %gather3A_466 : vector<16xf32>
      %broadcast_in_dim3A_469 = vector.broadcast %scan3A_449 : i32 to vector<16xi32>
      %select_n3A_470 = arith.select %gt3A_467, %broadcast_in_dim3A_469, %select_n3A_440 : vector<16xi1>, vector<16xi32>
      %add3A_471 = vector.broadcast %scan3A_449 : i32 to vector<16xi32>
      %add3A_472 = arith.addi %mul3A_77, %add3A_471 : vector<16xi32>
      %gather3A_473 = tpu.vector_load_idx %arg4[%and3A_42, %add3A_472] : memref<8x2048xf32, #tpu.memory_space<vmem>>[vector<16xi32>, vector<16xi32>], vector<16xf32>,
      %gt3A_474 = arith.cmpf ogt, %gather3A_473, %max3A_445 : vector<16xf32>
      %max3A_475 = arith.maximumf %max3A_445, %gather3A_473 : vector<16xf32>
      %broadcast_in_dim3A_476 = vector.broadcast %scan3A_449 : i32 to vector<16xi32>
      %select_n3A_477 = arith.select %gt3A_474, %broadcast_in_dim3A_476, %select_n3A_447 : vector<16xi1>, vector<16xi32>
      %scan3A_478 = arith.constant 7 : i32
      %scan3A_479 = arith.addi %scan3A_264, %scan3A_478 : i32
      %add3A_480 = vector.broadcast %scan3A_479 : i32 to vector<16xi32>
      %add3A_481 = arith.addi %mul3A_50, %add3A_480 : vector<16xi32>
      %gather3A_482 = tpu.vector_load_idx %arg4[%and3A_42, %add3A_481] : memref<8x2048xf32, #tpu.memory_space<vmem>>[vector<16xi32>, vector<16xi32>], vector<16xf32>,
      %gt3A_483 = arith.cmpf ogt, %gather3A_482, %max3A_454 : vector<16xf32>
      %max3A_484 = arith.maximumf %max3A_454, %gather3A_482 : vector<16xf32>
      %broadcast_in_dim3A_485 = vector.broadcast %scan3A_479 : i32 to vector<16xi32>
      %select_n3A_486 = arith.select %gt3A_483, %broadcast_in_dim3A_485, %select_n3A_456 : vector<16xi1>, vector<16xi32>
      %add3A_487 = vector.broadcast %scan3A_479 : i32 to vector<16xi32>
      %add3A_488 = arith.addi %mul3A_59, %add3A_487 : vector<16xi32>
      %gather3A_489 = tpu.vector_load_idx %arg4[%and3A_42, %add3A_488] : memref<8x2048xf32, #tpu.memory_space<vmem>>[vector<16xi32>, vector<16xi32>], vector<16xf32>,
      %gt3A_490 = arith.cmpf ogt, %gather3A_489, %max3A_461 : vector<16xf32>
      %max3A_491 = arith.maximumf %max3A_461, %gather3A_489 : vector<16xf32>
      %broadcast_in_dim3A_492 = vector.broadcast %scan3A_479 : i32 to vector<16xi32>
      %select_n3A_493 = arith.select %gt3A_490, %broadcast_in_dim3A_492, %select_n3A_463 : vector<16xi1>, vector<16xi32>
      %add3A_494 = vector.broadcast %scan3A_479 : i32 to vector<16xi32>
      %add3A_495 = arith.addi %mul3A_68, %add3A_494 : vector<16xi32>
      %gather3A_496 = tpu.vector_load_idx %arg4[%and3A_42, %add3A_495] : memref<8x2048xf32, #tpu.memory_space<vmem>>[vector<16xi32>, vector<16xi32>], vector<16xf32>,
      %gt3A_497 = arith.cmpf ogt, %gather3A_496, %max3A_468 : vector<16xf32>
      %max3A_498 = arith.maximumf %max3A_468, %gather3A_496 : vector<16xf32>
      %broadcast_in_dim3A_499 = vector.broadcast %scan3A_479 : i32 to vector<16xi32>
      %select_n3A_500 = arith.select %gt3A_497, %broadcast_in_dim3A_499, %select_n3A_470 : vector<16xi1>, vector<16xi32>
      %add3A_501 = vector.broadcast %scan3A_479 : i32 to vector<16xi32>
      %add3A_502 = arith.addi %mul3A_77, %add3A_501 : vector<16xi32>
      %gather3A_503 = tpu.vector_load_idx %arg4[%and3A_42, %add3A_502] : memref<8x2048xf32, #tpu.memory_space<vmem>>[vector<16xi32>, vector<16xi32>], vector<16xf32>,
      %gt3A_504 = arith.cmpf ogt, %gather3A_503, %max3A_475 : vector<16xf32>
      %max3A_505 = arith.maximumf %max3A_475, %gather3A_503 : vector<16xf32>
      %broadcast_in_dim3A_506 = vector.broadcast %scan3A_479 : i32 to vector<16xi32>
      %select_n3A_507 = arith.select %gt3A_504, %broadcast_in_dim3A_506, %select_n3A_477 : vector<16xi1>, vector<16xi32>
      scf.yield %max3A_484, %max3A_491, %max3A_498, %max3A_505, %select_n3A_486, %select_n3A_493, %select_n3A_500, %select_n3A_507 : vector<16xf32>, vector<16xf32>, vector<16xf32>, vector<16xf32>, vector<16xi32>, vector<16xi32>, vector<16xi32>, vector<16xi32>
    }
    %scan3A_189 = arith.constant 256 : i32
    %add3A_190 = arith.addi %mul3A_50, %scan3A_188#4 : vector<16xi32>
    %add3A_191 = arith.addi %mul3A_59, %scan3A_188#5 : vector<16xi32>
    %add3A_192 = arith.addi %mul3A_68, %scan3A_188#6 : vector<16xi32>
    %add3A_193 = arith.addi %mul3A_77, %scan3A_188#7 : vector<16xi32>
    tpu.vector_store_idx %arg6[%and3A_42, %add3A_190], %broadcast_in_dim3A_37 : memref<8x2048xf32, #tpu.memory_space<vmem>>[vector<16xi32>, vector<16xi32>], vector<16xf32>,
    tpu.vector_store_idx %arg6[%and3A_42, %add3A_191], %broadcast_in_dim3A_37 : memref<8x2048xf32, #tpu.memory_space<vmem>>[vector<16xi32>, vector<16xi32>], vector<16xf32>,
    tpu.vector_store_idx %arg6[%and3A_42, %add3A_192], %broadcast_in_dim3A_37 : memref<8x2048xf32, #tpu.memory_space<vmem>>[vector<16xi32>, vector<16xi32>], vector<16xf32>,
    tpu.vector_store_idx %arg6[%and3A_42, %add3A_193], %broadcast_in_dim3A_37 : memref<8x2048xf32, #tpu.memory_space<vmem>>[vector<16xi32>, vector<16xi32>], vector<16xf32>,
    %add3A_194 = arith.constant 8192 : i32
    %add3A_195 = arith.addi %mul3A_34, %add3A_194 : i32
    %dma_start3A_196 = tpu.memref_slice %arg3[%mul3A_11, %add3A_195] : memref<128x32768xf32, #tpu.memory_space<hbm>> -> memref<8x2048xf32, #tpu.memory_space<hbm>>
    %dma_start3A_197 = tpu.memref_slice %arg3[%mul3A_11, %add3A_195] : memref<128x32768xf32, #tpu.memory_space<hbm>> -> memref<8x2048xf32, #tpu.memory_space<hbm>>
    tpu.enqueue_dma source(%arg6 : memref<8x2048xf32, #tpu.memory_space<vmem>>) target(%dma_start3A_197 : memref<8x2048xf32, #tpu.memory_space<hbm>>) target_semaphore(%arg10 : memref<!tpu.dma_semaphore, #tpu.memory_space<semaphore_mem>>)
    %add3A_198 = arith.constant 12288 : i32
    %add3A_199 = arith.addi %mul3A_34, %add3A_198 : i32
    %dma_start3A_200 = tpu.memref_slice %arg2[%mul3A_11, %add3A_199] : memref<128x32768xf32, #tpu.memory_space<hbm>> -> memref<8x2048xf32, #tpu.memory_space<hbm>>
    %dma_start3A_201 = tpu.memref_slice %arg2[%mul3A_11, %add3A_199] : memref<128x32768xf32, #tpu.memory_space<hbm>> -> memref<8x2048xf32, #tpu.memory_space<hbm>>
    tpu.enqueue_dma source(%dma_start3A_201 : memref<8x2048xf32, #tpu.memory_space<hbm>>) target(%arg4 : memref<8x2048xf32, #tpu.memory_space<vmem>>) target_semaphore(%arg8 : memref<!tpu.dma_semaphore, #tpu.memory_space<semaphore_mem>>)
    %dma_wait3A_202 = tpu.memref_slice %arg2[%mul3A_11, %add3A_177] : memref<128x32768xf32, #tpu.memory_space<hbm>> -> memref<8x2048xf32, #tpu.memory_space<hbm>>
    %dma_wait3A_203 = tpu.memref_slice %arg2[%mul3A_11, %add3A_177] : memref<128x32768xf32, #tpu.memory_space<hbm>> -> memref<8x2048xf32, #tpu.memory_space<hbm>>
    tpu.wait_dma2 semaphore(%arg9 : memref<!tpu.dma_semaphore, #tpu.memory_space<semaphore_mem>>) src(%dma_wait3A_203 : memref<8x2048xf32, #tpu.memory_space<hbm>>) dst(%arg5 : memref<8x2048xf32, #tpu.memory_space<vmem>>)
    %dma_wait3A_204 = tpu.memref_slice %arg3[%mul3A_11, %add3A_173] : memref<128x32768xf32, #tpu.memory_space<hbm>> -> memref<8x2048xf32, #tpu.memory_space<hbm>>
    %dma_wait3A_205 = tpu.memref_slice %arg3[%mul3A_11, %add3A_173] : memref<128x32768xf32, #tpu.memory_space<hbm>> -> memref<8x2048xf32, #tpu.memory_space<hbm>>
    tpu.wait_dma2 semaphore(%arg11 : memref<!tpu.dma_semaphore, #tpu.memory_space<semaphore_mem>>) src(%arg7 : memref<8x2048xf32, #tpu.memory_space<vmem>>) dst(%dma_wait3A_205 : memref<8x2048xf32, #tpu.memory_space<hbm>>)
    tpu.vector_store_idx %arg7[%and3A_42, %add3A_168], %broadcast_in_dim3A_35 : memref<8x2048xf32, #tpu.memory_space<vmem>>[vector<16xi32>, vector<16xi32>], vector<16xf32>,
    tpu.vector_store_idx %arg7[%and3A_42, %add3A_169], %broadcast_in_dim3A_35 : memref<8x2048xf32, #tpu.memory_space<vmem>>[vector<16xi32>, vector<16xi32>], vector<16xf32>,
    tpu.vector_store_idx %arg7[%and3A_42, %add3A_170], %broadcast_in_dim3A_35 : memref<8x2048xf32, #tpu.memory_space<vmem>>[vector<16xi32>, vector<16xi32>], vector<16xf32>,
    tpu.vector_store_idx %arg7[%and3A_42, %add3A_171], %broadcast_in_dim3A_35 : memref<8x2048xf32, #tpu.memory_space<vmem>>[vector<16xi32>, vector<16xi32>], vector<16xf32>,
    %scan3A_206 = arith.constant 0 : i32
    %scan3A_207 = arith.constant 256 : i32
    %scan3A_208 = arith.addi %scan3A_206, %scan3A_207 : i32
    %scan3A_209 = arith.constant 8 : i32
    %scan3A_210:8 = scf.for %scan3A_264 = %scan3A_206 to %scan3A_208 step %scan3A_209 iter_args(%scan3A_265 = %broadcast_in_dim3A_39, %scan3A_266 = %broadcast_in_dim3A_39, %scan3A_267 = %broadcast_in_dim3A_39, %scan3A_268 = %broadcast_in_dim3A_39, %scan3A_269 = %broadcast_in_dim3A_86, %scan3A_270 = %broadcast_in_dim3A_88, %scan3A_271 = %broadcast_in_dim3A_90, %scan3A_272 = %broadcast_in_dim3A_92) -> (vector<16xf32>, vector<16xf32>, vector<16xf32>, vector<16xf32>, vector<16xi32>, vector<16xi32>, vector<16xi32>, vector<16xi32>)  : i32 {
      %add3A_273 = vector.broadcast %scan3A_264 : i32 to vector<16xi32>
      %add3A_274 = arith.addi %mul3A_50, %add3A_273 : vector<16xi32>
      %gather3A = tpu.vector_load_idx %arg5[%and3A_42, %add3A_274] : memref<8x2048xf32, #tpu.memory_space<vmem>>[vector<16xi32>, vector<16xi32>], vector<16xf32>,
      %gt3A = arith.cmpf ogt, %gather3A, %scan3A_265 : vector<16xf32>
      %max3A = arith.maximumf %scan3A_265, %gather3A : vector<16xf32>
      %broadcast_in_dim3A_275 = vector.broadcast %scan3A_264 : i32 to vector<16xi32>
      %select_n3A_276 = arith.select %gt3A, %broadcast_in_dim3A_275, %scan3A_269 : vector<16xi1>, vector<16xi32>
      %add3A_277 = vector.broadcast %scan3A_264 : i32 to vector<16xi32>
      %add3A_278 = arith.addi %mul3A_59, %add3A_277 : vector<16xi32>
      %gather3A_279 = tpu.vector_load_idx %arg5[%and3A_42, %add3A_278] : memref<8x2048xf32, #tpu.memory_space<vmem>>[vector<16xi32>, vector<16xi32>], vector<16xf32>,
      %gt3A_280 = arith.cmpf ogt, %gather3A_279, %scan3A_266 : vector<16xf32>
      %max3A_281 = arith.maximumf %scan3A_266, %gather3A_279 : vector<16xf32>
      %broadcast_in_dim3A_282 = vector.broadcast %scan3A_264 : i32 to vector<16xi32>
      %select_n3A_283 = arith.select %gt3A_280, %broadcast_in_dim3A_282, %scan3A_270 : vector<16xi1>, vector<16xi32>
      %add3A_284 = vector.broadcast %scan3A_264 : i32 to vector<16xi32>
      %add3A_285 = arith.addi %mul3A_68, %add3A_284 : vector<16xi32>
      %gather3A_286 = tpu.vector_load_idx %arg5[%and3A_42, %add3A_285] : memref<8x2048xf32, #tpu.memory_space<vmem>>[vector<16xi32>, vector<16xi32>], vector<16xf32>,
      %gt3A_287 = arith.cmpf ogt, %gather3A_286, %scan3A_267 : vector<16xf32>
      %max3A_288 = arith.maximumf %scan3A_267, %gather3A_286 : vector<16xf32>
      %broadcast_in_dim3A_289 = vector.broadcast %scan3A_264 : i32 to vector<16xi32>
      %select_n3A_290 = arith.select %gt3A_287, %broadcast_in_dim3A_289, %scan3A_271 : vector<16xi1>, vector<16xi32>
      %add3A_291 = vector.broadcast %scan3A_264 : i32 to vector<16xi32>
      %add3A_292 = arith.addi %mul3A_77, %add3A_291 : vector<16xi32>
      %gather3A_293 = tpu.vector_load_idx %arg5[%and3A_42, %add3A_292] : memref<8x2048xf32, #tpu.memory_space<vmem>>[vector<16xi32>, vector<16xi32>], vector<16xf32>,
      %gt3A_294 = arith.cmpf ogt, %gather3A_293, %scan3A_268 : vector<16xf32>
      %max3A_295 = arith.maximumf %scan3A_268, %gather3A_293 : vector<16xf32>
      %broadcast_in_dim3A_296 = vector.broadcast %scan3A_264 : i32 to vector<16xi32>
      %select_n3A_297 = arith.select %gt3A_294, %broadcast_in_dim3A_296, %scan3A_272 : vector<16xi1>, vector<16xi32>
      %scan3A_298 = arith.constant 1 : i32
      %scan3A_299 = arith.addi %scan3A_264, %scan3A_298 : i32
      %add3A_300 = vector.broadcast %scan3A_299 : i32 to vector<16xi32>
      %add3A_301 = arith.addi %mul3A_50, %add3A_300 : vector<16xi32>
      %gather3A_302 = tpu.vector_load_idx %arg5[%and3A_42, %add3A_301] : memref<8x2048xf32, #tpu.memory_space<vmem>>[vector<16xi32>, vector<16xi32>], vector<16xf32>,
      %gt3A_303 = arith.cmpf ogt, %gather3A_302, %max3A : vector<16xf32>
      %max3A_304 = arith.maximumf %max3A, %gather3A_302 : vector<16xf32>
      %broadcast_in_dim3A_305 = vector.broadcast %scan3A_299 : i32 to vector<16xi32>
      %select_n3A_306 = arith.select %gt3A_303, %broadcast_in_dim3A_305, %select_n3A_276 : vector<16xi1>, vector<16xi32>
      %add3A_307 = vector.broadcast %scan3A_299 : i32 to vector<16xi32>
      %add3A_308 = arith.addi %mul3A_59, %add3A_307 : vector<16xi32>
      %gather3A_309 = tpu.vector_load_idx %arg5[%and3A_42, %add3A_308] : memref<8x2048xf32, #tpu.memory_space<vmem>>[vector<16xi32>, vector<16xi32>], vector<16xf32>,
      %gt3A_310 = arith.cmpf ogt, %gather3A_309, %max3A_281 : vector<16xf32>
      %max3A_311 = arith.maximumf %max3A_281, %gather3A_309 : vector<16xf32>
      %broadcast_in_dim3A_312 = vector.broadcast %scan3A_299 : i32 to vector<16xi32>
      %select_n3A_313 = arith.select %gt3A_310, %broadcast_in_dim3A_312, %select_n3A_283 : vector<16xi1>, vector<16xi32>
      %add3A_314 = vector.broadcast %scan3A_299 : i32 to vector<16xi32>
      %add3A_315 = arith.addi %mul3A_68, %add3A_314 : vector<16xi32>
      %gather3A_316 = tpu.vector_load_idx %arg5[%and3A_42, %add3A_315] : memref<8x2048xf32, #tpu.memory_space<vmem>>[vector<16xi32>, vector<16xi32>], vector<16xf32>,
      %gt3A_317 = arith.cmpf ogt, %gather3A_316, %max3A_288 : vector<16xf32>
      %max3A_318 = arith.maximumf %max3A_288, %gather3A_316 : vector<16xf32>
      %broadcast_in_dim3A_319 = vector.broadcast %scan3A_299 : i32 to vector<16xi32>
      %select_n3A_320 = arith.select %gt3A_317, %broadcast_in_dim3A_319, %select_n3A_290 : vector<16xi1>, vector<16xi32>
      %add3A_321 = vector.broadcast %scan3A_299 : i32 to vector<16xi32>
      %add3A_322 = arith.addi %mul3A_77, %add3A_321 : vector<16xi32>
      %gather3A_323 = tpu.vector_load_idx %arg5[%and3A_42, %add3A_322] : memref<8x2048xf32, #tpu.memory_space<vmem>>[vector<16xi32>, vector<16xi32>], vector<16xf32>,
      %gt3A_324 = arith.cmpf ogt, %gather3A_323, %max3A_295 : vector<16xf32>
      %max3A_325 = arith.maximumf %max3A_295, %gather3A_323 : vector<16xf32>
      %broadcast_in_dim3A_326 = vector.broadcast %scan3A_299 : i32 to vector<16xi32>
      %select_n3A_327 = arith.select %gt3A_324, %broadcast_in_dim3A_326, %select_n3A_297 : vector<16xi1>, vector<16xi32>
      %scan3A_328 = arith.constant 2 : i32
      %scan3A_329 = arith.addi %scan3A_264, %scan3A_328 : i32
      %add3A_330 = vector.broadcast %scan3A_329 : i32 to vector<16xi32>
      %add3A_331 = arith.addi %mul3A_50, %add3A_330 : vector<16xi32>
      %gather3A_332 = tpu.vector_load_idx %arg5[%and3A_42, %add3A_331] : memref<8x2048xf32, #tpu.memory_space<vmem>>[vector<16xi32>, vector<16xi32>], vector<16xf32>,
      %gt3A_333 = arith.cmpf ogt, %gather3A_332, %max3A_304 : vector<16xf32>
      %max3A_334 = arith.maximumf %max3A_304, %gather3A_332 : vector<16xf32>
      %broadcast_in_dim3A_335 = vector.broadcast %scan3A_329 : i32 to vector<16xi32>
      %select_n3A_336 = arith.select %gt3A_333, %broadcast_in_dim3A_335, %select_n3A_306 : vector<16xi1>, vector<16xi32>
      %add3A_337 = vector.broadcast %scan3A_329 : i32 to vector<16xi32>
      %add3A_338 = arith.addi %mul3A_59, %add3A_337 : vector<16xi32>
      %gather3A_339 = tpu.vector_load_idx %arg5[%and3A_42, %add3A_338] : memref<8x2048xf32, #tpu.memory_space<vmem>>[vector<16xi32>, vector<16xi32>], vector<16xf32>,
      %gt3A_340 = arith.cmpf ogt, %gather3A_339, %max3A_311 : vector<16xf32>
      %max3A_341 = arith.maximumf %max3A_311, %gather3A_339 : vector<16xf32>
      %broadcast_in_dim3A_342 = vector.broadcast %scan3A_329 : i32 to vector<16xi32>
      %select_n3A_343 = arith.select %gt3A_340, %broadcast_in_dim3A_342, %select_n3A_313 : vector<16xi1>, vector<16xi32>
      %add3A_344 = vector.broadcast %scan3A_329 : i32 to vector<16xi32>
      %add3A_345 = arith.addi %mul3A_68, %add3A_344 : vector<16xi32>
      %gather3A_346 = tpu.vector_load_idx %arg5[%and3A_42, %add3A_345] : memref<8x2048xf32, #tpu.memory_space<vmem>>[vector<16xi32>, vector<16xi32>], vector<16xf32>,
      %gt3A_347 = arith.cmpf ogt, %gather3A_346, %max3A_318 : vector<16xf32>
      %max3A_348 = arith.maximumf %max3A_318, %gather3A_346 : vector<16xf32>
      %broadcast_in_dim3A_349 = vector.broadcast %scan3A_329 : i32 to vector<16xi32>
      %select_n3A_350 = arith.select %gt3A_347, %broadcast_in_dim3A_349, %select_n3A_320 : vector<16xi1>, vector<16xi32>
      %add3A_351 = vector.broadcast %scan3A_329 : i32 to vector<16xi32>
      %add3A_352 = arith.addi %mul3A_77, %add3A_351 : vector<16xi32>
      %gather3A_353 = tpu.vector_load_idx %arg5[%and3A_42, %add3A_352] : memref<8x2048xf32, #tpu.memory_space<vmem>>[vector<16xi32>, vector<16xi32>], vector<16xf32>,
      %gt3A_354 = arith.cmpf ogt, %gather3A_353, %max3A_325 : vector<16xf32>
      %max3A_355 = arith.maximumf %max3A_325, %gather3A_353 : vector<16xf32>
      %broadcast_in_dim3A_356 = vector.broadcast %scan3A_329 : i32 to vector<16xi32>
      %select_n3A_357 = arith.select %gt3A_354, %broadcast_in_dim3A_356, %select_n3A_327 : vector<16xi1>, vector<16xi32>
      %scan3A_358 = arith.constant 3 : i32
      %scan3A_359 = arith.addi %scan3A_264, %scan3A_358 : i32
      %add3A_360 = vector.broadcast %scan3A_359 : i32 to vector<16xi32>
      %add3A_361 = arith.addi %mul3A_50, %add3A_360 : vector<16xi32>
      %gather3A_362 = tpu.vector_load_idx %arg5[%and3A_42, %add3A_361] : memref<8x2048xf32, #tpu.memory_space<vmem>>[vector<16xi32>, vector<16xi32>], vector<16xf32>,
      %gt3A_363 = arith.cmpf ogt, %gather3A_362, %max3A_334 : vector<16xf32>
      %max3A_364 = arith.maximumf %max3A_334, %gather3A_362 : vector<16xf32>
      %broadcast_in_dim3A_365 = vector.broadcast %scan3A_359 : i32 to vector<16xi32>
      %select_n3A_366 = arith.select %gt3A_363, %broadcast_in_dim3A_365, %select_n3A_336 : vector<16xi1>, vector<16xi32>
      %add3A_367 = vector.broadcast %scan3A_359 : i32 to vector<16xi32>
      %add3A_368 = arith.addi %mul3A_59, %add3A_367 : vector<16xi32>
      %gather3A_369 = tpu.vector_load_idx %arg5[%and3A_42, %add3A_368] : memref<8x2048xf32, #tpu.memory_space<vmem>>[vector<16xi32>, vector<16xi32>], vector<16xf32>,
      %gt3A_370 = arith.cmpf ogt, %gather3A_369, %max3A_341 : vector<16xf32>
      %max3A_371 = arith.maximumf %max3A_341, %gather3A_369 : vector<16xf32>
      %broadcast_in_dim3A_372 = vector.broadcast %scan3A_359 : i32 to vector<16xi32>
      %select_n3A_373 = arith.select %gt3A_370, %broadcast_in_dim3A_372, %select_n3A_343 : vector<16xi1>, vector<16xi32>
      %add3A_374 = vector.broadcast %scan3A_359 : i32 to vector<16xi32>
      %add3A_375 = arith.addi %mul3A_68, %add3A_374 : vector<16xi32>
      %gather3A_376 = tpu.vector_load_idx %arg5[%and3A_42, %add3A_375] : memref<8x2048xf32, #tpu.memory_space<vmem>>[vector<16xi32>, vector<16xi32>], vector<16xf32>,
      %gt3A_377 = arith.cmpf ogt, %gather3A_376, %max3A_348 : vector<16xf32>
      %max3A_378 = arith.maximumf %max3A_348, %gather3A_376 : vector<16xf32>
      %broadcast_in_dim3A_379 = vector.broadcast %scan3A_359 : i32 to vector<16xi32>
      %select_n3A_380 = arith.select %gt3A_377, %broadcast_in_dim3A_379, %select_n3A_350 : vector<16xi1>, vector<16xi32>
      %add3A_381 = vector.broadcast %scan3A_359 : i32 to vector<16xi32>
      %add3A_382 = arith.addi %mul3A_77, %add3A_381 : vector<16xi32>
      %gather3A_383 = tpu.vector_load_idx %arg5[%and3A_42, %add3A_382] : memref<8x2048xf32, #tpu.memory_space<vmem>>[vector<16xi32>, vector<16xi32>], vector<16xf32>,
      %gt3A_384 = arith.cmpf ogt, %gather3A_383, %max3A_355 : vector<16xf32>
      %max3A_385 = arith.maximumf %max3A_355, %gather3A_383 : vector<16xf32>
      %broadcast_in_dim3A_386 = vector.broadcast %scan3A_359 : i32 to vector<16xi32>
      %select_n3A_387 = arith.select %gt3A_384, %broadcast_in_dim3A_386, %select_n3A_357 : vector<16xi1>, vector<16xi32>
      %scan3A_388 = arith.constant 4 : i32
      %scan3A_389 = arith.addi %scan3A_264, %scan3A_388 : i32
      %add3A_390 = vector.broadcast %scan3A_389 : i32 to vector<16xi32>
      %add3A_391 = arith.addi %mul3A_50, %add3A_390 : vector<16xi32>
      %gather3A_392 = tpu.vector_load_idx %arg5[%and3A_42, %add3A_391] : memref<8x2048xf32, #tpu.memory_space<vmem>>[vector<16xi32>, vector<16xi32>], vector<16xf32>,
      %gt3A_393 = arith.cmpf ogt, %gather3A_392, %max3A_364 : vector<16xf32>
      %max3A_394 = arith.maximumf %max3A_364, %gather3A_392 : vector<16xf32>
      %broadcast_in_dim3A_395 = vector.broadcast %scan3A_389 : i32 to vector<16xi32>
      %select_n3A_396 = arith.select %gt3A_393, %broadcast_in_dim3A_395, %select_n3A_366 : vector<16xi1>, vector<16xi32>
      %add3A_397 = vector.broadcast %scan3A_389 : i32 to vector<16xi32>
      %add3A_398 = arith.addi %mul3A_59, %add3A_397 : vector<16xi32>
      %gather3A_399 = tpu.vector_load_idx %arg5[%and3A_42, %add3A_398] : memref<8x2048xf32, #tpu.memory_space<vmem>>[vector<16xi32>, vector<16xi32>], vector<16xf32>,
      %gt3A_400 = arith.cmpf ogt, %gather3A_399, %max3A_371 : vector<16xf32>
      %max3A_401 = arith.maximumf %max3A_371, %gather3A_399 : vector<16xf32>
      %broadcast_in_dim3A_402 = vector.broadcast %scan3A_389 : i32 to vector<16xi32>
      %select_n3A_403 = arith.select %gt3A_400, %broadcast_in_dim3A_402, %select_n3A_373 : vector<16xi1>, vector<16xi32>
      %add3A_404 = vector.broadcast %scan3A_389 : i32 to vector<16xi32>
      %add3A_405 = arith.addi %mul3A_68, %add3A_404 : vector<16xi32>
      %gather3A_406 = tpu.vector_load_idx %arg5[%and3A_42, %add3A_405] : memref<8x2048xf32, #tpu.memory_space<vmem>>[vector<16xi32>, vector<16xi32>], vector<16xf32>,
      %gt3A_407 = arith.cmpf ogt, %gather3A_406, %max3A_378 : vector<16xf32>
      %max3A_408 = arith.maximumf %max3A_378, %gather3A_406 : vector<16xf32>
      %broadcast_in_dim3A_409 = vector.broadcast %scan3A_389 : i32 to vector<16xi32>
      %select_n3A_410 = arith.select %gt3A_407, %broadcast_in_dim3A_409, %select_n3A_380 : vector<16xi1>, vector<16xi32>
      %add3A_411 = vector.broadcast %scan3A_389 : i32 to vector<16xi32>
      %add3A_412 = arith.addi %mul3A_77, %add3A_411 : vector<16xi32>
      %gather3A_413 = tpu.vector_load_idx %arg5[%and3A_42, %add3A_412] : memref<8x2048xf32, #tpu.memory_space<vmem>>[vector<16xi32>, vector<16xi32>], vector<16xf32>,
      %gt3A_414 = arith.cmpf ogt, %gather3A_413, %max3A_385 : vector<16xf32>
      %max3A_415 = arith.maximumf %max3A_385, %gather3A_413 : vector<16xf32>
      %broadcast_in_dim3A_416 = vector.broadcast %scan3A_389 : i32 to vector<16xi32>
      %select_n3A_417 = arith.select %gt3A_414, %broadcast_in_dim3A_416, %select_n3A_387 : vector<16xi1>, vector<16xi32>
      %scan3A_418 = arith.constant 5 : i32
      %scan3A_419 = arith.addi %scan3A_264, %scan3A_418 : i32
      %add3A_420 = vector.broadcast %scan3A_419 : i32 to vector<16xi32>
      %add3A_421 = arith.addi %mul3A_50, %add3A_420 : vector<16xi32>
      %gather3A_422 = tpu.vector_load_idx %arg5[%and3A_42, %add3A_421] : memref<8x2048xf32, #tpu.memory_space<vmem>>[vector<16xi32>, vector<16xi32>], vector<16xf32>,
      %gt3A_423 = arith.cmpf ogt, %gather3A_422, %max3A_394 : vector<16xf32>
      %max3A_424 = arith.maximumf %max3A_394, %gather3A_422 : vector<16xf32>
      %broadcast_in_dim3A_425 = vector.broadcast %scan3A_419 : i32 to vector<16xi32>
      %select_n3A_426 = arith.select %gt3A_423, %broadcast_in_dim3A_425, %select_n3A_396 : vector<16xi1>, vector<16xi32>
      %add3A_427 = vector.broadcast %scan3A_419 : i32 to vector<16xi32>
      %add3A_428 = arith.addi %mul3A_59, %add3A_427 : vector<16xi32>
      %gather3A_429 = tpu.vector_load_idx %arg5[%and3A_42, %add3A_428] : memref<8x2048xf32, #tpu.memory_space<vmem>>[vector<16xi32>, vector<16xi32>], vector<16xf32>,
      %gt3A_430 = arith.cmpf ogt, %gather3A_429, %max3A_401 : vector<16xf32>
      %max3A_431 = arith.maximumf %max3A_401, %gather3A_429 : vector<16xf32>
      %broadcast_in_dim3A_432 = vector.broadcast %scan3A_419 : i32 to vector<16xi32>
      %select_n3A_433 = arith.select %gt3A_430, %broadcast_in_dim3A_432, %select_n3A_403 : vector<16xi1>, vector<16xi32>
      %add3A_434 = vector.broadcast %scan3A_419 : i32 to vector<16xi32>
      %add3A_435 = arith.addi %mul3A_68, %add3A_434 : vector<16xi32>
      %gather3A_436 = tpu.vector_load_idx %arg5[%and3A_42, %add3A_435] : memref<8x2048xf32, #tpu.memory_space<vmem>>[vector<16xi32>, vector<16xi32>], vector<16xf32>,
      %gt3A_437 = arith.cmpf ogt, %gather3A_436, %max3A_408 : vector<16xf32>
      %max3A_438 = arith.maximumf %max3A_408, %gather3A_436 : vector<16xf32>
      %broadcast_in_dim3A_439 = vector.broadcast %scan3A_419 : i32 to vector<16xi32>
      %select_n3A_440 = arith.select %gt3A_437, %broadcast_in_dim3A_439, %select_n3A_410 : vector<16xi1>, vector<16xi32>
      %add3A_441 = vector.broadcast %scan3A_419 : i32 to vector<16xi32>
      %add3A_442 = arith.addi %mul3A_77, %add3A_441 : vector<16xi32>
      %gather3A_443 = tpu.vector_load_idx %arg5[%and3A_42, %add3A_442] : memref<8x2048xf32, #tpu.memory_space<vmem>>[vector<16xi32>, vector<16xi32>], vector<16xf32>,
      %gt3A_444 = arith.cmpf ogt, %gather3A_443, %max3A_415 : vector<16xf32>
      %max3A_445 = arith.maximumf %max3A_415, %gather3A_443 : vector<16xf32>
      %broadcast_in_dim3A_446 = vector.broadcast %scan3A_419 : i32 to vector<16xi32>
      %select_n3A_447 = arith.select %gt3A_444, %broadcast_in_dim3A_446, %select_n3A_417 : vector<16xi1>, vector<16xi32>
      %scan3A_448 = arith.constant 6 : i32
      %scan3A_449 = arith.addi %scan3A_264, %scan3A_448 : i32
      %add3A_450 = vector.broadcast %scan3A_449 : i32 to vector<16xi32>
      %add3A_451 = arith.addi %mul3A_50, %add3A_450 : vector<16xi32>
      %gather3A_452 = tpu.vector_load_idx %arg5[%and3A_42, %add3A_451] : memref<8x2048xf32, #tpu.memory_space<vmem>>[vector<16xi32>, vector<16xi32>], vector<16xf32>,
      %gt3A_453 = arith.cmpf ogt, %gather3A_452, %max3A_424 : vector<16xf32>
      %max3A_454 = arith.maximumf %max3A_424, %gather3A_452 : vector<16xf32>
      %broadcast_in_dim3A_455 = vector.broadcast %scan3A_449 : i32 to vector<16xi32>
      %select_n3A_456 = arith.select %gt3A_453, %broadcast_in_dim3A_455, %select_n3A_426 : vector<16xi1>, vector<16xi32>
      %add3A_457 = vector.broadcast %scan3A_449 : i32 to vector<16xi32>
      %add3A_458 = arith.addi %mul3A_59, %add3A_457 : vector<16xi32>
      %gather3A_459 = tpu.vector_load_idx %arg5[%and3A_42, %add3A_458] : memref<8x2048xf32, #tpu.memory_space<vmem>>[vector<16xi32>, vector<16xi32>], vector<16xf32>,
      %gt3A_460 = arith.cmpf ogt, %gather3A_459, %max3A_431 : vector<16xf32>
      %max3A_461 = arith.maximumf %max3A_431, %gather3A_459 : vector<16xf32>
      %broadcast_in_dim3A_462 = vector.broadcast %scan3A_449 : i32 to vector<16xi32>
      %select_n3A_463 = arith.select %gt3A_460, %broadcast_in_dim3A_462, %select_n3A_433 : vector<16xi1>, vector<16xi32>
      %add3A_464 = vector.broadcast %scan3A_449 : i32 to vector<16xi32>
      %add3A_465 = arith.addi %mul3A_68, %add3A_464 : vector<16xi32>
      %gather3A_466 = tpu.vector_load_idx %arg5[%and3A_42, %add3A_465] : memref<8x2048xf32, #tpu.memory_space<vmem>>[vector<16xi32>, vector<16xi32>], vector<16xf32>,
      %gt3A_467 = arith.cmpf ogt, %gather3A_466, %max3A_438 : vector<16xf32>
      %max3A_468 = arith.maximumf %max3A_438, %gather3A_466 : vector<16xf32>
      %broadcast_in_dim3A_469 = vector.broadcast %scan3A_449 : i32 to vector<16xi32>
      %select_n3A_470 = arith.select %gt3A_467, %broadcast_in_dim3A_469, %select_n3A_440 : vector<16xi1>, vector<16xi32>
      %add3A_471 = vector.broadcast %scan3A_449 : i32 to vector<16xi32>
      %add3A_472 = arith.addi %mul3A_77, %add3A_471 : vector<16xi32>
      %gather3A_473 = tpu.vector_load_idx %arg5[%and3A_42, %add3A_472] : memref<8x2048xf32, #tpu.memory_space<vmem>>[vector<16xi32>, vector<16xi32>], vector<16xf32>,
      %gt3A_474 = arith.cmpf ogt, %gather3A_473, %max3A_445 : vector<16xf32>
      %max3A_475 = arith.maximumf %max3A_445, %gather3A_473 : vector<16xf32>
      %broadcast_in_dim3A_476 = vector.broadcast %scan3A_449 : i32 to vector<16xi32>
      %select_n3A_477 = arith.select %gt3A_474, %broadcast_in_dim3A_476, %select_n3A_447 : vector<16xi1>, vector<16xi32>
      %scan3A_478 = arith.constant 7 : i32
      %scan3A_479 = arith.addi %scan3A_264, %scan3A_478 : i32
      %add3A_480 = vector.broadcast %scan3A_479 : i32 to vector<16xi32>
      %add3A_481 = arith.addi %mul3A_50, %add3A_480 : vector<16xi32>
      %gather3A_482 = tpu.vector_load_idx %arg5[%and3A_42, %add3A_481] : memref<8x2048xf32, #tpu.memory_space<vmem>>[vector<16xi32>, vector<16xi32>], vector<16xf32>,
      %gt3A_483 = arith.cmpf ogt, %gather3A_482, %max3A_454 : vector<16xf32>
      %max3A_484 = arith.maximumf %max3A_454, %gather3A_482 : vector<16xf32>
      %broadcast_in_dim3A_485 = vector.broadcast %scan3A_479 : i32 to vector<16xi32>
      %select_n3A_486 = arith.select %gt3A_483, %broadcast_in_dim3A_485, %select_n3A_456 : vector<16xi1>, vector<16xi32>
      %add3A_487 = vector.broadcast %scan3A_479 : i32 to vector<16xi32>
      %add3A_488 = arith.addi %mul3A_59, %add3A_487 : vector<16xi32>
      %gather3A_489 = tpu.vector_load_idx %arg5[%and3A_42, %add3A_488] : memref<8x2048xf32, #tpu.memory_space<vmem>>[vector<16xi32>, vector<16xi32>], vector<16xf32>,
      %gt3A_490 = arith.cmpf ogt, %gather3A_489, %max3A_461 : vector<16xf32>
      %max3A_491 = arith.maximumf %max3A_461, %gather3A_489 : vector<16xf32>
      %broadcast_in_dim3A_492 = vector.broadcast %scan3A_479 : i32 to vector<16xi32>
      %select_n3A_493 = arith.select %gt3A_490, %broadcast_in_dim3A_492, %select_n3A_463 : vector<16xi1>, vector<16xi32>
      %add3A_494 = vector.broadcast %scan3A_479 : i32 to vector<16xi32>
      %add3A_495 = arith.addi %mul3A_68, %add3A_494 : vector<16xi32>
      %gather3A_496 = tpu.vector_load_idx %arg5[%and3A_42, %add3A_495] : memref<8x2048xf32, #tpu.memory_space<vmem>>[vector<16xi32>, vector<16xi32>], vector<16xf32>,
      %gt3A_497 = arith.cmpf ogt, %gather3A_496, %max3A_468 : vector<16xf32>
      %max3A_498 = arith.maximumf %max3A_468, %gather3A_496 : vector<16xf32>
      %broadcast_in_dim3A_499 = vector.broadcast %scan3A_479 : i32 to vector<16xi32>
      %select_n3A_500 = arith.select %gt3A_497, %broadcast_in_dim3A_499, %select_n3A_470 : vector<16xi1>, vector<16xi32>
      %add3A_501 = vector.broadcast %scan3A_479 : i32 to vector<16xi32>
      %add3A_502 = arith.addi %mul3A_77, %add3A_501 : vector<16xi32>
      %gather3A_503 = tpu.vector_load_idx %arg5[%and3A_42, %add3A_502] : memref<8x2048xf32, #tpu.memory_space<vmem>>[vector<16xi32>, vector<16xi32>], vector<16xf32>,
      %gt3A_504 = arith.cmpf ogt, %gather3A_503, %max3A_475 : vector<16xf32>
      %max3A_505 = arith.maximumf %max3A_475, %gather3A_503 : vector<16xf32>
      %broadcast_in_dim3A_506 = vector.broadcast %scan3A_479 : i32 to vector<16xi32>
      %select_n3A_507 = arith.select %gt3A_504, %broadcast_in_dim3A_506, %select_n3A_477 : vector<16xi1>, vector<16xi32>
      scf.yield %max3A_484, %max3A_491, %max3A_498, %max3A_505, %select_n3A_486, %select_n3A_493, %select_n3A_500, %select_n3A_507 : vector<16xf32>, vector<16xf32>, vector<16xf32>, vector<16xf32>, vector<16xi32>, vector<16xi32>, vector<16xi32>, vector<16xi32>
    }
    %scan3A_211 = arith.constant 256 : i32
    %add3A_212 = arith.addi %mul3A_50, %scan3A_210#4 : vector<16xi32>
    %add3A_213 = arith.addi %mul3A_59, %scan3A_210#5 : vector<16xi32>
    %add3A_214 = arith.addi %mul3A_68, %scan3A_210#6 : vector<16xi32>
    %add3A_215 = arith.addi %mul3A_77, %scan3A_210#7 : vector<16xi32>
    tpu.vector_store_idx %arg7[%and3A_42, %add3A_212], %broadcast_in_dim3A_37 : memref<8x2048xf32, #tpu.memory_space<vmem>>[vector<16xi32>, vector<16xi32>], vector<16xf32>,
    tpu.vector_store_idx %arg7[%and3A_42, %add3A_213], %broadcast_in_dim3A_37 : memref<8x2048xf32, #tpu.memory_space<vmem>>[vector<16xi32>, vector<16xi32>], vector<16xf32>,
    tpu.vector_store_idx %arg7[%and3A_42, %add3A_214], %broadcast_in_dim3A_37 : memref<8x2048xf32, #tpu.memory_space<vmem>>[vector<16xi32>, vector<16xi32>], vector<16xf32>,
    tpu.vector_store_idx %arg7[%and3A_42, %add3A_215], %broadcast_in_dim3A_37 : memref<8x2048xf32, #tpu.memory_space<vmem>>[vector<16xi32>, vector<16xi32>], vector<16xf32>,
    %add3A_216 = arith.constant 10240 : i32
    %add3A_217 = arith.addi %mul3A_34, %add3A_216 : i32
    %dma_start3A_218 = tpu.memref_slice %arg3[%mul3A_11, %add3A_217] : memref<128x32768xf32, #tpu.memory_space<hbm>> -> memref<8x2048xf32, #tpu.memory_space<hbm>>
    %dma_start3A_219 = tpu.memref_slice %arg3[%mul3A_11, %add3A_217] : memref<128x32768xf32, #tpu.memory_space<hbm>> -> memref<8x2048xf32, #tpu.memory_space<hbm>>
    tpu.enqueue_dma source(%arg7 : memref<8x2048xf32, #tpu.memory_space<vmem>>) target(%dma_start3A_219 : memref<8x2048xf32, #tpu.memory_space<hbm>>) target_semaphore(%arg11 : memref<!tpu.dma_semaphore, #tpu.memory_space<semaphore_mem>>)
    %add3A_220 = arith.constant 14336 : i32
    %add3A_221 = arith.addi %mul3A_34, %add3A_220 : i32
    %dma_start3A_222 = tpu.memref_slice %arg2[%mul3A_11, %add3A_221] : memref<128x32768xf32, #tpu.memory_space<hbm>> -> memref<8x2048xf32, #tpu.memory_space<hbm>>
    %dma_start3A_223 = tpu.memref_slice %arg2[%mul3A_11, %add3A_221] : memref<128x32768xf32, #tpu.memory_space<hbm>> -> memref<8x2048xf32, #tpu.memory_space<hbm>>
    tpu.enqueue_dma source(%dma_start3A_223 : memref<8x2048xf32, #tpu.memory_space<hbm>>) target(%arg5 : memref<8x2048xf32, #tpu.memory_space<vmem>>) target_semaphore(%arg9 : memref<!tpu.dma_semaphore, #tpu.memory_space<semaphore_mem>>)
    %dma_wait3A_224 = tpu.memref_slice %arg2[%mul3A_11, %add3A_199] : memref<128x32768xf32, #tpu.memory_space<hbm>> -> memref<8x2048xf32, #tpu.memory_space<hbm>>
    %dma_wait3A_225 = tpu.memref_slice %arg2[%mul3A_11, %add3A_199] : memref<128x32768xf32, #tpu.memory_space<hbm>> -> memref<8x2048xf32, #tpu.memory_space<hbm>>
    tpu.wait_dma2 semaphore(%arg8 : memref<!tpu.dma_semaphore, #tpu.memory_space<semaphore_mem>>) src(%dma_wait3A_225 : memref<8x2048xf32, #tpu.memory_space<hbm>>) dst(%arg4 : memref<8x2048xf32, #tpu.memory_space<vmem>>)
    %dma_wait3A_226 = tpu.memref_slice %arg3[%mul3A_11, %add3A_195] : memref<128x32768xf32, #tpu.memory_space<hbm>> -> memref<8x2048xf32, #tpu.memory_space<hbm>>
    %dma_wait3A_227 = tpu.memref_slice %arg3[%mul3A_11, %add3A_195] : memref<128x32768xf32, #tpu.memory_space<hbm>> -> memref<8x2048xf32, #tpu.memory_space<hbm>>
    tpu.wait_dma2 semaphore(%arg10 : memref<!tpu.dma_semaphore, #tpu.memory_space<semaphore_mem>>) src(%arg6 : memref<8x2048xf32, #tpu.memory_space<vmem>>) dst(%dma_wait3A_227 : memref<8x2048xf32, #tpu.memory_space<hbm>>)
    tpu.vector_store_idx %arg6[%and3A_42, %add3A_190], %broadcast_in_dim3A_35 : memref<8x2048xf32, #tpu.memory_space<vmem>>[vector<16xi32>, vector<16xi32>], vector<16xf32>,
    tpu.vector_store_idx %arg6[%and3A_42, %add3A_191], %broadcast_in_dim3A_35 : memref<8x2048xf32, #tpu.memory_space<vmem>>[vector<16xi32>, vector<16xi32>], vector<16xf32>,
    tpu.vector_store_idx %arg6[%and3A_42, %add3A_192], %broadcast_in_dim3A_35 : memref<8x2048xf32, #tpu.memory_space<vmem>>[vector<16xi32>, vector<16xi32>], vector<16xf32>,
    tpu.vector_store_idx %arg6[%and3A_42, %add3A_193], %broadcast_in_dim3A_35 : memref<8x2048xf32, #tpu.memory_space<vmem>>[vector<16xi32>, vector<16xi32>], vector<16xf32>,
    %scan3A_228 = arith.constant 0 : i32
    %scan3A_229 = arith.constant 256 : i32
    %scan3A_230 = arith.addi %scan3A_228, %scan3A_229 : i32
    %scan3A_231 = arith.constant 8 : i32
    %scan3A_232:8 = scf.for %scan3A_264 = %scan3A_228 to %scan3A_230 step %scan3A_231 iter_args(%scan3A_265 = %broadcast_in_dim3A_39, %scan3A_266 = %broadcast_in_dim3A_39, %scan3A_267 = %broadcast_in_dim3A_39, %scan3A_268 = %broadcast_in_dim3A_39, %scan3A_269 = %broadcast_in_dim3A_86, %scan3A_270 = %broadcast_in_dim3A_88, %scan3A_271 = %broadcast_in_dim3A_90, %scan3A_272 = %broadcast_in_dim3A_92) -> (vector<16xf32>, vector<16xf32>, vector<16xf32>, vector<16xf32>, vector<16xi32>, vector<16xi32>, vector<16xi32>, vector<16xi32>)  : i32 {
      %add3A_273 = vector.broadcast %scan3A_264 : i32 to vector<16xi32>
      %add3A_274 = arith.addi %mul3A_50, %add3A_273 : vector<16xi32>
      %gather3A = tpu.vector_load_idx %arg4[%and3A_42, %add3A_274] : memref<8x2048xf32, #tpu.memory_space<vmem>>[vector<16xi32>, vector<16xi32>], vector<16xf32>,
      %gt3A = arith.cmpf ogt, %gather3A, %scan3A_265 : vector<16xf32>
      %max3A = arith.maximumf %scan3A_265, %gather3A : vector<16xf32>
      %broadcast_in_dim3A_275 = vector.broadcast %scan3A_264 : i32 to vector<16xi32>
      %select_n3A_276 = arith.select %gt3A, %broadcast_in_dim3A_275, %scan3A_269 : vector<16xi1>, vector<16xi32>
      %add3A_277 = vector.broadcast %scan3A_264 : i32 to vector<16xi32>
      %add3A_278 = arith.addi %mul3A_59, %add3A_277 : vector<16xi32>
      %gather3A_279 = tpu.vector_load_idx %arg4[%and3A_42, %add3A_278] : memref<8x2048xf32, #tpu.memory_space<vmem>>[vector<16xi32>, vector<16xi32>], vector<16xf32>,
      %gt3A_280 = arith.cmpf ogt, %gather3A_279, %scan3A_266 : vector<16xf32>
      %max3A_281 = arith.maximumf %scan3A_266, %gather3A_279 : vector<16xf32>
      %broadcast_in_dim3A_282 = vector.broadcast %scan3A_264 : i32 to vector<16xi32>
      %select_n3A_283 = arith.select %gt3A_280, %broadcast_in_dim3A_282, %scan3A_270 : vector<16xi1>, vector<16xi32>
      %add3A_284 = vector.broadcast %scan3A_264 : i32 to vector<16xi32>
      %add3A_285 = arith.addi %mul3A_68, %add3A_284 : vector<16xi32>
      %gather3A_286 = tpu.vector_load_idx %arg4[%and3A_42, %add3A_285] : memref<8x2048xf32, #tpu.memory_space<vmem>>[vector<16xi32>, vector<16xi32>], vector<16xf32>,
      %gt3A_287 = arith.cmpf ogt, %gather3A_286, %scan3A_267 : vector<16xf32>
      %max3A_288 = arith.maximumf %scan3A_267, %gather3A_286 : vector<16xf32>
      %broadcast_in_dim3A_289 = vector.broadcast %scan3A_264 : i32 to vector<16xi32>
      %select_n3A_290 = arith.select %gt3A_287, %broadcast_in_dim3A_289, %scan3A_271 : vector<16xi1>, vector<16xi32>
      %add3A_291 = vector.broadcast %scan3A_264 : i32 to vector<16xi32>
      %add3A_292 = arith.addi %mul3A_77, %add3A_291 : vector<16xi32>
      %gather3A_293 = tpu.vector_load_idx %arg4[%and3A_42, %add3A_292] : memref<8x2048xf32, #tpu.memory_space<vmem>>[vector<16xi32>, vector<16xi32>], vector<16xf32>,
      %gt3A_294 = arith.cmpf ogt, %gather3A_293, %scan3A_268 : vector<16xf32>
      %max3A_295 = arith.maximumf %scan3A_268, %gather3A_293 : vector<16xf32>
      %broadcast_in_dim3A_296 = vector.broadcast %scan3A_264 : i32 to vector<16xi32>
      %select_n3A_297 = arith.select %gt3A_294, %broadcast_in_dim3A_296, %scan3A_272 : vector<16xi1>, vector<16xi32>
      %scan3A_298 = arith.constant 1 : i32
      %scan3A_299 = arith.addi %scan3A_264, %scan3A_298 : i32
      %add3A_300 = vector.broadcast %scan3A_299 : i32 to vector<16xi32>
      %add3A_301 = arith.addi %mul3A_50, %add3A_300 : vector<16xi32>
      %gather3A_302 = tpu.vector_load_idx %arg4[%and3A_42, %add3A_301] : memref<8x2048xf32, #tpu.memory_space<vmem>>[vector<16xi32>, vector<16xi32>], vector<16xf32>,
      %gt3A_303 = arith.cmpf ogt, %gather3A_302, %max3A : vector<16xf32>
      %max3A_304 = arith.maximumf %max3A, %gather3A_302 : vector<16xf32>
      %broadcast_in_dim3A_305 = vector.broadcast %scan3A_299 : i32 to vector<16xi32>
      %select_n3A_306 = arith.select %gt3A_303, %broadcast_in_dim3A_305, %select_n3A_276 : vector<16xi1>, vector<16xi32>
      %add3A_307 = vector.broadcast %scan3A_299 : i32 to vector<16xi32>
      %add3A_308 = arith.addi %mul3A_59, %add3A_307 : vector<16xi32>
      %gather3A_309 = tpu.vector_load_idx %arg4[%and3A_42, %add3A_308] : memref<8x2048xf32, #tpu.memory_space<vmem>>[vector<16xi32>, vector<16xi32>], vector<16xf32>,
      %gt3A_310 = arith.cmpf ogt, %gather3A_309, %max3A_281 : vector<16xf32>
      %max3A_311 = arith.maximumf %max3A_281, %gather3A_309 : vector<16xf32>
      %broadcast_in_dim3A_312 = vector.broadcast %scan3A_299 : i32 to vector<16xi32>
      %select_n3A_313 = arith.select %gt3A_310, %broadcast_in_dim3A_312, %select_n3A_283 : vector<16xi1>, vector<16xi32>
      %add3A_314 = vector.broadcast %scan3A_299 : i32 to vector<16xi32>
      %add3A_315 = arith.addi %mul3A_68, %add3A_314 : vector<16xi32>
      %gather3A_316 = tpu.vector_load_idx %arg4[%and3A_42, %add3A_315] : memref<8x2048xf32, #tpu.memory_space<vmem>>[vector<16xi32>, vector<16xi32>], vector<16xf32>,
      %gt3A_317 = arith.cmpf ogt, %gather3A_316, %max3A_288 : vector<16xf32>
      %max3A_318 = arith.maximumf %max3A_288, %gather3A_316 : vector<16xf32>
      %broadcast_in_dim3A_319 = vector.broadcast %scan3A_299 : i32 to vector<16xi32>
      %select_n3A_320 = arith.select %gt3A_317, %broadcast_in_dim3A_319, %select_n3A_290 : vector<16xi1>, vector<16xi32>
      %add3A_321 = vector.broadcast %scan3A_299 : i32 to vector<16xi32>
      %add3A_322 = arith.addi %mul3A_77, %add3A_321 : vector<16xi32>
      %gather3A_323 = tpu.vector_load_idx %arg4[%and3A_42, %add3A_322] : memref<8x2048xf32, #tpu.memory_space<vmem>>[vector<16xi32>, vector<16xi32>], vector<16xf32>,
      %gt3A_324 = arith.cmpf ogt, %gather3A_323, %max3A_295 : vector<16xf32>
      %max3A_325 = arith.maximumf %max3A_295, %gather3A_323 : vector<16xf32>
      %broadcast_in_dim3A_326 = vector.broadcast %scan3A_299 : i32 to vector<16xi32>
      %select_n3A_327 = arith.select %gt3A_324, %broadcast_in_dim3A_326, %select_n3A_297 : vector<16xi1>, vector<16xi32>
      %scan3A_328 = arith.constant 2 : i32
      %scan3A_329 = arith.addi %scan3A_264, %scan3A_328 : i32
      %add3A_330 = vector.broadcast %scan3A_329 : i32 to vector<16xi32>
      %add3A_331 = arith.addi %mul3A_50, %add3A_330 : vector<16xi32>
      %gather3A_332 = tpu.vector_load_idx %arg4[%and3A_42, %add3A_331] : memref<8x2048xf32, #tpu.memory_space<vmem>>[vector<16xi32>, vector<16xi32>], vector<16xf32>,
      %gt3A_333 = arith.cmpf ogt, %gather3A_332, %max3A_304 : vector<16xf32>
      %max3A_334 = arith.maximumf %max3A_304, %gather3A_332 : vector<16xf32>
      %broadcast_in_dim3A_335 = vector.broadcast %scan3A_329 : i32 to vector<16xi32>
      %select_n3A_336 = arith.select %gt3A_333, %broadcast_in_dim3A_335, %select_n3A_306 : vector<16xi1>, vector<16xi32>
      %add3A_337 = vector.broadcast %scan3A_329 : i32 to vector<16xi32>
      %add3A_338 = arith.addi %mul3A_59, %add3A_337 : vector<16xi32>
      %gather3A_339 = tpu.vector_load_idx %arg4[%and3A_42, %add3A_338] : memref<8x2048xf32, #tpu.memory_space<vmem>>[vector<16xi32>, vector<16xi32>], vector<16xf32>,
      %gt3A_340 = arith.cmpf ogt, %gather3A_339, %max3A_311 : vector<16xf32>
      %max3A_341 = arith.maximumf %max3A_311, %gather3A_339 : vector<16xf32>
      %broadcast_in_dim3A_342 = vector.broadcast %scan3A_329 : i32 to vector<16xi32>
      %select_n3A_343 = arith.select %gt3A_340, %broadcast_in_dim3A_342, %select_n3A_313 : vector<16xi1>, vector<16xi32>
      %add3A_344 = vector.broadcast %scan3A_329 : i32 to vector<16xi32>
      %add3A_345 = arith.addi %mul3A_68, %add3A_344 : vector<16xi32>
      %gather3A_346 = tpu.vector_load_idx %arg4[%and3A_42, %add3A_345] : memref<8x2048xf32, #tpu.memory_space<vmem>>[vector<16xi32>, vector<16xi32>], vector<16xf32>,
      %gt3A_347 = arith.cmpf ogt, %gather3A_346, %max3A_318 : vector<16xf32>
      %max3A_348 = arith.maximumf %max3A_318, %gather3A_346 : vector<16xf32>
      %broadcast_in_dim3A_349 = vector.broadcast %scan3A_329 : i32 to vector<16xi32>
      %select_n3A_350 = arith.select %gt3A_347, %broadcast_in_dim3A_349, %select_n3A_320 : vector<16xi1>, vector<16xi32>
      %add3A_351 = vector.broadcast %scan3A_329 : i32 to vector<16xi32>
      %add3A_352 = arith.addi %mul3A_77, %add3A_351 : vector<16xi32>
      %gather3A_353 = tpu.vector_load_idx %arg4[%and3A_42, %add3A_352] : memref<8x2048xf32, #tpu.memory_space<vmem>>[vector<16xi32>, vector<16xi32>], vector<16xf32>,
      %gt3A_354 = arith.cmpf ogt, %gather3A_353, %max3A_325 : vector<16xf32>
      %max3A_355 = arith.maximumf %max3A_325, %gather3A_353 : vector<16xf32>
      %broadcast_in_dim3A_356 = vector.broadcast %scan3A_329 : i32 to vector<16xi32>
      %select_n3A_357 = arith.select %gt3A_354, %broadcast_in_dim3A_356, %select_n3A_327 : vector<16xi1>, vector<16xi32>
      %scan3A_358 = arith.constant 3 : i32
      %scan3A_359 = arith.addi %scan3A_264, %scan3A_358 : i32
      %add3A_360 = vector.broadcast %scan3A_359 : i32 to vector<16xi32>
      %add3A_361 = arith.addi %mul3A_50, %add3A_360 : vector<16xi32>
      %gather3A_362 = tpu.vector_load_idx %arg4[%and3A_42, %add3A_361] : memref<8x2048xf32, #tpu.memory_space<vmem>>[vector<16xi32>, vector<16xi32>], vector<16xf32>,
      %gt3A_363 = arith.cmpf ogt, %gather3A_362, %max3A_334 : vector<16xf32>
      %max3A_364 = arith.maximumf %max3A_334, %gather3A_362 : vector<16xf32>
      %broadcast_in_dim3A_365 = vector.broadcast %scan3A_359 : i32 to vector<16xi32>
      %select_n3A_366 = arith.select %gt3A_363, %broadcast_in_dim3A_365, %select_n3A_336 : vector<16xi1>, vector<16xi32>
      %add3A_367 = vector.broadcast %scan3A_359 : i32 to vector<16xi32>
      %add3A_368 = arith.addi %mul3A_59, %add3A_367 : vector<16xi32>
      %gather3A_369 = tpu.vector_load_idx %arg4[%and3A_42, %add3A_368] : memref<8x2048xf32, #tpu.memory_space<vmem>>[vector<16xi32>, vector<16xi32>], vector<16xf32>,
      %gt3A_370 = arith.cmpf ogt, %gather3A_369, %max3A_341 : vector<16xf32>
      %max3A_371 = arith.maximumf %max3A_341, %gather3A_369 : vector<16xf32>
      %broadcast_in_dim3A_372 = vector.broadcast %scan3A_359 : i32 to vector<16xi32>
      %select_n3A_373 = arith.select %gt3A_370, %broadcast_in_dim3A_372, %select_n3A_343 : vector<16xi1>, vector<16xi32>
      %add3A_374 = vector.broadcast %scan3A_359 : i32 to vector<16xi32>
      %add3A_375 = arith.addi %mul3A_68, %add3A_374 : vector<16xi32>
      %gather3A_376 = tpu.vector_load_idx %arg4[%and3A_42, %add3A_375] : memref<8x2048xf32, #tpu.memory_space<vmem>>[vector<16xi32>, vector<16xi32>], vector<16xf32>,
      %gt3A_377 = arith.cmpf ogt, %gather3A_376, %max3A_348 : vector<16xf32>
      %max3A_378 = arith.maximumf %max3A_348, %gather3A_376 : vector<16xf32>
      %broadcast_in_dim3A_379 = vector.broadcast %scan3A_359 : i32 to vector<16xi32>
      %select_n3A_380 = arith.select %gt3A_377, %broadcast_in_dim3A_379, %select_n3A_350 : vector<16xi1>, vector<16xi32>
      %add3A_381 = vector.broadcast %scan3A_359 : i32 to vector<16xi32>
      %add3A_382 = arith.addi %mul3A_77, %add3A_381 : vector<16xi32>
      %gather3A_383 = tpu.vector_load_idx %arg4[%and3A_42, %add3A_382] : memref<8x2048xf32, #tpu.memory_space<vmem>>[vector<16xi32>, vector<16xi32>], vector<16xf32>,
      %gt3A_384 = arith.cmpf ogt, %gather3A_383, %max3A_355 : vector<16xf32>
      %max3A_385 = arith.maximumf %max3A_355, %gather3A_383 : vector<16xf32>
      %broadcast_in_dim3A_386 = vector.broadcast %scan3A_359 : i32 to vector<16xi32>
      %select_n3A_387 = arith.select %gt3A_384, %broadcast_in_dim3A_386, %select_n3A_357 : vector<16xi1>, vector<16xi32>
      %scan3A_388 = arith.constant 4 : i32
      %scan3A_389 = arith.addi %scan3A_264, %scan3A_388 : i32
      %add3A_390 = vector.broadcast %scan3A_389 : i32 to vector<16xi32>
      %add3A_391 = arith.addi %mul3A_50, %add3A_390 : vector<16xi32>
      %gather3A_392 = tpu.vector_load_idx %arg4[%and3A_42, %add3A_391] : memref<8x2048xf32, #tpu.memory_space<vmem>>[vector<16xi32>, vector<16xi32>], vector<16xf32>,
      %gt3A_393 = arith.cmpf ogt, %gather3A_392, %max3A_364 : vector<16xf32>
      %max3A_394 = arith.maximumf %max3A_364, %gather3A_392 : vector<16xf32>
      %broadcast_in_dim3A_395 = vector.broadcast %scan3A_389 : i32 to vector<16xi32>
      %select_n3A_396 = arith.select %gt3A_393, %broadcast_in_dim3A_395, %select_n3A_366 : vector<16xi1>, vector<16xi32>
      %add3A_397 = vector.broadcast %scan3A_389 : i32 to vector<16xi32>
      %add3A_398 = arith.addi %mul3A_59, %add3A_397 : vector<16xi32>
      %gather3A_399 = tpu.vector_load_idx %arg4[%and3A_42, %add3A_398] : memref<8x2048xf32, #tpu.memory_space<vmem>>[vector<16xi32>, vector<16xi32>], vector<16xf32>,
      %gt3A_400 = arith.cmpf ogt, %gather3A_399, %max3A_371 : vector<16xf32>
      %max3A_401 = arith.maximumf %max3A_371, %gather3A_399 : vector<16xf32>
      %broadcast_in_dim3A_402 = vector.broadcast %scan3A_389 : i32 to vector<16xi32>
      %select_n3A_403 = arith.select %gt3A_400, %broadcast_in_dim3A_402, %select_n3A_373 : vector<16xi1>, vector<16xi32>
      %add3A_404 = vector.broadcast %scan3A_389 : i32 to vector<16xi32>
      %add3A_405 = arith.addi %mul3A_68, %add3A_404 : vector<16xi32>
      %gather3A_406 = tpu.vector_load_idx %arg4[%and3A_42, %add3A_405] : memref<8x2048xf32, #tpu.memory_space<vmem>>[vector<16xi32>, vector<16xi32>], vector<16xf32>,
      %gt3A_407 = arith.cmpf ogt, %gather3A_406, %max3A_378 : vector<16xf32>
      %max3A_408 = arith.maximumf %max3A_378, %gather3A_406 : vector<16xf32>
      %broadcast_in_dim3A_409 = vector.broadcast %scan3A_389 : i32 to vector<16xi32>
      %select_n3A_410 = arith.select %gt3A_407, %broadcast_in_dim3A_409, %select_n3A_380 : vector<16xi1>, vector<16xi32>
      %add3A_411 = vector.broadcast %scan3A_389 : i32 to vector<16xi32>
      %add3A_412 = arith.addi %mul3A_77, %add3A_411 : vector<16xi32>
      %gather3A_413 = tpu.vector_load_idx %arg4[%and3A_42, %add3A_412] : memref<8x2048xf32, #tpu.memory_space<vmem>>[vector<16xi32>, vector<16xi32>], vector<16xf32>,
      %gt3A_414 = arith.cmpf ogt, %gather3A_413, %max3A_385 : vector<16xf32>
      %max3A_415 = arith.maximumf %max3A_385, %gather3A_413 : vector<16xf32>
      %broadcast_in_dim3A_416 = vector.broadcast %scan3A_389 : i32 to vector<16xi32>
      %select_n3A_417 = arith.select %gt3A_414, %broadcast_in_dim3A_416, %select_n3A_387 : vector<16xi1>, vector<16xi32>
      %scan3A_418 = arith.constant 5 : i32
      %scan3A_419 = arith.addi %scan3A_264, %scan3A_418 : i32
      %add3A_420 = vector.broadcast %scan3A_419 : i32 to vector<16xi32>
      %add3A_421 = arith.addi %mul3A_50, %add3A_420 : vector<16xi32>
      %gather3A_422 = tpu.vector_load_idx %arg4[%and3A_42, %add3A_421] : memref<8x2048xf32, #tpu.memory_space<vmem>>[vector<16xi32>, vector<16xi32>], vector<16xf32>,
      %gt3A_423 = arith.cmpf ogt, %gather3A_422, %max3A_394 : vector<16xf32>
      %max3A_424 = arith.maximumf %max3A_394, %gather3A_422 : vector<16xf32>
      %broadcast_in_dim3A_425 = vector.broadcast %scan3A_419 : i32 to vector<16xi32>
      %select_n3A_426 = arith.select %gt3A_423, %broadcast_in_dim3A_425, %select_n3A_396 : vector<16xi1>, vector<16xi32>
      %add3A_427 = vector.broadcast %scan3A_419 : i32 to vector<16xi32>
      %add3A_428 = arith.addi %mul3A_59, %add3A_427 : vector<16xi32>
      %gather3A_429 = tpu.vector_load_idx %arg4[%and3A_42, %add3A_428] : memref<8x2048xf32, #tpu.memory_space<vmem>>[vector<16xi32>, vector<16xi32>], vector<16xf32>,
      %gt3A_430 = arith.cmpf ogt, %gather3A_429, %max3A_401 : vector<16xf32>
      %max3A_431 = arith.maximumf %max3A_401, %gather3A_429 : vector<16xf32>
      %broadcast_in_dim3A_432 = vector.broadcast %scan3A_419 : i32 to vector<16xi32>
      %select_n3A_433 = arith.select %gt3A_430, %broadcast_in_dim3A_432, %select_n3A_403 : vector<16xi1>, vector<16xi32>
      %add3A_434 = vector.broadcast %scan3A_419 : i32 to vector<16xi32>
      %add3A_435 = arith.addi %mul3A_68, %add3A_434 : vector<16xi32>
      %gather3A_436 = tpu.vector_load_idx %arg4[%and3A_42, %add3A_435] : memref<8x2048xf32, #tpu.memory_space<vmem>>[vector<16xi32>, vector<16xi32>], vector<16xf32>,
      %gt3A_437 = arith.cmpf ogt, %gather3A_436, %max3A_408 : vector<16xf32>
      %max3A_438 = arith.maximumf %max3A_408, %gather3A_436 : vector<16xf32>
      %broadcast_in_dim3A_439 = vector.broadcast %scan3A_419 : i32 to vector<16xi32>
      %select_n3A_440 = arith.select %gt3A_437, %broadcast_in_dim3A_439, %select_n3A_410 : vector<16xi1>, vector<16xi32>
      %add3A_441 = vector.broadcast %scan3A_419 : i32 to vector<16xi32>
      %add3A_442 = arith.addi %mul3A_77, %add3A_441 : vector<16xi32>
      %gather3A_443 = tpu.vector_load_idx %arg4[%and3A_42, %add3A_442] : memref<8x2048xf32, #tpu.memory_space<vmem>>[vector<16xi32>, vector<16xi32>], vector<16xf32>,
      %gt3A_444 = arith.cmpf ogt, %gather3A_443, %max3A_415 : vector<16xf32>
      %max3A_445 = arith.maximumf %max3A_415, %gather3A_443 : vector<16xf32>
      %broadcast_in_dim3A_446 = vector.broadcast %scan3A_419 : i32 to vector<16xi32>
      %select_n3A_447 = arith.select %gt3A_444, %broadcast_in_dim3A_446, %select_n3A_417 : vector<16xi1>, vector<16xi32>
      %scan3A_448 = arith.constant 6 : i32
      %scan3A_449 = arith.addi %scan3A_264, %scan3A_448 : i32
      %add3A_450 = vector.broadcast %scan3A_449 : i32 to vector<16xi32>
      %add3A_451 = arith.addi %mul3A_50, %add3A_450 : vector<16xi32>
      %gather3A_452 = tpu.vector_load_idx %arg4[%and3A_42, %add3A_451] : memref<8x2048xf32, #tpu.memory_space<vmem>>[vector<16xi32>, vector<16xi32>], vector<16xf32>,
      %gt3A_453 = arith.cmpf ogt, %gather3A_452, %max3A_424 : vector<16xf32>
      %max3A_454 = arith.maximumf %max3A_424, %gather3A_452 : vector<16xf32>
      %broadcast_in_dim3A_455 = vector.broadcast %scan3A_449 : i32 to vector<16xi32>
      %select_n3A_456 = arith.select %gt3A_453, %broadcast_in_dim3A_455, %select_n3A_426 : vector<16xi1>, vector<16xi32>
      %add3A_457 = vector.broadcast %scan3A_449 : i32 to vector<16xi32>
      %add3A_458 = arith.addi %mul3A_59, %add3A_457 : vector<16xi32>
      %gather3A_459 = tpu.vector_load_idx %arg4[%and3A_42, %add3A_458] : memref<8x2048xf32, #tpu.memory_space<vmem>>[vector<16xi32>, vector<16xi32>], vector<16xf32>,
      %gt3A_460 = arith.cmpf ogt, %gather3A_459, %max3A_431 : vector<16xf32>
      %max3A_461 = arith.maximumf %max3A_431, %gather3A_459 : vector<16xf32>
      %broadcast_in_dim3A_462 = vector.broadcast %scan3A_449 : i32 to vector<16xi32>
      %select_n3A_463 = arith.select %gt3A_460, %broadcast_in_dim3A_462, %select_n3A_433 : vector<16xi1>, vector<16xi32>
      %add3A_464 = vector.broadcast %scan3A_449 : i32 to vector<16xi32>
      %add3A_465 = arith.addi %mul3A_68, %add3A_464 : vector<16xi32>
      %gather3A_466 = tpu.vector_load_idx %arg4[%and3A_42, %add3A_465] : memref<8x2048xf32, #tpu.memory_space<vmem>>[vector<16xi32>, vector<16xi32>], vector<16xf32>,
      %gt3A_467 = arith.cmpf ogt, %gather3A_466, %max3A_438 : vector<16xf32>
      %max3A_468 = arith.maximumf %max3A_438, %gather3A_466 : vector<16xf32>
      %broadcast_in_dim3A_469 = vector.broadcast %scan3A_449 : i32 to vector<16xi32>
      %select_n3A_470 = arith.select %gt3A_467, %broadcast_in_dim3A_469, %select_n3A_440 : vector<16xi1>, vector<16xi32>
      %add3A_471 = vector.broadcast %scan3A_449 : i32 to vector<16xi32>
      %add3A_472 = arith.addi %mul3A_77, %add3A_471 : vector<16xi32>
      %gather3A_473 = tpu.vector_load_idx %arg4[%and3A_42, %add3A_472] : memref<8x2048xf32, #tpu.memory_space<vmem>>[vector<16xi32>, vector<16xi32>], vector<16xf32>,
      %gt3A_474 = arith.cmpf ogt, %gather3A_473, %max3A_445 : vector<16xf32>
      %max3A_475 = arith.maximumf %max3A_445, %gather3A_473 : vector<16xf32>
      %broadcast_in_dim3A_476 = vector.broadcast %scan3A_449 : i32 to vector<16xi32>
      %select_n3A_477 = arith.select %gt3A_474, %broadcast_in_dim3A_476, %select_n3A_447 : vector<16xi1>, vector<16xi32>
      %scan3A_478 = arith.constant 7 : i32
      %scan3A_479 = arith.addi %scan3A_264, %scan3A_478 : i32
      %add3A_480 = vector.broadcast %scan3A_479 : i32 to vector<16xi32>
      %add3A_481 = arith.addi %mul3A_50, %add3A_480 : vector<16xi32>
      %gather3A_482 = tpu.vector_load_idx %arg4[%and3A_42, %add3A_481] : memref<8x2048xf32, #tpu.memory_space<vmem>>[vector<16xi32>, vector<16xi32>], vector<16xf32>,
      %gt3A_483 = arith.cmpf ogt, %gather3A_482, %max3A_454 : vector<16xf32>
      %max3A_484 = arith.maximumf %max3A_454, %gather3A_482 : vector<16xf32>
      %broadcast_in_dim3A_485 = vector.broadcast %scan3A_479 : i32 to vector<16xi32>
      %select_n3A_486 = arith.select %gt3A_483, %broadcast_in_dim3A_485, %select_n3A_456 : vector<16xi1>, vector<16xi32>
      %add3A_487 = vector.broadcast %scan3A_479 : i32 to vector<16xi32>
      %add3A_488 = arith.addi %mul3A_59, %add3A_487 : vector<16xi32>
      %gather3A_489 = tpu.vector_load_idx %arg4[%and3A_42, %add3A_488] : memref<8x2048xf32, #tpu.memory_space<vmem>>[vector<16xi32>, vector<16xi32>], vector<16xf32>,
      %gt3A_490 = arith.cmpf ogt, %gather3A_489, %max3A_461 : vector<16xf32>
      %max3A_491 = arith.maximumf %max3A_461, %gather3A_489 : vector<16xf32>
      %broadcast_in_dim3A_492 = vector.broadcast %scan3A_479 : i32 to vector<16xi32>
      %select_n3A_493 = arith.select %gt3A_490, %broadcast_in_dim3A_492, %select_n3A_463 : vector<16xi1>, vector<16xi32>
      %add3A_494 = vector.broadcast %scan3A_479 : i32 to vector<16xi32>
      %add3A_495 = arith.addi %mul3A_68, %add3A_494 : vector<16xi32>
      %gather3A_496 = tpu.vector_load_idx %arg4[%and3A_42, %add3A_495] : memref<8x2048xf32, #tpu.memory_space<vmem>>[vector<16xi32>, vector<16xi32>], vector<16xf32>,
      %gt3A_497 = arith.cmpf ogt, %gather3A_496, %max3A_468 : vector<16xf32>
      %max3A_498 = arith.maximumf %max3A_468, %gather3A_496 : vector<16xf32>
      %broadcast_in_dim3A_499 = vector.broadcast %scan3A_479 : i32 to vector<16xi32>
      %select_n3A_500 = arith.select %gt3A_497, %broadcast_in_dim3A_499, %select_n3A_470 : vector<16xi1>, vector<16xi32>
      %add3A_501 = vector.broadcast %scan3A_479 : i32 to vector<16xi32>
      %add3A_502 = arith.addi %mul3A_77, %add3A_501 : vector<16xi32>
      %gather3A_503 = tpu.vector_load_idx %arg4[%and3A_42, %add3A_502] : memref<8x2048xf32, #tpu.memory_space<vmem>>[vector<16xi32>, vector<16xi32>], vector<16xf32>,
      %gt3A_504 = arith.cmpf ogt, %gather3A_503, %max3A_475 : vector<16xf32>
      %max3A_505 = arith.maximumf %max3A_475, %gather3A_503 : vector<16xf32>
      %broadcast_in_dim3A_506 = vector.broadcast %scan3A_479 : i32 to vector<16xi32>
      %select_n3A_507 = arith.select %gt3A_504, %broadcast_in_dim3A_506, %select_n3A_477 : vector<16xi1>, vector<16xi32>
      scf.yield %max3A_484, %max3A_491, %max3A_498, %max3A_505, %select_n3A_486, %select_n3A_493, %select_n3A_500, %select_n3A_507 : vector<16xf32>, vector<16xf32>, vector<16xf32>, vector<16xf32>, vector<16xi32>, vector<16xi32>, vector<16xi32>, vector<16xi32>
    }
    %scan3A_233 = arith.constant 256 : i32
    %add3A_234 = arith.addi %mul3A_50, %scan3A_232#4 : vector<16xi32>
    %add3A_235 = arith.addi %mul3A_59, %scan3A_232#5 : vector<16xi32>
    %add3A_236 = arith.addi %mul3A_68, %scan3A_232#6 : vector<16xi32>
    %add3A_237 = arith.addi %mul3A_77, %scan3A_232#7 : vector<16xi32>
    tpu.vector_store_idx %arg6[%and3A_42, %add3A_234], %broadcast_in_dim3A_37 : memref<8x2048xf32, #tpu.memory_space<vmem>>[vector<16xi32>, vector<16xi32>], vector<16xf32>,
    tpu.vector_store_idx %arg6[%and3A_42, %add3A_235], %broadcast_in_dim3A_37 : memref<8x2048xf32, #tpu.memory_space<vmem>>[vector<16xi32>, vector<16xi32>], vector<16xf32>,
    tpu.vector_store_idx %arg6[%and3A_42, %add3A_236], %broadcast_in_dim3A_37 : memref<8x2048xf32, #tpu.memory_space<vmem>>[vector<16xi32>, vector<16xi32>], vector<16xf32>,
    tpu.vector_store_idx %arg6[%and3A_42, %add3A_237], %broadcast_in_dim3A_37 : memref<8x2048xf32, #tpu.memory_space<vmem>>[vector<16xi32>, vector<16xi32>], vector<16xf32>,
    %add3A_238 = arith.constant 12288 : i32
    %add3A_239 = arith.addi %mul3A_34, %add3A_238 : i32
    %dma_start3A_240 = tpu.memref_slice %arg3[%mul3A_11, %add3A_239] : memref<128x32768xf32, #tpu.memory_space<hbm>> -> memref<8x2048xf32, #tpu.memory_space<hbm>>
    %dma_start3A_241 = tpu.memref_slice %arg3[%mul3A_11, %add3A_239] : memref<128x32768xf32, #tpu.memory_space<hbm>> -> memref<8x2048xf32, #tpu.memory_space<hbm>>
    tpu.enqueue_dma source(%arg6 : memref<8x2048xf32, #tpu.memory_space<vmem>>) target(%dma_start3A_241 : memref<8x2048xf32, #tpu.memory_space<hbm>>) target_semaphore(%arg10 : memref<!tpu.dma_semaphore, #tpu.memory_space<semaphore_mem>>)
    %dma_wait3A_242 = tpu.memref_slice %arg2[%mul3A_11, %add3A_221] : memref<128x32768xf32, #tpu.memory_space<hbm>> -> memref<8x2048xf32, #tpu.memory_space<hbm>>
    %dma_wait3A_243 = tpu.memref_slice %arg2[%mul3A_11, %add3A_221] : memref<128x32768xf32, #tpu.memory_space<hbm>> -> memref<8x2048xf32, #tpu.memory_space<hbm>>
    tpu.wait_dma2 semaphore(%arg9 : memref<!tpu.dma_semaphore, #tpu.memory_space<semaphore_mem>>) src(%dma_wait3A_243 : memref<8x2048xf32, #tpu.memory_space<hbm>>) dst(%arg5 : memref<8x2048xf32, #tpu.memory_space<vmem>>)
    %dma_wait3A_244 = tpu.memref_slice %arg3[%mul3A_11, %add3A_217] : memref<128x32768xf32, #tpu.memory_space<hbm>> -> memref<8x2048xf32, #tpu.memory_space<hbm>>
    %dma_wait3A_245 = tpu.memref_slice %arg3[%mul3A_11, %add3A_217] : memref<128x32768xf32, #tpu.memory_space<hbm>> -> memref<8x2048xf32, #tpu.memory_space<hbm>>
    tpu.wait_dma2 semaphore(%arg11 : memref<!tpu.dma_semaphore, #tpu.memory_space<semaphore_mem>>) src(%arg7 : memref<8x2048xf32, #tpu.memory_space<vmem>>) dst(%dma_wait3A_245 : memref<8x2048xf32, #tpu.memory_space<hbm>>)
    tpu.vector_store_idx %arg7[%and3A_42, %add3A_212], %broadcast_in_dim3A_35 : memref<8x2048xf32, #tpu.memory_space<vmem>>[vector<16xi32>, vector<16xi32>], vector<16xf32>,
    tpu.vector_store_idx %arg7[%and3A_42, %add3A_213], %broadcast_in_dim3A_35 : memref<8x2048xf32, #tpu.memory_space<vmem>>[vector<16xi32>, vector<16xi32>], vector<16xf32>,
    tpu.vector_store_idx %arg7[%and3A_42, %add3A_214], %broadcast_in_dim3A_35 : memref<8x2048xf32, #tpu.memory_space<vmem>>[vector<16xi32>, vector<16xi32>], vector<16xf32>,
    tpu.vector_store_idx %arg7[%and3A_42, %add3A_215], %broadcast_in_dim3A_35 : memref<8x2048xf32, #tpu.memory_space<vmem>>[vector<16xi32>, vector<16xi32>], vector<16xf32>,
    %scan3A_246 = arith.constant 0 : i32
    %scan3A_247 = arith.constant 256 : i32
    %scan3A_248 = arith.addi %scan3A_246, %scan3A_247 : i32
    %scan3A_249 = arith.constant 8 : i32
    %scan3A_250:8 = scf.for %scan3A_264 = %scan3A_246 to %scan3A_248 step %scan3A_249 iter_args(%scan3A_265 = %broadcast_in_dim3A_39, %scan3A_266 = %broadcast_in_dim3A_39, %scan3A_267 = %broadcast_in_dim3A_39, %scan3A_268 = %broadcast_in_dim3A_39, %scan3A_269 = %broadcast_in_dim3A_86, %scan3A_270 = %broadcast_in_dim3A_88, %scan3A_271 = %broadcast_in_dim3A_90, %scan3A_272 = %broadcast_in_dim3A_92) -> (vector<16xf32>, vector<16xf32>, vector<16xf32>, vector<16xf32>, vector<16xi32>, vector<16xi32>, vector<16xi32>, vector<16xi32>)  : i32 {
      %add3A_273 = vector.broadcast %scan3A_264 : i32 to vector<16xi32>
      %add3A_274 = arith.addi %mul3A_50, %add3A_273 : vector<16xi32>
      %gather3A = tpu.vector_load_idx %arg5[%and3A_42, %add3A_274] : memref<8x2048xf32, #tpu.memory_space<vmem>>[vector<16xi32>, vector<16xi32>], vector<16xf32>,
      %gt3A = arith.cmpf ogt, %gather3A, %scan3A_265 : vector<16xf32>
      %max3A = arith.maximumf %scan3A_265, %gather3A : vector<16xf32>
      %broadcast_in_dim3A_275 = vector.broadcast %scan3A_264 : i32 to vector<16xi32>
      %select_n3A_276 = arith.select %gt3A, %broadcast_in_dim3A_275, %scan3A_269 : vector<16xi1>, vector<16xi32>
      %add3A_277 = vector.broadcast %scan3A_264 : i32 to vector<16xi32>
      %add3A_278 = arith.addi %mul3A_59, %add3A_277 : vector<16xi32>
      %gather3A_279 = tpu.vector_load_idx %arg5[%and3A_42, %add3A_278] : memref<8x2048xf32, #tpu.memory_space<vmem>>[vector<16xi32>, vector<16xi32>], vector<16xf32>,
      %gt3A_280 = arith.cmpf ogt, %gather3A_279, %scan3A_266 : vector<16xf32>
      %max3A_281 = arith.maximumf %scan3A_266, %gather3A_279 : vector<16xf32>
      %broadcast_in_dim3A_282 = vector.broadcast %scan3A_264 : i32 to vector<16xi32>
      %select_n3A_283 = arith.select %gt3A_280, %broadcast_in_dim3A_282, %scan3A_270 : vector<16xi1>, vector<16xi32>
      %add3A_284 = vector.broadcast %scan3A_264 : i32 to vector<16xi32>
      %add3A_285 = arith.addi %mul3A_68, %add3A_284 : vector<16xi32>
      %gather3A_286 = tpu.vector_load_idx %arg5[%and3A_42, %add3A_285] : memref<8x2048xf32, #tpu.memory_space<vmem>>[vector<16xi32>, vector<16xi32>], vector<16xf32>,
      %gt3A_287 = arith.cmpf ogt, %gather3A_286, %scan3A_267 : vector<16xf32>
      %max3A_288 = arith.maximumf %scan3A_267, %gather3A_286 : vector<16xf32>
      %broadcast_in_dim3A_289 = vector.broadcast %scan3A_264 : i32 to vector<16xi32>
      %select_n3A_290 = arith.select %gt3A_287, %broadcast_in_dim3A_289, %scan3A_271 : vector<16xi1>, vector<16xi32>
      %add3A_291 = vector.broadcast %scan3A_264 : i32 to vector<16xi32>
      %add3A_292 = arith.addi %mul3A_77, %add3A_291 : vector<16xi32>
      %gather3A_293 = tpu.vector_load_idx %arg5[%and3A_42, %add3A_292] : memref<8x2048xf32, #tpu.memory_space<vmem>>[vector<16xi32>, vector<16xi32>], vector<16xf32>,
      %gt3A_294 = arith.cmpf ogt, %gather3A_293, %scan3A_268 : vector<16xf32>
      %max3A_295 = arith.maximumf %scan3A_268, %gather3A_293 : vector<16xf32>
      %broadcast_in_dim3A_296 = vector.broadcast %scan3A_264 : i32 to vector<16xi32>
      %select_n3A_297 = arith.select %gt3A_294, %broadcast_in_dim3A_296, %scan3A_272 : vector<16xi1>, vector<16xi32>
      %scan3A_298 = arith.constant 1 : i32
      %scan3A_299 = arith.addi %scan3A_264, %scan3A_298 : i32
      %add3A_300 = vector.broadcast %scan3A_299 : i32 to vector<16xi32>
      %add3A_301 = arith.addi %mul3A_50, %add3A_300 : vector<16xi32>
      %gather3A_302 = tpu.vector_load_idx %arg5[%and3A_42, %add3A_301] : memref<8x2048xf32, #tpu.memory_space<vmem>>[vector<16xi32>, vector<16xi32>], vector<16xf32>,
      %gt3A_303 = arith.cmpf ogt, %gather3A_302, %max3A : vector<16xf32>
      %max3A_304 = arith.maximumf %max3A, %gather3A_302 : vector<16xf32>
      %broadcast_in_dim3A_305 = vector.broadcast %scan3A_299 : i32 to vector<16xi32>
      %select_n3A_306 = arith.select %gt3A_303, %broadcast_in_dim3A_305, %select_n3A_276 : vector<16xi1>, vector<16xi32>
      %add3A_307 = vector.broadcast %scan3A_299 : i32 to vector<16xi32>
      %add3A_308 = arith.addi %mul3A_59, %add3A_307 : vector<16xi32>
      %gather3A_309 = tpu.vector_load_idx %arg5[%and3A_42, %add3A_308] : memref<8x2048xf32, #tpu.memory_space<vmem>>[vector<16xi32>, vector<16xi32>], vector<16xf32>,
      %gt3A_310 = arith.cmpf ogt, %gather3A_309, %max3A_281 : vector<16xf32>
      %max3A_311 = arith.maximumf %max3A_281, %gather3A_309 : vector<16xf32>
      %broadcast_in_dim3A_312 = vector.broadcast %scan3A_299 : i32 to vector<16xi32>
      %select_n3A_313 = arith.select %gt3A_310, %broadcast_in_dim3A_312, %select_n3A_283 : vector<16xi1>, vector<16xi32>
      %add3A_314 = vector.broadcast %scan3A_299 : i32 to vector<16xi32>
      %add3A_315 = arith.addi %mul3A_68, %add3A_314 : vector<16xi32>
      %gather3A_316 = tpu.vector_load_idx %arg5[%and3A_42, %add3A_315] : memref<8x2048xf32, #tpu.memory_space<vmem>>[vector<16xi32>, vector<16xi32>], vector<16xf32>,
      %gt3A_317 = arith.cmpf ogt, %gather3A_316, %max3A_288 : vector<16xf32>
      %max3A_318 = arith.maximumf %max3A_288, %gather3A_316 : vector<16xf32>
      %broadcast_in_dim3A_319 = vector.broadcast %scan3A_299 : i32 to vector<16xi32>
      %select_n3A_320 = arith.select %gt3A_317, %broadcast_in_dim3A_319, %select_n3A_290 : vector<16xi1>, vector<16xi32>
      %add3A_321 = vector.broadcast %scan3A_299 : i32 to vector<16xi32>
      %add3A_322 = arith.addi %mul3A_77, %add3A_321 : vector<16xi32>
      %gather3A_323 = tpu.vector_load_idx %arg5[%and3A_42, %add3A_322] : memref<8x2048xf32, #tpu.memory_space<vmem>>[vector<16xi32>, vector<16xi32>], vector<16xf32>,
      %gt3A_324 = arith.cmpf ogt, %gather3A_323, %max3A_295 : vector<16xf32>
      %max3A_325 = arith.maximumf %max3A_295, %gather3A_323 : vector<16xf32>
      %broadcast_in_dim3A_326 = vector.broadcast %scan3A_299 : i32 to vector<16xi32>
      %select_n3A_327 = arith.select %gt3A_324, %broadcast_in_dim3A_326, %select_n3A_297 : vector<16xi1>, vector<16xi32>
      %scan3A_328 = arith.constant 2 : i32
      %scan3A_329 = arith.addi %scan3A_264, %scan3A_328 : i32
      %add3A_330 = vector.broadcast %scan3A_329 : i32 to vector<16xi32>
      %add3A_331 = arith.addi %mul3A_50, %add3A_330 : vector<16xi32>
      %gather3A_332 = tpu.vector_load_idx %arg5[%and3A_42, %add3A_331] : memref<8x2048xf32, #tpu.memory_space<vmem>>[vector<16xi32>, vector<16xi32>], vector<16xf32>,
      %gt3A_333 = arith.cmpf ogt, %gather3A_332, %max3A_304 : vector<16xf32>
      %max3A_334 = arith.maximumf %max3A_304, %gather3A_332 : vector<16xf32>
      %broadcast_in_dim3A_335 = vector.broadcast %scan3A_329 : i32 to vector<16xi32>
      %select_n3A_336 = arith.select %gt3A_333, %broadcast_in_dim3A_335, %select_n3A_306 : vector<16xi1>, vector<16xi32>
      %add3A_337 = vector.broadcast %scan3A_329 : i32 to vector<16xi32>
      %add3A_338 = arith.addi %mul3A_59, %add3A_337 : vector<16xi32>
      %gather3A_339 = tpu.vector_load_idx %arg5[%and3A_42, %add3A_338] : memref<8x2048xf32, #tpu.memory_space<vmem>>[vector<16xi32>, vector<16xi32>], vector<16xf32>,
      %gt3A_340 = arith.cmpf ogt, %gather3A_339, %max3A_311 : vector<16xf32>
      %max3A_341 = arith.maximumf %max3A_311, %gather3A_339 : vector<16xf32>
      %broadcast_in_dim3A_342 = vector.broadcast %scan3A_329 : i32 to vector<16xi32>
      %select_n3A_343 = arith.select %gt3A_340, %broadcast_in_dim3A_342, %select_n3A_313 : vector<16xi1>, vector<16xi32>
      %add3A_344 = vector.broadcast %scan3A_329 : i32 to vector<16xi32>
      %add3A_345 = arith.addi %mul3A_68, %add3A_344 : vector<16xi32>
      %gather3A_346 = tpu.vector_load_idx %arg5[%and3A_42, %add3A_345] : memref<8x2048xf32, #tpu.memory_space<vmem>>[vector<16xi32>, vector<16xi32>], vector<16xf32>,
      %gt3A_347 = arith.cmpf ogt, %gather3A_346, %max3A_318 : vector<16xf32>
      %max3A_348 = arith.maximumf %max3A_318, %gather3A_346 : vector<16xf32>
      %broadcast_in_dim3A_349 = vector.broadcast %scan3A_329 : i32 to vector<16xi32>
      %select_n3A_350 = arith.select %gt3A_347, %broadcast_in_dim3A_349, %select_n3A_320 : vector<16xi1>, vector<16xi32>
      %add3A_351 = vector.broadcast %scan3A_329 : i32 to vector<16xi32>
      %add3A_352 = arith.addi %mul3A_77, %add3A_351 : vector<16xi32>
      %gather3A_353 = tpu.vector_load_idx %arg5[%and3A_42, %add3A_352] : memref<8x2048xf32, #tpu.memory_space<vmem>>[vector<16xi32>, vector<16xi32>], vector<16xf32>,
      %gt3A_354 = arith.cmpf ogt, %gather3A_353, %max3A_325 : vector<16xf32>
      %max3A_355 = arith.maximumf %max3A_325, %gather3A_353 : vector<16xf32>
      %broadcast_in_dim3A_356 = vector.broadcast %scan3A_329 : i32 to vector<16xi32>
      %select_n3A_357 = arith.select %gt3A_354, %broadcast_in_dim3A_356, %select_n3A_327 : vector<16xi1>, vector<16xi32>
      %scan3A_358 = arith.constant 3 : i32
      %scan3A_359 = arith.addi %scan3A_264, %scan3A_358 : i32
      %add3A_360 = vector.broadcast %scan3A_359 : i32 to vector<16xi32>
      %add3A_361 = arith.addi %mul3A_50, %add3A_360 : vector<16xi32>
      %gather3A_362 = tpu.vector_load_idx %arg5[%and3A_42, %add3A_361] : memref<8x2048xf32, #tpu.memory_space<vmem>>[vector<16xi32>, vector<16xi32>], vector<16xf32>,
      %gt3A_363 = arith.cmpf ogt, %gather3A_362, %max3A_334 : vector<16xf32>
      %max3A_364 = arith.maximumf %max3A_334, %gather3A_362 : vector<16xf32>
      %broadcast_in_dim3A_365 = vector.broadcast %scan3A_359 : i32 to vector<16xi32>
      %select_n3A_366 = arith.select %gt3A_363, %broadcast_in_dim3A_365, %select_n3A_336 : vector<16xi1>, vector<16xi32>
      %add3A_367 = vector.broadcast %scan3A_359 : i32 to vector<16xi32>
      %add3A_368 = arith.addi %mul3A_59, %add3A_367 : vector<16xi32>
      %gather3A_369 = tpu.vector_load_idx %arg5[%and3A_42, %add3A_368] : memref<8x2048xf32, #tpu.memory_space<vmem>>[vector<16xi32>, vector<16xi32>], vector<16xf32>,
      %gt3A_370 = arith.cmpf ogt, %gather3A_369, %max3A_341 : vector<16xf32>
      %max3A_371 = arith.maximumf %max3A_341, %gather3A_369 : vector<16xf32>
      %broadcast_in_dim3A_372 = vector.broadcast %scan3A_359 : i32 to vector<16xi32>
      %select_n3A_373 = arith.select %gt3A_370, %broadcast_in_dim3A_372, %select_n3A_343 : vector<16xi1>, vector<16xi32>
      %add3A_374 = vector.broadcast %scan3A_359 : i32 to vector<16xi32>
      %add3A_375 = arith.addi %mul3A_68, %add3A_374 : vector<16xi32>
      %gather3A_376 = tpu.vector_load_idx %arg5[%and3A_42, %add3A_375] : memref<8x2048xf32, #tpu.memory_space<vmem>>[vector<16xi32>, vector<16xi32>], vector<16xf32>,
      %gt3A_377 = arith.cmpf ogt, %gather3A_376, %max3A_348 : vector<16xf32>
      %max3A_378 = arith.maximumf %max3A_348, %gather3A_376 : vector<16xf32>
      %broadcast_in_dim3A_379 = vector.broadcast %scan3A_359 : i32 to vector<16xi32>
      %select_n3A_380 = arith.select %gt3A_377, %broadcast_in_dim3A_379, %select_n3A_350 : vector<16xi1>, vector<16xi32>
      %add3A_381 = vector.broadcast %scan3A_359 : i32 to vector<16xi32>
      %add3A_382 = arith.addi %mul3A_77, %add3A_381 : vector<16xi32>
      %gather3A_383 = tpu.vector_load_idx %arg5[%and3A_42, %add3A_382] : memref<8x2048xf32, #tpu.memory_space<vmem>>[vector<16xi32>, vector<16xi32>], vector<16xf32>,
      %gt3A_384 = arith.cmpf ogt, %gather3A_383, %max3A_355 : vector<16xf32>
      %max3A_385 = arith.maximumf %max3A_355, %gather3A_383 : vector<16xf32>
      %broadcast_in_dim3A_386 = vector.broadcast %scan3A_359 : i32 to vector<16xi32>
      %select_n3A_387 = arith.select %gt3A_384, %broadcast_in_dim3A_386, %select_n3A_357 : vector<16xi1>, vector<16xi32>
      %scan3A_388 = arith.constant 4 : i32
      %scan3A_389 = arith.addi %scan3A_264, %scan3A_388 : i32
      %add3A_390 = vector.broadcast %scan3A_389 : i32 to vector<16xi32>
      %add3A_391 = arith.addi %mul3A_50, %add3A_390 : vector<16xi32>
      %gather3A_392 = tpu.vector_load_idx %arg5[%and3A_42, %add3A_391] : memref<8x2048xf32, #tpu.memory_space<vmem>>[vector<16xi32>, vector<16xi32>], vector<16xf32>,
      %gt3A_393 = arith.cmpf ogt, %gather3A_392, %max3A_364 : vector<16xf32>
      %max3A_394 = arith.maximumf %max3A_364, %gather3A_392 : vector<16xf32>
      %broadcast_in_dim3A_395 = vector.broadcast %scan3A_389 : i32 to vector<16xi32>
      %select_n3A_396 = arith.select %gt3A_393, %broadcast_in_dim3A_395, %select_n3A_366 : vector<16xi1>, vector<16xi32>
      %add3A_397 = vector.broadcast %scan3A_389 : i32 to vector<16xi32>
      %add3A_398 = arith.addi %mul3A_59, %add3A_397 : vector<16xi32>
      %gather3A_399 = tpu.vector_load_idx %arg5[%and3A_42, %add3A_398] : memref<8x2048xf32, #tpu.memory_space<vmem>>[vector<16xi32>, vector<16xi32>], vector<16xf32>,
      %gt3A_400 = arith.cmpf ogt, %gather3A_399, %max3A_371 : vector<16xf32>
      %max3A_401 = arith.maximumf %max3A_371, %gather3A_399 : vector<16xf32>
      %broadcast_in_dim3A_402 = vector.broadcast %scan3A_389 : i32 to vector<16xi32>
      %select_n3A_403 = arith.select %gt3A_400, %broadcast_in_dim3A_402, %select_n3A_373 : vector<16xi1>, vector<16xi32>
      %add3A_404 = vector.broadcast %scan3A_389 : i32 to vector<16xi32>
      %add3A_405 = arith.addi %mul3A_68, %add3A_404 : vector<16xi32>
      %gather3A_406 = tpu.vector_load_idx %arg5[%and3A_42, %add3A_405] : memref<8x2048xf32, #tpu.memory_space<vmem>>[vector<16xi32>, vector<16xi32>], vector<16xf32>,
      %gt3A_407 = arith.cmpf ogt, %gather3A_406, %max3A_378 : vector<16xf32>
      %max3A_408 = arith.maximumf %max3A_378, %gather3A_406 : vector<16xf32>
      %broadcast_in_dim3A_409 = vector.broadcast %scan3A_389 : i32 to vector<16xi32>
      %select_n3A_410 = arith.select %gt3A_407, %broadcast_in_dim3A_409, %select_n3A_380 : vector<16xi1>, vector<16xi32>
      %add3A_411 = vector.broadcast %scan3A_389 : i32 to vector<16xi32>
      %add3A_412 = arith.addi %mul3A_77, %add3A_411 : vector<16xi32>
      %gather3A_413 = tpu.vector_load_idx %arg5[%and3A_42, %add3A_412] : memref<8x2048xf32, #tpu.memory_space<vmem>>[vector<16xi32>, vector<16xi32>], vector<16xf32>,
      %gt3A_414 = arith.cmpf ogt, %gather3A_413, %max3A_385 : vector<16xf32>
      %max3A_415 = arith.maximumf %max3A_385, %gather3A_413 : vector<16xf32>
      %broadcast_in_dim3A_416 = vector.broadcast %scan3A_389 : i32 to vector<16xi32>
      %select_n3A_417 = arith.select %gt3A_414, %broadcast_in_dim3A_416, %select_n3A_387 : vector<16xi1>, vector<16xi32>
      %scan3A_418 = arith.constant 5 : i32
      %scan3A_419 = arith.addi %scan3A_264, %scan3A_418 : i32
      %add3A_420 = vector.broadcast %scan3A_419 : i32 to vector<16xi32>
      %add3A_421 = arith.addi %mul3A_50, %add3A_420 : vector<16xi32>
      %gather3A_422 = tpu.vector_load_idx %arg5[%and3A_42, %add3A_421] : memref<8x2048xf32, #tpu.memory_space<vmem>>[vector<16xi32>, vector<16xi32>], vector<16xf32>,
      %gt3A_423 = arith.cmpf ogt, %gather3A_422, %max3A_394 : vector<16xf32>
      %max3A_424 = arith.maximumf %max3A_394, %gather3A_422 : vector<16xf32>
      %broadcast_in_dim3A_425 = vector.broadcast %scan3A_419 : i32 to vector<16xi32>
      %select_n3A_426 = arith.select %gt3A_423, %broadcast_in_dim3A_425, %select_n3A_396 : vector<16xi1>, vector<16xi32>
      %add3A_427 = vector.broadcast %scan3A_419 : i32 to vector<16xi32>
      %add3A_428 = arith.addi %mul3A_59, %add3A_427 : vector<16xi32>
      %gather3A_429 = tpu.vector_load_idx %arg5[%and3A_42, %add3A_428] : memref<8x2048xf32, #tpu.memory_space<vmem>>[vector<16xi32>, vector<16xi32>], vector<16xf32>,
      %gt3A_430 = arith.cmpf ogt, %gather3A_429, %max3A_401 : vector<16xf32>
      %max3A_431 = arith.maximumf %max3A_401, %gather3A_429 : vector<16xf32>
      %broadcast_in_dim3A_432 = vector.broadcast %scan3A_419 : i32 to vector<16xi32>
      %select_n3A_433 = arith.select %gt3A_430, %broadcast_in_dim3A_432, %select_n3A_403 : vector<16xi1>, vector<16xi32>
      %add3A_434 = vector.broadcast %scan3A_419 : i32 to vector<16xi32>
      %add3A_435 = arith.addi %mul3A_68, %add3A_434 : vector<16xi32>
      %gather3A_436 = tpu.vector_load_idx %arg5[%and3A_42, %add3A_435] : memref<8x2048xf32, #tpu.memory_space<vmem>>[vector<16xi32>, vector<16xi32>], vector<16xf32>,
      %gt3A_437 = arith.cmpf ogt, %gather3A_436, %max3A_408 : vector<16xf32>
      %max3A_438 = arith.maximumf %max3A_408, %gather3A_436 : vector<16xf32>
      %broadcast_in_dim3A_439 = vector.broadcast %scan3A_419 : i32 to vector<16xi32>
      %select_n3A_440 = arith.select %gt3A_437, %broadcast_in_dim3A_439, %select_n3A_410 : vector<16xi1>, vector<16xi32>
      %add3A_441 = vector.broadcast %scan3A_419 : i32 to vector<16xi32>
      %add3A_442 = arith.addi %mul3A_77, %add3A_441 : vector<16xi32>
      %gather3A_443 = tpu.vector_load_idx %arg5[%and3A_42, %add3A_442] : memref<8x2048xf32, #tpu.memory_space<vmem>>[vector<16xi32>, vector<16xi32>], vector<16xf32>,
      %gt3A_444 = arith.cmpf ogt, %gather3A_443, %max3A_415 : vector<16xf32>
      %max3A_445 = arith.maximumf %max3A_415, %gather3A_443 : vector<16xf32>
      %broadcast_in_dim3A_446 = vector.broadcast %scan3A_419 : i32 to vector<16xi32>
      %select_n3A_447 = arith.select %gt3A_444, %broadcast_in_dim3A_446, %select_n3A_417 : vector<16xi1>, vector<16xi32>
      %scan3A_448 = arith.constant 6 : i32
      %scan3A_449 = arith.addi %scan3A_264, %scan3A_448 : i32
      %add3A_450 = vector.broadcast %scan3A_449 : i32 to vector<16xi32>
      %add3A_451 = arith.addi %mul3A_50, %add3A_450 : vector<16xi32>
      %gather3A_452 = tpu.vector_load_idx %arg5[%and3A_42, %add3A_451] : memref<8x2048xf32, #tpu.memory_space<vmem>>[vector<16xi32>, vector<16xi32>], vector<16xf32>,
      %gt3A_453 = arith.cmpf ogt, %gather3A_452, %max3A_424 : vector<16xf32>
      %max3A_454 = arith.maximumf %max3A_424, %gather3A_452 : vector<16xf32>
      %broadcast_in_dim3A_455 = vector.broadcast %scan3A_449 : i32 to vector<16xi32>
      %select_n3A_456 = arith.select %gt3A_453, %broadcast_in_dim3A_455, %select_n3A_426 : vector<16xi1>, vector<16xi32>
      %add3A_457 = vector.broadcast %scan3A_449 : i32 to vector<16xi32>
      %add3A_458 = arith.addi %mul3A_59, %add3A_457 : vector<16xi32>
      %gather3A_459 = tpu.vector_load_idx %arg5[%and3A_42, %add3A_458] : memref<8x2048xf32, #tpu.memory_space<vmem>>[vector<16xi32>, vector<16xi32>], vector<16xf32>,
      %gt3A_460 = arith.cmpf ogt, %gather3A_459, %max3A_431 : vector<16xf32>
      %max3A_461 = arith.maximumf %max3A_431, %gather3A_459 : vector<16xf32>
      %broadcast_in_dim3A_462 = vector.broadcast %scan3A_449 : i32 to vector<16xi32>
      %select_n3A_463 = arith.select %gt3A_460, %broadcast_in_dim3A_462, %select_n3A_433 : vector<16xi1>, vector<16xi32>
      %add3A_464 = vector.broadcast %scan3A_449 : i32 to vector<16xi32>
      %add3A_465 = arith.addi %mul3A_68, %add3A_464 : vector<16xi32>
      %gather3A_466 = tpu.vector_load_idx %arg5[%and3A_42, %add3A_465] : memref<8x2048xf32, #tpu.memory_space<vmem>>[vector<16xi32>, vector<16xi32>], vector<16xf32>,
      %gt3A_467 = arith.cmpf ogt, %gather3A_466, %max3A_438 : vector<16xf32>
      %max3A_468 = arith.maximumf %max3A_438, %gather3A_466 : vector<16xf32>
      %broadcast_in_dim3A_469 = vector.broadcast %scan3A_449 : i32 to vector<16xi32>
      %select_n3A_470 = arith.select %gt3A_467, %broadcast_in_dim3A_469, %select_n3A_440 : vector<16xi1>, vector<16xi32>
      %add3A_471 = vector.broadcast %scan3A_449 : i32 to vector<16xi32>
      %add3A_472 = arith.addi %mul3A_77, %add3A_471 : vector<16xi32>
      %gather3A_473 = tpu.vector_load_idx %arg5[%and3A_42, %add3A_472] : memref<8x2048xf32, #tpu.memory_space<vmem>>[vector<16xi32>, vector<16xi32>], vector<16xf32>,
      %gt3A_474 = arith.cmpf ogt, %gather3A_473, %max3A_445 : vector<16xf32>
      %max3A_475 = arith.maximumf %max3A_445, %gather3A_473 : vector<16xf32>
      %broadcast_in_dim3A_476 = vector.broadcast %scan3A_449 : i32 to vector<16xi32>
      %select_n3A_477 = arith.select %gt3A_474, %broadcast_in_dim3A_476, %select_n3A_447 : vector<16xi1>, vector<16xi32>
      %scan3A_478 = arith.constant 7 : i32
      %scan3A_479 = arith.addi %scan3A_264, %scan3A_478 : i32
      %add3A_480 = vector.broadcast %scan3A_479 : i32 to vector<16xi32>
      %add3A_481 = arith.addi %mul3A_50, %add3A_480 : vector<16xi32>
      %gather3A_482 = tpu.vector_load_idx %arg5[%and3A_42, %add3A_481] : memref<8x2048xf32, #tpu.memory_space<vmem>>[vector<16xi32>, vector<16xi32>], vector<16xf32>,
      %gt3A_483 = arith.cmpf ogt, %gather3A_482, %max3A_454 : vector<16xf32>
      %max3A_484 = arith.maximumf %max3A_454, %gather3A_482 : vector<16xf32>
      %broadcast_in_dim3A_485 = vector.broadcast %scan3A_479 : i32 to vector<16xi32>
      %select_n3A_486 = arith.select %gt3A_483, %broadcast_in_dim3A_485, %select_n3A_456 : vector<16xi1>, vector<16xi32>
      %add3A_487 = vector.broadcast %scan3A_479 : i32 to vector<16xi32>
      %add3A_488 = arith.addi %mul3A_59, %add3A_487 : vector<16xi32>
      %gather3A_489 = tpu.vector_load_idx %arg5[%and3A_42, %add3A_488] : memref<8x2048xf32, #tpu.memory_space<vmem>>[vector<16xi32>, vector<16xi32>], vector<16xf32>,
      %gt3A_490 = arith.cmpf ogt, %gather3A_489, %max3A_461 : vector<16xf32>
      %max3A_491 = arith.maximumf %max3A_461, %gather3A_489 : vector<16xf32>
      %broadcast_in_dim3A_492 = vector.broadcast %scan3A_479 : i32 to vector<16xi32>
      %select_n3A_493 = arith.select %gt3A_490, %broadcast_in_dim3A_492, %select_n3A_463 : vector<16xi1>, vector<16xi32>
      %add3A_494 = vector.broadcast %scan3A_479 : i32 to vector<16xi32>
      %add3A_495 = arith.addi %mul3A_68, %add3A_494 : vector<16xi32>
      %gather3A_496 = tpu.vector_load_idx %arg5[%and3A_42, %add3A_495] : memref<8x2048xf32, #tpu.memory_space<vmem>>[vector<16xi32>, vector<16xi32>], vector<16xf32>,
      %gt3A_497 = arith.cmpf ogt, %gather3A_496, %max3A_468 : vector<16xf32>
      %max3A_498 = arith.maximumf %max3A_468, %gather3A_496 : vector<16xf32>
      %broadcast_in_dim3A_499 = vector.broadcast %scan3A_479 : i32 to vector<16xi32>
      %select_n3A_500 = arith.select %gt3A_497, %broadcast_in_dim3A_499, %select_n3A_470 : vector<16xi1>, vector<16xi32>
      %add3A_501 = vector.broadcast %scan3A_479 : i32 to vector<16xi32>
      %add3A_502 = arith.addi %mul3A_77, %add3A_501 : vector<16xi32>
      %gather3A_503 = tpu.vector_load_idx %arg5[%and3A_42, %add3A_502] : memref<8x2048xf32, #tpu.memory_space<vmem>>[vector<16xi32>, vector<16xi32>], vector<16xf32>,
      %gt3A_504 = arith.cmpf ogt, %gather3A_503, %max3A_475 : vector<16xf32>
      %max3A_505 = arith.maximumf %max3A_475, %gather3A_503 : vector<16xf32>
      %broadcast_in_dim3A_506 = vector.broadcast %scan3A_479 : i32 to vector<16xi32>
      %select_n3A_507 = arith.select %gt3A_504, %broadcast_in_dim3A_506, %select_n3A_477 : vector<16xi1>, vector<16xi32>
      scf.yield %max3A_484, %max3A_491, %max3A_498, %max3A_505, %select_n3A_486, %select_n3A_493, %select_n3A_500, %select_n3A_507 : vector<16xf32>, vector<16xf32>, vector<16xf32>, vector<16xf32>, vector<16xi32>, vector<16xi32>, vector<16xi32>, vector<16xi32>
    }
    %scan3A_251 = arith.constant 256 : i32
    %add3A_252 = arith.addi %mul3A_50, %scan3A_250#4 : vector<16xi32>
    %add3A_253 = arith.addi %mul3A_59, %scan3A_250#5 : vector<16xi32>
    %add3A_254 = arith.addi %mul3A_68, %scan3A_250#6 : vector<16xi32>
    %add3A_255 = arith.addi %mul3A_77, %scan3A_250#7 : vector<16xi32>
    tpu.vector_store_idx %arg7[%and3A_42, %add3A_252], %broadcast_in_dim3A_37 : memref<8x2048xf32, #tpu.memory_space<vmem>>[vector<16xi32>, vector<16xi32>], vector<16xf32>,
    tpu.vector_store_idx %arg7[%and3A_42, %add3A_253], %broadcast_in_dim3A_37 : memref<8x2048xf32, #tpu.memory_space<vmem>>[vector<16xi32>, vector<16xi32>], vector<16xf32>,
    tpu.vector_store_idx %arg7[%and3A_42, %add3A_254], %broadcast_in_dim3A_37 : memref<8x2048xf32, #tpu.memory_space<vmem>>[vector<16xi32>, vector<16xi32>], vector<16xf32>,
    tpu.vector_store_idx %arg7[%and3A_42, %add3A_255], %broadcast_in_dim3A_37 : memref<8x2048xf32, #tpu.memory_space<vmem>>[vector<16xi32>, vector<16xi32>], vector<16xf32>,
    %add3A_256 = arith.constant 14336 : i32
    %add3A_257 = arith.addi %mul3A_34, %add3A_256 : i32
    %dma_start3A_258 = tpu.memref_slice %arg3[%mul3A_11, %add3A_257] : memref<128x32768xf32, #tpu.memory_space<hbm>> -> memref<8x2048xf32, #tpu.memory_space<hbm>>
    %dma_start3A_259 = tpu.memref_slice %arg3[%mul3A_11, %add3A_257] : memref<128x32768xf32, #tpu.memory_space<hbm>> -> memref<8x2048xf32, #tpu.memory_space<hbm>>
    tpu.enqueue_dma source(%arg7 : memref<8x2048xf32, #tpu.memory_space<vmem>>) target(%dma_start3A_259 : memref<8x2048xf32, #tpu.memory_space<hbm>>) target_semaphore(%arg11 : memref<!tpu.dma_semaphore, #tpu.memory_space<semaphore_mem>>)
    %dma_wait3A_260 = tpu.memref_slice %arg3[%mul3A_11, %add3A_239] : memref<128x32768xf32, #tpu.memory_space<hbm>> -> memref<8x2048xf32, #tpu.memory_space<hbm>>
    %dma_wait3A_261 = tpu.memref_slice %arg3[%mul3A_11, %add3A_239] : memref<128x32768xf32, #tpu.memory_space<hbm>> -> memref<8x2048xf32, #tpu.memory_space<hbm>>
    tpu.wait_dma2 semaphore(%arg10 : memref<!tpu.dma_semaphore, #tpu.memory_space<semaphore_mem>>) src(%arg6 : memref<8x2048xf32, #tpu.memory_space<vmem>>) dst(%dma_wait3A_261 : memref<8x2048xf32, #tpu.memory_space<hbm>>)
    %dma_wait3A_262 = tpu.memref_slice %arg3[%mul3A_11, %add3A_257] : memref<128x32768xf32, #tpu.memory_space<hbm>> -> memref<8x2048xf32, #tpu.memory_space<hbm>>
    %dma_wait3A_263 = tpu.memref_slice %arg3[%mul3A_11, %add3A_257] : memref<128x32768xf32, #tpu.memory_space<hbm>> -> memref<8x2048xf32, #tpu.memory_space<hbm>>
    tpu.wait_dma2 semaphore(%arg11 : memref<!tpu.dma_semaphore, #tpu.memory_space<semaphore_mem>>) src(%arg7 : memref<8x2048xf32, #tpu.memory_space<vmem>>) dst(%dma_wait3A_263 : memref<8x2048xf32, #tpu.memory_space<hbm>>)
    return
  }
}

</mosaic_0001>

<sc_bundles>
// kernel: kernel.3.cloned.1.call-start
scs
__scs_entry_jumppad:
0x0: {  	(pc) =	sbr.rel $0x88, $3  }
0x1: {  	(tag) =	ssettag $0x0;
	lr =	simm.s32 $0x1  }
0x2: {  	[smem:$0x3FA0] =	sst lr;
	_ =	strace $0xD0000000  }
0x3: {  	_ = 	snop  }
0x4: {  	_ = 	snop  }
0x5: {  	_ = 	snop  }
0x6: {  	_ = 	snop  }
0x7: {  	_ = 	snop  }
__scs_overlays_trampoline_lowered:
0x8: {  	[smem:$0x3FAF] =	sst s0  }
0x9: {  	[smem:$0x3FB0] =	sst s1  }
0xa: {  	[smem:$0x3FB1] =	sst s2  }
0xb: {  	[smem:$0x3FB2] =	sst s3  }
0xc: {  	[smem:$0x3FB3] =	sst s4  }
0xd: {  	[smem:$0x3FB4] =	sst s5  }
0xe: {  	[smem:$0x3FB5] =	sst s6  }
0xf: {  	[smem:$0x3FB6] =	sst s7  }
0x10: {  	[smem:$0x3FB7] =	sst s8  }
0x11: {  	[smem:$0x3FB8] =	sst s9;
	s0 =	simm.s32 @!p0 $0x0  }
0x12: {  	s1 =	sld [smem:$0x3F9E];
	s0 =	simm.s32 @p0 $0x1  }
0x13: {  	[smem:$0x3FB9] =	sst s0;
	s0 =	simm.s32 @!p1 $0x0  }
0x14: {  	s2 =	sld [smem:$0x3F9D];
	s0 =	simm.s32 @p1 $0x1  }
0x15: {  	[smem:$0x3FBA] =	sst s0;
	s0 =	simm.s32 @!p2 $0x0  }
0x16: {  	s3 =	sld [smem:$0x3FDB];
	s0 =	simm.s32 @p2 $0x1  }
0x17: {  	s4 =	simm.s32 $0x1BF5;
	[smem:$0x3FBC] =	sst s0  }
0x18: {  	s0 =	sld [smem:$0x3F9F];
	_ =	swait.ge [sflag:s4], $0x0  }
0x19: {  	s7 =	sld [smem:$0x3FA0]  }
0x1a: {  	s8 =	sadd.s32 $0xFFFFE003, lr  }
0x1b: {  	s9 =	sadd.s32 $0xFFFFFEF7, lr;
	s5 =	simm.s32 $0xFFFFFFFF;
	p2 =	slt.u32 s8, $0xFFFFF086  }
0x1c: {  	p1 =	slt.u32 s9, $0xF7A;
	s5 =	simm.s32 @!p2 $0x0  }
0x1d: {  	s5 =	simm.s32 @p1 $0x1;
	p0 =	seq.s32 s7, s2  }
0x1e: {  	s7 =	smul.u32 @!p0 $0xF7A, s2;
	p2 =	seq.s32 @!p0 s5, $0x0  }
0x1f: {  	s9 =	smul.u32 $0xF7A, s1;
	s8 =	simm.s32 @!p0 $0x1BF5;
	p2 =	por !p2, p0  }
0x20: {  	[sflag:s8] =	ssyncset.s32 @!p0 $0xFFFFF086;
	s6 =	sadd.s32 @!p0 s3, s7;
	s7 =	simm.s32 @!p0 $0x108  }
0x21: {  	s3 =	sadd.s32 s3, s9;
	s6 =	sadd.s32 @!p0 $0x88, s6;
	s7 =	simm.s32 @p2 $0x1082  }
0x22: {  	[simem:s7], [sflag:s8] =	dma.local @!p0 [hbm:s6], $0xF7A  }
0x23: {  	s9 =	sor.u32 $0xD0000000, s2;
	s6 =	simm.s32 $0x108;
	_ =	swait.ge @!p0 [sflag:s8], $0x0  }
0x24: {  	s3 =	sadd.s32 $0x88, s3;
	s6 =	simm.s32 @!p1 $0x1082;
	[sflag:s4] =	ssyncset.s32 $0xFFFFF086  }
0x25: {  	[simem:s6], [sflag:s4] =	dma.local [hbm:s3], $0xF7A  }
0x26: {  	[smem:$0x3FA0] =	sst s1;
	(tag) =	ssettag s2;
	_ =	strace s9  }
0x27: {  	s1 =	sld [smem:$0x3FB0]  }
0x28: {  	s2 =	sld [smem:$0x3FB1]  }
0x29: {  	s4 =	sld [smem:$0x3FB3]  }
0x2a: {  	p0 =	seq.s32 s5, $0x0;
	s5 =	sld [smem:$0x3FB4]  }
0x2b: {  	s6 =	sld [smem:$0x3FB5]  }
0x2c: {  	s7 =	sld [smem:$0x3FB6]  }
0x2d: {  	s3 =	simm.s32 $0x108;
	s8 =	sld [smem:$0x3FB7]  }
0x2e: {  	s3 =	simm.s32 @!p0 $0x1082;
	s9 =	sld [smem:$0x3FB8]  }
0x2f: {  	lr =	sadd.s32 s0, s3;
	s0 =	sld [smem:$0x3FAF]  }
0x30: {  	s3 =	sld [smem:$0x3FB2]  }
0x31: {  	[smem:$0x3FBB] =	sst s10  }
0x32: {  	s10 =	sld [smem:$0x3FB9];
	_ =	sdelay $0x3  }
0x33: {  	p0 =	seq.s32 s10, $0x1;
	s10 =	sld [smem:$0x3FBB];
	_ =	sdelay $0x3  }
0x34: {  	[smem:$0x3FBB] =	sst s10  }
0x35: {  	s10 =	sld [smem:$0x3FBA];
	_ =	sdelay $0x3  }
0x36: {  	p1 =	seq.s32 s10, $0x1;
	s10 =	sld [smem:$0x3FBB];
	_ =	sdelay $0x3  }
0x37: {  	[smem:$0x3FBB] =	sst s10  }
0x38: {  	s10 =	sld [smem:$0x3FBC]  }
0x39: {  	_ = 	snop;
	(pc) =	sbr.ind lr, $3  }
0x3a: {  	_ = 	snop  }
0x3b: {  	_ = 	snop  }
0x3c: {  	p2 =	seq.s32 s10, $0x1;
	s10 =	sld [smem:$0x3FBB]  }
0x3d: {  	_ =	shalt  }
0x3e: {  	_ =	shalt  }
0x3f: {  	_ =	shalt  }
0x40: {  	_ =	shalt  }
0x41: {  	_ =	shalt  }
0x42: {  	_ =	shalt  }
0x43: {  	_ =	shalt  }
0x44: {  	_ =	shalt  }
0x45: {  	_ =	shalt  }
0x46: {  	_ =	shalt  }
0x47: {  	_ =	shalt  }
0x48: {  	_ =	shalt  }
0x49: {  	_ =	shalt  }
0x4a: {  	_ =	shalt  }
0x4b: {  	_ =	shalt  }
0x4c: {  	_ =	shalt  }
0x4d: {  	_ =	shalt  }
0x4e: {  	_ =	shalt  }
0x4f: {  	_ =	shalt  }
0x50: {  	_ =	shalt  }
0x51: {  	_ =	shalt  }
0x52: {  	_ =	shalt  }
0x53: {  	_ =	shalt  }
0x54: {  	_ =	shalt  }
0x55: {  	_ =	shalt  }
0x56: {  	_ =	shalt  }
0x57: {  	_ =	shalt  }
0x58: {  	_ =	shalt  }
0x59: {  	_ =	shalt  }
0x5a: {  	_ =	shalt  }
0x5b: {  	_ =	shalt  }
0x5c: {  	_ =	shalt  }
0x5d: {  	_ =	shalt  }
0x5e: {  	_ =	shalt  }
0x5f: {  	_ =	shalt  }
0x60: {  	_ =	shalt  }
0x61: {  	_ =	shalt  }
0x62: {  	_ =	shalt  }
0x63: {  	_ =	shalt  }
0x64: {  	_ =	shalt  }
0x65: {  	_ =	shalt  }
0x66: {  	_ =	shalt  }
0x67: {  	_ =	shalt  }
0x68: {  	_ =	shalt  }
0x69: {  	_ =	shalt  }
0x6a: {  	_ =	shalt  }
0x6b: {  	_ =	shalt  }
0x6c: {  	_ =	shalt  }
0x6d: {  	_ =	shalt  }
0x6e: {  	_ =	shalt  }
0x6f: {  	_ =	shalt  }
0x70: {  	_ =	shalt  }
0x71: {  	_ =	shalt  }
0x72: {  	_ =	shalt  }
0x73: {  	_ =	shalt  }
0x74: {  	_ =	shalt  }
0x75: {  	_ =	shalt  }
0x76: {  	_ =	shalt  }
0x77: {  	_ =	shalt  }
0x78: {  	_ =	shalt  }
0x79: {  	_ =	shalt  }
0x7a: {  	_ =	shalt  }
0x7b: {  	_ =	shalt  }
0x7c: {  	_ =	shalt  }
0x7d: {  	_ =	shalt  }
0x7e: {  	_ =	shalt  }
0x7f: {  	_ =	shalt  }
0x80: {  	_ =	shalt  }
0x81: {  	_ =	shalt  }
0x82: {  	_ =	shalt  }
0x83: {  	_ =	shalt  }
0x84: {  	_ =	shalt  }
0x85: {  	_ =	shalt  }
0x86: {  	_ =	shalt  }
0x87: {  	_ =	shalt  }
.Lfunc_end0:
.L_simem_size_0:
called_computation_lowered:
.L_overlay_start_0:
0x88: {  	s2 =	sld [smem:$0x3FD9]  }
0x89: {  	s3 =	sld [smem:$0x3FFE];
	_ =	sdelay $0x1  }
0x8a: {  	s1 =	srdreg.scid  }
0x8b: {  	s0 =	sand.u32 $0x1, s1  }
0x8c: {  	s18 =	sshll.u32 s0, $0xA;
	s2 =	sadd.s32 s3, s2  }
0x8d: {  	s2 =	sadd.s32 s2, s18  }
0x8e: {  	[smem:$0x3FC7] =	sst s2  }
0x8f: {  	_ = 	snop  }
0x90: {  	s2 =	sld [smem:$0x3FC9]  }
0x91: {  	s19 =	sld [smem:$0x3FD0];
	(tm) =	ssettm $0x1  }
0x92: {  	s4 =	sld [smem:$0x3FFB];
	_ =	sdelay $0x3  }
0x93: {  	_ =	strace s4  }
0x94: {  	s4 =	sld [smem:$0x3FFC];
	_ =	sdelay $0x3  }
0x95: {  	_ =	strace s4  }
0x96: {  	s4 =	sld [smem:$0x3FFD];
	_ =	sdelay $0x3  }
0x97: {  	_ =	strace s4  }
0x98: {  	_ =	strace $0x8FFFFFFF  }
0x99: {  	s20 =	sld [smem:$0x3FDB];
	_ =	sdelay $0x1  }
0x9a: {  	s5 =	simm.s32 $_scs_section_size  }
0x9b: {  	s6 =	simm.s32 $_size__tile_overlayer_lowered;
	s7 =	simm.s32 $_tile_overlayer_lowered  }
0x9c: {  	s23 =	simm.s32 $0x1BFF;
	s22 =	sshll.u32 s7, $0x1;
	s4 =	sadd.s32 s5, s20  }
0x9d: {  	s8 =	simm.s32 $0x0;
	s21 =	sshll.u32 s6, $0x1;
	s6 =	sadd.s32 s22, s4  }
0x9e: {  	[timem:s8], [sflag:s23] =	dma.local [hbm:s6], s21  }
0x9f: {  	_ =	swait.ge [sflag:s23], s21  }
0xa0: {  	s5 =	ssub.s32 $0x0, s21;
	[sflag:s23] =	ssyncset.done $0x0  }
0xa1: {  	[sflag:s23] =	ssyncadd.s32 s5;
	_ =	sdelay $0x1  }
0xa2: {  	s24 =	simm.s32 $0x1B8B  }
0xa3: {  	_ =	swait.ge [sflag:s24], $0x1  }
0xa4: {  	[sflag:s24] =	ssyncset.done $0x0  }
0xa5: {  	s25 =	simm.s32 $0x1B8E;
	[sflag:s24] =	ssyncadd.s32 $0xFFFFFFFF  }
0xa6: {  	s26 =	simm.s32 $execute0_lowered;
	[smem:$0x3FD2] =	sst s25  }
0xa7: {  	s5 =	sshll.u32 s26, $0x1;
	_ =	strace $0x80000046;
	[dreg:$0x1] =	wrdreg $0xFFFFFFFF  }
0xa8: {  	s28 =	simm.s32 $_size_execute0_lowered;
	s4 =	sadd.s32 s4, s5;
	[dreg:$0x0] =	wrdreg $0x0  }
0xa9: {  	s5 =	sshll.u32 s28, $0x1;
	[dreg:$0x2] =	wrdreg s4  }
0xaa: {  	[dreg:$0x3] =	wrdreg s5  }
0xab: {  	[dreg:$0x4] =	wrdreg $0xC0  }
0xac: {  	_ =	task [dreg:s8], $0x5FFFF  }
0xad: {  	[dreg:$0x1] =	wrdreg $0xFFFFFFFF  }
0xae: {  	[dreg:$0x0] =	wrdreg $0x60  }
0xaf: {  	[dreg:$0x2] =	wrdreg s2  }
0xb0: {  	[dreg:$0x3] =	wrdreg s19  }
0xb1: {  	[dreg:$0x4] =	wrdreg $0x9  }
0xb2: {  	_ =	task.clear_ibuf [dreg:s8], $0x5FFFF;
	_ =	strace $0x90000046  }
0xb3: {  	s29 =	simm.s32 $0x9;
	_ =	strace $0x80000048  }
0xb4: {  	_ =	swait.ge [sflag:s29], $0x1  }
0xb5: {  	[sflag:s29] =	ssyncadd.s32 $0xFFFFFFFF  }
0xb6: {  	_ =	strace $0x90000048  }
0xb7: {  	_ =	sfence  }
0xb8: {  	s30 =	sld [smem:$0x0];
	_ =	sdelay $0x2  }
0xb9: {  	s31 =	sshll.u32 s1, $0xD;
	s1 =	sshrl.u32 s1, $0x2  }
0xba: {  	s3 =	sand.u32 $0x4000, s31;
	s1 =	sadd.s32 s1, s30  }
0xbb: {  	s0 =	sor.u32 s3, s0;
	s1 =	sshll.u32 s1, $0x11  }
0xbc: {  	s0 =	sor.u32 s1, s0  }
0xbd: {  	s0 =	sadd.s32 $0x8F2B, s0  }
0xbe: {  	[sflag:s0] =	ssyncadd.remote.s32 $0x1  }
0xbf: {  	_ =	sfence.sel $0xFFFF  }
0xc0: {  	[dreg:$0x0] =	wrdreg $0xFFFFFFFF;
	(pc) =	sbr.abs _section_cstart, $3  }
0xc1: {  	[dreg:$0x1] =	wrdreg $0xFFFFFFFF  }
0xc2: {  	_ =	task.clear_ibuf [dreg:s8], $0x2FFFF;
	_ =	strace $0x9FFFFFFF  }
0xc3: {  	(tm) =	ssettm $0x7FFFFFFF  }
tec
execute0_lowered:
.L_overlay_start_1:
0x0: {  	(tag) =	ssettag $0x1  }
0x1: {  	s2 =	stileid.u32  }
0x2: {  	s0 =	srdreg.scid;
	s3 =	rddreg [dreg:$0x0]  }
0x3: {  	s4 =	rddreg [dreg:$0x1];
	s20 =	simm.s32 $0x4000;
	s28 =	simm.s32 $0x0  }
0x4: {  	s1 =	sshll.u32 s2, $0x1;
	s0 =	sand.u32 $0x1, s0;
	s5 =	sshll.u32 s2, $0xE  }
0x5: {  	s2 =	simm.s32 $0x0;
	s1 =	sand.u32 $0xE, s1;
	s6 =	sand.u32 $0x20000, s5  }
0x6: {  	[smem:$0x7FF] =	sst s2;
	s1 =	sor.u32 s0, s1;
	s0 =	ssub.s32 $0x2, s0  }
0x7: {  	_ =	strace $0x80000047;
	s1 =	sshll.u32 s1, $0x12;
	s7 =	sshrl.u32 s0, $0x1  }
0x8: {  	s6 =	sor.u32 s6, s1;
	s0 =	ssub.s32 s0, s7;
	s1 =	sor.u32 s1, s5  }
0x9: {  	s6 =	sshrl.u32 s6, $0x3;
	s1 =	sshrl.u32 s1, $0x3;
	s19 =	smax.u32 s0, $0x1  }
0xa: {  	s21 =	sor.u32 $0x800, s6;
	s8 =	sadd.s32 s3, s6;
	s23 =	sor.u32 $0x1000, s6  }
0xb: {  	s9 =	sadd.s32 s4, s6;
	s25 =	sor.u32 $0x1800, s6;
	s29 =	sor.u32 $0x2000, s6  }
0xc: {  	s30 =	sor.u32 $0x2800, s6;
	s31 =	sor.u32 $0x3000, s6;
	[dreg:$0x3] =	wrdreg s8  }
0xd: {  	s1 =	sor.u32 $0x3800, s1;
	s22 =	sadd.s32 s3, s21;
	[dreg:$0x5] =	wrdreg s9  }
0xe: {  	s24 =	sadd.s32 s3, s23;
	s7 =	sadd.s32 s4, s21;
	s26 =	sadd.s32 s3, s25  }
0xf: {  	s8 =	sadd.s32 s4, s23;
	s10 =	sadd.s32 s3, s29;
	s11 =	sadd.s32 s4, s25  }
0x10: {  	s12 =	sadd.s32 s3, s30;
	s13 =	sadd.s32 s4, s29;
	[dreg:$0x4] =	wrdreg s22  }
0x11: {  	v4 =	vlaneseq.u32;
	s14 =	sadd.s32 s3, s31;
	s15 =	sadd.s32 s4, s30;
	[dreg:$0x6] =	wrdreg s24  }
0x12: {  	v0 =	vshrl.u32 v4, $0x3;
	s16 =	sadd.s32 s3, s1;
	s17 =	sadd.s32 s4, s31;
	[dreg:$0x7] =	wrdreg s7  }
0x13: {  	v5 =	vand.u32 $0x7, v4;
	v0 =	vmul.u32 $0x800, v0;
	s18 =	sadd.s32 s4, s1;
	s21 =	simm.s32 $0x1;
	[dreg:$0x8] =	wrdreg s26  }
0x14: {  	v1 =	vimm.f32 $0.0e+00;
	v6 =	vimm.f32 $1.000000000e+00;
	v5 =	vmul.u32 $0x80, v5;
	s23 =	simm.s32 $0x2;
	s25 =	simm.s32 $0x3;
	[dreg:$0x9] =	wrdreg s8  }
0x15: {  	v2 =	vor.u32 $0x3000, v0;
	v3 =	vor.u32 $0x2000, v0;
	v4 =	vor.u32 $0x1000, v0;
	s22 =	simm.s32 $0x8000;
	s24 =	simm.s32 $0xC000;
	s26 =	simm.s32 $0x4  }
.LBB2_1:
0x16: {  	s0 =	sand.u32 $0x70, s2;
	s1 =	sand.u32 $0x3C00, s2  }
0x17: {  	s1 =	sor.u32 s0, s1  }
0x18: {  	[tilespmem:s1+$0x8300] =	vst v1  }
0x19: {  	[tilespmem:s1+$0xC280] =	vst v1  }
0x1a: {  	[tilespmem:s1+$0x8280] =	vst v1  }
0x1b: {  	[tilespmem:s1+$0xC200] =	vst v1  }
0x1c: {  	[tilespmem:s1+$0x8200] =	vst v1  }
0x1d: {  	[tilespmem:s1+$0xC180] =	vst v1  }
0x1e: {  	[tilespmem:s1+$0x8180] =	vst v1  }
0x1f: {  	[tilespmem:s1+$0xC100] =	vst v1  }
0x20: {  	[tilespmem:s1+$0x8100] =	vst v1  }
0x21: {  	s5 =	sand.u32 $0x7, s2;
	[tilespmem:s1+$0xC080] =	vst v1  }
0x22: {  	s3 =	simm.s32 $0x0;
	s4 =	simm.s32 $0x0;
	s0 =	simm.s32 $0x10;
	[tilespmem:s1+$0x8080] =	vst v1  }
.LBB2_2:
0x23: {  	p0 =	sne.s32 s0, $0x7F0;
	s5 =	sshll.u32 s5, $0x4;
	[tilespmem:s1+$0xC000] =	vst v1  }
0x24: {  	s5 =	sadd.s32 s5, s3;
	[tilespmem:s1+$0x8000] =	vst v1  }
0x25: {  	s3 =	sadd.s32 $0x80, s3;
	[tilespmem:s1+$0xC300] =	vst v1;
	s5 =	sor.u32 $0x380, s5  }
0x26: {  	s1 =	sand.u32 $0x70, s0;
	s6 =	sand.u32 $0x3C00, s3;
	[tilespmem:s5+$0xC000] =	vst v1  }
0x27: {  	s1 =	sor.u32 s1, s6;
	[tilespmem:s5+$0x8000] =	vst v1  }
0x28: {  	[tilespmem:s1+$0x8300] =	vst v1  }
0x29: {  	[tilespmem:s1+$0xC280] =	vst v1  }
0x2a: {  	[tilespmem:s1+$0x8280] =	vst v1  }
0x2b: {  	[tilespmem:s1+$0xC200] =	vst v1  }
0x2c: {  	[tilespmem:s1+$0x8200] =	vst v1  }
0x2d: {  	[tilespmem:s1+$0xC180] =	vst v1  }
.Ltmp0:
0x2e: {  	[tilespmem:s1+$0x8180] =	vst v1;
	(pc) =	sbr.rel @p0 .LBB2_2-.Ltmp0, $4  }
0x2f: {  	[tilespmem:s1+$0xC100] =	vst v1  }
0x30: {  	[tilespmem:s1+$0x8100] =	vst v1  }
0x31: {  	s4 =	sadd.s32 $0x1, s4;
	[tilespmem:s1+$0xC080] =	vst v1  }
0x32: {  	s0 =	sadd.s32 $0x10, s0;
	s5 =	sand.u32 $0x7, s4;
	[tilespmem:s1+$0x8080] =	vst v1  }
0x33: {  	s29 =	simm.s32 $0x3;
	s30 =	simm.s32 $0x4  }
0x34: {  	v20 =	vimm.f32 $-Inf;
	s31 =	simm.s32 $0x5;
	s4 =	simm.s32 $0x1;
	s0 =	simm.s32 $0x2;
	v7 =	vmov s29;
	v12 =	vmov s30  }
0x35: {  	v14 =	vmov s31;
	v21 =	vmov s4;
	v23 =	vmov s0  }
0x36: {  	v8 =	vshll.u32 v7, $0x3;
	v7 =	vand.u32 $0x7B, v7;
	v13 =	vshll.u32 v12, $0x3  }
0x37: {  	v18 =	vand.u32 $0x7D, v14;
	v12 =	vand.u32 $0x7C, v12;
	v22 =	vshll.u32 v21, $0x3  }
0x38: {  	v21 =	vand.u32 $0x79, v21;
	v26 =	vshll.u32 v23, $0x3;
	v23 =	vand.u32 $0x7A, v23  }
0x39: {  	v9 =	vadd.s32 v4, v8;
	v10 =	vadd.s32 v3, v8;
	v11 =	vadd.s32 v0, v8  }
0x3a: {  	v16 =	vadd.s32 v4, v13;
	v17 =	vadd.s32 v3, v13;
	v19 =	vadd.s32 v0, v13  }
0x3b: {  	v13 =	vadd.s32 v2, v13;
	v18 =	vor.u32 v5, v18;
	v24 =	vadd.s32 v4, v22  }
0x3c: {  	v25 =	vadd.s32 v2, v22;
	v21 =	vor.u32 v5, v21;
	v27 =	vadd.s32 v4, v26  }
0x3d: {  	v28 =	vadd.s32 v3, v26;
	v23 =	vor.u32 v5, v23;
	v29 =	vadd.s32 v3, v22  }
0x3e: {  	v30 =	vadd.s32 v2, v26;
	v26 =	vadd.s32 v0, v26;
	v7 =	vor.u32 v5, v7  }
0x3f: {  	v8 =	vadd.s32 v2, v8;
	v22 =	vadd.s32 v0, v22;
	v11 =	vand.u32 $0xC00, v11  }
0x40: {  	v16 =	vand.u32 $0x1C00, v16;
	v19 =	vand.u32 $0xC00, v19;
	v13 =	vand.u32 $0x3C00, v13  }
0x41: {  	v24 =	vand.u32 $0x1C00, v24;
	v25 =	vand.u32 $0x3C00, v25;
	v27 =	vand.u32 $0x1C00, v27  }
0x42: {  	v29 =	vand.u32 $0x2C00, v29;
	v30 =	vand.u32 $0x3C00, v30;
	v26 =	vand.u32 $0xC00, v26  }
0x43: {  	v10 =	vand.u32 $0x2C00, v10;
	v28 =	vand.u32 $0x2C00, v28;
	v9 =	vand.u32 $0x1C00, v9  }
0x44: {  	v22 =	vand.u32 $0xC00, v22;
	v8 =	vand.u32 $0x3C00, v8;
	v24 =	vor.u32 v24, v21  }
0x45: {  	v27 =	vor.u32 v27, v23;
	v31 =	vor.u32 v30, v23;
	v25 =	vor.u32 v25, v21  }
0x46: {  	v33 =	vor.u32 v10, v7;
	v41 =	vor.u32 v9, v7;
	v22 =	vor.u32 v22, v21  }
0x47: {  	v34 =	vor.u32 v11, v7;
	v9 =	vor.u32 v5, v12;
	v10 =	vand.u32 $0x2C00, v17  }
0x48: {  	v28 =	vor.u32 v28, v23;
	v21 =	vor.u32 v29, v21;
	v29 =	vor.u32 v8, v7  }
0x49: {  	v11 =	vor.u32 v26, v23;
	v8 =	vshll.u32 v14, $0x3;
	v42 =	vor.u32 v10, v9  }
0x4a: {  	s5 =	sshll.u32 s5, $0x4;
	[tilespmem:s1+$0xC000] =	vst v1;
	v10 =	vor.u32 v16, v9;
	v7 =	vor.u32 v19, v9;
	v13 =	vor.u32 v13, v9  }
0x4b: {  	[tilespmem:s1+$0x8000] =	vst v1;
	s3 =	sadd.s32 s5, s3;
	v9 =	vadd.s32 v3, v8;
	v12 =	vadd.s32 v2, v8;
	v14 =	vadd.s32 v4, v8  }
0x4c: {  	[tilespmem:s1+$0xC300] =	vst v1;
	s3 =	sor.u32 $0x380, s3;
	v8 =	vadd.s32 v0, v8;
	v9 =	vand.u32 $0x2C00, v9;
	v12 =	vand.u32 $0x3C00, v12  }
0x4d: {  	s1 =	simm.s32 $0x6;
	[tilespmem:s3+$0xC000] =	vst v1;
	v17 =	vand.u32 $0x1C00, v14;
	v8 =	vand.u32 $0xC00, v8;
	v14 =	vor.u32 v9, v18  }
0x4e: {  	s7 =	simm.s32 $0x0;
	s8 =	rddreg [dreg:$0x3];
	[tilespmem:s3+$0x8000] =	vst v1;
	v16 =	vor.u32 v12, v18;
	v9 =	vor.u32 v17, v18;
	v12 =	vmov s1  }
0x4f: {  	[tilespmem:s7], [sflag:$0x1] =	stream.linear.gather [hbm4b:s8+s7], $0x4000, $0x38;
	v8 =	vor.u32 v8, v18;
	v17 =	vand.u32 $0x7E, v12;
	v32 =	vshll.u32 v12, $0x3;
	[tilespmem:$0x10000] =	vst v63  }
0x50: {  	s9 =	rddreg [dreg:$0x4];
	v35 =	vor.u32 v5, v17;
	v12 =	vadd.s32 v4, v32;
	v17 =	vmov s7  }
0x51: {  	[tilespmem:s20], [sflag:$0x2] =	stream.linear.gather [hbm4b:s9+s7], $0x4000, $0x38;
	v12 =	vand.u32 $0x1C00, v12;
	v23 =	vand.u32 $0x78, v17;
	v17 =	vshll.u32 v17, $0x3;
	[tilespmem:$0x10000] =	vst v63  }
0x52: {  	_ =	swait.ge [sflag:s21], $0x4000;
	v19 =	vor.u32 v12, v35;
	v12 =	vor.u32 v5, v23;
	v23 =	vadd.s32 v4, v17  }
0x53: {  	[sflag:s21] =	ssyncset.done $0x0;
	v18 =	vadd.s32 v3, v32;
	v26 =	vadd.s32 v2, v17;
	v23 =	vand.u32 $0x1C00, v23  }
0x54: {  	[sflag:s21] =	ssyncadd.s32 $0xFFFFC000;
	v36 =	vadd.s32 v0, v17;
	v26 =	vand.u32 $0x3C00, v26;
	v37 =	vor.u32 v23, v12  }
0x55: {  	v30 =	vadd.s32 v3, v17;
	v17 =	vld.idx.msk [tilespmem:v11+s2+$0x0], $0xffff;
	v11 =	vand.u32 $0xC00, v36;
	v38 =	vor.u32 v26, v12  }
0x56: {  	v15 =	vimm.s32 $0x0;
	s3 =	simm.s32 $0x7;
	v18 =	vand.u32 $0x2C00, v18;
	v11 =	vor.u32 v11, v12;
	v26 =	vld.idx.msk [tilespmem:v25+s2+$0x0], $0xffff  }
0x57: {  	v23 =	vand.u32 $0x2C00, v30;
	v30 =	vadd.s32 v2, v32;
	v25 =	vld.idx.msk [tilespmem:v24+s2+$0x0], $0xffff;
	v24 =	vmov s3  }
0x58: {  	v32 =	vadd.s32 v0, v32;
	v58 =	vor.u32 v23, v12;
	v12 =	vand.u32 $0x3C00, v30;
	v30 =	vld.idx.msk [tilespmem:v27+s2+$0x0], $0xffff  }
0x59: {  	v23 =	vor.u32 v18, v35;
	v18 =	vand.u32 $0x7F, v24;
	v27 =	vshll.u32 v24, $0x3;
	v37 =	vld.idx.msk [tilespmem:v37+s2+$0x0], $0xffff  }
0x5a: {  	v12 =	vor.u32 v12, v35;
	v24 =	vadd.s32 v0, v27;
	v39 =	vadd.s32 v4, v27;
	v38 =	vld.idx.msk [tilespmem:v38+s2+$0x0], $0xffff  }
0x5b: {  	v40 =	vadd.s32 v3, v27;
	v43 =	vor.u32 v5, v18;
	v27 =	vadd.s32 v2, v27;
	v60 =	vld.idx.msk [tilespmem:v11+s2+$0x0], $0xffff  }
0x5c: {  	v18 =	vand.u32 $0x1C00, v39;
	v59 =	vand.u32 $0x2C00, v40;
	v11 =	vand.u32 $0xC00, v24  }
0x5d: {  	v61 =	vld.idx.msk [tilespmem:v22+s2+$0x0], $0xffff;
	v24 =	vor.u32 v18, v43;
	v18 =	vor.u32 v11, v43;
	v11 =	vand.u32 $0x3C00, v27  }
0x5e: {  	v44 =	vld.idx.msk [tilespmem:v58+s2+$0x0], $0xffff;
	v27 =	vand.u32 $0xC00, v32;
	v32 =	vor.u32 v59, v43;
	v11 =	vor.u32 v11, v43  }
0x5f: {  	v21 =	vld.idx.msk [tilespmem:v21+s2+$0x0], $0xffff;
	v22 =	vor.u32 v27, v35;
	vm0 =	vgt.f32 v37, v20;
	v27 =	vmax.f32 v20, v37  }
0x60: {  	v36 =	vmax.f32 v20, v38;
	v37 =	vld.idx.msk [tilespmem:v28+s2+$0x0], $0xffff;
	vm1 =	vgt.f32 v60, v20;
	v62 =	vmax.f32 v20, v60  }
0x61: {  	v28 =	vld.idx.msk [tilespmem:v31+s2+$0x0], $0xffff;
	vm3 =	vgt.f32 v38, v20;
	vm2 =	vgt.f32 v25, v27;
	v35 =	vmax.f32 v27, v25  }
0x62: {  	v25 =	vsel vm0, s7, v15;
	v27 =	vld.idx.msk [tilespmem:v34+s2+$0x0], $0xffff;
	v34 =	vsel vm1, s7, v15;
	vm0 =	vgt.f32 v26, v36  }
0x63: {  	v31 =	vld.idx.msk [tilespmem:v33+s2+$0x0], $0xffff;
	vm1 =	vgt.f32 v44, v20;
	v44 =	vmax.f32 v20, v44;
	v40 =	vsel vm3, s7, v15  }
0x64: {  	v20 =	vld.idx.msk [tilespmem:v29+s2+$0x0], $0xffff;
	vm4 =	vgt.f32 v30, v35;
	v38 =	vsel vm1, s7, v15;
	vm1 =	vgt.f32 v61, v62  }
0x65: {  	v29 =	vld.idx.msk [tilespmem:v41+s2+$0x0], $0xffff;
	v63 =	vsel vm2, s4, v25;
	v25 =	vmax.f32 v62, v61;
	v39 =	vmax.f32 v44, v21  }
0x66: {  	s5 =	simm.s32 $0x8;
	vm3 =	vgt.f32 v21, v44;
	v21 =	vld.idx.msk [tilespmem:v42+s2+$0x0], $0xffff;
	v15 =	vsel vm4, s0, v63;
	vm2 =	vgt.f32 v37, v39  }
.LBB2_4:
0x67: {  	p0 =	slt.u32 s5, $0xF8;
	v33 =	vsel vm3, s4, v38;
	v38 =	vsel vm0, s4, v40;
	v40 =	vld.idx.msk [tilespmem:v10+s2+$0x0], $0xffff;
	s6 =	smov.u32 s5;
	s5 =	sadd.s32 $0x8, s5  }
0x68: {  	v34 =	vsel vm1, s4, v34;
	v10 =	vmax.f32 v36, v26;
	v26 =	vmax.f32 v39, v37;
	v36 =	vld.idx.msk [tilespmem:v13+s2+$0x0], $0xffff  }
0x69: {  	v30 =	vmax.f32 v35, v30;
	s7 =	sadd.s32 $0x3, s6;
	vm3 =	vgt.f32 v28, v10;
	vm1 =	vgt.f32 v31, v26;
	v16 =	vld.idx.msk [tilespmem:v16+s2+$0x0], $0xffff  }
0x6a: {  	v28 =	vmax.f32 v10, v28;
	v26 =	vmax.f32 v26, v31;
	v35 =	vmov s7;
	v14 =	vld.idx.msk [tilespmem:v14+s2+$0x0], $0xffff  }
0x6b: {  	vm6 =	vgt.f32 v20, v28;
	v10 =	vand.u32 $0x7B, v35;
	vm4 =	vgt.f32 v29, v30;
	v19 =	vld.idx.msk [tilespmem:v19+s2+$0x0], $0xffff  }
0x6c: {  	v13 =	vsel vm2, s0, v33;
	v29 =	vmax.f32 v30, v29;
	vm0 =	vgt.f32 v21, v26;
	v23 =	vld.idx.msk [tilespmem:v23+s2+$0x0], $0xffff  }
0x6d: {  	vm2 =	vgt.f32 v17, v25;
	v17 =	vmax.f32 v25, v17;
	v20 =	vmax.f32 v28, v20;
	v9 =	vld.idx.msk [tilespmem:v9+s2+$0x0], $0xffff  }
0x6e: {  	v25 =	vsel vm2, s0, v34;
	vm8 =	vgt.f32 v36, v20;
	v20 =	vmax.f32 v20, v36;
	v28 =	vld.idx.msk [tilespmem:v32+s2+$0x0], $0xffff  }
0x6f: {  	v21 =	vmax.f32 v26, v21;
	v30 =	vmax.f32 v29, v40;
	v26 =	vmax.f32 v20, v16;
	v24 =	vld.idx.msk [tilespmem:v24+s2+$0x0], $0xffff  }
0x70: {  	v31 =	vshll.u32 v35, $0x3;
	v32 =	vmax.f32 v17, v27;
	vm2 =	vgt.f32 v14, v21  }
0x71: {  	v33 =	vadd.s32 v4, v31;
	v34 =	vadd.s32 v3, v31;
	vm10 =	vgt.f32 v16, v20  }
0x72: {  	vm5 =	vgt.f32 v27, v17;
	v16 =	vadd.s32 v0, v31;
	v17 =	vsel vm4, s29, v15;
	v7 =	vld.idx.msk [tilespmem:v7+s2+$0x0], $0xffff  }
0x73: {  	v20 =	vsel vm3, s0, v38;
	v14 =	vmax.f32 v21, v14;
	v27 =	vmax.f32 v30, v9  }
0x74: {  	v16 =	vand.u32 $0xC00, v16;
	v35 =	vmax.f32 v14, v23;
	v21 =	vmax.f32 v27, v19  }
0x75: {  	vm9 =	vgt.f32 v9, v30;
	v15 =	vmax.f32 v35, v28;
	vm7 =	vgt.f32 v24, v21  }
0x76: {  	s9 =	sadd.s32 $0x4, s6;
	vm11 =	vgt.f32 v40, v29;
	vm4 =	vgt.f32 v23, v14;
	vm3 =	vgt.f32 v28, v35;
	v9 =	vld.idx.msk [tilespmem:v22+s2+$0x0], $0xffff  }
0x77: {  	s8 =	sadd.s32 $0x5, s6;
	v17 =	vsel vm11, s30, v17;
	v14 =	vmov s9;
	vm11 =	vgt.f32 v19, v27;
	v22 =	vld.idx.msk [tilespmem:v8+s2+$0x0], $0xffff  }
0x78: {  	v19 =	vmov s8;
	v8 =	vshll.u32 v14, $0x3;
	v23 =	vmax.f32 v32, v7;
	v12 =	vld.idx.msk [tilespmem:v12+s2+$0x0], $0xffff  }
0x79: {  	v28 =	vand.u32 $0x7D, v19;
	v27 =	vadd.s32 v4, v8;
	v30 =	vadd.s32 v3, v8;
	v18 =	vld.idx.msk [tilespmem:v18+s2+$0x0], $0xffff  }
0x7a: {  	v14 =	vand.u32 $0x7C, v14;
	v29 =	vadd.s32 v0, v8;
	v35 =	vand.u32 $0x1C00, v27  }
0x7b: {  	v36 =	vand.u32 $0xC00, v29;
	v27 =	vadd.s32 v2, v8;
	v8 =	vor.u32 v5, v28  }
0x7c: {  	v37 =	vand.u32 $0x3C00, v27;
	v27 =	vsel vm6, s29, v20;
	v20 =	vmax.f32 v21, v24  }
0x7d: {  	v21 =	vsel vm8, s30, v27;
	vm8 =	vgt.f32 v22, v23;
	v22 =	vmax.f32 v23, v22  }
0x7e: {  	s4 =	sadd.s32 $0x1, s6;
	s0 =	sadd.s32 $0x2, s6;
	v23 =	vsel vm10, s31, v21;
	v21 =	vmax.f32 v22, v9;
	vm12 =	vgt.f32 v12, v26  }
0x7f: {  	v24 =	vmov s4;
	v27 =	vmov s0;
	vm6 =	vgt.f32 v18, v21  }
0x80: {  	v28 =	vand.u32 $0x79, v24;
	v24 =	vshll.u32 v24, $0x3;
	vm10 =	vgt.f32 v7, v32  }
0x81: {  	v7 =	vadd.s32 v4, v24;
	v29 =	vadd.s32 v2, v24;
	v21 =	vmax.f32 v21, v18;
	v18 =	vld.idx.msk [tilespmem:v11+s2+$0x0], $0xffff  }
0x82: {  	v17 =	vsel vm9, s31, v17;
	v32 =	vor.u32 v5, v28;
	v7 =	vand.u32 $0x1C00, v7  }
0x83: {  	vm9 =	vgt.f32 v9, v22;
	v11 =	vor.u32 v7, v32;
	v7 =	vand.u32 $0x3C00, v29  }
0x84: {  	v17 =	vsel vm11, s1, v17;
	v9 =	vand.u32 $0x7A, v27;
	v22 =	vshll.u32 v27, $0x3  }
0x85: {  	v27 =	vadd.s32 v4, v22;
	v23 =	vsel vm12, s1, v23;
	v29 =	vadd.s32 v3, v22  }
0x86: {  	v12 =	vmax.f32 v26, v12;
	v9 =	vor.u32 v5, v9;
	v27 =	vand.u32 $0x1C00, v27  }
0x87: {  	v26 =	vadd.s32 v3, v24;
	v38 =	vor.u32 v27, v9;
	vm11 =	vgt.f32 v18, v12  }
0x88: {  	v26 =	vand.u32 $0x2C00, v26;
	v28 =	vadd.s32 v2, v22;
	v27 =	vsel vm7, s3, v17  }
0x89: {  	v39 =	vsel vm5, s29, v25;
	v17 =	vadd.s32 v0, v22;
	v22 =	vand.u32 $0x3C00, v28  }
0x8a: {  	v17 =	vand.u32 $0xC00, v17;
	v28 =	vor.u32 v22, v9;
	v25 =	vsel vm11, s3, v23  }
0x8b: {  	v13 =	vsel vm1, s29, v13;
	s29 =	smov.u32 s7;
	v22 =	vor.u32 v5, v10;
	v10 =	vadd.s32 v2, v31  }
0x8c: {  	v23 =	vor.u32 v7, v32;
	v7 =	vand.u32 $0x2C00, v34;
	v34 =	vsel vm10, s30, v39  }
0x8d: {  	v39 =	vand.u32 $0x2C00, v29;
	v31 =	vor.u32 v7, v22;
	v7 =	vsel vm8, s31, v34  }
0x8e: {  	v24 =	vadd.s32 v0, v24;
	v29 =	vand.u32 $0x1C00, v33;
	v7 =	vsel vm9, s1, v7  }
0x8f: {  	v13 =	vsel vm0, s30, v13;
	v24 =	vand.u32 $0xC00, v24;
	s30 =	smov.u32 s9;
	v29 =	vor.u32 v29, v22  }
0x90: {  	v40 =	vor.u32 v24, v32;
	v34 =	vor.u32 v16, v22;
	v16 =	vand.u32 $0x3C00, v10  }
0x91: {  	v13 =	vsel vm2, s31, v13;
	v14 =	vor.u32 v5, v14;
	v10 =	vand.u32 $0x2C00, v30;
	s31 =	smov.u32 s8  }
0x92: {  	v13 =	vsel vm4, s1, v13;
	v41 =	vmax.f32 v12, v18;
	v33 =	vor.u32 v10, v14  }
0x93: {  	v42 =	vsel vm3, s3, v13;
	v39 =	vor.u32 v39, v9;
	v10 =	vor.u32 v35, v14  }
0x94: {  	v35 =	vor.u32 v26, v32;
	v43 =	vor.u32 v16, v22;
	v44 =	vsel vm6, s3, v7  }
0x95: {  	v12 =	vor.u32 v17, v9;
	v9 =	vshll.u32 v19, $0x3;
	v7 =	vor.u32 v36, v14  }
0x96: {  	v13 =	vor.u32 v37, v14;
	v16 =	vadd.s32 v2, v9;
	v14 =	vadd.s32 v3, v9  }
0x97: {  	v17 =	vadd.s32 v4, v9;
	v16 =	vand.u32 $0x3C00, v16;
	v14 =	vand.u32 $0x2C00, v14  }
0x98: {  	s1 =	sadd.s32 $0x6, s6;
	v17 =	vand.u32 $0x1C00, v17;
	v16 =	vor.u32 v16, v8;
	v14 =	vor.u32 v14, v8  }
0x99: {  	v18 =	vadd.s32 v0, v9;
	v19 =	vmov s1;
	v9 =	vor.u32 v17, v8  }
0x9a: {  	v22 =	vshll.u32 v19, $0x3;
	v17 =	vld.idx.msk [tilespmem:v12+s2+$0x0], $0xffff;
	v12 =	vand.u32 $0xC00, v18;
	v18 =	vand.u32 $0x7E, v19  }
0x9b: {  	v8 =	vor.u32 v12, v8;
	v36 =	vor.u32 v5, v18;
	v12 =	vadd.s32 v4, v22  }
0x9c: {  	v24 =	vadd.s32 v3, v22;
	v18 =	vmov s6;
	v12 =	vand.u32 $0x1C00, v12  }
0x9d: {  	v26 =	vand.u32 $0x78, v18;
	v18 =	vshll.u32 v18, $0x3;
	v19 =	vor.u32 v12, v36  }
0x9e: {  	v12 =	vor.u32 v5, v26;
	v26 =	vadd.s32 v4, v18;
	v30 =	vadd.s32 v2, v18  }
0x9f: {  	v32 =	vadd.s32 v3, v18;
	v26 =	vand.u32 $0x1C00, v26;
	v30 =	vand.u32 $0x3C00, v30  }
0xa0: {  	v18 =	vadd.s32 v0, v18;
	v37 =	vor.u32 v26, v12;
	v45 =	vor.u32 v30, v12  }
0xa1: {  	v18 =	vand.u32 $0xC00, v18;
	v26 =	vand.u32 $0x2C00, v32;
	v30 =	vadd.s32 v2, v22  }
0xa2: {  	s3 =	sadd.s32 $0x7, s6;
	v18 =	vor.u32 v18, v12;
	v32 =	vor.u32 v26, v12;
	v12 =	vand.u32 $0x3C00, v30;
	v26 =	vld.idx.msk [tilespmem:v23+s2+$0x0], $0xffff  }
0xa3: {  	v12 =	vor.u32 v12, v36;
	v46 =	vld.idx.msk [tilespmem:v11+s2+$0x0], $0xffff;
	v11 =	vand.u32 $0x2C00, v24;
	v24 =	vmov s3  }
0xa4: {  	v30 =	vld.idx.msk [tilespmem:v38+s2+$0x0], $0xffff;
	v23 =	vor.u32 v11, v36;
	v11 =	vand.u32 $0x7F, v24;
	v38 =	vshll.u32 v24, $0x3  }
0xa5: {  	v37 =	vld.idx.msk [tilespmem:v37+s2+$0x0], $0xffff;
	v24 =	vadd.s32 v0, v38;
	v47 =	vadd.s32 v4, v38;
	v48 =	vadd.s32 v3, v38  }
0xa6: {  	v11 =	vor.u32 v5, v11;
	v45 =	vld.idx.msk [tilespmem:v45+s2+$0x0], $0xffff;
	v47 =	vand.u32 $0x1C00, v47;
	v48 =	vand.u32 $0x2C00, v48  }
0xa7: {  	v38 =	vadd.s32 v2, v38;
	v49 =	vld.idx.msk [tilespmem:v18+s2+$0x0], $0xffff;
	v18 =	vand.u32 $0xC00, v24;
	v24 =	vor.u32 v47, v11  }
0xa8: {  	v22 =	vadd.s32 v0, v22;
	v38 =	vand.u32 $0x3C00, v38;
	v47 =	vld.idx.msk [tilespmem:v32+s2+$0x0], $0xffff;
	v18 =	vor.u32 v18, v11  }
0xa9: {  	v22 =	vand.u32 $0xC00, v22;
	v32 =	vor.u32 v48, v11;
	v11 =	vor.u32 v38, v11  }
0xaa: {  	v22 =	vor.u32 v22, v36;
	v48 =	vld.idx.msk [tilespmem:v40+s2+$0x0], $0xffff  }
0xab: {  	vm0 =	vgt.f32 v37, v20;
	v20 =	vmax.f32 v20, v37;
	v50 =	vld.idx.msk [tilespmem:v35+s2+$0x0], $0xffff  }
0xac: {  	v36 =	vmax.f32 v41, v45;
	vm2 =	vgt.f32 v46, v20;
	v35 =	vmax.f32 v20, v46;
	v37 =	vld.idx.msk [tilespmem:v39+s2+$0x0], $0xffff  }
0xad: {  	v20 =	vsel vm0, s6, v27;
	vm1 =	vgt.f32 v49, v21;
	vm4 =	vgt.f32 v30, v35;
	v27 =	vld.idx.msk [tilespmem:v34+s2+$0x0], $0xffff  }
.Ltmp1:
0xae: {  	v21 =	vmax.f32 v21, v49;
	vm0 =	vgt.f32 v26, v36;
	v34 =	vsel vm1, s6, v44;
	v28 =	vld.idx.msk [tilespmem:v28+s2+$0x0], $0xffff;
	(pc) =	sbr.rel @p0 .LBB2_4-.Ltmp1, $4  }
0xaf: {  	vm3 =	vgt.f32 v45, v41;
	vm1 =	vgt.f32 v47, v15;
	v15 =	vmax.f32 v15, v47;
	v31 =	vld.idx.msk [tilespmem:v31+s2+$0x0], $0xffff  }
0xb0: {  	v41 =	vsel vm2, s4, v20;
	v38 =	vsel vm1, s6, v42;
	vm1 =	vgt.f32 v48, v21;
	v20 =	vld.idx.msk [tilespmem:v43+s2+$0x0], $0xffff  }
0xb1: {  	v40 =	vsel vm3, s6, v25;
	v25 =	vmax.f32 v21, v48;
	v39 =	vmax.f32 v15, v50;
	v29 =	vld.idx.msk [tilespmem:v29+s2+$0x0], $0xffff  }
0xb2: {  	vm3 =	vgt.f32 v50, v15;
	v15 =	vsel vm4, s0, v41;
	vm2 =	vgt.f32 v37, v39;
	v21 =	vld.idx.msk [tilespmem:v33+s2+$0x0], $0xffff  }
0xb3: {  	_ =	sdelay $0x3  }
0xb4: {  	v10 =	vld.idx.msk [tilespmem:v10+s2+$0x0], $0xffff  }
0xb5: {  	v13 =	vld.idx.msk [tilespmem:v13+s2+$0x0], $0xffff;
	v33 =	vsel vm3, s4, v38;
	v58 =	vsel vm0, s4, v40;
	v34 =	vsel vm1, s4, v34  }
0xb6: {  	v16 =	vld.idx.msk [tilespmem:v16+s2+$0x0], $0xffff;
	v26 =	vmax.f32 v36, v26;
	v59 =	vmax.f32 v39, v37;
	v30 =	vmax.f32 v35, v30  }
0xb7: {  	v14 =	vld.idx.msk [tilespmem:v14+s2+$0x0], $0xffff;
	vm4 =	vgt.f32 v28, v26;
	vm0 =	vgt.f32 v31, v59;
	v26 =	vmax.f32 v26, v28  }
0xb8: {  	v19 =	vld.idx.msk [tilespmem:v19+s2+$0x0], $0xffff;
	v28 =	vmax.f32 v59, v31;
	v31 =	vsel vm2, s0, v33;
	vm2 =	vgt.f32 v17, v25  }
0xb9: {  	v23 =	vld.idx.msk [tilespmem:v23+s2+$0x0], $0xffff;
	v17 =	vmax.f32 v25, v17;
	vm3 =	vgt.f32 v20, v26;
	v20 =	vmax.f32 v26, v20  }
0xba: {  	v9 =	vld.idx.msk [tilespmem:v9+s2+$0x0], $0xffff;
	v26 =	vsel vm2, s0, v34;
	vm8 =	vgt.f32 v27, v17;
	vm5 =	vgt.f32 v29, v30  }
0xbb: {  	v7 =	vld.idx.msk [tilespmem:v7+s2+$0x0], $0xffff;
	v29 =	vmax.f32 v30, v29;
	v30 =	vmax.f32 v17, v27;
	v17 =	vsel vm4, s0, v58  }
0xbc: {  	v8 =	vld.idx.msk [tilespmem:v8+s2+$0x0], $0xffff;
	s0 =	simm.s32 $0x2;
	vm1 =	vgt.f32 v21, v28;
	v21 =	vmax.f32 v28, v21;
	v15 =	vsel vm5, s29, v15  }
0xbd: {  	v25 =	vld.idx.msk [tilespmem:v32+s2+$0x0], $0xffff;
	v27 =	vmov s0;
	vm6 =	vgt.f32 v13, v20;
	v13 =	vmax.f32 v20, v13  }
0xbe: {  	v20 =	vld.idx.msk [tilespmem:v24+s2+$0x0], $0xffff;
	v24 =	vmax.f32 v29, v10;
	vm2 =	vgt.f32 v14, v21;
	v14 =	vmax.f32 v21, v14  }
0xbf: {  	v12 =	vld.idx.msk [tilespmem:v12+s2+$0x0], $0xffff;
	vm9 =	vgt.f32 v10, v29;
	v28 =	vmax.f32 v13, v16;
	vm7 =	vgt.f32 v16, v13  }
0xc0: {  	v13 =	vld.idx.msk [tilespmem:v22+s2+$0x0], $0xffff;
	v16 =	vmax.f32 v24, v9;
	v22 =	vmax.f32 v14, v23;
	vm4 =	vgt.f32 v9, v24  }
0xc1: {  	vm10 =	vgt.f32 v23, v14;
	v10 =	vsel vm9, s30, v15;
	v14 =	vmax.f32 v30, v7  }
0xc2: {  	v9 =	vld.idx.msk [tilespmem:v18+s2+$0x0], $0xffff;
	v15 =	vsel vm3, s29, v17;
	v24 =	vimm.f32 $-Inf;
	v21 =	vmax.f32 v16, v19  }
0xc3: {  	vm11 =	vgt.f32 v25, v22;
	vm3 =	vgt.f32 v19, v16;
	v15 =	vsel vm6, s30, v15  }
0xc4: {  	v11 =	vld.idx.msk [tilespmem:v11+s2+$0x0], $0xffff;
	s4 =	simm.s32 $0x1;
	v16 =	vmax.f32 v14, v8;
	vm6 =	vgt.f32 v8, v14;
	v19 =	vimm.s32 $0x0  }
0xc5: {  	v25 =	vmov s4;
	v8 =	vsel vm7, s31, v15;
	vm7 =	vgt.f32 v12, v28  }
0xc6: {  	v12 =	vmax.f32 v28, v12;
	v8 =	vsel vm7, s1, v8;
	v14 =	vmax.f32 v16, v13  }
0xc7: {  	vm5 =	vgt.f32 v20, v21;
	vm12 =	vgt.f32 v13, v16;
	vm9 =	vgt.f32 v9, v14  }
0xc8: {  	v9 =	vsel vm4, s31, v10;
	vm4 =	vgt.f32 v7, v30;
	v10 =	vsel vm0, s29, v31  }
0xc9: {  	vm0 =	vgt.f32 v11, v12;
	v30 =	vshll.u32 v27, $0x3;
	v27 =	vand.u32 $0x7A, v27  }
0xca: {  	v7 =	vsel vm3, s1, v9;
	v9 =	vsel vm8, s29, v26;
	v10 =	vsel vm1, s30, v10  }
0xcb: {  	v11 =	vsel vm0, s3, v8;
	v26 =	vshll.u32 v25, $0x3;
	v25 =	vand.u32 $0x79, v25  }
0xcc: {  	v31 =	vadd.s32 v4, v30;
	v60 =	vadd.s32 v3, v30;
	v27 =	vor.u32 v5, v27  }
0xcd: {  	v62 =	vadd.s32 v2, v30;
	v30 =	vadd.s32 v0, v30;
	v9 =	vsel vm4, s30, v9  }
0xce: {  	v10 =	vsel vm2, s31, v10;
	v7 =	vsel vm5, s3, v7;
	v15 =	vshll.u32 v11, $0x3  }
0xcf: {  	v28 =	vadd.s32 v4, v26;
	v29 =	vadd.s32 v2, v26;
	v25 =	vor.u32 v5, v25  }
0xd0: {  	v31 =	vand.u32 $0x1C00, v31;
	v61 =	vadd.s32 v3, v26;
	v34 =	vand.u32 $0x3C00, v62  }
0xd1: {  	v30 =	vand.u32 $0xC00, v30;
	v26 =	vadd.s32 v0, v26;
	v32 =	vand.u32 $0x2C00, v60  }
0xd2: {  	s30 =	simm.s32 $0x4;
	v9 =	vsel vm6, s31, v9;
	v10 =	vsel vm10, s1, v10;
	v12 =	vshll.u32 v7, $0x3  }
0xd3: {  	v7 =	vand.u32 $0x7F, v7;
	v16 =	vmov s30;
	v28 =	vand.u32 $0x1C00, v28  }
0xd4: {  	v29 =	vand.u32 $0x3C00, v29;
	v31 =	vor.u32 v31, v27;
	v33 =	vand.u32 $0x2C00, v61  }
0xd5: {  	v35 =	vor.u32 v34, v27;
	v26 =	vand.u32 $0xC00, v26;
	v32 =	vor.u32 v32, v27  }
0xd6: {  	s31 =	simm.s32 $0x5;
	v9 =	vsel vm12, s1, v9;
	v10 =	vsel vm11, s3, v10;
	v12 =	vadd.s32 v4, v12  }
0xd7: {  	v17 =	vshll.u32 v16, $0x3;
	v18 =	vmov s31;
	v16 =	vand.u32 $0x7C, v16  }
0xd8: {  	v28 =	vor.u32 v28, v25;
	v29 =	vor.u32 v29, v25;
	v26 =	vor.u32 v26, v25  }
0xd9: {  	v25 =	vor.u32 v33, v25;
	v8 =	vsel vm9, s3, v9;
	v13 =	vshll.u32 v10, $0x3  }
0xda: {  	v12 =	vand.u32 $0xFFFFFC00, v12;
	v20 =	vadd.s32 v4, v17;
	v21 =	vadd.s32 v3, v17  }
0xdb: {  	v22 =	vand.u32 $0x7D, v18;
	v23 =	vadd.s32 v0, v17;
	v9 =	vshll.u32 v8, $0x3  }
0xdc: {  	v17 =	vadd.s32 v2, v17;
	v8 =	vand.u32 $0x7F, v8;
	v9 =	vadd.s32 v0, v9  }
0xdd: {  	v7 =	vor.u32 v12, v7;
	v20 =	vand.u32 $0x1C00, v20;
	v9 =	vand.u32 $0xFFFFFC00, v9  }
0xde: {  	v23 =	vand.u32 $0xC00, v23;
	v22 =	vor.u32 v5, v22;
	v8 =	vor.u32 v9, v8  }
0xdf: {  	v14 =	vor.u32 v5, v8;
	v8 =	vor.u32 v5, v7;
	v7 =	vadd.s32 v3, v13  }
0xe0: {  	v9 =	vand.u32 $0x7F, v10;
	v10 =	vadd.s32 v2, v15;
	v7 =	vand.u32 $0xFFFFFC00, v7  }
0xe1: {  	s29 =	simm.s32 $0x3;
	v10 =	vand.u32 $0xFFFFFC00, v10;
	v7 =	vor.u32 v7, v9;
	v9 =	vand.u32 $0x7F, v11  }
0xe2: {  	v12 =	vor.u32 v5, v7;
	v7 =	vor.u32 v10, v9;
	v9 =	vmov s29  }
0xe3: {  	v17 =	vand.u32 $0x3C00, v17;
	v10 =	vor.u32 v5, v7;
	v7 =	vshll.u32 v9, $0x3  }
0xe4: {  	v9 =	vand.u32 $0x7B, v9;
	v11 =	vadd.s32 v4, v7;
	v13 =	vadd.s32 v3, v7  }
0xe5: {  	v15 =	vadd.s32 v0, v7;
	v9 =	vor.u32 v5, v9;
	v7 =	vadd.s32 v2, v7  }
0xe6: {  	v15 =	vand.u32 $0xC00, v15;
	v13 =	vand.u32 $0x2C00, v13;
	v11 =	vand.u32 $0x1C00, v11  }
0xe7: {  	v7 =	vand.u32 $0x3C00, v7;
	v37 =	vor.u32 v13, v9;
	v45 =	vor.u32 v11, v9  }
0xe8: {  	v63 =	vor.u32 v15, v9;
	v11 =	vor.u32 v5, v16;
	v13 =	vand.u32 $0x2C00, v21  }
0xe9: {  	v52 =	vor.u32 v7, v9;
	v9 =	vshll.u32 v18, $0x3;
	v46 =	vor.u32 v13, v11  }
0xea: {  	v15 =	vor.u32 v20, v11;
	v13 =	vor.u32 v30, v27;
	v7 =	vor.u32 v23, v11  }
0xeb: {  	v18 =	vor.u32 v17, v11;
	v11 =	vadd.s32 v3, v9;
	v16 =	vadd.s32 v2, v9  }
0xec: {  	[tilespmem:v14+s22+$0x0] =	vst.idx.msk $0xffff, v6;
	v17 =	vadd.s32 v4, v9;
	v9 =	vadd.s32 v0, v9;
	v11 =	vand.u32 $0x2C00, v11  }
0xed: {  	s1 =	simm.s32 $0x6;
	[tilespmem:v8+s22+$0x0] =	vst.idx.msk $0xffff, v6;
	v16 =	vand.u32 $0x3C00, v16;
	v21 =	vand.u32 $0x1C00, v17;
	v9 =	vand.u32 $0xC00, v9  }
0xee: {  	[tilespmem:v12+s22+$0x0] =	vst.idx.msk $0xffff, v6;
	v17 =	vor.u32 v11, v22;
	v20 =	vor.u32 v16, v22;
	v16 =	vmov s1  }
0xef: {  	s5 =	simm.s32 $0x0;
	s8 =	rddreg [dreg:$0x5];
	[tilespmem:v10+s22+$0x0] =	vst.idx.msk $0xffff, v6;
	v11 =	vor.u32 v21, v22;
	v21 =	vand.u32 $0x7E, v16;
	v53 =	vshll.u32 v16, $0x3  }
0xf0: {  	[hbm4b:s8+s5] =	stream.linear.scatter [tilespmem:s22], [sflag:$0x3], $0x4000, $0x38;
	v9 =	vor.u32 v9, v22;
	v54 =	vor.u32 v5, v21;
	v16 =	vadd.s32 v4, v53;
	[tilespmem:$0x10000] =	vst v63  }
0xf1: {  	s9 =	rddreg [dreg:$0x6];
	v21 =	vmov s5;
	v22 =	vadd.s32 v3, v53;
	v57 =	vadd.s32 v2, v53  }
0xf2: {  	[tilespmem:s5], [sflag:$0x1] =	stream.linear.gather [hbm4b:s9+s5], $0x4000, $0x38;
	v16 =	vand.u32 $0x1C00, v16;
	v27 =	vand.u32 $0x78, v21;
	v21 =	vshll.u32 v21, $0x3;
	[tilespmem:$0x10000] =	vst v63  }
0xf3: {  	_ =	swait.ge [sflag:s23], $0x4000;
	v23 =	vor.u32 v16, v54;
	v16 =	vor.u32 v5, v27;
	v27 =	vadd.s32 v4, v21  }
0xf4: {  	v36 =	vadd.s32 v0, v53;
	v30 =	vadd.s32 v2, v21;
	[sflag:s23] =	ssyncset.done $0x0;
	v27 =	vand.u32 $0x1C00, v27  }
0xf5: {  	v56 =	vadd.s32 v0, v21;
	v30 =	vand.u32 $0x3C00, v30;
	[sflag:s23] =	ssyncadd.s32 $0xFFFFC000;
	v41 =	vor.u32 v27, v16  }
0xf6: {  	v55 =	vadd.s32 v3, v21;
	v42 =	vor.u32 v30, v16;
	v21 =	vld.idx.msk [tilespmem:v13+s20+$0x0], $0xffff;
	v13 =	vand.u32 $0xC00, v56  }
0xf7: {  	s3 =	simm.s32 $0x7;
	v22 =	vand.u32 $0x2C00, v22;
	v27 =	vand.u32 $0x2C00, v55;
	v30 =	vld.idx.msk [tilespmem:v29+s20+$0x0], $0xffff;
	v13 =	vor.u32 v13, v16  }
0xf8: {  	v29 =	vld.idx.msk [tilespmem:v28+s20+$0x0], $0xffff;
	v28 =	vmov s3;
	v58 =	vor.u32 v27, v16;
	v16 =	vand.u32 $0x3C00, v57  }
0xf9: {  	v34 =	vld.idx.msk [tilespmem:v31+s20+$0x0], $0xffff;
	v27 =	vor.u32 v22, v54;
	v22 =	vand.u32 $0x7F, v28;
	v31 =	vshll.u32 v28, $0x3  }
0xfa: {  	v16 =	vor.u32 v16, v54;
	v28 =	vadd.s32 v0, v31;
	v43 =	vadd.s32 v4, v31;
	v41 =	vld.idx.msk [tilespmem:v41+s20+$0x0], $0xffff  }
0xfb: {  	v44 =	vadd.s32 v3, v31;
	v47 =	vor.u32 v5, v22;
	v31 =	vadd.s32 v2, v31;
	v42 =	vld.idx.msk [tilespmem:v42+s20+$0x0], $0xffff  }
0xfc: {  	v22 =	vand.u32 $0x1C00, v43;
	v59 =	vand.u32 $0x2C00, v44;
	v60 =	vld.idx.msk [tilespmem:v13+s20+$0x0], $0xffff;
	v13 =	vand.u32 $0xC00, v28  }
0xfd: {  	v61 =	vld.idx.msk [tilespmem:v26+s20+$0x0], $0xffff;
	v28 =	vor.u32 v22, v47;
	v22 =	vor.u32 v13, v47;
	v13 =	vand.u32 $0x3C00, v31  }
0xfe: {  	v48 =	vld.idx.msk [tilespmem:v58+s20+$0x0], $0xffff;
	v31 =	vand.u32 $0xC00, v36;
	v36 =	vor.u32 v59, v47;
	v13 =	vor.u32 v13, v47  }
0xff: {  	v25 =	vld.idx.msk [tilespmem:v25+s20+$0x0], $0xffff;
	v26 =	vor.u32 v31, v54;
	vm0 =	vgt.f32 v41, v24;
	v31 =	vmax.f32 v24, v41  }
0x100: {  	v33 =	vld.idx.msk [tilespmem:v45+s20+$0x0], $0xffff;
	v40 =	vmax.f32 v24, v42;
	vm3 =	vgt.f32 v42, v24;
	vm2 =	vgt.f32 v29, v31  }
0x101: {  	v41 =	vld.idx.msk [tilespmem:v32+s20+$0x0], $0xffff;
	v39 =	vmax.f32 v31, v29;
	vm1 =	vgt.f32 v60, v24;
	v29 =	vsel vm0, s5, v19  }
0x102: {  	v32 =	vld.idx.msk [tilespmem:v35+s20+$0x0], $0xffff;
	v62 =	vmax.f32 v24, v60;
	vm0 =	vgt.f32 v30, v40;
	v44 =	vsel vm3, s5, v19  }
0x103: {  	v35 =	vld.idx.msk [tilespmem:v37+s20+$0x0], $0xffff;
	vm4 =	vgt.f32 v34, v39;
	v38 =	vsel vm1, s5, v19;
	vm1 =	vgt.f32 v48, v24  }
0x104: {  	v31 =	vld.idx.msk [tilespmem:v63+s20+$0x0], $0xffff;
	v48 =	vmax.f32 v24, v48;
	v63 =	vsel vm2, s4, v29;
	v29 =	vmax.f32 v62, v61  }
0x105: {  	v24 =	vld.idx.msk [tilespmem:v52+s20+$0x0], $0xffff;
	v42 =	vsel vm1, s5, v19;
	vm1 =	vgt.f32 v61, v62;
	v43 =	vmax.f32 v48, v25  }
0x106: {  	s5 =	simm.s32 $0x8;
	vm3 =	vgt.f32 v25, v48;
	v19 =	vsel vm4, s0, v63;
	v25 =	vld.idx.msk [tilespmem:v46+s20+$0x0], $0xffff;
	vm2 =	vgt.f32 v41, v43  }
.LBB2_6:
0x107: {  	p0 =	slt.u32 s5, $0xF8;
	v37 =	vsel vm3, s4, v42;
	v42 =	vsel vm0, s4, v44;
	v44 =	vld.idx.msk [tilespmem:v15+s20+$0x0], $0xffff;
	s6 =	smov.u32 s5;
	s5 =	sadd.s32 $0x8, s5  }
0x108: {  	v38 =	vsel vm1, s4, v38;
	v15 =	vmax.f32 v40, v30;
	v30 =	vmax.f32 v43, v41;
	v18 =	vld.idx.msk [tilespmem:v18+s20+$0x0], $0xffff  }
0x109: {  	v34 =	vmax.f32 v39, v34;
	s7 =	sadd.s32 $0x3, s6;
	vm3 =	vgt.f32 v32, v15;
	vm1 =	vgt.f32 v35, v30;
	v20 =	vld.idx.msk [tilespmem:v20+s20+$0x0], $0xffff  }
0x10a: {  	v32 =	vmax.f32 v15, v32;
	v30 =	vmax.f32 v30, v35;
	v39 =	vmov s7;
	v35 =	vld.idx.msk [tilespmem:v17+s20+$0x0], $0xffff  }
0x10b: {  	vm6 =	vgt.f32 v24, v32;
	v15 =	vand.u32 $0x7B, v39;
	vm4 =	vgt.f32 v33, v34;
	v23 =	vld.idx.msk [tilespmem:v23+s20+$0x0], $0xffff  }
0x10c: {  	v17 =	vsel vm2, s0, v37;
	v33 =	vmax.f32 v34, v33;
	vm0 =	vgt.f32 v25, v30;
	v27 =	vld.idx.msk [tilespmem:v27+s20+$0x0], $0xffff  }
0x10d: {  	v24 =	vmax.f32 v32, v24;
	vm2 =	vgt.f32 v21, v29;
	v21 =	vmax.f32 v29, v21;
	v11 =	vld.idx.msk [tilespmem:v11+s20+$0x0], $0xffff  }
0x10e: {  	v29 =	vsel vm2, s0, v38;
	vm8 =	vgt.f32 v18, v24;
	v18 =	vmax.f32 v24, v18;
	v24 =	vld.idx.msk [tilespmem:v36+s20+$0x0], $0xffff  }
0x10f: {  	v25 =	vmax.f32 v30, v25;
	v32 =	vmax.f32 v33, v44;
	v30 =	vmax.f32 v18, v20;
	v28 =	vld.idx.msk [tilespmem:v28+s20+$0x0], $0xffff  }
0x110: {  	v34 =	vshll.u32 v39, $0x3;
	v36 =	vmax.f32 v21, v31;
	vm2 =	vgt.f32 v35, v25  }
0x111: {  	v37 =	vadd.s32 v4, v34;
	v38 =	vadd.s32 v3, v34;
	vm10 =	vgt.f32 v20, v18  }
0x112: {  	vm5 =	vgt.f32 v31, v21;
	v18 =	vadd.s32 v0, v34;
	v20 =	vsel vm4, s29, v19;
	v7 =	vld.idx.msk [tilespmem:v7+s20+$0x0], $0xffff  }
0x113: {  	v21 =	vsel vm3, s0, v42;
	v25 =	vmax.f32 v25, v35;
	v31 =	vmax.f32 v32, v11  }
0x114: {  	v18 =	vand.u32 $0xC00, v18;
	v39 =	vmax.f32 v25, v27;
	v35 =	vmax.f32 v31, v23  }
0x115: {  	vm9 =	vgt.f32 v11, v32;
	v19 =	vmax.f32 v39, v24;
	vm7 =	vgt.f32 v28, v35  }
0x116: {  	s9 =	sadd.s32 $0x4, s6;
	vm11 =	vgt.f32 v44, v33;
	vm4 =	vgt.f32 v27, v25;
	vm3 =	vgt.f32 v24, v39;
	v11 =	vld.idx.msk [tilespmem:v26+s20+$0x0], $0xffff  }
0x117: {  	s8 =	sadd.s32 $0x5, s6;
	v20 =	vsel vm11, s30, v20;
	v24 =	vmov s9;
	vm11 =	vgt.f32 v23, v31;
	v25 =	vld.idx.msk [tilespmem:v9+s20+$0x0], $0xffff  }
0x118: {  	v23 =	vmov s8;
	v9 =	vshll.u32 v24, $0x3;
	v26 =	vmax.f32 v36, v7;
	v16 =	vld.idx.msk [tilespmem:v16+s20+$0x0], $0xffff  }
0x119: {  	v31 =	vand.u32 $0x7D, v23;
	v27 =	vadd.s32 v4, v9;
	v39 =	vadd.s32 v3, v9;
	v22 =	vld.idx.msk [tilespmem:v22+s20+$0x0], $0xffff  }
0x11a: {  	v40 =	vand.u32 $0x7C, v24;
	v24 =	vadd.s32 v0, v9;
	v27 =	vand.u32 $0x1C00, v27  }
0x11b: {  	v41 =	vand.u32 $0xC00, v24;
	v24 =	vadd.s32 v2, v9;
	v9 =	vor.u32 v5, v31  }
0x11c: {  	v21 =	vsel vm6, s29, v21;
	v42 =	vand.u32 $0x3C00, v24;
	v24 =	vmax.f32 v35, v28  }
0x11d: {  	v21 =	vsel vm8, s30, v21;
	vm8 =	vgt.f32 v25, v26;
	v26 =	vmax.f32 v26, v25  }
0x11e: {  	s4 =	sadd.s32 $0x1, s6;
	s0 =	sadd.s32 $0x2, s6;
	v21 =	vsel vm10, s31, v21;
	v25 =	vmax.f32 v26, v11;
	vm12 =	vgt.f32 v16, v30  }
0x11f: {  	v31 =	vmov s0;
	v28 =	vmov s4;
	vm6 =	vgt.f32 v22, v25  }
0x120: {  	vm10 =	vgt.f32 v7, v36;
	v32 =	vand.u32 $0x79, v28;
	v28 =	vshll.u32 v28, $0x3  }
0x121: {  	v7 =	vadd.s32 v4, v28;
	v33 =	vadd.s32 v2, v28;
	v25 =	vmax.f32 v25, v22;
	v22 =	vld.idx.msk [tilespmem:v13+s20+$0x0], $0xffff  }
0x122: {  	v20 =	vsel vm9, s31, v20;
	v36 =	vor.u32 v5, v32;
	v7 =	vand.u32 $0x1C00, v7  }
0x123: {  	vm9 =	vgt.f32 v11, v26;
	v13 =	vor.u32 v7, v36;
	v7 =	vand.u32 $0x3C00, v33  }
0x124: {  	v20 =	vsel vm11, s1, v20;
	v11 =	vand.u32 $0x7A, v31;
	v26 =	vshll.u32 v31, $0x3  }
0x125: {  	v31 =	vadd.s32 v4, v26;
	v21 =	vsel vm12, s1, v21;
	v33 =	vadd.s32 v3, v26  }
0x126: {  	v16 =	vmax.f32 v30, v16;
	v11 =	vor.u32 v5, v11;
	v31 =	vand.u32 $0x1C00, v31  }
0x127: {  	v30 =	vadd.s32 v3, v28;
	v43 =	vor.u32 v31, v11;
	vm11 =	vgt.f32 v22, v16  }
0x128: {  	v30 =	vand.u32 $0x2C00, v30;
	v32 =	vadd.s32 v2, v26;
	v31 =	vsel vm7, s3, v20  }
0x129: {  	v35 =	vsel vm5, s29, v29;
	v20 =	vadd.s32 v0, v26;
	v26 =	vand.u32 $0x3C00, v32  }
0x12a: {  	v20 =	vand.u32 $0xC00, v20;
	v32 =	vor.u32 v26, v11;
	v29 =	vsel vm11, s3, v21  }
0x12b: {  	v17 =	vsel vm1, s29, v17;
	s29 =	smov.u32 s7;
	v21 =	vor.u32 v5, v15;
	v15 =	vadd.s32 v2, v34  }
0x12c: {  	v26 =	vor.u32 v7, v36;
	v7 =	vand.u32 $0x2C00, v38;
	v34 =	vsel vm10, s30, v35  }
0x12d: {  	v44 =	vand.u32 $0x2C00, v33;
	v35 =	vor.u32 v7, v21;
	v7 =	vsel vm8, s31, v34  }
0x12e: {  	v28 =	vadd.s32 v0, v28;
	v33 =	vand.u32 $0x1C00, v37;
	v7 =	vsel vm9, s1, v7  }
0x12f: {  	v17 =	vsel vm0, s30, v17;
	v28 =	vand.u32 $0xC00, v28;
	s30 =	smov.u32 s9;
	v33 =	vor.u32 v33, v21  }
0x130: {  	v45 =	vor.u32 v28, v36;
	v38 =	vor.u32 v18, v21;
	v18 =	vand.u32 $0x3C00, v15  }
0x131: {  	v17 =	vsel vm2, s31, v17;
	v28 =	vor.u32 v5, v40;
	v15 =	vand.u32 $0x2C00, v39;
	s31 =	smov.u32 s8  }
0x132: {  	v17 =	vsel vm4, s1, v17;
	v46 =	vmax.f32 v16, v22;
	v37 =	vor.u32 v15, v28  }
0x133: {  	v47 =	vsel vm3, s3, v17;
	v44 =	vor.u32 v44, v11;
	v15 =	vor.u32 v27, v28  }
0x134: {  	v39 =	vor.u32 v30, v36;
	v48 =	vor.u32 v18, v21;
	v49 =	vsel vm6, s3, v7  }
0x135: {  	v16 =	vor.u32 v20, v11;
	v11 =	vshll.u32 v23, $0x3;
	v7 =	vor.u32 v41, v28  }
0x136: {  	v17 =	vadd.s32 v3, v11;
	v20 =	vadd.s32 v2, v11;
	v18 =	vor.u32 v42, v28  }
0x137: {  	v17 =	vand.u32 $0x2C00, v17;
	v20 =	vand.u32 $0x3C00, v20;
	v21 =	vadd.s32 v4, v11  }
0x138: {  	v17 =	vor.u32 v17, v9;
	v20 =	vor.u32 v20, v9;
	s1 =	sadd.s32 $0x6, s6;
	v21 =	vand.u32 $0x1C00, v21  }
0x139: {  	v22 =	vadd.s32 v0, v11;
	v23 =	vmov s1;
	v11 =	vor.u32 v21, v9  }
0x13a: {  	v36 =	vshll.u32 v23, $0x3;
	v21 =	vld.idx.msk [tilespmem:v16+s20+$0x0], $0xffff;
	v16 =	vand.u32 $0xC00, v22;
	v22 =	vand.u32 $0x7E, v23  }
0x13b: {  	v9 =	vor.u32 v16, v9;
	v40 =	vor.u32 v5, v22;
	v16 =	vadd.s32 v4, v36  }
0x13c: {  	v27 =	vadd.s32 v3, v36;
	v22 =	vmov s6;
	v16 =	vand.u32 $0x1C00, v16  }
0x13d: {  	v28 =	vand.u32 $0x78, v22;
	v22 =	vshll.u32 v22, $0x3;
	v23 =	vor.u32 v16, v40  }
0x13e: {  	v16 =	vor.u32 v5, v28;
	v28 =	vadd.s32 v4, v22;
	v30 =	vadd.s32 v2, v22  }
0x13f: {  	v34 =	vadd.s32 v3, v22;
	v28 =	vand.u32 $0x1C00, v28;
	v30 =	vand.u32 $0x3C00, v30  }
0x140: {  	v22 =	vadd.s32 v0, v22;
	v28 =	vor.u32 v28, v16;
	v41 =	vor.u32 v30, v16  }
0x141: {  	v22 =	vand.u32 $0xC00, v22;
	v30 =	vand.u32 $0x2C00, v34;
	v34 =	vadd.s32 v2, v36  }
0x142: {  	s3 =	sadd.s32 $0x7, s6;
	v22 =	vor.u32 v22, v16;
	v42 =	vor.u32 v30, v16;
	v16 =	vand.u32 $0x3C00, v34;
	v30 =	vld.idx.msk [tilespmem:v26+s20+$0x0], $0xffff  }
0x143: {  	v16 =	vor.u32 v16, v40;
	v26 =	vmov s3;
	v50 =	vld.idx.msk [tilespmem:v13+s20+$0x0], $0xffff;
	v13 =	vand.u32 $0x2C00, v27  }
0x144: {  	v34 =	vld.idx.msk [tilespmem:v43+s20+$0x0], $0xffff;
	v27 =	vor.u32 v13, v40;
	v13 =	vand.u32 $0x7F, v26;
	v26 =	vshll.u32 v26, $0x3  }
0x145: {  	v43 =	vld.idx.msk [tilespmem:v28+s20+$0x0], $0xffff;
	v28 =	vadd.s32 v0, v26;
	v51 =	vadd.s32 v4, v26;
	v52 =	vadd.s32 v3, v26  }
0x146: {  	v13 =	vor.u32 v5, v13;
	v53 =	vld.idx.msk [tilespmem:v41+s20+$0x0], $0xffff;
	v41 =	vand.u32 $0x1C00, v51;
	v51 =	vand.u32 $0x2C00, v52  }
0x147: {  	v26 =	vadd.s32 v2, v26;
	v52 =	vld.idx.msk [tilespmem:v22+s20+$0x0], $0xffff;
	v22 =	vand.u32 $0xC00, v28;
	v28 =	vor.u32 v41, v13  }
0x148: {  	v36 =	vadd.s32 v0, v36;
	v26 =	vand.u32 $0x3C00, v26;
	v42 =	vld.idx.msk [tilespmem:v42+s20+$0x0], $0xffff;
	v22 =	vor.u32 v22, v13  }
0x149: {  	v41 =	vand.u32 $0xC00, v36;
	v36 =	vor.u32 v51, v13;
	v13 =	vor.u32 v26, v13  }
0x14a: {  	v26 =	vor.u32 v41, v40;
	v45 =	vld.idx.msk [tilespmem:v45+s20+$0x0], $0xffff  }
0x14b: {  	vm0 =	vgt.f32 v43, v24;
	v24 =	vmax.f32 v24, v43;
	v51 =	vld.idx.msk [tilespmem:v39+s20+$0x0], $0xffff  }
0x14c: {  	v40 =	vmax.f32 v46, v53;
	vm2 =	vgt.f32 v50, v24;
	v39 =	vmax.f32 v24, v50;
	v41 =	vld.idx.msk [tilespmem:v44+s20+$0x0], $0xffff  }
0x14d: {  	v24 =	vsel vm0, s6, v31;
	vm1 =	vgt.f32 v52, v25;
	vm4 =	vgt.f32 v34, v39;
	v31 =	vld.idx.msk [tilespmem:v38+s20+$0x0], $0xffff  }
.Ltmp2:
0x14e: {  	v25 =	vmax.f32 v25, v52;
	vm0 =	vgt.f32 v30, v40;
	v38 =	vsel vm1, s6, v49;
	v32 =	vld.idx.msk [tilespmem:v32+s20+$0x0], $0xffff;
	(pc) =	sbr.rel @p0 .LBB2_6-.Ltmp2, $4  }
0x14f: {  	vm3 =	vgt.f32 v53, v46;
	vm1 =	vgt.f32 v42, v19;
	v19 =	vmax.f32 v19, v42;
	v35 =	vld.idx.msk [tilespmem:v35+s20+$0x0], $0xffff  }
0x150: {  	v46 =	vsel vm2, s4, v24;
	v42 =	vsel vm1, s6, v47;
	vm1 =	vgt.f32 v45, v25;
	v24 =	vld.idx.msk [tilespmem:v48+s20+$0x0], $0xffff  }
0x151: {  	v44 =	vsel vm3, s6, v29;
	v29 =	vmax.f32 v25, v45;
	v43 =	vmax.f32 v19, v51;
	v33 =	vld.idx.msk [tilespmem:v33+s20+$0x0], $0xffff  }
0x152: {  	vm3 =	vgt.f32 v51, v19;
	v19 =	vsel vm4, s0, v46;
	vm2 =	vgt.f32 v41, v43;
	v25 =	vld.idx.msk [tilespmem:v37+s20+$0x0], $0xffff  }
0x153: {  	_ =	sdelay $0x3  }
0x154: {  	v15 =	vld.idx.msk [tilespmem:v15+s20+$0x0], $0xffff  }
0x155: {  	v18 =	vld.idx.msk [tilespmem:v18+s20+$0x0], $0xffff;
	v37 =	vsel vm3, s4, v42;
	v48 =	vsel vm0, s4, v44;
	v38 =	vsel vm1, s4, v38  }
0x156: {  	v20 =	vld.idx.msk [tilespmem:v20+s20+$0x0], $0xffff;
	v30 =	vmax.f32 v40, v30;
	v49 =	vmax.f32 v43, v41;
	v34 =	vmax.f32 v39, v34  }
0x157: {  	v17 =	vld.idx.msk [tilespmem:v17+s20+$0x0], $0xffff;
	vm4 =	vgt.f32 v32, v30;
	vm0 =	vgt.f32 v35, v49;
	v30 =	vmax.f32 v30, v32  }
0x158: {  	v23 =	vld.idx.msk [tilespmem:v23+s20+$0x0], $0xffff;
	v50 =	vmax.f32 v49, v35;
	v51 =	vsel vm2, s0, v37;
	vm2 =	vgt.f32 v21, v29  }
0x159: {  	v27 =	vld.idx.msk [tilespmem:v27+s20+$0x0], $0xffff;
	v21 =	vmax.f32 v29, v21;
	vm3 =	vgt.f32 v24, v30;
	v24 =	vmax.f32 v30, v24  }
0x15a: {  	v11 =	vld.idx.msk [tilespmem:v11+s20+$0x0], $0xffff;
	v30 =	vsel vm2, s0, v38;
	v54 =	vmax.f32 v21, v31;
	vm8 =	vgt.f32 v31, v21  }
0x15b: {  	v7 =	vld.idx.msk [tilespmem:v7+s20+$0x0], $0xffff;
	v21 =	vsel vm4, s0, v48;
	vm5 =	vgt.f32 v33, v34;
	v52 =	vmax.f32 v34, v33  }
0x15c: {  	v29 =	vld.idx.msk [tilespmem:v36+s20+$0x0], $0xffff;
	vm1 =	vgt.f32 v25, v50;
	v25 =	vmax.f32 v50, v25;
	v19 =	vsel vm5, s29, v19  }
0x15d: {  	vm6 =	vgt.f32 v18, v24;
	v18 =	vmax.f32 v24, v18;
	v24 =	vld.idx.msk [tilespmem:v28+s20+$0x0], $0xffff;
	v28 =	vmax.f32 v52, v15  }
0x15e: {  	v9 =	vld.idx.msk [tilespmem:v9+s20+$0x0], $0xffff;
	vm2 =	vgt.f32 v17, v25;
	v17 =	vmax.f32 v25, v17;
	vm9 =	vgt.f32 v15, v52  }
0x15f: {  	v16 =	vld.idx.msk [tilespmem:v16+s20+$0x0], $0xffff;
	v53 =	vmax.f32 v18, v20;
	vm7 =	vgt.f32 v20, v18;
	v20 =	vmax.f32 v28, v11  }
0x160: {  	v18 =	vld.idx.msk [tilespmem:v26+s20+$0x0], $0xffff;
	v26 =	vmax.f32 v17, v27;
	vm4 =	vgt.f32 v11, v28;
	vm10 =	vgt.f32 v27, v17  }
0x161: {  	v15 =	vsel vm9, s30, v19;
	v17 =	vmax.f32 v54, v7;
	v19 =	vsel vm3, s29, v21  }
0x162: {  	v11 =	vld.idx.msk [tilespmem:v22+s20+$0x0], $0xffff;
	v25 =	vmax.f32 v20, v23;
	vm11 =	vgt.f32 v29, v26;
	vm3 =	vgt.f32 v23, v20  }
0x163: {  	v13 =	vld.idx.msk [tilespmem:v13+s20+$0x0], $0xffff;
	s4 =	simm.s32 $0x1;
	v19 =	vsel vm6, s30, v19;
	v20 =	vmax.f32 v17, v9;
	vm6 =	vgt.f32 v9, v17  }
0x164: {  	v29 =	vmov s4;
	v9 =	vsel vm7, s31, v19;
	vm7 =	vgt.f32 v16, v53  }
0x165: {  	v16 =	vmax.f32 v53, v16;
	v9 =	vsel vm7, s1, v9;
	vm5 =	vgt.f32 v24, v25  }
0x166: {  	v25 =	vimm.f32 $-Inf;
	v24 =	vimm.s32 $0x0;
	v17 =	vmax.f32 v20, v18  }
0x167: {  	vm12 =	vgt.f32 v18, v20;
	vm9 =	vgt.f32 v11, v17;
	v11 =	vsel vm4, s31, v15  }
0x168: {  	vm4 =	vgt.f32 v7, v54;
	v15 =	vsel vm0, s29, v51;
	vm0 =	vgt.f32 v13, v16  }
0x169: {  	v7 =	vsel vm3, s1, v11;
	v11 =	vsel vm8, s29, v30;
	v15 =	vsel vm1, s30, v15  }
0x16a: {  	v9 =	vsel vm0, s3, v9;
	v30 =	vshll.u32 v29, $0x3;
	v29 =	vand.u32 $0x79, v29  }
0x16b: {  	v11 =	vsel vm4, s30, v11;
	v13 =	vsel vm2, s31, v15;
	v7 =	vsel vm5, s3, v7  }
0x16c: {  	v18 =	vshll.u32 v9, $0x3;
	v9 =	vand.u32 $0x7F, v9;
	v55 =	vadd.s32 v4, v30  }
0x16d: {  	v56 =	vadd.s32 v2, v30;
	v29 =	vor.u32 v5, v29;
	v60 =	vadd.s32 v3, v30  }
0x16e: {  	s30 =	simm.s32 $0x4;
	v30 =	vadd.s32 v0, v30;
	v11 =	vsel vm6, s31, v11;
	v13 =	vsel vm10, s1, v13  }
0x16f: {  	v16 =	vshll.u32 v7, $0x3;
	v7 =	vand.u32 $0x7F, v7;
	v20 =	vmov s30  }
0x170: {  	v32 =	vand.u32 $0x1C00, v55;
	v33 =	vand.u32 $0x3C00, v56;
	v37 =	vand.u32 $0x2C00, v60  }
0x171: {  	s31 =	simm.s32 $0x5;
	v30 =	vand.u32 $0xC00, v30;
	v11 =	vsel vm12, s1, v11;
	v15 =	vsel vm11, s3, v13  }
0x172: {  	v16 =	vadd.s32 v4, v16;
	v21 =	vshll.u32 v20, $0x3;
	v22 =	vmov s31  }
0x173: {  	v20 =	vand.u32 $0x7C, v20;
	v32 =	vor.u32 v32, v29;
	v33 =	vor.u32 v33, v29  }
0x174: {  	v62 =	vor.u32 v30, v29;
	v11 =	vsel vm9, s3, v11;
	v17 =	vshll.u32 v15, $0x3  }
0x175: {  	v16 =	vand.u32 $0xFFFFFC00, v16;
	v15 =	vand.u32 $0x7F, v15;
	v23 =	vadd.s32 v4, v21  }
0x176: {  	s1 =	simm.s32 $0x2;
	v26 =	vadd.s32 v3, v21;
	v27 =	vand.u32 $0x7D, v22;
	v28 =	vadd.s32 v0, v21  }
0x177: {  	v21 =	vadd.s32 v2, v21;
	v31 =	vmov s1;
	v13 =	vshll.u32 v11, $0x3  }
0x178: {  	v11 =	vand.u32 $0x7F, v11;
	v7 =	vor.u32 v16, v7;
	v16 =	vadd.s32 v2, v18  }
0x179: {  	v23 =	vand.u32 $0x1C00, v23;
	v28 =	vand.u32 $0xC00, v28;
	v13 =	vadd.s32 v0, v13  }
0x17a: {  	v27 =	vor.u32 v5, v27;
	v21 =	vand.u32 $0x3C00, v21;
	v13 =	vand.u32 $0xFFFFFC00, v13  }
0x17b: {  	v57 =	vshll.u32 v31, $0x3;
	v31 =	vand.u32 $0x7A, v31;
	v11 =	vor.u32 v13, v11  }
0x17c: {  	v7 =	vor.u32 v5, v7;
	v13 =	vor.u32 v5, v11;
	v11 =	vadd.s32 v3, v17  }
0x17d: {  	v58 =	vadd.s32 v4, v57;
	v59 =	vadd.s32 v3, v57;
	v11 =	vand.u32 $0xFFFFFC00, v11  }
0x17e: {  	v31 =	vor.u32 v5, v31;
	v11 =	vor.u32 v11, v15;
	v15 =	vand.u32 $0xFFFFFC00, v16  }
0x17f: {  	v61 =	vadd.s32 v2, v57;
	v11 =	vor.u32 v5, v11;
	v9 =	vor.u32 v15, v9  }
0x180: {  	s29 =	simm.s32 $0x3;
	v34 =	vadd.s32 v0, v57;
	v35 =	vand.u32 $0x1C00, v58;
	v9 =	vor.u32 v5, v9  }
0x181: {  	v38 =	vand.u32 $0x3C00, v61;
	v36 =	vand.u32 $0x2C00, v59;
	v15 =	vmov s29  }
0x182: {  	v35 =	vor.u32 v35, v31;
	v42 =	vor.u32 v38, v31;
	v16 =	vshll.u32 v15, $0x3;
	[tilespmem:v13+s24+$0x0] =	vst.idx.msk $0xffff, v6  }
0x183: {  	v34 =	vand.u32 $0xC00, v34;
	v52 =	vor.u32 v36, v31;
	v17 =	vadd.s32 v4, v16;
	[tilespmem:v7+s24+$0x0] =	vst.idx.msk $0xffff, v6  }
0x184: {  	v15 =	vand.u32 $0x7B, v15;
	v18 =	vadd.s32 v3, v16;
	v19 =	vadd.s32 v0, v16;
	[tilespmem:v11+s24+$0x0] =	vst.idx.msk $0xffff, v6  }
0x185: {  	s5 =	simm.s32 $0x0;
	s8 =	rddreg [dreg:$0x7];
	v15 =	vor.u32 v5, v15;
	v16 =	vadd.s32 v2, v16;
	v19 =	vand.u32 $0xC00, v19;
	[tilespmem:v9+s24+$0x0] =	vst.idx.msk $0xffff, v6  }
0x186: {  	v18 =	vand.u32 $0x2C00, v18;
	v17 =	vand.u32 $0x1C00, v17;
	v16 =	vand.u32 $0x3C00, v16;
	[hbm4b:s8+s5] =	stream.linear.scatter [tilespmem:s24], [sflag:$0x4], $0x4000, $0x38;
	[tilespmem:$0x10000] =	vst v63  }
0x187: {  	s9 =	rddreg [dreg:$0x8];
	v43 =	vor.u32 v18, v15;
	v45 =	vor.u32 v17, v15;
	v63 =	vor.u32 v19, v15  }
0x188: {  	v18 =	vor.u32 v5, v20;
	v17 =	vand.u32 $0x2C00, v26;
	v53 =	vor.u32 v16, v15;
	[tilespmem:s20], [sflag:$0x2] =	stream.linear.gather [hbm4b:s9+s5], $0x4000, $0x38;
	[tilespmem:$0x10000] =	vst v63  }
0x189: {  	v26 =	vor.u32 v34, v31;
	v16 =	vshll.u32 v22, $0x3;
	v46 =	vor.u32 v17, v18;
	_ =	swait.ge [sflag:s21], $0x4000  }
0x18a: {  	v17 =	vor.u32 v23, v18;
	v15 =	vor.u32 v28, v18;
	v19 =	vor.u32 v21, v18;
	[sflag:s21] =	ssyncset.done $0x0  }
0x18b: {  	v18 =	vadd.s32 v3, v16;
	v20 =	vadd.s32 v2, v16;
	v21 =	vadd.s32 v4, v16;
	[sflag:s21] =	ssyncadd.s32 $0xFFFFC000  }
0x18c: {  	s0 =	simm.s32 $0x6;
	v22 =	vadd.s32 v0, v16;
	v18 =	vand.u32 $0x2C00, v18;
	v21 =	vand.u32 $0x1C00, v21;
	_ =	swait.ge [sflag:s25], $0x4000  }
0x18d: {  	v20 =	vand.u32 $0x3C00, v20;
	v16 =	vor.u32 v21, v27;
	v21 =	vmov s0;
	[sflag:s25] =	ssyncset.done $0x0  }
0x18e: {  	v18 =	vor.u32 v18, v27;
	v20 =	vor.u32 v20, v27;
	v31 =	vshll.u32 v21, $0x3;
	[sflag:s25] =	ssyncadd.s32 $0xFFFFC000  }
0x18f: {  	[tilespmem:v14+s22+$0x0] =	vst.idx.msk $0xffff, v1;
	v14 =	vand.u32 $0xC00, v22;
	v22 =	vand.u32 $0x7E, v21;
	v21 =	vadd.s32 v4, v31  }
0x190: {  	v14 =	vor.u32 v14, v27;
	v54 =	vor.u32 v5, v22;
	[tilespmem:v8+s22+$0x0] =	vst.idx.msk $0xffff, v1;
	v8 =	vmov s5  }
0x191: {  	v21 =	vand.u32 $0x1C00, v21;
	[tilespmem:v12+s22+$0x0] =	vst.idx.msk $0xffff, v1;
	v12 =	vand.u32 $0x78, v8;
	v8 =	vshll.u32 v8, $0x3  }
0x192: {  	v23 =	vor.u32 v21, v54;
	v12 =	vor.u32 v5, v12;
	v21 =	vadd.s32 v4, v8  }
0x193: {  	v27 =	vadd.s32 v2, v8;
	[tilespmem:v10+s22+$0x0] =	vst.idx.msk $0xffff, v1;
	v28 =	vadd.s32 v3, v8;
	v10 =	vand.u32 $0x1C00, v21  }
0x194: {  	v8 =	vadd.s32 v0, v8;
	v21 =	vand.u32 $0x3C00, v27;
	v55 =	vor.u32 v10, v12  }
0x195: {  	v22 =	vadd.s32 v3, v31;
	v8 =	vand.u32 $0xC00, v8;
	v56 =	vor.u32 v21, v12  }
0x196: {  	v29 =	vor.u32 v37, v29;
	v22 =	vand.u32 $0x2C00, v22;
	v30 =	vld.idx.msk [tilespmem:v33+s2+$0x0], $0xffff;
	v8 =	vor.u32 v8, v12  }
0x197: {  	s3 =	simm.s32 $0x7;
	v27 =	vor.u32 v22, v54;
	v21 =	vld.idx.msk [tilespmem:v26+s2+$0x0], $0xffff;
	v10 =	vand.u32 $0x2C00, v28;
	v26 =	vadd.s32 v2, v31  }
0x198: {  	v32 =	vld.idx.msk [tilespmem:v32+s2+$0x0], $0xffff;
	v12 =	vor.u32 v10, v12;
	v10 =	vand.u32 $0x3C00, v26;
	v26 =	vmov s3  }
0x199: {  	v31 =	vadd.s32 v0, v31;
	v22 =	vand.u32 $0x7F, v26;
	v26 =	vshll.u32 v26, $0x3;
	v57 =	vld.idx.msk [tilespmem:v55+s2+$0x0], $0xffff  }
0x19a: {  	v10 =	vor.u32 v10, v54;
	v28 =	vadd.s32 v0, v26;
	v58 =	vadd.s32 v4, v26;
	v47 =	vld.idx.msk [tilespmem:v56+s2+$0x0], $0xffff  }
0x19b: {  	v59 =	vadd.s32 v3, v26;
	v60 =	vor.u32 v5, v22;
	v26 =	vadd.s32 v2, v26;
	v48 =	vld.idx.msk [tilespmem:v8+s2+$0x0], $0xffff  }
0x19c: {  	v34 =	vld.idx.msk [tilespmem:v35+s2+$0x0], $0xffff;
	v22 =	vand.u32 $0x1C00, v58;
	v61 =	vand.u32 $0x2C00, v59;
	v8 =	vand.u32 $0xC00, v28  }
0x19d: {  	v49 =	vld.idx.msk [tilespmem:v62+s2+$0x0], $0xffff;
	v28 =	vor.u32 v22, v60;
	v22 =	vor.u32 v8, v60;
	v8 =	vand.u32 $0x3C00, v26  }
0x19e: {  	v36 =	vor.u32 v61, v60;
	v12 =	vld.idx.msk [tilespmem:v12+s2+$0x0], $0xffff;
	v26 =	vand.u32 $0xC00, v31;
	v8 =	vor.u32 v8, v60  }
0x19f: {  	v50 =	vld.idx.msk [tilespmem:v29+s2+$0x0], $0xffff;
	v26 =	vor.u32 v26, v54;
	vm0 =	vgt.f32 v57, v25;
	v31 =	vmax.f32 v25, v57  }
0x1a0: {  	v41 =	vld.idx.msk [tilespmem:v52+s2+$0x0], $0xffff;
	v40 =	vmax.f32 v25, v47;
	vm1 =	vgt.f32 v48, v25;
	v62 =	vmax.f32 v25, v48  }
0x1a1: {  	v35 =	vld.idx.msk [tilespmem:v43+s2+$0x0], $0xffff;
	vm3 =	vgt.f32 v47, v25;
	vm2 =	vgt.f32 v32, v31;
	v39 =	vmax.f32 v31, v32  }
0x1a2: {  	v33 =	vld.idx.msk [tilespmem:v45+s2+$0x0], $0xffff;
	v29 =	vsel vm0, s5, v24;
	v38 =	vsel vm1, s5, v24;
	vm0 =	vgt.f32 v30, v40  }
0x1a3: {  	v31 =	vld.idx.msk [tilespmem:v63+s2+$0x0], $0xffff;
	vm1 =	vgt.f32 v12, v25;
	v12 =	vmax.f32 v25, v12;
	v44 =	vsel vm3, s5, v24  }
0x1a4: {  	v32 =	vld.idx.msk [tilespmem:v42+s2+$0x0], $0xffff;
	vm4 =	vgt.f32 v34, v39;
	v42 =	vsel vm1, s5, v24;
	vm1 =	vgt.f32 v49, v62  }
0x1a5: {  	v25 =	vld.idx.msk [tilespmem:v53+s2+$0x0], $0xffff;
	v63 =	vsel vm2, s4, v29;
	v29 =	vmax.f32 v62, v49;
	v43 =	vmax.f32 v12, v50  }
0x1a6: {  	s5 =	simm.s32 $0x8;
	vm3 =	vgt.f32 v50, v12;
	v24 =	vld.idx.msk [tilespmem:v46+s2+$0x0], $0xffff;
	v12 =	vsel vm4, s1, v63;
	vm2 =	vgt.f32 v41, v43  }
.LBB2_8:
0x1a7: {  	p0 =	slt.u32 s5, $0xF8;
	v37 =	vsel vm3, s4, v42;
	v42 =	vsel vm0, s4, v44;
	v44 =	vld.idx.msk [tilespmem:v17+s2+$0x0], $0xffff;
	s6 =	smov.u32 s5;
	s5 =	sadd.s32 $0x8, s5  }
0x1a8: {  	v38 =	vsel vm1, s4, v38;
	v17 =	vmax.f32 v40, v30;
	v30 =	vmax.f32 v43, v41;
	v19 =	vld.idx.msk [tilespmem:v19+s2+$0x0], $0xffff  }
0x1a9: {  	v34 =	vmax.f32 v39, v34;
	s7 =	sadd.s32 $0x3, s6;
	vm3 =	vgt.f32 v32, v17;
	vm1 =	vgt.f32 v35, v30;
	v20 =	vld.idx.msk [tilespmem:v20+s2+$0x0], $0xffff  }
0x1aa: {  	v32 =	vmax.f32 v17, v32;
	v30 =	vmax.f32 v30, v35;
	v39 =	vmov s7;
	v35 =	vld.idx.msk [tilespmem:v18+s2+$0x0], $0xffff  }
0x1ab: {  	vm6 =	vgt.f32 v25, v32;
	v17 =	vand.u32 $0x7B, v39;
	vm4 =	vgt.f32 v33, v34;
	v23 =	vld.idx.msk [tilespmem:v23+s2+$0x0], $0xffff  }
0x1ac: {  	v18 =	vsel vm2, s1, v37;
	v33 =	vmax.f32 v34, v33;
	vm0 =	vgt.f32 v24, v30;
	v27 =	vld.idx.msk [tilespmem:v27+s2+$0x0], $0xffff  }
0x1ad: {  	v25 =	vmax.f32 v32, v25;
	vm2 =	vgt.f32 v21, v29;
	v21 =	vmax.f32 v29, v21;
	v16 =	vld.idx.msk [tilespmem:v16+s2+$0x0], $0xffff  }
0x1ae: {  	v29 =	vsel vm2, s1, v38;
	vm8 =	vgt.f32 v19, v25;
	v19 =	vmax.f32 v25, v19;
	v25 =	vld.idx.msk [tilespmem:v36+s2+$0x0], $0xffff  }
0x1af: {  	v24 =	vmax.f32 v30, v24;
	v32 =	vmax.f32 v33, v44;
	v30 =	vmax.f32 v19, v20;
	v28 =	vld.idx.msk [tilespmem:v28+s2+$0x0], $0xffff  }
0x1b0: {  	v34 =	vshll.u32 v39, $0x3;
	v36 =	vmax.f32 v21, v31;
	vm2 =	vgt.f32 v35, v24  }
0x1b1: {  	v37 =	vadd.s32 v4, v34;
	v38 =	vadd.s32 v3, v34;
	vm10 =	vgt.f32 v20, v19  }
0x1b2: {  	vm5 =	vgt.f32 v31, v21;
	v19 =	vadd.s32 v0, v34;
	v20 =	vsel vm4, s29, v12;
	v15 =	vld.idx.msk [tilespmem:v15+s2+$0x0], $0xffff  }
0x1b3: {  	v21 =	vsel vm3, s1, v42;
	v24 =	vmax.f32 v24, v35;
	v31 =	vmax.f32 v32, v16  }
0x1b4: {  	v19 =	vand.u32 $0xC00, v19;
	v39 =	vmax.f32 v24, v27;
	v35 =	vmax.f32 v31, v23  }
0x1b5: {  	vm9 =	vgt.f32 v16, v32;
	v12 =	vmax.f32 v39, v25;
	vm7 =	vgt.f32 v28, v35  }
0x1b6: {  	s9 =	sadd.s32 $0x4, s6;
	vm11 =	vgt.f32 v44, v33;
	vm4 =	vgt.f32 v27, v24;
	vm3 =	vgt.f32 v25, v39;
	v16 =	vld.idx.msk [tilespmem:v26+s2+$0x0], $0xffff  }
0x1b7: {  	s8 =	sadd.s32 $0x5, s6;
	v20 =	vsel vm11, s30, v20;
	v24 =	vmov s9;
	vm11 =	vgt.f32 v23, v31;
	v14 =	vld.idx.msk [tilespmem:v14+s2+$0x0], $0xffff  }
0x1b8: {  	v23 =	vshll.u32 v24, $0x3;
	v26 =	vmov s8;
	v25 =	vmax.f32 v36, v15;
	v27 =	vld.idx.msk [tilespmem:v10+s2+$0x0], $0xffff  }
0x1b9: {  	v39 =	vadd.s32 v3, v23;
	v31 =	vand.u32 $0x7D, v26;
	v10 =	vadd.s32 v4, v23;
	v22 =	vld.idx.msk [tilespmem:v22+s2+$0x0], $0xffff  }
0x1ba: {  	v40 =	vand.u32 $0x7C, v24;
	v24 =	vadd.s32 v0, v23;
	v41 =	vand.u32 $0x1C00, v10  }
0x1bb: {  	v42 =	vand.u32 $0xC00, v24;
	v23 =	vadd.s32 v2, v23;
	v10 =	vor.u32 v5, v31  }
0x1bc: {  	v21 =	vsel vm6, s29, v21;
	v24 =	vmax.f32 v35, v28;
	v23 =	vand.u32 $0x3C00, v23  }
0x1bd: {  	v21 =	vsel vm8, s30, v21;
	vm8 =	vgt.f32 v14, v25;
	v14 =	vmax.f32 v25, v14  }
0x1be: {  	s4 =	sadd.s32 $0x1, s6;
	s1 =	sadd.s32 $0x2, s6;
	v21 =	vsel vm10, s31, v21;
	v25 =	vmax.f32 v14, v16;
	vm12 =	vgt.f32 v27, v30  }
0x1bf: {  	v28 =	vmov s4;
	v31 =	vmov s1;
	vm6 =	vgt.f32 v22, v25  }
0x1c0: {  	v32 =	vand.u32 $0x79, v28;
	v28 =	vshll.u32 v28, $0x3;
	vm10 =	vgt.f32 v15, v36  }
0x1c1: {  	v15 =	vadd.s32 v4, v28;
	v33 =	vadd.s32 v2, v28;
	v25 =	vmax.f32 v25, v22;
	v22 =	vld.idx.msk [tilespmem:v8+s2+$0x0], $0xffff  }
0x1c2: {  	v36 =	vor.u32 v5, v32;
	v8 =	vand.u32 $0x1C00, v15;
	v15 =	vsel vm9, s31, v20  }
0x1c3: {  	v20 =	vand.u32 $0x3C00, v33;
	vm9 =	vgt.f32 v16, v14;
	v8 =	vor.u32 v8, v36  }
0x1c4: {  	v14 =	vand.u32 $0x7A, v31;
	v16 =	vshll.u32 v31, $0x3;
	v15 =	vsel vm11, s0, v15  }
0x1c5: {  	v21 =	vsel vm12, s0, v21;
	v31 =	vadd.s32 v4, v16;
	v33 =	vadd.s32 v3, v16  }
0x1c6: {  	v27 =	vmax.f32 v30, v27;
	v14 =	vor.u32 v5, v14;
	v31 =	vand.u32 $0x1C00, v31  }
0x1c7: {  	v30 =	vadd.s32 v3, v28;
	v43 =	vor.u32 v31, v14;
	vm11 =	vgt.f32 v22, v27  }
0x1c8: {  	v30 =	vand.u32 $0x2C00, v30;
	v32 =	vadd.s32 v2, v16;
	v31 =	vsel vm7, s3, v15  }
0x1c9: {  	v35 =	vsel vm5, s29, v29;
	v15 =	vadd.s32 v0, v16;
	v16 =	vand.u32 $0x3C00, v32  }
0x1ca: {  	v15 =	vand.u32 $0xC00, v15;
	v32 =	vor.u32 v16, v14;
	v29 =	vsel vm11, s3, v21  }
0x1cb: {  	v18 =	vsel vm1, s29, v18;
	s29 =	smov.u32 s7;
	v16 =	vor.u32 v5, v17;
	v17 =	vadd.s32 v2, v34  }
0x1cc: {  	v34 =	vor.u32 v20, v36;
	v20 =	vand.u32 $0x2C00, v38;
	v21 =	vsel vm10, s30, v35  }
0x1cd: {  	v44 =	vand.u32 $0x2C00, v33;
	v35 =	vor.u32 v20, v16;
	v20 =	vsel vm8, s31, v21  }
0x1ce: {  	v21 =	vadd.s32 v0, v28;
	v28 =	vand.u32 $0x1C00, v37;
	v20 =	vsel vm9, s0, v20  }
0x1cf: {  	v18 =	vsel vm0, s30, v18;
	s30 =	smov.u32 s9;
	v21 =	vand.u32 $0xC00, v21;
	v33 =	vor.u32 v28, v16  }
0x1d0: {  	v38 =	vor.u32 v19, v16;
	v19 =	vand.u32 $0x3C00, v17;
	v45 =	vor.u32 v21, v36  }
0x1d1: {  	v18 =	vsel vm2, s31, v18;
	v17 =	vand.u32 $0x2C00, v39;
	s31 =	smov.u32 s8;
	v21 =	vor.u32 v5, v40  }
0x1d2: {  	v18 =	vsel vm4, s0, v18;
	v46 =	vmax.f32 v27, v22;
	v37 =	vor.u32 v17, v21  }
0x1d3: {  	v47 =	vsel vm3, s3, v18;
	v44 =	vor.u32 v44, v14;
	v17 =	vor.u32 v41, v21  }
0x1d4: {  	v39 =	vor.u32 v30, v36;
	v48 =	vor.u32 v19, v16;
	v49 =	vsel vm6, s3, v20  }
0x1d5: {  	v14 =	vor.u32 v15, v14;
	v16 =	vshll.u32 v26, $0x3;
	v15 =	vor.u32 v42, v21  }
0x1d6: {  	v18 =	vadd.s32 v3, v16;
	v20 =	vadd.s32 v2, v16;
	v19 =	vor.u32 v23, v21  }
0x1d7: {  	v21 =	vadd.s32 v4, v16;
	v18 =	vand.u32 $0x2C00, v18;
	v20 =	vand.u32 $0x3C00, v20  }
0x1d8: {  	s0 =	sadd.s32 $0x6, s6;
	v21 =	vand.u32 $0x1C00, v21;
	v18 =	vor.u32 v18, v10;
	v20 =	vor.u32 v20, v10  }
0x1d9: {  	v22 =	vadd.s32 v0, v16;
	v23 =	vmov s0;
	v16 =	vor.u32 v21, v10  }
0x1da: {  	v26 =	vshll.u32 v23, $0x3;
	v21 =	vld.idx.msk [tilespmem:v14+s2+$0x0], $0xffff;
	v14 =	vand.u32 $0xC00, v22;
	v22 =	vand.u32 $0x7E, v23  }
0x1db: {  	v14 =	vor.u32 v14, v10;
	v40 =	vor.u32 v5, v22;
	v10 =	vadd.s32 v4, v26  }
0x1dc: {  	v27 =	vadd.s32 v3, v26;
	v22 =	vmov s6;
	v10 =	vand.u32 $0x1C00, v10  }
0x1dd: {  	v28 =	vand.u32 $0x78, v22;
	v22 =	vshll.u32 v22, $0x3;
	v23 =	vor.u32 v10, v40  }
0x1de: {  	v10 =	vor.u32 v5, v28;
	v28 =	vadd.s32 v4, v22;
	v30 =	vadd.s32 v2, v22  }
0x1df: {  	v36 =	vadd.s32 v3, v22;
	v28 =	vand.u32 $0x1C00, v28;
	v30 =	vand.u32 $0x3C00, v30  }
0x1e0: {  	v22 =	vadd.s32 v0, v22;
	v28 =	vor.u32 v28, v10;
	v41 =	vor.u32 v30, v10  }
0x1e1: {  	v22 =	vand.u32 $0xC00, v22;
	v30 =	vand.u32 $0x2C00, v36;
	v36 =	vadd.s32 v2, v26  }
0x1e2: {  	s3 =	sadd.s32 $0x7, s6;
	v22 =	vor.u32 v22, v10;
	v42 =	vor.u32 v30, v10;
	v10 =	vand.u32 $0x3C00, v36;
	v30 =	vld.idx.msk [tilespmem:v34+s2+$0x0], $0xffff  }
0x1e3: {  	v36 =	vmov s3;
	v10 =	vor.u32 v10, v40;
	v50 =	vld.idx.msk [tilespmem:v8+s2+$0x0], $0xffff;
	v8 =	vand.u32 $0x2C00, v27  }
0x1e4: {  	v34 =	vld.idx.msk [tilespmem:v43+s2+$0x0], $0xffff;
	v27 =	vor.u32 v8, v40;
	v8 =	vand.u32 $0x7F, v36;
	v36 =	vshll.u32 v36, $0x3  }
0x1e5: {  	v43 =	vld.idx.msk [tilespmem:v28+s2+$0x0], $0xffff;
	v28 =	vadd.s32 v0, v36;
	v51 =	vadd.s32 v4, v36;
	v52 =	vadd.s32 v3, v36  }
0x1e6: {  	v8 =	vor.u32 v5, v8;
	v53 =	vld.idx.msk [tilespmem:v41+s2+$0x0], $0xffff;
	v41 =	vand.u32 $0x1C00, v51;
	v51 =	vand.u32 $0x2C00, v52  }
0x1e7: {  	v36 =	vadd.s32 v2, v36;
	v52 =	vld.idx.msk [tilespmem:v22+s2+$0x0], $0xffff;
	v22 =	vand.u32 $0xC00, v28;
	v28 =	vor.u32 v41, v8  }
0x1e8: {  	v26 =	vadd.s32 v0, v26;
	v41 =	vand.u32 $0x3C00, v36;
	v42 =	vld.idx.msk [tilespmem:v42+s2+$0x0], $0xffff;
	v22 =	vor.u32 v22, v8  }
0x1e9: {  	v26 =	vand.u32 $0xC00, v26;
	v36 =	vor.u32 v51, v8;
	v8 =	vor.u32 v41, v8  }
0x1ea: {  	v26 =	vor.u32 v26, v40;
	v45 =	vld.idx.msk [tilespmem:v45+s2+$0x0], $0xffff  }
0x1eb: {  	vm0 =	vgt.f32 v43, v24;
	v24 =	vmax.f32 v24, v43;
	v51 =	vld.idx.msk [tilespmem:v39+s2+$0x0], $0xffff  }
0x1ec: {  	v40 =	vmax.f32 v46, v53;
	vm2 =	vgt.f32 v50, v24;
	v39 =	vmax.f32 v24, v50;
	v41 =	vld.idx.msk [tilespmem:v44+s2+$0x0], $0xffff  }
0x1ed: {  	v24 =	vsel vm0, s6, v31;
	vm1 =	vgt.f32 v52, v25;
	vm4 =	vgt.f32 v34, v39;
	v31 =	vld.idx.msk [tilespmem:v38+s2+$0x0], $0xffff  }
.Ltmp3:
0x1ee: {  	v43 =	vmax.f32 v25, v52;
	vm0 =	vgt.f32 v30, v40;
	v38 =	vsel vm1, s6, v49;
	v32 =	vld.idx.msk [tilespmem:v32+s2+$0x0], $0xffff;
	(pc) =	sbr.rel @p0 .LBB2_8-.Ltmp3, $4  }
0x1ef: {  	vm3 =	vgt.f32 v53, v46;
	vm1 =	vgt.f32 v42, v12;
	v12 =	vmax.f32 v12, v42;
	v35 =	vld.idx.msk [tilespmem:v35+s2+$0x0], $0xffff  }
0x1f0: {  	v24 =	vsel vm2, s4, v24;
	v42 =	vsel vm1, s6, v47;
	vm1 =	vgt.f32 v45, v43;
	v25 =	vld.idx.msk [tilespmem:v48+s2+$0x0], $0xffff  }
0x1f1: {  	v44 =	vsel vm3, s6, v29;
	v29 =	vmax.f32 v43, v45;
	v43 =	vmax.f32 v12, v51;
	v33 =	vld.idx.msk [tilespmem:v33+s2+$0x0], $0xffff  }
0x1f2: {  	vm3 =	vgt.f32 v51, v12;
	v12 =	vsel vm4, s1, v24;
	vm2 =	vgt.f32 v41, v43;
	v24 =	vld.idx.msk [tilespmem:v37+s2+$0x0], $0xffff  }
0x1f3: {  	_ =	sdelay $0x1  }
0x1f4: {  	v37 =	vsel vm3, s4, v42;
	v48 =	vsel vm0, s4, v44;
	v38 =	vsel vm1, s4, v38  }
0x1f5: {  	v30 =	vmax.f32 v40, v30;
	v49 =	vmax.f32 v43, v41;
	v34 =	vmax.f32 v39, v34  }
0x1f6: {  	v17 =	vld.idx.msk [tilespmem:v17+s2+$0x0], $0xffff;
	vm4 =	vgt.f32 v32, v30;
	vm0 =	vgt.f32 v35, v49;
	v30 =	vmax.f32 v30, v32  }
0x1f7: {  	v19 =	vld.idx.msk [tilespmem:v19+s2+$0x0], $0xffff;
	v50 =	vmax.f32 v49, v35;
	v51 =	vsel vm2, s1, v37;
	vm2 =	vgt.f32 v21, v29  }
0x1f8: {  	v20 =	vld.idx.msk [tilespmem:v20+s2+$0x0], $0xffff;
	v21 =	vmax.f32 v29, v21;
	vm3 =	vgt.f32 v25, v30;
	v25 =	vmax.f32 v30, v25  }
0x1f9: {  	v18 =	vld.idx.msk [tilespmem:v18+s2+$0x0], $0xffff;
	v30 =	vsel vm2, s1, v38;
	v54 =	vmax.f32 v21, v31;
	vm8 =	vgt.f32 v31, v21  }
0x1fa: {  	v15 =	vld.idx.msk [tilespmem:v15+s2+$0x0], $0xffff;
	v21 =	vsel vm4, s1, v48;
	s1 =	simm.s32 $0x2;
	vm5 =	vgt.f32 v33, v34;
	v52 =	vmax.f32 v34, v33  }
0x1fb: {  	v27 =	vld.idx.msk [tilespmem:v27+s2+$0x0], $0xffff;
	v31 =	vmov s1;
	vm1 =	vgt.f32 v24, v50;
	v24 =	vmax.f32 v50, v24  }
0x1fc: {  	v16 =	vld.idx.msk [tilespmem:v16+s2+$0x0], $0xffff;
	v12 =	vsel vm5, s29, v12;
	v57 =	vshll.u32 v31, $0x3;
	v31 =	vand.u32 $0x7A, v31  }
0x1fd: {  	vm6 =	vgt.f32 v19, v25;
	v19 =	vmax.f32 v25, v19;
	v25 =	vld.idx.msk [tilespmem:v28+s2+$0x0], $0xffff;
	v28 =	vmax.f32 v52, v17  }
0x1fe: {  	vm2 =	vgt.f32 v18, v24;
	v18 =	vmax.f32 v24, v18;
	vm9 =	vgt.f32 v17, v52  }
0x1ff: {  	v23 =	vld.idx.msk [tilespmem:v23+s2+$0x0], $0xffff;
	v17 =	vmax.f32 v54, v15;
	v58 =	vadd.s32 v4, v57;
	v59 =	vadd.s32 v3, v57  }
0x200: {  	v29 =	vld.idx.msk [tilespmem:v36+s2+$0x0], $0xffff;
	v31 =	vor.u32 v5, v31;
	v61 =	vadd.s32 v2, v57;
	v34 =	vadd.s32 v0, v57  }
0x201: {  	v14 =	vld.idx.msk [tilespmem:v14+s2+$0x0], $0xffff;
	v53 =	vmax.f32 v19, v20;
	vm7 =	vgt.f32 v20, v19;
	v20 =	vmax.f32 v28, v16  }
0x202: {  	v19 =	vld.idx.msk [tilespmem:v26+s2+$0x0], $0xffff;
	v26 =	vmax.f32 v18, v27;
	vm4 =	vgt.f32 v16, v28;
	vm10 =	vgt.f32 v27, v18  }
0x203: {  	v12 =	vsel vm9, s30, v12;
	v18 =	vsel vm3, s29, v21;
	v35 =	vand.u32 $0x1C00, v58  }
0x204: {  	v10 =	vld.idx.msk [tilespmem:v10+s2+$0x0], $0xffff;
	v38 =	vand.u32 $0x3C00, v61;
	v34 =	vand.u32 $0xC00, v34;
	v36 =	vand.u32 $0x2C00, v59  }
0x205: {  	v24 =	vmax.f32 v20, v23;
	vm11 =	vgt.f32 v29, v26;
	vm3 =	vgt.f32 v23, v20  }
0x206: {  	v18 =	vsel vm6, s30, v18;
	v20 =	vmax.f32 v17, v14;
	vm6 =	vgt.f32 v14, v17  }
0x207: {  	s4 =	simm.s32 $0x1;
	v12 =	vsel vm4, s31, v12;
	vm4 =	vgt.f32 v15, v54;
	v15 =	vsel vm8, s29, v30  }
0x208: {  	v29 =	vmov s4;
	v35 =	vor.u32 v35, v31;
	v42 =	vor.u32 v38, v31  }
0x209: {  	v52 =	vor.u32 v36, v31;
	v14 =	vsel vm7, s31, v18;
	vm7 =	vgt.f32 v10, v53  }
0x20a: {  	v12 =	vsel vm3, s0, v12;
	v10 =	vmax.f32 v53, v10;
	v15 =	vsel vm4, s30, v15  }
0x20b: {  	v30 =	vshll.u32 v29, $0x3;
	v29 =	vand.u32 $0x79, v29;
	v14 =	vsel vm7, s0, v14  }
0x20c: {  	v16 =	vld.idx.msk [tilespmem:v22+s2+$0x0], $0xffff;
	v55 =	vadd.s32 v4, v30;
	v56 =	vadd.s32 v2, v30;
	v29 =	vor.u32 v5, v29  }
0x20d: {  	v8 =	vld.idx.msk [tilespmem:v8+s2+$0x0], $0xffff;
	v60 =	vadd.s32 v3, v30;
	v30 =	vadd.s32 v0, v30;
	vm5 =	vgt.f32 v25, v24  }
0x20e: {  	v25 =	vimm.f32 $-Inf;
	v24 =	vimm.s32 $0x0;
	v32 =	vand.u32 $0x1C00, v55  }
0x20f: {  	v33 =	vand.u32 $0x3C00, v56;
	v37 =	vand.u32 $0x2C00, v60;
	v30 =	vand.u32 $0xC00, v30  }
0x210: {  	v17 =	vmax.f32 v20, v19;
	vm12 =	vgt.f32 v19, v20;
	v12 =	vsel vm5, s3, v12  }
0x211: {  	v32 =	vor.u32 v32, v29;
	v33 =	vor.u32 v33, v29;
	vm9 =	vgt.f32 v16, v17  }
0x212: {  	v16 =	vsel vm0, s29, v51;
	vm0 =	vgt.f32 v8, v10;
	v8 =	vsel vm6, s31, v15  }
0x213: {  	v62 =	vor.u32 v30, v29;
	v16 =	vsel vm1, s30, v16;
	v8 =	vsel vm12, s0, v8  }
0x214: {  	v15 =	vsel vm0, s3, v14;
	v10 =	vsel vm2, s31, v16;
	v8 =	vsel vm9, s3, v8  }
0x215: {  	s30 =	simm.s32 $0x4;
	v16 =	vshll.u32 v12, $0x3;
	v12 =	vand.u32 $0x7F, v12;
	v18 =	vshll.u32 v15, $0x3  }
0x216: {  	v15 =	vand.u32 $0x7F, v15;
	v20 =	vmov s30;
	v10 =	vsel vm10, s0, v10  }
0x217: {  	s31 =	simm.s32 $0x5;
	v14 =	vshll.u32 v8, $0x3;
	v8 =	vand.u32 $0x7F, v8;
	v16 =	vadd.s32 v4, v16  }
0x218: {  	v21 =	vshll.u32 v20, $0x3;
	v22 =	vmov s31;
	v14 =	vadd.s32 v0, v14  }
0x219: {  	v10 =	vsel vm11, s3, v10;
	v16 =	vand.u32 $0xFFFFFC00, v16;
	v14 =	vand.u32 $0xFFFFFC00, v14  }
0x21a: {  	v17 =	vshll.u32 v10, $0x3;
	v12 =	vor.u32 v16, v12;
	v8 =	vor.u32 v14, v8  }
0x21b: {  	v14 =	vor.u32 v5, v8;
	v8 =	vor.u32 v5, v12;
	v12 =	vadd.s32 v3, v17  }
0x21c: {  	v10 =	vand.u32 $0x7F, v10;
	v16 =	vadd.s32 v2, v18;
	v12 =	vand.u32 $0xFFFFFC00, v12  }
0x21d: {  	v20 =	vand.u32 $0x7C, v20;
	v16 =	vand.u32 $0xFFFFFC00, v16;
	v10 =	vor.u32 v12, v10  }
0x21e: {  	v23 =	vadd.s32 v4, v21;
	v12 =	vor.u32 v5, v10;
	v10 =	vor.u32 v16, v15  }
0x21f: {  	s29 =	simm.s32 $0x3;
	v26 =	vadd.s32 v3, v21;
	v27 =	vand.u32 $0x7D, v22;
	v10 =	vor.u32 v5, v10  }
0x220: {  	v28 =	vadd.s32 v0, v21;
	v21 =	vadd.s32 v2, v21;
	v15 =	vmov s29  }
0x221: {  	v23 =	vand.u32 $0x1C00, v23;
	v28 =	vand.u32 $0xC00, v28;
	v16 =	vshll.u32 v15, $0x3;
	[tilespmem:v14+s22+$0x0] =	vst.idx.msk $0xffff, v6  }
0x222: {  	v27 =	vor.u32 v5, v27;
	v21 =	vand.u32 $0x3C00, v21;
	v17 =	vadd.s32 v4, v16;
	[tilespmem:v8+s22+$0x0] =	vst.idx.msk $0xffff, v6  }
0x223: {  	v15 =	vand.u32 $0x7B, v15;
	v18 =	vadd.s32 v3, v16;
	v19 =	vadd.s32 v0, v16;
	[tilespmem:v12+s22+$0x0] =	vst.idx.msk $0xffff, v6  }
0x224: {  	s5 =	simm.s32 $0x0;
	s9 =	rddreg [dreg:$0x9];
	v15 =	vor.u32 v5, v15;
	v16 =	vadd.s32 v2, v16;
	v19 =	vand.u32 $0xC00, v19;
	[tilespmem:v10+s22+$0x0] =	vst.idx.msk $0xffff, v6  }
0x225: {  	v18 =	vand.u32 $0x2C00, v18;
	v17 =	vand.u32 $0x1C00, v17;
	v16 =	vand.u32 $0x3C00, v16;
	[hbm4b:s9+s5] =	stream.linear.scatter [tilespmem:s22], [sflag:$0x3], $0x4000, $0x38;
	[tilespmem:$0x10000] =	vst v63  }
0x226: {  	v43 =	vor.u32 v18, v15;
	v45 =	vor.u32 v17, v15;
	v63 =	vor.u32 v19, v15  }
0x227: {  	v18 =	vor.u32 v5, v20;
	v17 =	vand.u32 $0x2C00, v26;
	v53 =	vor.u32 v16, v15;
	[tilespmem:s5], [sflag:$0x1] =	stream.linear.gather [hbm4b:s10+s5], $0x4000, $0x38;
	[tilespmem:$0x10000] =	vst v63  }
0x228: {  	v26 =	vor.u32 v34, v31;
	v16 =	vshll.u32 v22, $0x3;
	v46 =	vor.u32 v17, v18;
	_ =	swait.ge [sflag:s23], $0x4000  }
0x229: {  	v17 =	vor.u32 v23, v18;
	v15 =	vor.u32 v28, v18;
	v19 =	vor.u32 v21, v18;
	[sflag:s23] =	ssyncset.done $0x0  }
0x22a: {  	v18 =	vadd.s32 v3, v16;
	v20 =	vadd.s32 v2, v16;
	v21 =	vadd.s32 v4, v16;
	[sflag:s23] =	ssyncadd.s32 $0xFFFFC000  }
0x22b: {  	s0 =	simm.s32 $0x6;
	v22 =	vadd.s32 v0, v16;
	v18 =	vand.u32 $0x2C00, v18;
	v21 =	vand.u32 $0x1C00, v21;
	_ =	swait.ge [sflag:s26], $0x4000  }
0x22c: {  	v20 =	vand.u32 $0x3C00, v20;
	v16 =	vor.u32 v21, v27;
	v21 =	vmov s0;
	[sflag:s26] =	ssyncset.done $0x0  }
0x22d: {  	v18 =	vor.u32 v18, v27;
	v20 =	vor.u32 v20, v27;
	v31 =	vshll.u32 v21, $0x3;
	[sflag:s26] =	ssyncadd.s32 $0xFFFFC000  }
0x22e: {  	[tilespmem:v13+s24+$0x0] =	vst.idx.msk $0xffff, v1;
	v13 =	vand.u32 $0xC00, v22;
	v22 =	vand.u32 $0x7E, v21;
	v21 =	vadd.s32 v4, v31  }
0x22f: {  	v13 =	vor.u32 v13, v27;
	v54 =	vor.u32 v5, v22;
	[tilespmem:v7+s24+$0x0] =	vst.idx.msk $0xffff, v1;
	v7 =	vmov s5  }
0x230: {  	v21 =	vand.u32 $0x1C00, v21;
	[tilespmem:v11+s24+$0x0] =	vst.idx.msk $0xffff, v1;
	v11 =	vand.u32 $0x78, v7;
	v7 =	vshll.u32 v7, $0x3  }
0x231: {  	v23 =	vor.u32 v21, v54;
	v11 =	vor.u32 v5, v11;
	v21 =	vadd.s32 v4, v7  }
0x232: {  	v27 =	vadd.s32 v2, v7;
	[tilespmem:v9+s24+$0x0] =	vst.idx.msk $0xffff, v1;
	v28 =	vadd.s32 v3, v7;
	v9 =	vand.u32 $0x1C00, v21  }
0x233: {  	v7 =	vadd.s32 v0, v7;
	v21 =	vand.u32 $0x3C00, v27;
	v55 =	vor.u32 v9, v11  }
0x234: {  	v22 =	vadd.s32 v3, v31;
	v7 =	vand.u32 $0xC00, v7;
	v56 =	vor.u32 v21, v11  }
0x235: {  	v29 =	vor.u32 v37, v29;
	v22 =	vand.u32 $0x2C00, v22;
	v30 =	vld.idx.msk [tilespmem:v33+s20+$0x0], $0xffff;
	v7 =	vor.u32 v7, v11  }
0x236: {  	s3 =	simm.s32 $0x7;
	v27 =	vor.u32 v22, v54;
	v21 =	vld.idx.msk [tilespmem:v26+s20+$0x0], $0xffff;
	v9 =	vand.u32 $0x2C00, v28;
	v26 =	vadd.s32 v2, v31  }
0x237: {  	v32 =	vld.idx.msk [tilespmem:v32+s20+$0x0], $0xffff;
	v11 =	vor.u32 v9, v11;
	v9 =	vand.u32 $0x3C00, v26;
	v26 =	vmov s3  }
0x238: {  	v31 =	vadd.s32 v0, v31;
	v22 =	vand.u32 $0x7F, v26;
	v26 =	vshll.u32 v26, $0x3;
	v57 =	vld.idx.msk [tilespmem:v55+s20+$0x0], $0xffff  }
0x239: {  	v9 =	vor.u32 v9, v54;
	v28 =	vadd.s32 v0, v26;
	v58 =	vadd.s32 v4, v26;
	v47 =	vld.idx.msk [tilespmem:v56+s20+$0x0], $0xffff  }
0x23a: {  	v59 =	vadd.s32 v3, v26;
	v60 =	vor.u32 v5, v22;
	v26 =	vadd.s32 v2, v26;
	v48 =	vld.idx.msk [tilespmem:v7+s20+$0x0], $0xffff  }
0x23b: {  	v34 =	vld.idx.msk [tilespmem:v35+s20+$0x0], $0xffff;
	v22 =	vand.u32 $0x1C00, v58;
	v61 =	vand.u32 $0x2C00, v59;
	v7 =	vand.u32 $0xC00, v28  }
0x23c: {  	v49 =	vld.idx.msk [tilespmem:v62+s20+$0x0], $0xffff;
	v28 =	vor.u32 v22, v60;
	v22 =	vor.u32 v7, v60;
	v7 =	vand.u32 $0x3C00, v26  }
0x23d: {  	v36 =	vor.u32 v61, v60;
	v11 =	vld.idx.msk [tilespmem:v11+s20+$0x0], $0xffff;
	v26 =	vand.u32 $0xC00, v31;
	v7 =	vor.u32 v7, v60  }
0x23e: {  	v50 =	vld.idx.msk [tilespmem:v29+s20+$0x0], $0xffff;
	v26 =	vor.u32 v26, v54;
	vm0 =	vgt.f32 v57, v25;
	v31 =	vmax.f32 v25, v57  }
0x23f: {  	v41 =	vld.idx.msk [tilespmem:v52+s20+$0x0], $0xffff;
	v40 =	vmax.f32 v25, v47;
	vm1 =	vgt.f32 v48, v25;
	v62 =	vmax.f32 v25, v48  }
0x240: {  	v35 =	vld.idx.msk [tilespmem:v43+s20+$0x0], $0xffff;
	vm3 =	vgt.f32 v47, v25;
	vm2 =	vgt.f32 v32, v31;
	v39 =	vmax.f32 v31, v32  }
0x241: {  	v33 =	vld.idx.msk [tilespmem:v45+s20+$0x0], $0xffff;
	v29 =	vsel vm0, s5, v24;
	v38 =	vsel vm1, s5, v24;
	vm0 =	vgt.f32 v30, v40  }
0x242: {  	v31 =	vld.idx.msk [tilespmem:v63+s20+$0x0], $0xffff;
	vm1 =	vgt.f32 v11, v25;
	v11 =	vmax.f32 v25, v11;
	v44 =	vsel vm3, s5, v24  }
0x243: {  	v32 =	vld.idx.msk [tilespmem:v42+s20+$0x0], $0xffff;
	vm4 =	vgt.f32 v34, v39;
	v42 =	vsel vm1, s5, v24;
	vm1 =	vgt.f32 v49, v62  }
0x244: {  	v25 =	vld.idx.msk [tilespmem:v53+s20+$0x0], $0xffff;
	v63 =	vsel vm2, s4, v29;
	v29 =	vmax.f32 v62, v49;
	v43 =	vmax.f32 v11, v50  }
0x245: {  	s5 =	simm.s32 $0x8;
	vm3 =	vgt.f32 v50, v11;
	v24 =	vld.idx.msk [tilespmem:v46+s20+$0x0], $0xffff;
	v11 =	vsel vm4, s1, v63;
	vm2 =	vgt.f32 v41, v43  }
.LBB2_10:
0x246: {  	p0 =	slt.u32 s5, $0xF8;
	v37 =	vsel vm3, s4, v42;
	v42 =	vsel vm0, s4, v44;
	v44 =	vld.idx.msk [tilespmem:v17+s20+$0x0], $0xffff;
	s6 =	smov.u32 s5;
	s5 =	sadd.s32 $0x8, s5  }
0x247: {  	v38 =	vsel vm1, s4, v38;
	v17 =	vmax.f32 v40, v30;
	v30 =	vmax.f32 v43, v41;
	v19 =	vld.idx.msk [tilespmem:v19+s20+$0x0], $0xffff  }
0x248: {  	v34 =	vmax.f32 v39, v34;
	s7 =	sadd.s32 $0x3, s6;
	vm3 =	vgt.f32 v32, v17;
	vm1 =	vgt.f32 v35, v30;
	v20 =	vld.idx.msk [tilespmem:v20+s20+$0x0], $0xffff  }
0x249: {  	v32 =	vmax.f32 v17, v32;
	v30 =	vmax.f32 v30, v35;
	v39 =	vmov s7;
	v35 =	vld.idx.msk [tilespmem:v18+s20+$0x0], $0xffff  }
0x24a: {  	vm6 =	vgt.f32 v25, v32;
	v17 =	vand.u32 $0x7B, v39;
	vm4 =	vgt.f32 v33, v34;
	v23 =	vld.idx.msk [tilespmem:v23+s20+$0x0], $0xffff  }
0x24b: {  	v18 =	vsel vm2, s1, v37;
	v33 =	vmax.f32 v34, v33;
	vm0 =	vgt.f32 v24, v30;
	v27 =	vld.idx.msk [tilespmem:v27+s20+$0x0], $0xffff  }
0x24c: {  	v25 =	vmax.f32 v32, v25;
	vm2 =	vgt.f32 v21, v29;
	v21 =	vmax.f32 v29, v21;
	v16 =	vld.idx.msk [tilespmem:v16+s20+$0x0], $0xffff  }
0x24d: {  	v29 =	vsel vm2, s1, v38;
	vm8 =	vgt.f32 v19, v25;
	v19 =	vmax.f32 v25, v19;
	v25 =	vld.idx.msk [tilespmem:v36+s20+$0x0], $0xffff  }
0x24e: {  	v24 =	vmax.f32 v30, v24;
	v32 =	vmax.f32 v33, v44;
	v30 =	vmax.f32 v19, v20;
	v28 =	vld.idx.msk [tilespmem:v28+s20+$0x0], $0xffff  }
0x24f: {  	v34 =	vshll.u32 v39, $0x3;
	v36 =	vmax.f32 v21, v31;
	vm2 =	vgt.f32 v35, v24  }
0x250: {  	v37 =	vadd.s32 v4, v34;
	v38 =	vadd.s32 v3, v34;
	vm10 =	vgt.f32 v20, v19  }
0x251: {  	vm5 =	vgt.f32 v31, v21;
	v19 =	vadd.s32 v0, v34;
	v20 =	vsel vm4, s29, v11;
	v15 =	vld.idx.msk [tilespmem:v15+s20+$0x0], $0xffff  }
0x252: {  	v21 =	vsel vm3, s1, v42;
	v24 =	vmax.f32 v24, v35;
	v31 =	vmax.f32 v32, v16  }
0x253: {  	v19 =	vand.u32 $0xC00, v19;
	v39 =	vmax.f32 v24, v27;
	v35 =	vmax.f32 v31, v23  }
0x254: {  	vm9 =	vgt.f32 v16, v32;
	v11 =	vmax.f32 v39, v25;
	vm7 =	vgt.f32 v28, v35  }
0x255: {  	s9 =	sadd.s32 $0x4, s6;
	vm11 =	vgt.f32 v44, v33;
	vm4 =	vgt.f32 v27, v24;
	vm3 =	vgt.f32 v25, v39;
	v16 =	vld.idx.msk [tilespmem:v26+s20+$0x0], $0xffff  }
0x256: {  	s8 =	sadd.s32 $0x5, s6;
	v20 =	vsel vm11, s30, v20;
	v24 =	vmov s9;
	vm11 =	vgt.f32 v23, v31;
	v13 =	vld.idx.msk [tilespmem:v13+s20+$0x0], $0xffff  }
0x257: {  	v23 =	vshll.u32 v24, $0x3;
	v26 =	vmov s8;
	v25 =	vmax.f32 v36, v15;
	v27 =	vld.idx.msk [tilespmem:v9+s20+$0x0], $0xffff  }
0x258: {  	v39 =	vadd.s32 v3, v23;
	v31 =	vand.u32 $0x7D, v26;
	v9 =	vadd.s32 v4, v23;
	v22 =	vld.idx.msk [tilespmem:v22+s20+$0x0], $0xffff  }
0x259: {  	v40 =	vand.u32 $0x7C, v24;
	v24 =	vadd.s32 v0, v23;
	v41 =	vand.u32 $0x1C00, v9  }
0x25a: {  	v42 =	vand.u32 $0xC00, v24;
	v23 =	vadd.s32 v2, v23;
	v9 =	vor.u32 v5, v31  }
0x25b: {  	v21 =	vsel vm6, s29, v21;
	v24 =	vmax.f32 v35, v28;
	v23 =	vand.u32 $0x3C00, v23  }
0x25c: {  	v21 =	vsel vm8, s30, v21;
	vm8 =	vgt.f32 v13, v25;
	v13 =	vmax.f32 v25, v13  }
0x25d: {  	s4 =	sadd.s32 $0x1, s6;
	s1 =	sadd.s32 $0x2, s6;
	v21 =	vsel vm10, s31, v21;
	v25 =	vmax.f32 v13, v16;
	vm12 =	vgt.f32 v27, v30  }
0x25e: {  	v28 =	vmov s4;
	v31 =	vmov s1;
	vm6 =	vgt.f32 v22, v25  }
0x25f: {  	v32 =	vand.u32 $0x79, v28;
	v28 =	vshll.u32 v28, $0x3;
	vm10 =	vgt.f32 v15, v36  }
0x260: {  	v15 =	vadd.s32 v4, v28;
	v33 =	vadd.s32 v2, v28;
	v25 =	vmax.f32 v25, v22;
	v22 =	vld.idx.msk [tilespmem:v7+s20+$0x0], $0xffff  }
0x261: {  	v36 =	vor.u32 v5, v32;
	v7 =	vand.u32 $0x1C00, v15;
	v15 =	vsel vm9, s31, v20  }
0x262: {  	v20 =	vand.u32 $0x3C00, v33;
	vm9 =	vgt.f32 v16, v13;
	v7 =	vor.u32 v7, v36  }
0x263: {  	v13 =	vand.u32 $0x7A, v31;
	v16 =	vshll.u32 v31, $0x3;
	v15 =	vsel vm11, s0, v15  }
0x264: {  	v21 =	vsel vm12, s0, v21;
	v31 =	vadd.s32 v4, v16;
	v33 =	vadd.s32 v3, v16  }
0x265: {  	v27 =	vmax.f32 v30, v27;
	v13 =	vor.u32 v5, v13;
	v31 =	vand.u32 $0x1C00, v31  }
0x266: {  	v30 =	vadd.s32 v3, v28;
	v43 =	vor.u32 v31, v13;
	vm11 =	vgt.f32 v22, v27  }
0x267: {  	v30 =	vand.u32 $0x2C00, v30;
	v32 =	vadd.s32 v2, v16;
	v31 =	vsel vm7, s3, v15  }
0x268: {  	v35 =	vsel vm5, s29, v29;
	v15 =	vadd.s32 v0, v16;
	v16 =	vand.u32 $0x3C00, v32  }
0x269: {  	v15 =	vand.u32 $0xC00, v15;
	v32 =	vor.u32 v16, v13;
	v29 =	vsel vm11, s3, v21  }
0x26a: {  	v18 =	vsel vm1, s29, v18;
	s29 =	smov.u32 s7;
	v16 =	vor.u32 v5, v17;
	v17 =	vadd.s32 v2, v34  }
0x26b: {  	v34 =	vor.u32 v20, v36;
	v20 =	vand.u32 $0x2C00, v38;
	v21 =	vsel vm10, s30, v35  }
0x26c: {  	v44 =	vand.u32 $0x2C00, v33;
	v35 =	vor.u32 v20, v16;
	v20 =	vsel vm8, s31, v21  }
0x26d: {  	v21 =	vadd.s32 v0, v28;
	v28 =	vand.u32 $0x1C00, v37;
	v20 =	vsel vm9, s0, v20  }
0x26e: {  	v18 =	vsel vm0, s30, v18;
	s30 =	smov.u32 s9;
	v21 =	vand.u32 $0xC00, v21;
	v33 =	vor.u32 v28, v16  }
0x26f: {  	v38 =	vor.u32 v19, v16;
	v19 =	vand.u32 $0x3C00, v17;
	v45 =	vor.u32 v21, v36  }
0x270: {  	v18 =	vsel vm2, s31, v18;
	v17 =	vand.u32 $0x2C00, v39;
	s31 =	smov.u32 s8;
	v21 =	vor.u32 v5, v40  }
0x271: {  	v18 =	vsel vm4, s0, v18;
	v46 =	vmax.f32 v27, v22;
	v37 =	vor.u32 v17, v21  }
0x272: {  	v47 =	vsel vm3, s3, v18;
	v44 =	vor.u32 v44, v13;
	v17 =	vor.u32 v41, v21  }
0x273: {  	v39 =	vor.u32 v30, v36;
	v48 =	vor.u32 v19, v16;
	v49 =	vsel vm6, s3, v20  }
0x274: {  	v13 =	vor.u32 v15, v13;
	v16 =	vshll.u32 v26, $0x3;
	v15 =	vor.u32 v42, v21  }
0x275: {  	v18 =	vadd.s32 v3, v16;
	v20 =	vadd.s32 v2, v16;
	v19 =	vor.u32 v23, v21  }
0x276: {  	v21 =	vadd.s32 v4, v16;
	v18 =	vand.u32 $0x2C00, v18;
	v20 =	vand.u32 $0x3C00, v20  }
0x277: {  	s0 =	sadd.s32 $0x6, s6;
	v21 =	vand.u32 $0x1C00, v21;
	v18 =	vor.u32 v18, v9;
	v20 =	vor.u32 v20, v9  }
0x278: {  	v22 =	vadd.s32 v0, v16;
	v23 =	vmov s0;
	v16 =	vor.u32 v21, v9  }
0x279: {  	v26 =	vshll.u32 v23, $0x3;
	v21 =	vld.idx.msk [tilespmem:v13+s20+$0x0], $0xffff;
	v13 =	vand.u32 $0xC00, v22;
	v22 =	vand.u32 $0x7E, v23  }
0x27a: {  	v13 =	vor.u32 v13, v9;
	v40 =	vor.u32 v5, v22;
	v9 =	vadd.s32 v4, v26  }
0x27b: {  	v27 =	vadd.s32 v3, v26;
	v22 =	vmov s6;
	v9 =	vand.u32 $0x1C00, v9  }
0x27c: {  	v28 =	vand.u32 $0x78, v22;
	v22 =	vshll.u32 v22, $0x3;
	v23 =	vor.u32 v9, v40  }
0x27d: {  	v9 =	vor.u32 v5, v28;
	v28 =	vadd.s32 v4, v22;
	v30 =	vadd.s32 v2, v22  }
0x27e: {  	v36 =	vadd.s32 v3, v22;
	v28 =	vand.u32 $0x1C00, v28;
	v30 =	vand.u32 $0x3C00, v30  }
0x27f: {  	v22 =	vadd.s32 v0, v22;
	v28 =	vor.u32 v28, v9;
	v41 =	vor.u32 v30, v9  }
0x280: {  	v22 =	vand.u32 $0xC00, v22;
	v30 =	vand.u32 $0x2C00, v36;
	v36 =	vadd.s32 v2, v26  }
0x281: {  	s3 =	sadd.s32 $0x7, s6;
	v22 =	vor.u32 v22, v9;
	v42 =	vor.u32 v30, v9;
	v9 =	vand.u32 $0x3C00, v36;
	v30 =	vld.idx.msk [tilespmem:v34+s20+$0x0], $0xffff  }
0x282: {  	v36 =	vmov s3;
	v9 =	vor.u32 v9, v40;
	v50 =	vld.idx.msk [tilespmem:v7+s20+$0x0], $0xffff;
	v7 =	vand.u32 $0x2C00, v27  }
0x283: {  	v34 =	vld.idx.msk [tilespmem:v43+s20+$0x0], $0xffff;
	v27 =	vor.u32 v7, v40;
	v7 =	vand.u32 $0x7F, v36;
	v36 =	vshll.u32 v36, $0x3  }
0x284: {  	v43 =	vld.idx.msk [tilespmem:v28+s20+$0x0], $0xffff;
	v28 =	vadd.s32 v0, v36;
	v51 =	vadd.s32 v4, v36;
	v52 =	vadd.s32 v3, v36  }
0x285: {  	v7 =	vor.u32 v5, v7;
	v53 =	vld.idx.msk [tilespmem:v41+s20+$0x0], $0xffff;
	v41 =	vand.u32 $0x1C00, v51;
	v51 =	vand.u32 $0x2C00, v52  }
0x286: {  	v36 =	vadd.s32 v2, v36;
	v52 =	vld.idx.msk [tilespmem:v22+s20+$0x0], $0xffff;
	v22 =	vand.u32 $0xC00, v28;
	v28 =	vor.u32 v41, v7  }
0x287: {  	v26 =	vadd.s32 v0, v26;
	v41 =	vand.u32 $0x3C00, v36;
	v42 =	vld.idx.msk [tilespmem:v42+s20+$0x0], $0xffff;
	v22 =	vor.u32 v22, v7  }
0x288: {  	v26 =	vand.u32 $0xC00, v26;
	v36 =	vor.u32 v51, v7;
	v7 =	vor.u32 v41, v7  }
0x289: {  	v26 =	vor.u32 v26, v40;
	v45 =	vld.idx.msk [tilespmem:v45+s20+$0x0], $0xffff  }
0x28a: {  	vm0 =	vgt.f32 v43, v24;
	v24 =	vmax.f32 v24, v43;
	v51 =	vld.idx.msk [tilespmem:v39+s20+$0x0], $0xffff  }
0x28b: {  	v40 =	vmax.f32 v46, v53;
	vm2 =	vgt.f32 v50, v24;
	v39 =	vmax.f32 v24, v50;
	v41 =	vld.idx.msk [tilespmem:v44+s20+$0x0], $0xffff  }
0x28c: {  	v24 =	vsel vm0, s6, v31;
	vm1 =	vgt.f32 v52, v25;
	vm4 =	vgt.f32 v34, v39;
	v31 =	vld.idx.msk [tilespmem:v38+s20+$0x0], $0xffff  }
.Ltmp4:
0x28d: {  	v43 =	vmax.f32 v25, v52;
	vm0 =	vgt.f32 v30, v40;
	v38 =	vsel vm1, s6, v49;
	v32 =	vld.idx.msk [tilespmem:v32+s20+$0x0], $0xffff;
	(pc) =	sbr.rel @p0 .LBB2_10-.Ltmp4, $4  }
0x28e: {  	vm3 =	vgt.f32 v53, v46;
	vm1 =	vgt.f32 v42, v11;
	v11 =	vmax.f32 v11, v42;
	v35 =	vld.idx.msk [tilespmem:v35+s20+$0x0], $0xffff  }
0x28f: {  	v24 =	vsel vm2, s4, v24;
	v42 =	vsel vm1, s6, v47;
	vm1 =	vgt.f32 v45, v43;
	v25 =	vld.idx.msk [tilespmem:v48+s20+$0x0], $0xffff  }
0x290: {  	v44 =	vsel vm3, s6, v29;
	v29 =	vmax.f32 v43, v45;
	v43 =	vmax.f32 v11, v51;
	v33 =	vld.idx.msk [tilespmem:v33+s20+$0x0], $0xffff  }
0x291: {  	vm3 =	vgt.f32 v51, v11;
	v11 =	vsel vm4, s1, v24;
	vm2 =	vgt.f32 v41, v43;
	v24 =	vld.idx.msk [tilespmem:v37+s20+$0x0], $0xffff  }
0x292: {  	_ =	sdelay $0x1  }
0x293: {  	v37 =	vsel vm3, s4, v42;
	v48 =	vsel vm0, s4, v44;
	v38 =	vsel vm1, s4, v38  }
0x294: {  	v30 =	vmax.f32 v40, v30;
	v49 =	vmax.f32 v43, v41;
	v34 =	vmax.f32 v39, v34  }
0x295: {  	v17 =	vld.idx.msk [tilespmem:v17+s20+$0x0], $0xffff;
	vm4 =	vgt.f32 v32, v30;
	vm0 =	vgt.f32 v35, v49;
	v30 =	vmax.f32 v30, v32  }
0x296: {  	v19 =	vld.idx.msk [tilespmem:v19+s20+$0x0], $0xffff;
	v50 =	vmax.f32 v49, v35;
	v51 =	vsel vm2, s1, v37;
	vm2 =	vgt.f32 v21, v29  }
0x297: {  	v20 =	vld.idx.msk [tilespmem:v20+s20+$0x0], $0xffff;
	v21 =	vmax.f32 v29, v21;
	vm3 =	vgt.f32 v25, v30;
	v25 =	vmax.f32 v30, v25  }
0x298: {  	v18 =	vld.idx.msk [tilespmem:v18+s20+$0x0], $0xffff;
	v30 =	vsel vm2, s1, v38;
	v54 =	vmax.f32 v21, v31;
	vm8 =	vgt.f32 v31, v21  }
0x299: {  	v15 =	vld.idx.msk [tilespmem:v15+s20+$0x0], $0xffff;
	v21 =	vsel vm4, s1, v48;
	s1 =	simm.s32 $0x2;
	vm5 =	vgt.f32 v33, v34;
	v52 =	vmax.f32 v34, v33  }
0x29a: {  	v27 =	vld.idx.msk [tilespmem:v27+s20+$0x0], $0xffff;
	v31 =	vmov s1;
	vm1 =	vgt.f32 v24, v50;
	v24 =	vmax.f32 v50, v24  }
0x29b: {  	v16 =	vld.idx.msk [tilespmem:v16+s20+$0x0], $0xffff;
	v11 =	vsel vm5, s29, v11;
	v57 =	vshll.u32 v31, $0x3;
	v31 =	vand.u32 $0x7A, v31  }
0x29c: {  	vm6 =	vgt.f32 v19, v25;
	v19 =	vmax.f32 v25, v19;
	v25 =	vld.idx.msk [tilespmem:v28+s20+$0x0], $0xffff;
	v28 =	vmax.f32 v52, v17  }
0x29d: {  	vm2 =	vgt.f32 v18, v24;
	v18 =	vmax.f32 v24, v18;
	vm9 =	vgt.f32 v17, v52  }
0x29e: {  	v23 =	vld.idx.msk [tilespmem:v23+s20+$0x0], $0xffff;
	v17 =	vmax.f32 v54, v15;
	v58 =	vadd.s32 v4, v57;
	v59 =	vadd.s32 v3, v57  }
0x29f: {  	v29 =	vld.idx.msk [tilespmem:v36+s20+$0x0], $0xffff;
	v31 =	vor.u32 v5, v31;
	v61 =	vadd.s32 v2, v57;
	v34 =	vadd.s32 v0, v57  }
0x2a0: {  	v13 =	vld.idx.msk [tilespmem:v13+s20+$0x0], $0xffff;
	v53 =	vmax.f32 v19, v20;
	vm7 =	vgt.f32 v20, v19;
	v20 =	vmax.f32 v28, v16  }
0x2a1: {  	v19 =	vld.idx.msk [tilespmem:v26+s20+$0x0], $0xffff;
	v26 =	vmax.f32 v18, v27;
	vm4 =	vgt.f32 v16, v28;
	vm10 =	vgt.f32 v27, v18  }
0x2a2: {  	v11 =	vsel vm9, s30, v11;
	v18 =	vsel vm3, s29, v21;
	v35 =	vand.u32 $0x1C00, v58  }
0x2a3: {  	v9 =	vld.idx.msk [tilespmem:v9+s20+$0x0], $0xffff;
	v38 =	vand.u32 $0x3C00, v61;
	v34 =	vand.u32 $0xC00, v34;
	v36 =	vand.u32 $0x2C00, v59  }
0x2a4: {  	v24 =	vmax.f32 v20, v23;
	vm11 =	vgt.f32 v29, v26;
	vm3 =	vgt.f32 v23, v20  }
0x2a5: {  	v18 =	vsel vm6, s30, v18;
	v20 =	vmax.f32 v17, v13;
	vm6 =	vgt.f32 v13, v17  }
0x2a6: {  	s4 =	simm.s32 $0x1;
	v11 =	vsel vm4, s31, v11;
	vm4 =	vgt.f32 v15, v54;
	v15 =	vsel vm8, s29, v30  }
0x2a7: {  	v29 =	vmov s4;
	v35 =	vor.u32 v35, v31;
	v42 =	vor.u32 v38, v31  }
0x2a8: {  	v52 =	vor.u32 v36, v31;
	v13 =	vsel vm7, s31, v18;
	vm7 =	vgt.f32 v9, v53  }
0x2a9: {  	v11 =	vsel vm3, s0, v11;
	v9 =	vmax.f32 v53, v9;
	v15 =	vsel vm4, s30, v15  }
0x2aa: {  	v30 =	vshll.u32 v29, $0x3;
	v29 =	vand.u32 $0x79, v29;
	v13 =	vsel vm7, s0, v13  }
0x2ab: {  	v16 =	vld.idx.msk [tilespmem:v22+s20+$0x0], $0xffff;
	v55 =	vadd.s32 v4, v30;
	v56 =	vadd.s32 v2, v30;
	v29 =	vor.u32 v5, v29  }
0x2ac: {  	v7 =	vld.idx.msk [tilespmem:v7+s20+$0x0], $0xffff;
	v60 =	vadd.s32 v3, v30;
	v30 =	vadd.s32 v0, v30;
	vm5 =	vgt.f32 v25, v24  }
0x2ad: {  	v25 =	vimm.f32 $-Inf;
	v24 =	vimm.s32 $0x0;
	v32 =	vand.u32 $0x1C00, v55  }
0x2ae: {  	v33 =	vand.u32 $0x3C00, v56;
	v37 =	vand.u32 $0x2C00, v60;
	v30 =	vand.u32 $0xC00, v30  }
0x2af: {  	v17 =	vmax.f32 v20, v19;
	vm12 =	vgt.f32 v19, v20;
	v11 =	vsel vm5, s3, v11  }
0x2b0: {  	v32 =	vor.u32 v32, v29;
	v33 =	vor.u32 v33, v29;
	vm9 =	vgt.f32 v16, v17  }
0x2b1: {  	v16 =	vsel vm0, s29, v51;
	vm0 =	vgt.f32 v7, v9;
	v7 =	vsel vm6, s31, v15  }
0x2b2: {  	v62 =	vor.u32 v30, v29;
	v16 =	vsel vm1, s30, v16;
	v7 =	vsel vm12, s0, v7  }
0x2b3: {  	v15 =	vsel vm0, s3, v13;
	v9 =	vsel vm2, s31, v16;
	v7 =	vsel vm9, s3, v7  }
0x2b4: {  	s30 =	simm.s32 $0x4;
	v16 =	vshll.u32 v11, $0x3;
	v11 =	vand.u32 $0x7F, v11;
	v18 =	vshll.u32 v15, $0x3  }
0x2b5: {  	v15 =	vand.u32 $0x7F, v15;
	v20 =	vmov s30;
	v9 =	vsel vm10, s0, v9  }
0x2b6: {  	s31 =	simm.s32 $0x5;
	v13 =	vshll.u32 v7, $0x3;
	v7 =	vand.u32 $0x7F, v7;
	v16 =	vadd.s32 v4, v16  }
0x2b7: {  	v21 =	vshll.u32 v20, $0x3;
	v22 =	vmov s31;
	v13 =	vadd.s32 v0, v13  }
0x2b8: {  	v9 =	vsel vm11, s3, v9;
	v16 =	vand.u32 $0xFFFFFC00, v16;
	v13 =	vand.u32 $0xFFFFFC00, v13  }
0x2b9: {  	v17 =	vshll.u32 v9, $0x3;
	v11 =	vor.u32 v16, v11;
	v7 =	vor.u32 v13, v7  }
0x2ba: {  	v13 =	vor.u32 v5, v7;
	v7 =	vor.u32 v5, v11;
	v11 =	vadd.s32 v3, v17  }
0x2bb: {  	v9 =	vand.u32 $0x7F, v9;
	v16 =	vadd.s32 v2, v18;
	v11 =	vand.u32 $0xFFFFFC00, v11  }
0x2bc: {  	v20 =	vand.u32 $0x7C, v20;
	v16 =	vand.u32 $0xFFFFFC00, v16;
	v9 =	vor.u32 v11, v9  }
0x2bd: {  	v23 =	vadd.s32 v4, v21;
	v11 =	vor.u32 v5, v9;
	v9 =	vor.u32 v16, v15  }
0x2be: {  	s29 =	simm.s32 $0x3;
	v26 =	vadd.s32 v3, v21;
	v27 =	vand.u32 $0x7D, v22;
	v9 =	vor.u32 v5, v9  }
0x2bf: {  	v28 =	vadd.s32 v0, v21;
	v21 =	vadd.s32 v2, v21;
	v15 =	vmov s29  }
0x2c0: {  	v23 =	vand.u32 $0x1C00, v23;
	v28 =	vand.u32 $0xC00, v28;
	v16 =	vshll.u32 v15, $0x3;
	[tilespmem:v13+s24+$0x0] =	vst.idx.msk $0xffff, v6  }
0x2c1: {  	v27 =	vor.u32 v5, v27;
	v21 =	vand.u32 $0x3C00, v21;
	v17 =	vadd.s32 v4, v16;
	[tilespmem:v7+s24+$0x0] =	vst.idx.msk $0xffff, v6  }
0x2c2: {  	v15 =	vand.u32 $0x7B, v15;
	v18 =	vadd.s32 v3, v16;
	v19 =	vadd.s32 v0, v16;
	[tilespmem:v11+s24+$0x0] =	vst.idx.msk $0xffff, v6  }
0x2c3: {  	s5 =	simm.s32 $0x0;
	v15 =	vor.u32 v5, v15;
	v16 =	vadd.s32 v2, v16;
	v19 =	vand.u32 $0xC00, v19;
	[tilespmem:v9+s24+$0x0] =	vst.idx.msk $0xffff, v6  }
0x2c4: {  	v18 =	vand.u32 $0x2C00, v18;
	v17 =	vand.u32 $0x1C00, v17;
	v16 =	vand.u32 $0x3C00, v16;
	[hbm4b:s11+s5] =	stream.linear.scatter [tilespmem:s24], [sflag:$0x4], $0x4000, $0x38;
	[tilespmem:$0x10000] =	vst v63  }
0x2c5: {  	v43 =	vor.u32 v18, v15;
	v45 =	vor.u32 v17, v15;
	v63 =	vor.u32 v19, v15  }
0x2c6: {  	v18 =	vor.u32 v5, v20;
	v17 =	vand.u32 $0x2C00, v26;
	v53 =	vor.u32 v16, v15;
	[tilespmem:s20], [sflag:$0x2] =	stream.linear.gather [hbm4b:s12+s5], $0x4000, $0x38;
	[tilespmem:$0x10000] =	vst v63  }
0x2c7: {  	v26 =	vor.u32 v34, v31;
	v16 =	vshll.u32 v22, $0x3;
	v46 =	vor.u32 v17, v18;
	_ =	swait.ge [sflag:s21], $0x4000  }
0x2c8: {  	v17 =	vor.u32 v23, v18;
	v15 =	vor.u32 v28, v18;
	v19 =	vor.u32 v21, v18;
	[sflag:s21] =	ssyncset.done $0x0  }
0x2c9: {  	v18 =	vadd.s32 v3, v16;
	v20 =	vadd.s32 v2, v16;
	v21 =	vadd.s32 v4, v16;
	[sflag:s21] =	ssyncadd.s32 $0xFFFFC000  }
0x2ca: {  	s0 =	simm.s32 $0x6;
	v22 =	vadd.s32 v0, v16;
	v18 =	vand.u32 $0x2C00, v18;
	v21 =	vand.u32 $0x1C00, v21;
	_ =	swait.ge [sflag:s25], $0x4000  }
0x2cb: {  	v20 =	vand.u32 $0x3C00, v20;
	v16 =	vor.u32 v21, v27;
	v21 =	vmov s0;
	[sflag:s25] =	ssyncset.done $0x0  }
0x2cc: {  	v18 =	vor.u32 v18, v27;
	v20 =	vor.u32 v20, v27;
	v31 =	vshll.u32 v21, $0x3;
	[sflag:s25] =	ssyncadd.s32 $0xFFFFC000  }
0x2cd: {  	[tilespmem:v14+s22+$0x0] =	vst.idx.msk $0xffff, v1;
	v14 =	vand.u32 $0xC00, v22;
	v22 =	vand.u32 $0x7E, v21;
	v21 =	vadd.s32 v4, v31  }
0x2ce: {  	v14 =	vor.u32 v14, v27;
	v54 =	vor.u32 v5, v22;
	[tilespmem:v8+s22+$0x0] =	vst.idx.msk $0xffff, v1;
	v8 =	vmov s5  }
0x2cf: {  	v21 =	vand.u32 $0x1C00, v21;
	[tilespmem:v12+s22+$0x0] =	vst.idx.msk $0xffff, v1;
	v12 =	vand.u32 $0x78, v8;
	v8 =	vshll.u32 v8, $0x3  }
0x2d0: {  	v23 =	vor.u32 v21, v54;
	v12 =	vor.u32 v5, v12;
	v21 =	vadd.s32 v4, v8  }
0x2d1: {  	v27 =	vadd.s32 v2, v8;
	[tilespmem:v10+s22+$0x0] =	vst.idx.msk $0xffff, v1;
	v28 =	vadd.s32 v3, v8;
	v10 =	vand.u32 $0x1C00, v21  }
0x2d2: {  	v8 =	vadd.s32 v0, v8;
	v21 =	vand.u32 $0x3C00, v27;
	v55 =	vor.u32 v10, v12  }
0x2d3: {  	v22 =	vadd.s32 v3, v31;
	v8 =	vand.u32 $0xC00, v8;
	v56 =	vor.u32 v21, v12  }
0x2d4: {  	v29 =	vor.u32 v37, v29;
	v22 =	vand.u32 $0x2C00, v22;
	v30 =	vld.idx.msk [tilespmem:v33+s2+$0x0], $0xffff;
	v8 =	vor.u32 v8, v12  }
0x2d5: {  	s3 =	simm.s32 $0x7;
	v27 =	vor.u32 v22, v54;
	v21 =	vld.idx.msk [tilespmem:v26+s2+$0x0], $0xffff;
	v10 =	vand.u32 $0x2C00, v28;
	v26 =	vadd.s32 v2, v31  }
0x2d6: {  	v32 =	vld.idx.msk [tilespmem:v32+s2+$0x0], $0xffff;
	v12 =	vor.u32 v10, v12;
	v10 =	vand.u32 $0x3C00, v26;
	v26 =	vmov s3  }
0x2d7: {  	v31 =	vadd.s32 v0, v31;
	v22 =	vand.u32 $0x7F, v26;
	v26 =	vshll.u32 v26, $0x3;
	v57 =	vld.idx.msk [tilespmem:v55+s2+$0x0], $0xffff  }
0x2d8: {  	v10 =	vor.u32 v10, v54;
	v28 =	vadd.s32 v0, v26;
	v58 =	vadd.s32 v4, v26;
	v47 =	vld.idx.msk [tilespmem:v56+s2+$0x0], $0xffff  }
0x2d9: {  	v59 =	vadd.s32 v3, v26;
	v60 =	vor.u32 v5, v22;
	v26 =	vadd.s32 v2, v26;
	v48 =	vld.idx.msk [tilespmem:v8+s2+$0x0], $0xffff  }
0x2da: {  	v34 =	vld.idx.msk [tilespmem:v35+s2+$0x0], $0xffff;
	v22 =	vand.u32 $0x1C00, v58;
	v61 =	vand.u32 $0x2C00, v59;
	v8 =	vand.u32 $0xC00, v28  }
0x2db: {  	v49 =	vld.idx.msk [tilespmem:v62+s2+$0x0], $0xffff;
	v28 =	vor.u32 v22, v60;
	v22 =	vor.u32 v8, v60;
	v8 =	vand.u32 $0x3C00, v26  }
0x2dc: {  	v36 =	vor.u32 v61, v60;
	v12 =	vld.idx.msk [tilespmem:v12+s2+$0x0], $0xffff;
	v26 =	vand.u32 $0xC00, v31;
	v8 =	vor.u32 v8, v60  }
0x2dd: {  	v50 =	vld.idx.msk [tilespmem:v29+s2+$0x0], $0xffff;
	v26 =	vor.u32 v26, v54;
	vm0 =	vgt.f32 v57, v25;
	v31 =	vmax.f32 v25, v57  }
0x2de: {  	v41 =	vld.idx.msk [tilespmem:v52+s2+$0x0], $0xffff;
	v40 =	vmax.f32 v25, v47;
	vm1 =	vgt.f32 v48, v25;
	v62 =	vmax.f32 v25, v48  }
0x2df: {  	v35 =	vld.idx.msk [tilespmem:v43+s2+$0x0], $0xffff;
	vm3 =	vgt.f32 v47, v25;
	vm2 =	vgt.f32 v32, v31;
	v39 =	vmax.f32 v31, v32  }
0x2e0: {  	v33 =	vld.idx.msk [tilespmem:v45+s2+$0x0], $0xffff;
	v29 =	vsel vm0, s5, v24;
	v38 =	vsel vm1, s5, v24;
	vm0 =	vgt.f32 v30, v40  }
0x2e1: {  	v31 =	vld.idx.msk [tilespmem:v63+s2+$0x0], $0xffff;
	vm1 =	vgt.f32 v12, v25;
	v12 =	vmax.f32 v25, v12;
	v44 =	vsel vm3, s5, v24  }
0x2e2: {  	v32 =	vld.idx.msk [tilespmem:v42+s2+$0x0], $0xffff;
	vm4 =	vgt.f32 v34, v39;
	v42 =	vsel vm1, s5, v24;
	vm1 =	vgt.f32 v49, v62  }
0x2e3: {  	v25 =	vld.idx.msk [tilespmem:v53+s2+$0x0], $0xffff;
	v63 =	vsel vm2, s4, v29;
	v29 =	vmax.f32 v62, v49;
	v43 =	vmax.f32 v12, v50  }
0x2e4: {  	s5 =	simm.s32 $0x8;
	vm3 =	vgt.f32 v50, v12;
	v24 =	vld.idx.msk [tilespmem:v46+s2+$0x0], $0xffff;
	v12 =	vsel vm4, s1, v63;
	vm2 =	vgt.f32 v41, v43  }
.LBB2_12:
0x2e5: {  	p0 =	slt.u32 s5, $0xF8;
	v37 =	vsel vm3, s4, v42;
	v42 =	vsel vm0, s4, v44;
	v44 =	vld.idx.msk [tilespmem:v17+s2+$0x0], $0xffff;
	s6 =	smov.u32 s5;
	s5 =	sadd.s32 $0x8, s5  }
0x2e6: {  	v38 =	vsel vm1, s4, v38;
	v17 =	vmax.f32 v40, v30;
	v30 =	vmax.f32 v43, v41;
	v19 =	vld.idx.msk [tilespmem:v19+s2+$0x0], $0xffff  }
0x2e7: {  	v34 =	vmax.f32 v39, v34;
	s7 =	sadd.s32 $0x3, s6;
	vm3 =	vgt.f32 v32, v17;
	vm1 =	vgt.f32 v35, v30;
	v20 =	vld.idx.msk [tilespmem:v20+s2+$0x0], $0xffff  }
0x2e8: {  	v32 =	vmax.f32 v17, v32;
	v30 =	vmax.f32 v30, v35;
	v39 =	vmov s7;
	v35 =	vld.idx.msk [tilespmem:v18+s2+$0x0], $0xffff  }
0x2e9: {  	vm6 =	vgt.f32 v25, v32;
	v17 =	vand.u32 $0x7B, v39;
	vm4 =	vgt.f32 v33, v34;
	v23 =	vld.idx.msk [tilespmem:v23+s2+$0x0], $0xffff  }
0x2ea: {  	v18 =	vsel vm2, s1, v37;
	v33 =	vmax.f32 v34, v33;
	vm0 =	vgt.f32 v24, v30;
	v27 =	vld.idx.msk [tilespmem:v27+s2+$0x0], $0xffff  }
0x2eb: {  	v25 =	vmax.f32 v32, v25;
	vm2 =	vgt.f32 v21, v29;
	v21 =	vmax.f32 v29, v21;
	v16 =	vld.idx.msk [tilespmem:v16+s2+$0x0], $0xffff  }
0x2ec: {  	v29 =	vsel vm2, s1, v38;
	vm8 =	vgt.f32 v19, v25;
	v19 =	vmax.f32 v25, v19;
	v25 =	vld.idx.msk [tilespmem:v36+s2+$0x0], $0xffff  }
0x2ed: {  	v24 =	vmax.f32 v30, v24;
	v32 =	vmax.f32 v33, v44;
	v30 =	vmax.f32 v19, v20;
	v28 =	vld.idx.msk [tilespmem:v28+s2+$0x0], $0xffff  }
0x2ee: {  	v34 =	vshll.u32 v39, $0x3;
	v36 =	vmax.f32 v21, v31;
	vm2 =	vgt.f32 v35, v24  }
0x2ef: {  	v37 =	vadd.s32 v4, v34;
	v38 =	vadd.s32 v3, v34;
	vm10 =	vgt.f32 v20, v19  }
0x2f0: {  	vm5 =	vgt.f32 v31, v21;
	v19 =	vadd.s32 v0, v34;
	v20 =	vsel vm4, s29, v12;
	v15 =	vld.idx.msk [tilespmem:v15+s2+$0x0], $0xffff  }
0x2f1: {  	v21 =	vsel vm3, s1, v42;
	v24 =	vmax.f32 v24, v35;
	v31 =	vmax.f32 v32, v16  }
0x2f2: {  	v19 =	vand.u32 $0xC00, v19;
	v39 =	vmax.f32 v24, v27;
	v35 =	vmax.f32 v31, v23  }
0x2f3: {  	vm9 =	vgt.f32 v16, v32;
	v12 =	vmax.f32 v39, v25;
	vm7 =	vgt.f32 v28, v35  }
0x2f4: {  	s9 =	sadd.s32 $0x4, s6;
	vm11 =	vgt.f32 v44, v33;
	vm4 =	vgt.f32 v27, v24;
	vm3 =	vgt.f32 v25, v39;
	v16 =	vld.idx.msk [tilespmem:v26+s2+$0x0], $0xffff  }
0x2f5: {  	s8 =	sadd.s32 $0x5, s6;
	v20 =	vsel vm11, s30, v20;
	v24 =	vmov s9;
	vm11 =	vgt.f32 v23, v31;
	v14 =	vld.idx.msk [tilespmem:v14+s2+$0x0], $0xffff  }
0x2f6: {  	v23 =	vshll.u32 v24, $0x3;
	v26 =	vmov s8;
	v25 =	vmax.f32 v36, v15;
	v27 =	vld.idx.msk [tilespmem:v10+s2+$0x0], $0xffff  }
0x2f7: {  	v39 =	vadd.s32 v3, v23;
	v31 =	vand.u32 $0x7D, v26;
	v10 =	vadd.s32 v4, v23;
	v22 =	vld.idx.msk [tilespmem:v22+s2+$0x0], $0xffff  }
0x2f8: {  	v40 =	vand.u32 $0x7C, v24;
	v24 =	vadd.s32 v0, v23;
	v41 =	vand.u32 $0x1C00, v10  }
0x2f9: {  	v42 =	vand.u32 $0xC00, v24;
	v23 =	vadd.s32 v2, v23;
	v10 =	vor.u32 v5, v31  }
0x2fa: {  	v21 =	vsel vm6, s29, v21;
	v24 =	vmax.f32 v35, v28;
	v23 =	vand.u32 $0x3C00, v23  }
0x2fb: {  	v21 =	vsel vm8, s30, v21;
	vm8 =	vgt.f32 v14, v25;
	v14 =	vmax.f32 v25, v14  }
0x2fc: {  	s4 =	sadd.s32 $0x1, s6;
	s1 =	sadd.s32 $0x2, s6;
	v21 =	vsel vm10, s31, v21;
	v25 =	vmax.f32 v14, v16;
	vm12 =	vgt.f32 v27, v30  }
0x2fd: {  	v28 =	vmov s4;
	v31 =	vmov s1;
	vm6 =	vgt.f32 v22, v25  }
0x2fe: {  	v32 =	vand.u32 $0x79, v28;
	v28 =	vshll.u32 v28, $0x3;
	vm10 =	vgt.f32 v15, v36  }
0x2ff: {  	v15 =	vadd.s32 v4, v28;
	v33 =	vadd.s32 v2, v28;
	v25 =	vmax.f32 v25, v22;
	v22 =	vld.idx.msk [tilespmem:v8+s2+$0x0], $0xffff  }
0x300: {  	v36 =	vor.u32 v5, v32;
	v8 =	vand.u32 $0x1C00, v15;
	v15 =	vsel vm9, s31, v20  }
0x301: {  	v20 =	vand.u32 $0x3C00, v33;
	vm9 =	vgt.f32 v16, v14;
	v8 =	vor.u32 v8, v36  }
0x302: {  	v14 =	vand.u32 $0x7A, v31;
	v16 =	vshll.u32 v31, $0x3;
	v15 =	vsel vm11, s0, v15  }
0x303: {  	v21 =	vsel vm12, s0, v21;
	v31 =	vadd.s32 v4, v16;
	v33 =	vadd.s32 v3, v16  }
0x304: {  	v27 =	vmax.f32 v30, v27;
	v14 =	vor.u32 v5, v14;
	v31 =	vand.u32 $0x1C00, v31  }
0x305: {  	v30 =	vadd.s32 v3, v28;
	v43 =	vor.u32 v31, v14;
	vm11 =	vgt.f32 v22, v27  }
0x306: {  	v30 =	vand.u32 $0x2C00, v30;
	v32 =	vadd.s32 v2, v16;
	v31 =	vsel vm7, s3, v15  }
0x307: {  	v35 =	vsel vm5, s29, v29;
	v15 =	vadd.s32 v0, v16;
	v16 =	vand.u32 $0x3C00, v32  }
0x308: {  	v15 =	vand.u32 $0xC00, v15;
	v32 =	vor.u32 v16, v14;
	v29 =	vsel vm11, s3, v21  }
0x309: {  	v18 =	vsel vm1, s29, v18;
	s29 =	smov.u32 s7;
	v16 =	vor.u32 v5, v17;
	v17 =	vadd.s32 v2, v34  }
0x30a: {  	v34 =	vor.u32 v20, v36;
	v20 =	vand.u32 $0x2C00, v38;
	v21 =	vsel vm10, s30, v35  }
0x30b: {  	v44 =	vand.u32 $0x2C00, v33;
	v35 =	vor.u32 v20, v16;
	v20 =	vsel vm8, s31, v21  }
0x30c: {  	v21 =	vadd.s32 v0, v28;
	v28 =	vand.u32 $0x1C00, v37;
	v20 =	vsel vm9, s0, v20  }
0x30d: {  	v18 =	vsel vm0, s30, v18;
	s30 =	smov.u32 s9;
	v21 =	vand.u32 $0xC00, v21;
	v33 =	vor.u32 v28, v16  }
0x30e: {  	v38 =	vor.u32 v19, v16;
	v19 =	vand.u32 $0x3C00, v17;
	v45 =	vor.u32 v21, v36  }
0x30f: {  	v18 =	vsel vm2, s31, v18;
	v17 =	vand.u32 $0x2C00, v39;
	s31 =	smov.u32 s8;
	v21 =	vor.u32 v5, v40  }
0x310: {  	v18 =	vsel vm4, s0, v18;
	v46 =	vmax.f32 v27, v22;
	v37 =	vor.u32 v17, v21  }
0x311: {  	v47 =	vsel vm3, s3, v18;
	v44 =	vor.u32 v44, v14;
	v17 =	vor.u32 v41, v21  }
0x312: {  	v39 =	vor.u32 v30, v36;
	v48 =	vor.u32 v19, v16;
	v49 =	vsel vm6, s3, v20  }
0x313: {  	v14 =	vor.u32 v15, v14;
	v16 =	vshll.u32 v26, $0x3;
	v15 =	vor.u32 v42, v21  }
0x314: {  	v18 =	vadd.s32 v3, v16;
	v20 =	vadd.s32 v2, v16;
	v19 =	vor.u32 v23, v21  }
0x315: {  	v21 =	vadd.s32 v4, v16;
	v18 =	vand.u32 $0x2C00, v18;
	v20 =	vand.u32 $0x3C00, v20  }
0x316: {  	s0 =	sadd.s32 $0x6, s6;
	v21 =	vand.u32 $0x1C00, v21;
	v18 =	vor.u32 v18, v10;
	v20 =	vor.u32 v20, v10  }
0x317: {  	v22 =	vadd.s32 v0, v16;
	v23 =	vmov s0;
	v16 =	vor.u32 v21, v10  }
0x318: {  	v26 =	vshll.u32 v23, $0x3;
	v21 =	vld.idx.msk [tilespmem:v14+s2+$0x0], $0xffff;
	v14 =	vand.u32 $0xC00, v22;
	v22 =	vand.u32 $0x7E, v23  }
0x319: {  	v14 =	vor.u32 v14, v10;
	v40 =	vor.u32 v5, v22;
	v10 =	vadd.s32 v4, v26  }
0x31a: {  	v27 =	vadd.s32 v3, v26;
	v22 =	vmov s6;
	v10 =	vand.u32 $0x1C00, v10  }
0x31b: {  	v28 =	vand.u32 $0x78, v22;
	v22 =	vshll.u32 v22, $0x3;
	v23 =	vor.u32 v10, v40  }
0x31c: {  	v10 =	vor.u32 v5, v28;
	v28 =	vadd.s32 v4, v22;
	v30 =	vadd.s32 v2, v22  }
0x31d: {  	v36 =	vadd.s32 v3, v22;
	v28 =	vand.u32 $0x1C00, v28;
	v30 =	vand.u32 $0x3C00, v30  }
0x31e: {  	v22 =	vadd.s32 v0, v22;
	v28 =	vor.u32 v28, v10;
	v41 =	vor.u32 v30, v10  }
0x31f: {  	v22 =	vand.u32 $0xC00, v22;
	v30 =	vand.u32 $0x2C00, v36;
	v36 =	vadd.s32 v2, v26  }
0x320: {  	s3 =	sadd.s32 $0x7, s6;
	v22 =	vor.u32 v22, v10;
	v42 =	vor.u32 v30, v10;
	v10 =	vand.u32 $0x3C00, v36;
	v30 =	vld.idx.msk [tilespmem:v34+s2+$0x0], $0xffff  }
0x321: {  	v36 =	vmov s3;
	v10 =	vor.u32 v10, v40;
	v50 =	vld.idx.msk [tilespmem:v8+s2+$0x0], $0xffff;
	v8 =	vand.u32 $0x2C00, v27  }
0x322: {  	v34 =	vld.idx.msk [tilespmem:v43+s2+$0x0], $0xffff;
	v27 =	vor.u32 v8, v40;
	v8 =	vand.u32 $0x7F, v36;
	v36 =	vshll.u32 v36, $0x3  }
0x323: {  	v43 =	vld.idx.msk [tilespmem:v28+s2+$0x0], $0xffff;
	v28 =	vadd.s32 v0, v36;
	v51 =	vadd.s32 v4, v36;
	v52 =	vadd.s32 v3, v36  }
0x324: {  	v8 =	vor.u32 v5, v8;
	v53 =	vld.idx.msk [tilespmem:v41+s2+$0x0], $0xffff;
	v41 =	vand.u32 $0x1C00, v51;
	v51 =	vand.u32 $0x2C00, v52  }
0x325: {  	v36 =	vadd.s32 v2, v36;
	v52 =	vld.idx.msk [tilespmem:v22+s2+$0x0], $0xffff;
	v22 =	vand.u32 $0xC00, v28;
	v28 =	vor.u32 v41, v8  }
0x326: {  	v26 =	vadd.s32 v0, v26;
	v41 =	vand.u32 $0x3C00, v36;
	v42 =	vld.idx.msk [tilespmem:v42+s2+$0x0], $0xffff;
	v22 =	vor.u32 v22, v8  }
0x327: {  	v26 =	vand.u32 $0xC00, v26;
	v36 =	vor.u32 v51, v8;
	v8 =	vor.u32 v41, v8  }
0x328: {  	v26 =	vor.u32 v26, v40;
	v45 =	vld.idx.msk [tilespmem:v45+s2+$0x0], $0xffff  }
0x329: {  	vm0 =	vgt.f32 v43, v24;
	v24 =	vmax.f32 v24, v43;
	v51 =	vld.idx.msk [tilespmem:v39+s2+$0x0], $0xffff  }
0x32a: {  	v40 =	vmax.f32 v46, v53;
	vm2 =	vgt.f32 v50, v24;
	v39 =	vmax.f32 v24, v50;
	v41 =	vld.idx.msk [tilespmem:v44+s2+$0x0], $0xffff  }
0x32b: {  	v24 =	vsel vm0, s6, v31;
	vm1 =	vgt.f32 v52, v25;
	vm4 =	vgt.f32 v34, v39;
	v31 =	vld.idx.msk [tilespmem:v38+s2+$0x0], $0xffff  }
.Ltmp5:
0x32c: {  	v43 =	vmax.f32 v25, v52;
	vm0 =	vgt.f32 v30, v40;
	v38 =	vsel vm1, s6, v49;
	v32 =	vld.idx.msk [tilespmem:v32+s2+$0x0], $0xffff;
	(pc) =	sbr.rel @p0 .LBB2_12-.Ltmp5, $4  }
0x32d: {  	vm3 =	vgt.f32 v53, v46;
	vm1 =	vgt.f32 v42, v12;
	v12 =	vmax.f32 v12, v42;
	v35 =	vld.idx.msk [tilespmem:v35+s2+$0x0], $0xffff  }
0x32e: {  	v24 =	vsel vm2, s4, v24;
	v42 =	vsel vm1, s6, v47;
	vm1 =	vgt.f32 v45, v43;
	v25 =	vld.idx.msk [tilespmem:v48+s2+$0x0], $0xffff  }
0x32f: {  	v44 =	vsel vm3, s6, v29;
	v29 =	vmax.f32 v43, v45;
	v43 =	vmax.f32 v12, v51;
	v33 =	vld.idx.msk [tilespmem:v33+s2+$0x0], $0xffff  }
0x330: {  	vm3 =	vgt.f32 v51, v12;
	v12 =	vsel vm4, s1, v24;
	vm2 =	vgt.f32 v41, v43;
	v24 =	vld.idx.msk [tilespmem:v37+s2+$0x0], $0xffff  }
0x331: {  	_ =	sdelay $0x1  }
0x332: {  	v37 =	vsel vm3, s4, v42;
	v48 =	vsel vm0, s4, v44;
	v38 =	vsel vm1, s4, v38  }
0x333: {  	v30 =	vmax.f32 v40, v30;
	v49 =	vmax.f32 v43, v41;
	v34 =	vmax.f32 v39, v34  }
0x334: {  	v17 =	vld.idx.msk [tilespmem:v17+s2+$0x0], $0xffff;
	vm4 =	vgt.f32 v32, v30;
	vm0 =	vgt.f32 v35, v49;
	v30 =	vmax.f32 v30, v32  }
0x335: {  	v19 =	vld.idx.msk [tilespmem:v19+s2+$0x0], $0xffff;
	v50 =	vmax.f32 v49, v35;
	v51 =	vsel vm2, s1, v37;
	vm2 =	vgt.f32 v21, v29  }
0x336: {  	v20 =	vld.idx.msk [tilespmem:v20+s2+$0x0], $0xffff;
	v21 =	vmax.f32 v29, v21;
	vm3 =	vgt.f32 v25, v30;
	v25 =	vmax.f32 v30, v25  }
0x337: {  	v18 =	vld.idx.msk [tilespmem:v18+s2+$0x0], $0xffff;
	v30 =	vsel vm2, s1, v38;
	v54 =	vmax.f32 v21, v31;
	vm8 =	vgt.f32 v31, v21  }
0x338: {  	v15 =	vld.idx.msk [tilespmem:v15+s2+$0x0], $0xffff;
	v21 =	vsel vm4, s1, v48;
	s1 =	simm.s32 $0x2;
	vm5 =	vgt.f32 v33, v34;
	v52 =	vmax.f32 v34, v33  }
0x339: {  	v27 =	vld.idx.msk [tilespmem:v27+s2+$0x0], $0xffff;
	v31 =	vmov s1;
	vm1 =	vgt.f32 v24, v50;
	v24 =	vmax.f32 v50, v24  }
0x33a: {  	v16 =	vld.idx.msk [tilespmem:v16+s2+$0x0], $0xffff;
	v12 =	vsel vm5, s29, v12;
	v57 =	vshll.u32 v31, $0x3;
	v31 =	vand.u32 $0x7A, v31  }
0x33b: {  	vm6 =	vgt.f32 v19, v25;
	v19 =	vmax.f32 v25, v19;
	v25 =	vld.idx.msk [tilespmem:v28+s2+$0x0], $0xffff;
	v28 =	vmax.f32 v52, v17  }
0x33c: {  	vm2 =	vgt.f32 v18, v24;
	v18 =	vmax.f32 v24, v18;
	vm9 =	vgt.f32 v17, v52  }
0x33d: {  	v23 =	vld.idx.msk [tilespmem:v23+s2+$0x0], $0xffff;
	v17 =	vmax.f32 v54, v15;
	v58 =	vadd.s32 v4, v57;
	v59 =	vadd.s32 v3, v57  }
0x33e: {  	v29 =	vld.idx.msk [tilespmem:v36+s2+$0x0], $0xffff;
	v31 =	vor.u32 v5, v31;
	v61 =	vadd.s32 v2, v57;
	v34 =	vadd.s32 v0, v57  }
0x33f: {  	v14 =	vld.idx.msk [tilespmem:v14+s2+$0x0], $0xffff;
	v53 =	vmax.f32 v19, v20;
	vm7 =	vgt.f32 v20, v19;
	v20 =	vmax.f32 v28, v16  }
0x340: {  	v19 =	vld.idx.msk [tilespmem:v26+s2+$0x0], $0xffff;
	v26 =	vmax.f32 v18, v27;
	vm4 =	vgt.f32 v16, v28;
	vm10 =	vgt.f32 v27, v18  }
0x341: {  	v12 =	vsel vm9, s30, v12;
	v18 =	vsel vm3, s29, v21;
	v35 =	vand.u32 $0x1C00, v58  }
0x342: {  	v10 =	vld.idx.msk [tilespmem:v10+s2+$0x0], $0xffff;
	v38 =	vand.u32 $0x3C00, v61;
	v34 =	vand.u32 $0xC00, v34;
	v36 =	vand.u32 $0x2C00, v59  }
0x343: {  	v24 =	vmax.f32 v20, v23;
	vm11 =	vgt.f32 v29, v26;
	vm3 =	vgt.f32 v23, v20  }
0x344: {  	v18 =	vsel vm6, s30, v18;
	v20 =	vmax.f32 v17, v14;
	vm6 =	vgt.f32 v14, v17  }
0x345: {  	s4 =	simm.s32 $0x1;
	v12 =	vsel vm4, s31, v12;
	vm4 =	vgt.f32 v15, v54;
	v15 =	vsel vm8, s29, v30  }
0x346: {  	v29 =	vmov s4;
	v35 =	vor.u32 v35, v31;
	v42 =	vor.u32 v38, v31  }
0x347: {  	v52 =	vor.u32 v36, v31;
	v14 =	vsel vm7, s31, v18;
	vm7 =	vgt.f32 v10, v53  }
0x348: {  	v12 =	vsel vm3, s0, v12;
	v10 =	vmax.f32 v53, v10;
	v15 =	vsel vm4, s30, v15  }
0x349: {  	v30 =	vshll.u32 v29, $0x3;
	v29 =	vand.u32 $0x79, v29;
	v14 =	vsel vm7, s0, v14  }
0x34a: {  	v16 =	vld.idx.msk [tilespmem:v22+s2+$0x0], $0xffff;
	v55 =	vadd.s32 v4, v30;
	v56 =	vadd.s32 v2, v30;
	v29 =	vor.u32 v5, v29  }
0x34b: {  	v8 =	vld.idx.msk [tilespmem:v8+s2+$0x0], $0xffff;
	v60 =	vadd.s32 v3, v30;
	v30 =	vadd.s32 v0, v30;
	vm5 =	vgt.f32 v25, v24  }
0x34c: {  	v25 =	vimm.f32 $-Inf;
	v24 =	vimm.s32 $0x0;
	v32 =	vand.u32 $0x1C00, v55  }
0x34d: {  	v33 =	vand.u32 $0x3C00, v56;
	v37 =	vand.u32 $0x2C00, v60;
	v30 =	vand.u32 $0xC00, v30  }
0x34e: {  	v17 =	vmax.f32 v20, v19;
	vm12 =	vgt.f32 v19, v20;
	v12 =	vsel vm5, s3, v12  }
0x34f: {  	v32 =	vor.u32 v32, v29;
	v33 =	vor.u32 v33, v29;
	vm9 =	vgt.f32 v16, v17  }
0x350: {  	v16 =	vsel vm0, s29, v51;
	vm0 =	vgt.f32 v8, v10;
	v8 =	vsel vm6, s31, v15  }
0x351: {  	v62 =	vor.u32 v30, v29;
	v16 =	vsel vm1, s30, v16;
	v8 =	vsel vm12, s0, v8  }
0x352: {  	v15 =	vsel vm0, s3, v14;
	v10 =	vsel vm2, s31, v16;
	v8 =	vsel vm9, s3, v8  }
0x353: {  	s30 =	simm.s32 $0x4;
	v16 =	vshll.u32 v12, $0x3;
	v12 =	vand.u32 $0x7F, v12;
	v18 =	vshll.u32 v15, $0x3  }
0x354: {  	v15 =	vand.u32 $0x7F, v15;
	v20 =	vmov s30;
	v10 =	vsel vm10, s0, v10  }
0x355: {  	s31 =	simm.s32 $0x5;
	v14 =	vshll.u32 v8, $0x3;
	v8 =	vand.u32 $0x7F, v8;
	v16 =	vadd.s32 v4, v16  }
0x356: {  	v21 =	vshll.u32 v20, $0x3;
	v22 =	vmov s31;
	v14 =	vadd.s32 v0, v14  }
0x357: {  	v10 =	vsel vm11, s3, v10;
	v16 =	vand.u32 $0xFFFFFC00, v16;
	v14 =	vand.u32 $0xFFFFFC00, v14  }
0x358: {  	v17 =	vshll.u32 v10, $0x3;
	v12 =	vor.u32 v16, v12;
	v8 =	vor.u32 v14, v8  }
0x359: {  	v14 =	vor.u32 v5, v8;
	v8 =	vor.u32 v5, v12;
	v12 =	vadd.s32 v3, v17  }
0x35a: {  	v10 =	vand.u32 $0x7F, v10;
	v16 =	vadd.s32 v2, v18;
	v12 =	vand.u32 $0xFFFFFC00, v12  }
0x35b: {  	v20 =	vand.u32 $0x7C, v20;
	v16 =	vand.u32 $0xFFFFFC00, v16;
	v10 =	vor.u32 v12, v10  }
0x35c: {  	v23 =	vadd.s32 v4, v21;
	v12 =	vor.u32 v5, v10;
	v10 =	vor.u32 v16, v15  }
0x35d: {  	s29 =	simm.s32 $0x3;
	v26 =	vadd.s32 v3, v21;
	v27 =	vand.u32 $0x7D, v22;
	v10 =	vor.u32 v5, v10  }
0x35e: {  	v28 =	vadd.s32 v0, v21;
	v21 =	vadd.s32 v2, v21;
	v15 =	vmov s29  }
0x35f: {  	v23 =	vand.u32 $0x1C00, v23;
	v28 =	vand.u32 $0xC00, v28;
	v16 =	vshll.u32 v15, $0x3;
	[tilespmem:v14+s22+$0x0] =	vst.idx.msk $0xffff, v6  }
0x360: {  	v27 =	vor.u32 v5, v27;
	v21 =	vand.u32 $0x3C00, v21;
	v17 =	vadd.s32 v4, v16;
	[tilespmem:v8+s22+$0x0] =	vst.idx.msk $0xffff, v6  }
0x361: {  	v15 =	vand.u32 $0x7B, v15;
	v18 =	vadd.s32 v3, v16;
	v19 =	vadd.s32 v0, v16;
	[tilespmem:v12+s22+$0x0] =	vst.idx.msk $0xffff, v6  }
0x362: {  	s5 =	simm.s32 $0x0;
	v15 =	vor.u32 v5, v15;
	v16 =	vadd.s32 v2, v16;
	v19 =	vand.u32 $0xC00, v19;
	[tilespmem:v10+s22+$0x0] =	vst.idx.msk $0xffff, v6  }
0x363: {  	v18 =	vand.u32 $0x2C00, v18;
	v17 =	vand.u32 $0x1C00, v17;
	v16 =	vand.u32 $0x3C00, v16;
	[hbm4b:s13+s5] =	stream.linear.scatter [tilespmem:s22], [sflag:$0x3], $0x4000, $0x38;
	[tilespmem:$0x10000] =	vst v63  }
0x364: {  	v43 =	vor.u32 v18, v15;
	v45 =	vor.u32 v17, v15;
	v63 =	vor.u32 v19, v15  }
0x365: {  	v18 =	vor.u32 v5, v20;
	v17 =	vand.u32 $0x2C00, v26;
	v53 =	vor.u32 v16, v15;
	[tilespmem:s5], [sflag:$0x1] =	stream.linear.gather [hbm4b:s14+s5], $0x4000, $0x38;
	[tilespmem:$0x10000] =	vst v63  }
0x366: {  	v26 =	vor.u32 v34, v31;
	v16 =	vshll.u32 v22, $0x3;
	v46 =	vor.u32 v17, v18;
	_ =	swait.ge [sflag:s23], $0x4000  }
0x367: {  	v17 =	vor.u32 v23, v18;
	v15 =	vor.u32 v28, v18;
	v19 =	vor.u32 v21, v18;
	[sflag:s23] =	ssyncset.done $0x0  }
0x368: {  	v18 =	vadd.s32 v3, v16;
	v20 =	vadd.s32 v2, v16;
	v21 =	vadd.s32 v4, v16;
	[sflag:s23] =	ssyncadd.s32 $0xFFFFC000  }
0x369: {  	s0 =	simm.s32 $0x6;
	v22 =	vadd.s32 v0, v16;
	v18 =	vand.u32 $0x2C00, v18;
	v21 =	vand.u32 $0x1C00, v21;
	_ =	swait.ge [sflag:s26], $0x4000  }
0x36a: {  	v20 =	vand.u32 $0x3C00, v20;
	v16 =	vor.u32 v21, v27;
	v21 =	vmov s0;
	[sflag:s26] =	ssyncset.done $0x0  }
0x36b: {  	v18 =	vor.u32 v18, v27;
	v20 =	vor.u32 v20, v27;
	v31 =	vshll.u32 v21, $0x3;
	[sflag:s26] =	ssyncadd.s32 $0xFFFFC000  }
0x36c: {  	[tilespmem:v13+s24+$0x0] =	vst.idx.msk $0xffff, v1;
	v13 =	vand.u32 $0xC00, v22;
	v22 =	vand.u32 $0x7E, v21;
	v21 =	vadd.s32 v4, v31  }
0x36d: {  	v13 =	vor.u32 v13, v27;
	v54 =	vor.u32 v5, v22;
	[tilespmem:v7+s24+$0x0] =	vst.idx.msk $0xffff, v1;
	v7 =	vmov s5  }
0x36e: {  	v21 =	vand.u32 $0x1C00, v21;
	[tilespmem:v11+s24+$0x0] =	vst.idx.msk $0xffff, v1;
	v11 =	vand.u32 $0x78, v7;
	v7 =	vshll.u32 v7, $0x3  }
0x36f: {  	v23 =	vor.u32 v21, v54;
	v11 =	vor.u32 v5, v11;
	v21 =	vadd.s32 v4, v7  }
0x370: {  	v27 =	vadd.s32 v2, v7;
	[tilespmem:v9+s24+$0x0] =	vst.idx.msk $0xffff, v1;
	v28 =	vadd.s32 v3, v7;
	v9 =	vand.u32 $0x1C00, v21  }
0x371: {  	v7 =	vadd.s32 v0, v7;
	v21 =	vand.u32 $0x3C00, v27;
	v55 =	vor.u32 v9, v11  }
0x372: {  	v22 =	vadd.s32 v3, v31;
	v7 =	vand.u32 $0xC00, v7;
	v56 =	vor.u32 v21, v11  }
0x373: {  	v29 =	vor.u32 v37, v29;
	v22 =	vand.u32 $0x2C00, v22;
	v30 =	vld.idx.msk [tilespmem:v33+s20+$0x0], $0xffff;
	v7 =	vor.u32 v7, v11  }
0x374: {  	s3 =	simm.s32 $0x7;
	v27 =	vor.u32 v22, v54;
	v21 =	vld.idx.msk [tilespmem:v26+s20+$0x0], $0xffff;
	v9 =	vand.u32 $0x2C00, v28;
	v26 =	vadd.s32 v2, v31  }
0x375: {  	v32 =	vld.idx.msk [tilespmem:v32+s20+$0x0], $0xffff;
	v11 =	vor.u32 v9, v11;
	v9 =	vand.u32 $0x3C00, v26;
	v26 =	vmov s3  }
0x376: {  	v31 =	vadd.s32 v0, v31;
	v22 =	vand.u32 $0x7F, v26;
	v26 =	vshll.u32 v26, $0x3;
	v57 =	vld.idx.msk [tilespmem:v55+s20+$0x0], $0xffff  }
0x377: {  	v9 =	vor.u32 v9, v54;
	v28 =	vadd.s32 v0, v26;
	v58 =	vadd.s32 v4, v26;
	v47 =	vld.idx.msk [tilespmem:v56+s20+$0x0], $0xffff  }
0x378: {  	v59 =	vadd.s32 v3, v26;
	v60 =	vor.u32 v5, v22;
	v26 =	vadd.s32 v2, v26;
	v48 =	vld.idx.msk [tilespmem:v7+s20+$0x0], $0xffff  }
0x379: {  	v34 =	vld.idx.msk [tilespmem:v35+s20+$0x0], $0xffff;
	v22 =	vand.u32 $0x1C00, v58;
	v61 =	vand.u32 $0x2C00, v59;
	v7 =	vand.u32 $0xC00, v28  }
0x37a: {  	v49 =	vld.idx.msk [tilespmem:v62+s20+$0x0], $0xffff;
	v28 =	vor.u32 v22, v60;
	v22 =	vor.u32 v7, v60;
	v7 =	vand.u32 $0x3C00, v26  }
0x37b: {  	v36 =	vor.u32 v61, v60;
	v11 =	vld.idx.msk [tilespmem:v11+s20+$0x0], $0xffff;
	v26 =	vand.u32 $0xC00, v31;
	v7 =	vor.u32 v7, v60  }
0x37c: {  	v50 =	vld.idx.msk [tilespmem:v29+s20+$0x0], $0xffff;
	v26 =	vor.u32 v26, v54;
	vm0 =	vgt.f32 v57, v25;
	v31 =	vmax.f32 v25, v57  }
0x37d: {  	v41 =	vld.idx.msk [tilespmem:v52+s20+$0x0], $0xffff;
	v40 =	vmax.f32 v25, v47;
	vm1 =	vgt.f32 v48, v25;
	v62 =	vmax.f32 v25, v48  }
0x37e: {  	v35 =	vld.idx.msk [tilespmem:v43+s20+$0x0], $0xffff;
	vm3 =	vgt.f32 v47, v25;
	vm2 =	vgt.f32 v32, v31;
	v39 =	vmax.f32 v31, v32  }
0x37f: {  	v33 =	vld.idx.msk [tilespmem:v45+s20+$0x0], $0xffff;
	v29 =	vsel vm0, s5, v24;
	v38 =	vsel vm1, s5, v24;
	vm0 =	vgt.f32 v30, v40  }
0x380: {  	v31 =	vld.idx.msk [tilespmem:v63+s20+$0x0], $0xffff;
	vm1 =	vgt.f32 v11, v25;
	v11 =	vmax.f32 v25, v11;
	v44 =	vsel vm3, s5, v24  }
0x381: {  	v32 =	vld.idx.msk [tilespmem:v42+s20+$0x0], $0xffff;
	vm4 =	vgt.f32 v34, v39;
	v42 =	vsel vm1, s5, v24;
	vm1 =	vgt.f32 v49, v62  }
0x382: {  	v25 =	vld.idx.msk [tilespmem:v53+s20+$0x0], $0xffff;
	v63 =	vsel vm2, s4, v29;
	v29 =	vmax.f32 v62, v49;
	v43 =	vmax.f32 v11, v50  }
0x383: {  	s5 =	simm.s32 $0x8;
	vm3 =	vgt.f32 v50, v11;
	v24 =	vld.idx.msk [tilespmem:v46+s20+$0x0], $0xffff;
	v11 =	vsel vm4, s1, v63;
	vm2 =	vgt.f32 v41, v43  }
.LBB2_14:
0x384: {  	p0 =	slt.u32 s5, $0xF8;
	v37 =	vsel vm3, s4, v42;
	v42 =	vsel vm0, s4, v44;
	v44 =	vld.idx.msk [tilespmem:v17+s20+$0x0], $0xffff;
	s6 =	smov.u32 s5;
	s5 =	sadd.s32 $0x8, s5  }
0x385: {  	v38 =	vsel vm1, s4, v38;
	v17 =	vmax.f32 v40, v30;
	v30 =	vmax.f32 v43, v41;
	v19 =	vld.idx.msk [tilespmem:v19+s20+$0x0], $0xffff  }
0x386: {  	v34 =	vmax.f32 v39, v34;
	s7 =	sadd.s32 $0x3, s6;
	vm3 =	vgt.f32 v32, v17;
	vm1 =	vgt.f32 v35, v30;
	v20 =	vld.idx.msk [tilespmem:v20+s20+$0x0], $0xffff  }
0x387: {  	v32 =	vmax.f32 v17, v32;
	v30 =	vmax.f32 v30, v35;
	v39 =	vmov s7;
	v35 =	vld.idx.msk [tilespmem:v18+s20+$0x0], $0xffff  }
0x388: {  	vm6 =	vgt.f32 v25, v32;
	v17 =	vand.u32 $0x7B, v39;
	vm4 =	vgt.f32 v33, v34;
	v23 =	vld.idx.msk [tilespmem:v23+s20+$0x0], $0xffff  }
0x389: {  	v18 =	vsel vm2, s1, v37;
	v33 =	vmax.f32 v34, v33;
	vm0 =	vgt.f32 v24, v30;
	v27 =	vld.idx.msk [tilespmem:v27+s20+$0x0], $0xffff  }
0x38a: {  	v25 =	vmax.f32 v32, v25;
	vm2 =	vgt.f32 v21, v29;
	v21 =	vmax.f32 v29, v21;
	v16 =	vld.idx.msk [tilespmem:v16+s20+$0x0], $0xffff  }
0x38b: {  	v29 =	vsel vm2, s1, v38;
	vm8 =	vgt.f32 v19, v25;
	v19 =	vmax.f32 v25, v19;
	v25 =	vld.idx.msk [tilespmem:v36+s20+$0x0], $0xffff  }
0x38c: {  	v24 =	vmax.f32 v30, v24;
	v32 =	vmax.f32 v33, v44;
	v30 =	vmax.f32 v19, v20;
	v28 =	vld.idx.msk [tilespmem:v28+s20+$0x0], $0xffff  }
0x38d: {  	v34 =	vshll.u32 v39, $0x3;
	v36 =	vmax.f32 v21, v31;
	vm2 =	vgt.f32 v35, v24  }
0x38e: {  	v37 =	vadd.s32 v4, v34;
	v38 =	vadd.s32 v3, v34;
	vm10 =	vgt.f32 v20, v19  }
0x38f: {  	vm5 =	vgt.f32 v31, v21;
	v19 =	vadd.s32 v0, v34;
	v20 =	vsel vm4, s29, v11;
	v15 =	vld.idx.msk [tilespmem:v15+s20+$0x0], $0xffff  }
0x390: {  	v21 =	vsel vm3, s1, v42;
	v24 =	vmax.f32 v24, v35;
	v31 =	vmax.f32 v32, v16  }
0x391: {  	v19 =	vand.u32 $0xC00, v19;
	v39 =	vmax.f32 v24, v27;
	v35 =	vmax.f32 v31, v23  }
0x392: {  	vm9 =	vgt.f32 v16, v32;
	v11 =	vmax.f32 v39, v25;
	vm7 =	vgt.f32 v28, v35  }
0x393: {  	s9 =	sadd.s32 $0x4, s6;
	vm11 =	vgt.f32 v44, v33;
	vm4 =	vgt.f32 v27, v24;
	vm3 =	vgt.f32 v25, v39;
	v16 =	vld.idx.msk [tilespmem:v26+s20+$0x0], $0xffff  }
0x394: {  	s8 =	sadd.s32 $0x5, s6;
	v20 =	vsel vm11, s30, v20;
	v24 =	vmov s9;
	vm11 =	vgt.f32 v23, v31;
	v13 =	vld.idx.msk [tilespmem:v13+s20+$0x0], $0xffff  }
0x395: {  	v23 =	vshll.u32 v24, $0x3;
	v26 =	vmov s8;
	v25 =	vmax.f32 v36, v15;
	v27 =	vld.idx.msk [tilespmem:v9+s20+$0x0], $0xffff  }
0x396: {  	v39 =	vadd.s32 v3, v23;
	v31 =	vand.u32 $0x7D, v26;
	v9 =	vadd.s32 v4, v23;
	v22 =	vld.idx.msk [tilespmem:v22+s20+$0x0], $0xffff  }
0x397: {  	v40 =	vand.u32 $0x7C, v24;
	v24 =	vadd.s32 v0, v23;
	v41 =	vand.u32 $0x1C00, v9  }
0x398: {  	v42 =	vand.u32 $0xC00, v24;
	v23 =	vadd.s32 v2, v23;
	v9 =	vor.u32 v5, v31  }
0x399: {  	v21 =	vsel vm6, s29, v21;
	v24 =	vmax.f32 v35, v28;
	v23 =	vand.u32 $0x3C00, v23  }
0x39a: {  	v21 =	vsel vm8, s30, v21;
	vm8 =	vgt.f32 v13, v25;
	v13 =	vmax.f32 v25, v13  }
0x39b: {  	s4 =	sadd.s32 $0x1, s6;
	s1 =	sadd.s32 $0x2, s6;
	v21 =	vsel vm10, s31, v21;
	v25 =	vmax.f32 v13, v16;
	vm12 =	vgt.f32 v27, v30  }
0x39c: {  	v28 =	vmov s4;
	v31 =	vmov s1;
	vm6 =	vgt.f32 v22, v25  }
0x39d: {  	v32 =	vand.u32 $0x79, v28;
	v28 =	vshll.u32 v28, $0x3;
	vm10 =	vgt.f32 v15, v36  }
0x39e: {  	v15 =	vadd.s32 v4, v28;
	v33 =	vadd.s32 v2, v28;
	v25 =	vmax.f32 v25, v22;
	v22 =	vld.idx.msk [tilespmem:v7+s20+$0x0], $0xffff  }
0x39f: {  	v36 =	vor.u32 v5, v32;
	v7 =	vand.u32 $0x1C00, v15;
	v15 =	vsel vm9, s31, v20  }
0x3a0: {  	v20 =	vand.u32 $0x3C00, v33;
	vm9 =	vgt.f32 v16, v13;
	v7 =	vor.u32 v7, v36  }
0x3a1: {  	v13 =	vand.u32 $0x7A, v31;
	v16 =	vshll.u32 v31, $0x3;
	v15 =	vsel vm11, s0, v15  }
0x3a2: {  	v21 =	vsel vm12, s0, v21;
	v31 =	vadd.s32 v4, v16;
	v33 =	vadd.s32 v3, v16  }
0x3a3: {  	v27 =	vmax.f32 v30, v27;
	v13 =	vor.u32 v5, v13;
	v31 =	vand.u32 $0x1C00, v31  }
0x3a4: {  	v30 =	vadd.s32 v3, v28;
	v43 =	vor.u32 v31, v13;
	vm11 =	vgt.f32 v22, v27  }
0x3a5: {  	v30 =	vand.u32 $0x2C00, v30;
	v32 =	vadd.s32 v2, v16;
	v31 =	vsel vm7, s3, v15  }
0x3a6: {  	v35 =	vsel vm5, s29, v29;
	v15 =	vadd.s32 v0, v16;
	v16 =	vand.u32 $0x3C00, v32  }
0x3a7: {  	v15 =	vand.u32 $0xC00, v15;
	v32 =	vor.u32 v16, v13;
	v29 =	vsel vm11, s3, v21  }
0x3a8: {  	v18 =	vsel vm1, s29, v18;
	s29 =	smov.u32 s7;
	v16 =	vor.u32 v5, v17;
	v17 =	vadd.s32 v2, v34  }
0x3a9: {  	v34 =	vor.u32 v20, v36;
	v20 =	vand.u32 $0x2C00, v38;
	v21 =	vsel vm10, s30, v35  }
0x3aa: {  	v44 =	vand.u32 $0x2C00, v33;
	v35 =	vor.u32 v20, v16;
	v20 =	vsel vm8, s31, v21  }
0x3ab: {  	v21 =	vadd.s32 v0, v28;
	v28 =	vand.u32 $0x1C00, v37;
	v20 =	vsel vm9, s0, v20  }
0x3ac: {  	v18 =	vsel vm0, s30, v18;
	s30 =	smov.u32 s9;
	v21 =	vand.u32 $0xC00, v21;
	v33 =	vor.u32 v28, v16  }
0x3ad: {  	v38 =	vor.u32 v19, v16;
	v19 =	vand.u32 $0x3C00, v17;
	v45 =	vor.u32 v21, v36  }
0x3ae: {  	v18 =	vsel vm2, s31, v18;
	v17 =	vand.u32 $0x2C00, v39;
	s31 =	smov.u32 s8;
	v21 =	vor.u32 v5, v40  }
0x3af: {  	v18 =	vsel vm4, s0, v18;
	v46 =	vmax.f32 v27, v22;
	v37 =	vor.u32 v17, v21  }
0x3b0: {  	v47 =	vsel vm3, s3, v18;
	v44 =	vor.u32 v44, v13;
	v17 =	vor.u32 v41, v21  }
0x3b1: {  	v39 =	vor.u32 v30, v36;
	v48 =	vor.u32 v19, v16;
	v49 =	vsel vm6, s3, v20  }
0x3b2: {  	v13 =	vor.u32 v15, v13;
	v16 =	vshll.u32 v26, $0x3;
	v15 =	vor.u32 v42, v21  }
0x3b3: {  	v18 =	vadd.s32 v3, v16;
	v20 =	vadd.s32 v2, v16;
	v19 =	vor.u32 v23, v21  }
0x3b4: {  	v21 =	vadd.s32 v4, v16;
	v18 =	vand.u32 $0x2C00, v18;
	v20 =	vand.u32 $0x3C00, v20  }
0x3b5: {  	s0 =	sadd.s32 $0x6, s6;
	v21 =	vand.u32 $0x1C00, v21;
	v18 =	vor.u32 v18, v9;
	v20 =	vor.u32 v20, v9  }
0x3b6: {  	v22 =	vadd.s32 v0, v16;
	v23 =	vmov s0;
	v16 =	vor.u32 v21, v9  }
0x3b7: {  	v26 =	vshll.u32 v23, $0x3;
	v21 =	vld.idx.msk [tilespmem:v13+s20+$0x0], $0xffff;
	v13 =	vand.u32 $0xC00, v22;
	v22 =	vand.u32 $0x7E, v23  }
0x3b8: {  	v13 =	vor.u32 v13, v9;
	v40 =	vor.u32 v5, v22;
	v9 =	vadd.s32 v4, v26  }
0x3b9: {  	v27 =	vadd.s32 v3, v26;
	v22 =	vmov s6;
	v9 =	vand.u32 $0x1C00, v9  }
0x3ba: {  	v28 =	vand.u32 $0x78, v22;
	v22 =	vshll.u32 v22, $0x3;
	v23 =	vor.u32 v9, v40  }
0x3bb: {  	v9 =	vor.u32 v5, v28;
	v28 =	vadd.s32 v4, v22;
	v30 =	vadd.s32 v2, v22  }
0x3bc: {  	v36 =	vadd.s32 v3, v22;
	v28 =	vand.u32 $0x1C00, v28;
	v30 =	vand.u32 $0x3C00, v30  }
0x3bd: {  	v22 =	vadd.s32 v0, v22;
	v28 =	vor.u32 v28, v9;
	v41 =	vor.u32 v30, v9  }
0x3be: {  	v22 =	vand.u32 $0xC00, v22;
	v30 =	vand.u32 $0x2C00, v36;
	v36 =	vadd.s32 v2, v26  }
0x3bf: {  	s3 =	sadd.s32 $0x7, s6;
	v22 =	vor.u32 v22, v9;
	v42 =	vor.u32 v30, v9;
	v9 =	vand.u32 $0x3C00, v36;
	v30 =	vld.idx.msk [tilespmem:v34+s20+$0x0], $0xffff  }
0x3c0: {  	v36 =	vmov s3;
	v9 =	vor.u32 v9, v40;
	v50 =	vld.idx.msk [tilespmem:v7+s20+$0x0], $0xffff;
	v7 =	vand.u32 $0x2C00, v27  }
0x3c1: {  	v34 =	vld.idx.msk [tilespmem:v43+s20+$0x0], $0xffff;
	v27 =	vor.u32 v7, v40;
	v7 =	vand.u32 $0x7F, v36;
	v36 =	vshll.u32 v36, $0x3  }
0x3c2: {  	v43 =	vld.idx.msk [tilespmem:v28+s20+$0x0], $0xffff;
	v28 =	vadd.s32 v0, v36;
	v51 =	vadd.s32 v4, v36;
	v52 =	vadd.s32 v3, v36  }
0x3c3: {  	v7 =	vor.u32 v5, v7;
	v53 =	vld.idx.msk [tilespmem:v41+s20+$0x0], $0xffff;
	v41 =	vand.u32 $0x1C00, v51;
	v51 =	vand.u32 $0x2C00, v52  }
0x3c4: {  	v36 =	vadd.s32 v2, v36;
	v52 =	vld.idx.msk [tilespmem:v22+s20+$0x0], $0xffff;
	v22 =	vand.u32 $0xC00, v28;
	v28 =	vor.u32 v41, v7  }
0x3c5: {  	v26 =	vadd.s32 v0, v26;
	v41 =	vand.u32 $0x3C00, v36;
	v42 =	vld.idx.msk [tilespmem:v42+s20+$0x0], $0xffff;
	v22 =	vor.u32 v22, v7  }
0x3c6: {  	v26 =	vand.u32 $0xC00, v26;
	v36 =	vor.u32 v51, v7;
	v7 =	vor.u32 v41, v7  }
0x3c7: {  	v26 =	vor.u32 v26, v40;
	v45 =	vld.idx.msk [tilespmem:v45+s20+$0x0], $0xffff  }
0x3c8: {  	vm0 =	vgt.f32 v43, v24;
	v24 =	vmax.f32 v24, v43;
	v51 =	vld.idx.msk [tilespmem:v39+s20+$0x0], $0xffff  }
0x3c9: {  	v40 =	vmax.f32 v46, v53;
	vm2 =	vgt.f32 v50, v24;
	v39 =	vmax.f32 v24, v50;
	v41 =	vld.idx.msk [tilespmem:v44+s20+$0x0], $0xffff  }
0x3ca: {  	v24 =	vsel vm0, s6, v31;
	vm1 =	vgt.f32 v52, v25;
	vm4 =	vgt.f32 v34, v39;
	v31 =	vld.idx.msk [tilespmem:v38+s20+$0x0], $0xffff  }
.Ltmp6:
0x3cb: {  	v43 =	vmax.f32 v25, v52;
	vm0 =	vgt.f32 v30, v40;
	v38 =	vsel vm1, s6, v49;
	v32 =	vld.idx.msk [tilespmem:v32+s20+$0x0], $0xffff;
	(pc) =	sbr.rel @p0 .LBB2_14-.Ltmp6, $4  }
0x3cc: {  	vm3 =	vgt.f32 v53, v46;
	vm1 =	vgt.f32 v42, v11;
	v11 =	vmax.f32 v11, v42;
	v35 =	vld.idx.msk [tilespmem:v35+s20+$0x0], $0xffff  }
0x3cd: {  	v24 =	vsel vm2, s4, v24;
	v42 =	vsel vm1, s6, v47;
	vm1 =	vgt.f32 v45, v43;
	v25 =	vld.idx.msk [tilespmem:v48+s20+$0x0], $0xffff  }
0x3ce: {  	v44 =	vsel vm3, s6, v29;
	v29 =	vmax.f32 v43, v45;
	v43 =	vmax.f32 v11, v51;
	v33 =	vld.idx.msk [tilespmem:v33+s20+$0x0], $0xffff  }
0x3cf: {  	vm3 =	vgt.f32 v51, v11;
	v11 =	vsel vm4, s1, v24;
	vm2 =	vgt.f32 v41, v43;
	v24 =	vld.idx.msk [tilespmem:v37+s20+$0x0], $0xffff  }
0x3d0: {  	_ =	sdelay $0x1  }
0x3d1: {  	v37 =	vsel vm3, s4, v42;
	v48 =	vsel vm0, s4, v44;
	v38 =	vsel vm1, s4, v38  }
0x3d2: {  	v30 =	vmax.f32 v40, v30;
	v49 =	vmax.f32 v43, v41;
	v34 =	vmax.f32 v39, v34  }
0x3d3: {  	v17 =	vld.idx.msk [tilespmem:v17+s20+$0x0], $0xffff;
	vm4 =	vgt.f32 v32, v30;
	vm0 =	vgt.f32 v35, v49;
	v30 =	vmax.f32 v30, v32  }
0x3d4: {  	v19 =	vld.idx.msk [tilespmem:v19+s20+$0x0], $0xffff;
	v50 =	vmax.f32 v49, v35;
	v51 =	vsel vm2, s1, v37;
	vm2 =	vgt.f32 v21, v29  }
0x3d5: {  	v20 =	vld.idx.msk [tilespmem:v20+s20+$0x0], $0xffff;
	v21 =	vmax.f32 v29, v21;
	vm3 =	vgt.f32 v25, v30;
	v25 =	vmax.f32 v30, v25  }
0x3d6: {  	v18 =	vld.idx.msk [tilespmem:v18+s20+$0x0], $0xffff;
	v30 =	vsel vm2, s1, v38;
	v54 =	vmax.f32 v21, v31;
	vm8 =	vgt.f32 v31, v21  }
0x3d7: {  	v15 =	vld.idx.msk [tilespmem:v15+s20+$0x0], $0xffff;
	v21 =	vsel vm4, s1, v48;
	s1 =	simm.s32 $0x2;
	vm5 =	vgt.f32 v33, v34;
	v52 =	vmax.f32 v34, v33  }
0x3d8: {  	v27 =	vld.idx.msk [tilespmem:v27+s20+$0x0], $0xffff;
	v31 =	vmov s1;
	vm1 =	vgt.f32 v24, v50;
	v24 =	vmax.f32 v50, v24  }
0x3d9: {  	v16 =	vld.idx.msk [tilespmem:v16+s20+$0x0], $0xffff;
	v11 =	vsel vm5, s29, v11;
	v57 =	vshll.u32 v31, $0x3;
	v31 =	vand.u32 $0x7A, v31  }
0x3da: {  	vm6 =	vgt.f32 v19, v25;
	v19 =	vmax.f32 v25, v19;
	v25 =	vld.idx.msk [tilespmem:v28+s20+$0x0], $0xffff;
	v28 =	vmax.f32 v52, v17  }
0x3db: {  	vm2 =	vgt.f32 v18, v24;
	v18 =	vmax.f32 v24, v18;
	vm9 =	vgt.f32 v17, v52  }
0x3dc: {  	v23 =	vld.idx.msk [tilespmem:v23+s20+$0x0], $0xffff;
	v17 =	vmax.f32 v54, v15;
	v58 =	vadd.s32 v4, v57;
	v59 =	vadd.s32 v3, v57  }
0x3dd: {  	v29 =	vld.idx.msk [tilespmem:v36+s20+$0x0], $0xffff;
	v31 =	vor.u32 v5, v31;
	v61 =	vadd.s32 v2, v57;
	v34 =	vadd.s32 v0, v57  }
0x3de: {  	v13 =	vld.idx.msk [tilespmem:v13+s20+$0x0], $0xffff;
	v53 =	vmax.f32 v19, v20;
	vm7 =	vgt.f32 v20, v19;
	v20 =	vmax.f32 v28, v16  }
0x3df: {  	v19 =	vld.idx.msk [tilespmem:v26+s20+$0x0], $0xffff;
	v26 =	vmax.f32 v18, v27;
	vm4 =	vgt.f32 v16, v28;
	vm10 =	vgt.f32 v27, v18  }
0x3e0: {  	v11 =	vsel vm9, s30, v11;
	v18 =	vsel vm3, s29, v21;
	v35 =	vand.u32 $0x1C00, v58  }
0x3e1: {  	v9 =	vld.idx.msk [tilespmem:v9+s20+$0x0], $0xffff;
	v38 =	vand.u32 $0x3C00, v61;
	v34 =	vand.u32 $0xC00, v34;
	v36 =	vand.u32 $0x2C00, v59  }
0x3e2: {  	v24 =	vmax.f32 v20, v23;
	vm11 =	vgt.f32 v29, v26;
	vm3 =	vgt.f32 v23, v20  }
0x3e3: {  	v18 =	vsel vm6, s30, v18;
	v20 =	vmax.f32 v17, v13;
	vm6 =	vgt.f32 v13, v17  }
0x3e4: {  	s4 =	simm.s32 $0x1;
	v11 =	vsel vm4, s31, v11;
	vm4 =	vgt.f32 v15, v54;
	v15 =	vsel vm8, s29, v30  }
0x3e5: {  	v29 =	vmov s4;
	v35 =	vor.u32 v35, v31;
	v42 =	vor.u32 v38, v31  }
0x3e6: {  	v52 =	vor.u32 v36, v31;
	v13 =	vsel vm7, s31, v18;
	vm7 =	vgt.f32 v9, v53  }
0x3e7: {  	v11 =	vsel vm3, s0, v11;
	v9 =	vmax.f32 v53, v9;
	v15 =	vsel vm4, s30, v15  }
0x3e8: {  	v30 =	vshll.u32 v29, $0x3;
	v29 =	vand.u32 $0x79, v29;
	v13 =	vsel vm7, s0, v13  }
0x3e9: {  	v16 =	vld.idx.msk [tilespmem:v22+s20+$0x0], $0xffff;
	v55 =	vadd.s32 v4, v30;
	v56 =	vadd.s32 v2, v30;
	v29 =	vor.u32 v5, v29  }
0x3ea: {  	v7 =	vld.idx.msk [tilespmem:v7+s20+$0x0], $0xffff;
	v60 =	vadd.s32 v3, v30;
	v30 =	vadd.s32 v0, v30;
	vm5 =	vgt.f32 v25, v24  }
0x3eb: {  	v25 =	vimm.f32 $-Inf;
	v24 =	vimm.s32 $0x0;
	v32 =	vand.u32 $0x1C00, v55  }
0x3ec: {  	v33 =	vand.u32 $0x3C00, v56;
	v37 =	vand.u32 $0x2C00, v60;
	v30 =	vand.u32 $0xC00, v30  }
0x3ed: {  	v17 =	vmax.f32 v20, v19;
	vm12 =	vgt.f32 v19, v20;
	v11 =	vsel vm5, s3, v11  }
0x3ee: {  	v32 =	vor.u32 v32, v29;
	v33 =	vor.u32 v33, v29;
	vm9 =	vgt.f32 v16, v17  }
0x3ef: {  	v16 =	vsel vm0, s29, v51;
	vm0 =	vgt.f32 v7, v9;
	v7 =	vsel vm6, s31, v15  }
0x3f0: {  	v62 =	vor.u32 v30, v29;
	v16 =	vsel vm1, s30, v16;
	v7 =	vsel vm12, s0, v7  }
0x3f1: {  	v15 =	vsel vm0, s3, v13;
	v9 =	vsel vm2, s31, v16;
	v7 =	vsel vm9, s3, v7  }
0x3f2: {  	s30 =	simm.s32 $0x4;
	v16 =	vshll.u32 v11, $0x3;
	v11 =	vand.u32 $0x7F, v11;
	v18 =	vshll.u32 v15, $0x3  }
0x3f3: {  	v15 =	vand.u32 $0x7F, v15;
	v20 =	vmov s30;
	v9 =	vsel vm10, s0, v9  }
0x3f4: {  	s31 =	simm.s32 $0x5;
	v13 =	vshll.u32 v7, $0x3;
	v7 =	vand.u32 $0x7F, v7;
	v16 =	vadd.s32 v4, v16  }
0x3f5: {  	v21 =	vshll.u32 v20, $0x3;
	v22 =	vmov s31;
	v13 =	vadd.s32 v0, v13  }
0x3f6: {  	v9 =	vsel vm11, s3, v9;
	v16 =	vand.u32 $0xFFFFFC00, v16;
	v13 =	vand.u32 $0xFFFFFC00, v13  }
0x3f7: {  	v17 =	vshll.u32 v9, $0x3;
	v11 =	vor.u32 v16, v11;
	v7 =	vor.u32 v13, v7  }
0x3f8: {  	v13 =	vor.u32 v5, v7;
	v7 =	vor.u32 v5, v11;
	v11 =	vadd.s32 v3, v17  }
0x3f9: {  	v9 =	vand.u32 $0x7F, v9;
	v16 =	vadd.s32 v2, v18;
	v11 =	vand.u32 $0xFFFFFC00, v11  }
0x3fa: {  	v20 =	vand.u32 $0x7C, v20;
	v16 =	vand.u32 $0xFFFFFC00, v16;
	v9 =	vor.u32 v11, v9  }
0x3fb: {  	v23 =	vadd.s32 v4, v21;
	v11 =	vor.u32 v5, v9;
	v9 =	vor.u32 v16, v15  }
0x3fc: {  	s29 =	simm.s32 $0x3;
	v26 =	vadd.s32 v3, v21;
	v27 =	vand.u32 $0x7D, v22;
	v9 =	vor.u32 v5, v9  }
0x3fd: {  	v28 =	vadd.s32 v0, v21;
	v21 =	vadd.s32 v2, v21;
	v15 =	vmov s29  }
0x3fe: {  	v23 =	vand.u32 $0x1C00, v23;
	v28 =	vand.u32 $0xC00, v28;
	v16 =	vshll.u32 v15, $0x3;
	[tilespmem:v13+s24+$0x0] =	vst.idx.msk $0xffff, v6  }
0x3ff: {  	v27 =	vor.u32 v5, v27;
	v21 =	vand.u32 $0x3C00, v21;
	v17 =	vadd.s32 v4, v16;
	[tilespmem:v7+s24+$0x0] =	vst.idx.msk $0xffff, v6  }
0x400: {  	v15 =	vand.u32 $0x7B, v15;
	v18 =	vadd.s32 v3, v16;
	v19 =	vadd.s32 v0, v16;
	[tilespmem:v11+s24+$0x0] =	vst.idx.msk $0xffff, v6  }
0x401: {  	s5 =	simm.s32 $0x0;
	v15 =	vor.u32 v5, v15;
	v16 =	vadd.s32 v2, v16;
	v19 =	vand.u32 $0xC00, v19;
	[tilespmem:v9+s24+$0x0] =	vst.idx.msk $0xffff, v6  }
0x402: {  	v18 =	vand.u32 $0x2C00, v18;
	v17 =	vand.u32 $0x1C00, v17;
	v16 =	vand.u32 $0x3C00, v16;
	[hbm4b:s15+s5] =	stream.linear.scatter [tilespmem:s24], [sflag:$0x4], $0x4000, $0x38;
	[tilespmem:$0x10000] =	vst v63  }
0x403: {  	v43 =	vor.u32 v18, v15;
	v45 =	vor.u32 v17, v15;
	v63 =	vor.u32 v19, v15  }
0x404: {  	v18 =	vor.u32 v5, v20;
	v17 =	vand.u32 $0x2C00, v26;
	v53 =	vor.u32 v16, v15;
	[tilespmem:s20], [sflag:$0x2] =	stream.linear.gather [hbm4b:s16+s5], $0x4000, $0x38;
	[tilespmem:$0x10000] =	vst v63  }
0x405: {  	v26 =	vor.u32 v34, v31;
	v16 =	vshll.u32 v22, $0x3;
	v46 =	vor.u32 v17, v18;
	_ =	swait.ge [sflag:s21], $0x4000  }
0x406: {  	v17 =	vor.u32 v23, v18;
	v15 =	vor.u32 v28, v18;
	v19 =	vor.u32 v21, v18;
	[sflag:s21] =	ssyncset.done $0x0  }
0x407: {  	v18 =	vadd.s32 v3, v16;
	v20 =	vadd.s32 v2, v16;
	v21 =	vadd.s32 v4, v16;
	[sflag:s21] =	ssyncadd.s32 $0xFFFFC000  }
0x408: {  	s0 =	simm.s32 $0x6;
	v22 =	vadd.s32 v0, v16;
	v18 =	vand.u32 $0x2C00, v18;
	v21 =	vand.u32 $0x1C00, v21;
	_ =	swait.ge [sflag:s25], $0x4000  }
0x409: {  	v20 =	vand.u32 $0x3C00, v20;
	v16 =	vor.u32 v21, v27;
	v21 =	vmov s0;
	[sflag:s25] =	ssyncset.done $0x0  }
0x40a: {  	v18 =	vor.u32 v18, v27;
	v20 =	vor.u32 v20, v27;
	v31 =	vshll.u32 v21, $0x3;
	[sflag:s25] =	ssyncadd.s32 $0xFFFFC000  }
0x40b: {  	[tilespmem:v14+s22+$0x0] =	vst.idx.msk $0xffff, v1;
	v14 =	vand.u32 $0xC00, v22;
	v22 =	vand.u32 $0x7E, v21;
	v21 =	vadd.s32 v4, v31  }
0x40c: {  	v14 =	vor.u32 v14, v27;
	v54 =	vor.u32 v5, v22;
	[tilespmem:v8+s22+$0x0] =	vst.idx.msk $0xffff, v1;
	v8 =	vmov s5  }
0x40d: {  	v21 =	vand.u32 $0x1C00, v21;
	[tilespmem:v12+s22+$0x0] =	vst.idx.msk $0xffff, v1;
	v12 =	vand.u32 $0x78, v8;
	v8 =	vshll.u32 v8, $0x3  }
0x40e: {  	v23 =	vor.u32 v21, v54;
	v12 =	vor.u32 v5, v12;
	v21 =	vadd.s32 v4, v8  }
0x40f: {  	v27 =	vadd.s32 v2, v8;
	[tilespmem:v10+s22+$0x0] =	vst.idx.msk $0xffff, v1;
	v28 =	vadd.s32 v3, v8;
	v10 =	vand.u32 $0x1C00, v21  }
0x410: {  	v8 =	vadd.s32 v0, v8;
	v21 =	vand.u32 $0x3C00, v27;
	v55 =	vor.u32 v10, v12  }
0x411: {  	v22 =	vadd.s32 v3, v31;
	v8 =	vand.u32 $0xC00, v8;
	v56 =	vor.u32 v21, v12  }
0x412: {  	v29 =	vor.u32 v37, v29;
	v22 =	vand.u32 $0x2C00, v22;
	v30 =	vld.idx.msk [tilespmem:v33+s2+$0x0], $0xffff;
	v8 =	vor.u32 v8, v12  }
0x413: {  	s3 =	simm.s32 $0x7;
	v27 =	vor.u32 v22, v54;
	v21 =	vld.idx.msk [tilespmem:v26+s2+$0x0], $0xffff;
	v10 =	vand.u32 $0x2C00, v28;
	v26 =	vadd.s32 v2, v31  }
0x414: {  	v32 =	vld.idx.msk [tilespmem:v32+s2+$0x0], $0xffff;
	v12 =	vor.u32 v10, v12;
	v10 =	vand.u32 $0x3C00, v26;
	v26 =	vmov s3  }
0x415: {  	v31 =	vadd.s32 v0, v31;
	v22 =	vand.u32 $0x7F, v26;
	v26 =	vshll.u32 v26, $0x3;
	v57 =	vld.idx.msk [tilespmem:v55+s2+$0x0], $0xffff  }
0x416: {  	v10 =	vor.u32 v10, v54;
	v28 =	vadd.s32 v0, v26;
	v58 =	vadd.s32 v4, v26;
	v47 =	vld.idx.msk [tilespmem:v56+s2+$0x0], $0xffff  }
0x417: {  	v59 =	vadd.s32 v3, v26;
	v60 =	vor.u32 v5, v22;
	v26 =	vadd.s32 v2, v26;
	v48 =	vld.idx.msk [tilespmem:v8+s2+$0x0], $0xffff  }
0x418: {  	v34 =	vld.idx.msk [tilespmem:v35+s2+$0x0], $0xffff;
	v22 =	vand.u32 $0x1C00, v58;
	v61 =	vand.u32 $0x2C00, v59;
	v8 =	vand.u32 $0xC00, v28  }
0x419: {  	v49 =	vld.idx.msk [tilespmem:v62+s2+$0x0], $0xffff;
	v28 =	vor.u32 v22, v60;
	v22 =	vor.u32 v8, v60;
	v8 =	vand.u32 $0x3C00, v26  }
0x41a: {  	v36 =	vor.u32 v61, v60;
	v12 =	vld.idx.msk [tilespmem:v12+s2+$0x0], $0xffff;
	v26 =	vand.u32 $0xC00, v31;
	v8 =	vor.u32 v8, v60  }
0x41b: {  	v50 =	vld.idx.msk [tilespmem:v29+s2+$0x0], $0xffff;
	v26 =	vor.u32 v26, v54;
	vm0 =	vgt.f32 v57, v25;
	v31 =	vmax.f32 v25, v57  }
0x41c: {  	v41 =	vld.idx.msk [tilespmem:v52+s2+$0x0], $0xffff;
	v40 =	vmax.f32 v25, v47;
	vm1 =	vgt.f32 v48, v25;
	v62 =	vmax.f32 v25, v48  }
0x41d: {  	v35 =	vld.idx.msk [tilespmem:v43+s2+$0x0], $0xffff;
	vm3 =	vgt.f32 v47, v25;
	vm2 =	vgt.f32 v32, v31;
	v39 =	vmax.f32 v31, v32  }
0x41e: {  	v33 =	vld.idx.msk [tilespmem:v45+s2+$0x0], $0xffff;
	v29 =	vsel vm0, s5, v24;
	v38 =	vsel vm1, s5, v24;
	vm0 =	vgt.f32 v30, v40  }
0x41f: {  	v31 =	vld.idx.msk [tilespmem:v63+s2+$0x0], $0xffff;
	vm1 =	vgt.f32 v12, v25;
	v12 =	vmax.f32 v25, v12;
	v44 =	vsel vm3, s5, v24  }
0x420: {  	v32 =	vld.idx.msk [tilespmem:v42+s2+$0x0], $0xffff;
	vm4 =	vgt.f32 v34, v39;
	v42 =	vsel vm1, s5, v24;
	vm1 =	vgt.f32 v49, v62  }
0x421: {  	v25 =	vld.idx.msk [tilespmem:v53+s2+$0x0], $0xffff;
	v63 =	vsel vm2, s4, v29;
	v29 =	vmax.f32 v62, v49;
	v43 =	vmax.f32 v12, v50  }
0x422: {  	s5 =	simm.s32 $0x8;
	vm3 =	vgt.f32 v50, v12;
	v24 =	vld.idx.msk [tilespmem:v46+s2+$0x0], $0xffff;
	v12 =	vsel vm4, s1, v63;
	vm2 =	vgt.f32 v41, v43  }
.LBB2_16:
0x423: {  	p0 =	slt.u32 s5, $0xF8;
	v37 =	vsel vm3, s4, v42;
	v42 =	vsel vm0, s4, v44;
	v44 =	vld.idx.msk [tilespmem:v17+s2+$0x0], $0xffff;
	s6 =	smov.u32 s5;
	s5 =	sadd.s32 $0x8, s5  }
0x424: {  	v38 =	vsel vm1, s4, v38;
	v17 =	vmax.f32 v40, v30;
	v30 =	vmax.f32 v43, v41;
	v19 =	vld.idx.msk [tilespmem:v19+s2+$0x0], $0xffff  }
0x425: {  	v34 =	vmax.f32 v39, v34;
	s7 =	sadd.s32 $0x3, s6;
	vm3 =	vgt.f32 v32, v17;
	vm1 =	vgt.f32 v35, v30;
	v20 =	vld.idx.msk [tilespmem:v20+s2+$0x0], $0xffff  }
0x426: {  	v32 =	vmax.f32 v17, v32;
	v30 =	vmax.f32 v30, v35;
	v39 =	vmov s7;
	v35 =	vld.idx.msk [tilespmem:v18+s2+$0x0], $0xffff  }
0x427: {  	vm6 =	vgt.f32 v25, v32;
	v17 =	vand.u32 $0x7B, v39;
	vm4 =	vgt.f32 v33, v34;
	v23 =	vld.idx.msk [tilespmem:v23+s2+$0x0], $0xffff  }
0x428: {  	v18 =	vsel vm2, s1, v37;
	v33 =	vmax.f32 v34, v33;
	vm0 =	vgt.f32 v24, v30;
	v27 =	vld.idx.msk [tilespmem:v27+s2+$0x0], $0xffff  }
0x429: {  	v25 =	vmax.f32 v32, v25;
	vm2 =	vgt.f32 v21, v29;
	v21 =	vmax.f32 v29, v21;
	v16 =	vld.idx.msk [tilespmem:v16+s2+$0x0], $0xffff  }
0x42a: {  	v29 =	vsel vm2, s1, v38;
	vm8 =	vgt.f32 v19, v25;
	v19 =	vmax.f32 v25, v19;
	v25 =	vld.idx.msk [tilespmem:v36+s2+$0x0], $0xffff  }
0x42b: {  	v24 =	vmax.f32 v30, v24;
	v32 =	vmax.f32 v33, v44;
	v30 =	vmax.f32 v19, v20;
	v28 =	vld.idx.msk [tilespmem:v28+s2+$0x0], $0xffff  }
0x42c: {  	v34 =	vshll.u32 v39, $0x3;
	v36 =	vmax.f32 v21, v31;
	vm2 =	vgt.f32 v35, v24  }
0x42d: {  	v37 =	vadd.s32 v4, v34;
	v38 =	vadd.s32 v3, v34;
	vm10 =	vgt.f32 v20, v19  }
0x42e: {  	vm5 =	vgt.f32 v31, v21;
	v19 =	vadd.s32 v0, v34;
	v20 =	vsel vm4, s29, v12;
	v15 =	vld.idx.msk [tilespmem:v15+s2+$0x0], $0xffff  }
0x42f: {  	v21 =	vsel vm3, s1, v42;
	v24 =	vmax.f32 v24, v35;
	v31 =	vmax.f32 v32, v16  }
0x430: {  	v19 =	vand.u32 $0xC00, v19;
	v39 =	vmax.f32 v24, v27;
	v35 =	vmax.f32 v31, v23  }
0x431: {  	vm9 =	vgt.f32 v16, v32;
	v12 =	vmax.f32 v39, v25;
	vm7 =	vgt.f32 v28, v35  }
0x432: {  	s9 =	sadd.s32 $0x4, s6;
	vm11 =	vgt.f32 v44, v33;
	vm4 =	vgt.f32 v27, v24;
	vm3 =	vgt.f32 v25, v39;
	v16 =	vld.idx.msk [tilespmem:v26+s2+$0x0], $0xffff  }
0x433: {  	s8 =	sadd.s32 $0x5, s6;
	v20 =	vsel vm11, s30, v20;
	v24 =	vmov s9;
	vm11 =	vgt.f32 v23, v31;
	v14 =	vld.idx.msk [tilespmem:v14+s2+$0x0], $0xffff  }
0x434: {  	v23 =	vshll.u32 v24, $0x3;
	v26 =	vmov s8;
	v25 =	vmax.f32 v36, v15;
	v27 =	vld.idx.msk [tilespmem:v10+s2+$0x0], $0xffff  }
0x435: {  	v39 =	vadd.s32 v3, v23;
	v31 =	vand.u32 $0x7D, v26;
	v10 =	vadd.s32 v4, v23;
	v22 =	vld.idx.msk [tilespmem:v22+s2+$0x0], $0xffff  }
0x436: {  	v40 =	vand.u32 $0x7C, v24;
	v24 =	vadd.s32 v0, v23;
	v41 =	vand.u32 $0x1C00, v10  }
0x437: {  	v42 =	vand.u32 $0xC00, v24;
	v23 =	vadd.s32 v2, v23;
	v10 =	vor.u32 v5, v31  }
0x438: {  	v21 =	vsel vm6, s29, v21;
	v24 =	vmax.f32 v35, v28;
	v23 =	vand.u32 $0x3C00, v23  }
0x439: {  	v21 =	vsel vm8, s30, v21;
	vm8 =	vgt.f32 v14, v25;
	v14 =	vmax.f32 v25, v14  }
0x43a: {  	s4 =	sadd.s32 $0x1, s6;
	s1 =	sadd.s32 $0x2, s6;
	v21 =	vsel vm10, s31, v21;
	v25 =	vmax.f32 v14, v16;
	vm12 =	vgt.f32 v27, v30  }
0x43b: {  	v28 =	vmov s4;
	v31 =	vmov s1;
	vm6 =	vgt.f32 v22, v25  }
0x43c: {  	v32 =	vand.u32 $0x79, v28;
	v28 =	vshll.u32 v28, $0x3;
	vm10 =	vgt.f32 v15, v36  }
0x43d: {  	v15 =	vadd.s32 v4, v28;
	v33 =	vadd.s32 v2, v28;
	v25 =	vmax.f32 v25, v22;
	v22 =	vld.idx.msk [tilespmem:v8+s2+$0x0], $0xffff  }
0x43e: {  	v36 =	vor.u32 v5, v32;
	v8 =	vand.u32 $0x1C00, v15;
	v15 =	vsel vm9, s31, v20  }
0x43f: {  	v20 =	vand.u32 $0x3C00, v33;
	vm9 =	vgt.f32 v16, v14;
	v8 =	vor.u32 v8, v36  }
0x440: {  	v14 =	vand.u32 $0x7A, v31;
	v16 =	vshll.u32 v31, $0x3;
	v15 =	vsel vm11, s0, v15  }
0x441: {  	v21 =	vsel vm12, s0, v21;
	v31 =	vadd.s32 v4, v16;
	v33 =	vadd.s32 v3, v16  }
0x442: {  	v27 =	vmax.f32 v30, v27;
	v14 =	vor.u32 v5, v14;
	v31 =	vand.u32 $0x1C00, v31  }
0x443: {  	v30 =	vadd.s32 v3, v28;
	v43 =	vor.u32 v31, v14;
	vm11 =	vgt.f32 v22, v27  }
0x444: {  	v30 =	vand.u32 $0x2C00, v30;
	v32 =	vadd.s32 v2, v16;
	v31 =	vsel vm7, s3, v15  }
0x445: {  	v35 =	vsel vm5, s29, v29;
	v15 =	vadd.s32 v0, v16;
	v16 =	vand.u32 $0x3C00, v32  }
0x446: {  	v15 =	vand.u32 $0xC00, v15;
	v32 =	vor.u32 v16, v14;
	v29 =	vsel vm11, s3, v21  }
0x447: {  	v18 =	vsel vm1, s29, v18;
	s29 =	smov.u32 s7;
	v16 =	vor.u32 v5, v17;
	v17 =	vadd.s32 v2, v34  }
0x448: {  	v34 =	vor.u32 v20, v36;
	v20 =	vand.u32 $0x2C00, v38;
	v21 =	vsel vm10, s30, v35  }
0x449: {  	v44 =	vand.u32 $0x2C00, v33;
	v35 =	vor.u32 v20, v16;
	v20 =	vsel vm8, s31, v21  }
0x44a: {  	v21 =	vadd.s32 v0, v28;
	v28 =	vand.u32 $0x1C00, v37;
	v20 =	vsel vm9, s0, v20  }
0x44b: {  	v18 =	vsel vm0, s30, v18;
	s30 =	smov.u32 s9;
	v21 =	vand.u32 $0xC00, v21;
	v33 =	vor.u32 v28, v16  }
0x44c: {  	v38 =	vor.u32 v19, v16;
	v19 =	vand.u32 $0x3C00, v17;
	v45 =	vor.u32 v21, v36  }
0x44d: {  	v18 =	vsel vm2, s31, v18;
	v17 =	vand.u32 $0x2C00, v39;
	s31 =	smov.u32 s8;
	v21 =	vor.u32 v5, v40  }
0x44e: {  	v18 =	vsel vm4, s0, v18;
	v46 =	vmax.f32 v27, v22;
	v37 =	vor.u32 v17, v21  }
0x44f: {  	v47 =	vsel vm3, s3, v18;
	v44 =	vor.u32 v44, v14;
	v17 =	vor.u32 v41, v21  }
0x450: {  	v39 =	vor.u32 v30, v36;
	v48 =	vor.u32 v19, v16;
	v49 =	vsel vm6, s3, v20  }
0x451: {  	v14 =	vor.u32 v15, v14;
	v16 =	vshll.u32 v26, $0x3;
	v15 =	vor.u32 v42, v21  }
0x452: {  	v18 =	vadd.s32 v3, v16;
	v20 =	vadd.s32 v2, v16;
	v19 =	vor.u32 v23, v21  }
0x453: {  	v21 =	vadd.s32 v4, v16;
	v18 =	vand.u32 $0x2C00, v18;
	v20 =	vand.u32 $0x3C00, v20  }
0x454: {  	s0 =	sadd.s32 $0x6, s6;
	v21 =	vand.u32 $0x1C00, v21;
	v18 =	vor.u32 v18, v10;
	v20 =	vor.u32 v20, v10  }
0x455: {  	v22 =	vadd.s32 v0, v16;
	v23 =	vmov s0;
	v16 =	vor.u32 v21, v10  }
0x456: {  	v26 =	vshll.u32 v23, $0x3;
	v21 =	vld.idx.msk [tilespmem:v14+s2+$0x0], $0xffff;
	v14 =	vand.u32 $0xC00, v22;
	v22 =	vand.u32 $0x7E, v23  }
0x457: {  	v14 =	vor.u32 v14, v10;
	v40 =	vor.u32 v5, v22;
	v10 =	vadd.s32 v4, v26  }
0x458: {  	v27 =	vadd.s32 v3, v26;
	v22 =	vmov s6;
	v10 =	vand.u32 $0x1C00, v10  }
0x459: {  	v28 =	vand.u32 $0x78, v22;
	v22 =	vshll.u32 v22, $0x3;
	v23 =	vor.u32 v10, v40  }
0x45a: {  	v10 =	vor.u32 v5, v28;
	v28 =	vadd.s32 v4, v22;
	v30 =	vadd.s32 v2, v22  }
0x45b: {  	v36 =	vadd.s32 v3, v22;
	v28 =	vand.u32 $0x1C00, v28;
	v30 =	vand.u32 $0x3C00, v30  }
0x45c: {  	v22 =	vadd.s32 v0, v22;
	v28 =	vor.u32 v28, v10;
	v41 =	vor.u32 v30, v10  }
0x45d: {  	v22 =	vand.u32 $0xC00, v22;
	v30 =	vand.u32 $0x2C00, v36;
	v36 =	vadd.s32 v2, v26  }
0x45e: {  	s3 =	sadd.s32 $0x7, s6;
	v22 =	vor.u32 v22, v10;
	v42 =	vor.u32 v30, v10;
	v10 =	vand.u32 $0x3C00, v36;
	v30 =	vld.idx.msk [tilespmem:v34+s2+$0x0], $0xffff  }
0x45f: {  	v36 =	vmov s3;
	v10 =	vor.u32 v10, v40;
	v50 =	vld.idx.msk [tilespmem:v8+s2+$0x0], $0xffff;
	v8 =	vand.u32 $0x2C00, v27  }
0x460: {  	v34 =	vld.idx.msk [tilespmem:v43+s2+$0x0], $0xffff;
	v27 =	vor.u32 v8, v40;
	v8 =	vand.u32 $0x7F, v36;
	v36 =	vshll.u32 v36, $0x3  }
0x461: {  	v43 =	vld.idx.msk [tilespmem:v28+s2+$0x0], $0xffff;
	v28 =	vadd.s32 v0, v36;
	v51 =	vadd.s32 v4, v36;
	v52 =	vadd.s32 v3, v36  }
0x462: {  	v8 =	vor.u32 v5, v8;
	v53 =	vld.idx.msk [tilespmem:v41+s2+$0x0], $0xffff;
	v41 =	vand.u32 $0x1C00, v51;
	v51 =	vand.u32 $0x2C00, v52  }
0x463: {  	v36 =	vadd.s32 v2, v36;
	v52 =	vld.idx.msk [tilespmem:v22+s2+$0x0], $0xffff;
	v22 =	vand.u32 $0xC00, v28;
	v28 =	vor.u32 v41, v8  }
0x464: {  	v26 =	vadd.s32 v0, v26;
	v41 =	vand.u32 $0x3C00, v36;
	v42 =	vld.idx.msk [tilespmem:v42+s2+$0x0], $0xffff;
	v22 =	vor.u32 v22, v8  }
0x465: {  	v26 =	vand.u32 $0xC00, v26;
	v36 =	vor.u32 v51, v8;
	v8 =	vor.u32 v41, v8  }
0x466: {  	v26 =	vor.u32 v26, v40;
	v45 =	vld.idx.msk [tilespmem:v45+s2+$0x0], $0xffff  }
0x467: {  	vm0 =	vgt.f32 v43, v24;
	v24 =	vmax.f32 v24, v43;
	v51 =	vld.idx.msk [tilespmem:v39+s2+$0x0], $0xffff  }
0x468: {  	v40 =	vmax.f32 v46, v53;
	vm2 =	vgt.f32 v50, v24;
	v39 =	vmax.f32 v24, v50;
	v41 =	vld.idx.msk [tilespmem:v44+s2+$0x0], $0xffff  }
0x469: {  	v24 =	vsel vm0, s6, v31;
	vm1 =	vgt.f32 v52, v25;
	vm4 =	vgt.f32 v34, v39;
	v31 =	vld.idx.msk [tilespmem:v38+s2+$0x0], $0xffff  }
.Ltmp7:
0x46a: {  	v43 =	vmax.f32 v25, v52;
	vm0 =	vgt.f32 v30, v40;
	v38 =	vsel vm1, s6, v49;
	v32 =	vld.idx.msk [tilespmem:v32+s2+$0x0], $0xffff;
	(pc) =	sbr.rel @p0 .LBB2_16-.Ltmp7, $4  }
0x46b: {  	vm3 =	vgt.f32 v53, v46;
	vm1 =	vgt.f32 v42, v12;
	v12 =	vmax.f32 v12, v42;
	v35 =	vld.idx.msk [tilespmem:v35+s2+$0x0], $0xffff  }
0x46c: {  	v24 =	vsel vm2, s4, v24;
	v42 =	vsel vm1, s6, v47;
	vm1 =	vgt.f32 v45, v43;
	v25 =	vld.idx.msk [tilespmem:v48+s2+$0x0], $0xffff  }
0x46d: {  	v44 =	vsel vm3, s6, v29;
	v29 =	vmax.f32 v43, v45;
	v43 =	vmax.f32 v12, v51;
	v33 =	vld.idx.msk [tilespmem:v33+s2+$0x0], $0xffff  }
0x46e: {  	vm3 =	vgt.f32 v51, v12;
	v12 =	vsel vm4, s1, v24;
	vm2 =	vgt.f32 v41, v43;
	v24 =	vld.idx.msk [tilespmem:v37+s2+$0x0], $0xffff  }
0x46f: {  	_ =	sdelay $0x1  }
0x470: {  	v37 =	vsel vm3, s4, v42;
	v60 =	vsel vm0, s4, v44;
	v38 =	vsel vm1, s4, v38  }
0x471: {  	v30 =	vmax.f32 v40, v30;
	v61 =	vmax.f32 v43, v41;
	v34 =	vmax.f32 v39, v34  }
0x472: {  	v17 =	vld.idx.msk [tilespmem:v17+s2+$0x0], $0xffff;
	vm4 =	vgt.f32 v32, v30;
	vm0 =	vgt.f32 v35, v61;
	v30 =	vmax.f32 v30, v32  }
0x473: {  	v19 =	vld.idx.msk [tilespmem:v19+s2+$0x0], $0xffff;
	v62 =	vmax.f32 v61, v35;
	v63 =	vsel vm2, s1, v37;
	vm2 =	vgt.f32 v21, v29  }
0x474: {  	v20 =	vld.idx.msk [tilespmem:v20+s2+$0x0], $0xffff;
	v21 =	vmax.f32 v29, v21;
	vm3 =	vgt.f32 v25, v30;
	v25 =	vmax.f32 v30, v25  }
0x475: {  	v18 =	vld.idx.msk [tilespmem:v18+s2+$0x0], $0xffff;
	v30 =	vsel vm2, s1, v38;
	v40 =	vmax.f32 v21, v31;
	vm8 =	vgt.f32 v31, v21  }
0x476: {  	v15 =	vld.idx.msk [tilespmem:v15+s2+$0x0], $0xffff;
	v21 =	vsel vm4, s1, v60;
	s1 =	simm.s32 $0x2;
	vm5 =	vgt.f32 v33, v34;
	v37 =	vmax.f32 v34, v33  }
0x477: {  	v27 =	vld.idx.msk [tilespmem:v27+s2+$0x0], $0xffff;
	v31 =	vmov s1;
	vm1 =	vgt.f32 v24, v62;
	v24 =	vmax.f32 v62, v24  }
0x478: {  	v16 =	vld.idx.msk [tilespmem:v16+s2+$0x0], $0xffff;
	v12 =	vsel vm5, s29, v12;
	v43 =	vshll.u32 v31, $0x3;
	v31 =	vand.u32 $0x7A, v31  }
0x479: {  	vm6 =	vgt.f32 v19, v25;
	v19 =	vmax.f32 v25, v19;
	v25 =	vld.idx.msk [tilespmem:v28+s2+$0x0], $0xffff;
	v28 =	vmax.f32 v37, v17  }
0x47a: {  	vm2 =	vgt.f32 v18, v24;
	v18 =	vmax.f32 v24, v18;
	vm9 =	vgt.f32 v17, v37  }
0x47b: {  	v23 =	vld.idx.msk [tilespmem:v23+s2+$0x0], $0xffff;
	v17 =	vmax.f32 v40, v15;
	v44 =	vadd.s32 v4, v43;
	v45 =	vadd.s32 v3, v43  }
0x47c: {  	v29 =	vld.idx.msk [tilespmem:v36+s2+$0x0], $0xffff;
	v31 =	vor.u32 v5, v31;
	v47 =	vadd.s32 v2, v43;
	v34 =	vadd.s32 v0, v43  }
0x47d: {  	v14 =	vld.idx.msk [tilespmem:v14+s2+$0x0], $0xffff;
	v39 =	vmax.f32 v19, v20;
	vm7 =	vgt.f32 v20, v19;
	v20 =	vmax.f32 v28, v16  }
0x47e: {  	v19 =	vld.idx.msk [tilespmem:v26+s2+$0x0], $0xffff;
	v26 =	vmax.f32 v18, v27;
	vm4 =	vgt.f32 v16, v28;
	vm10 =	vgt.f32 v27, v18  }
0x47f: {  	v12 =	vsel vm9, s30, v12;
	v18 =	vsel vm3, s29, v21;
	v21 =	vimm.f32 $-Inf  }
0x480: {  	v10 =	vld.idx.msk [tilespmem:v10+s2+$0x0], $0xffff;
	v35 =	vand.u32 $0x1C00, v44;
	v48 =	vand.u32 $0x3C00, v47;
	v34 =	vand.u32 $0xC00, v34  }
0x481: {  	v24 =	vmax.f32 v20, v23;
	vm11 =	vgt.f32 v29, v26;
	vm3 =	vgt.f32 v23, v20  }
0x482: {  	v18 =	vsel vm6, s30, v18;
	v20 =	vmax.f32 v17, v14;
	vm6 =	vgt.f32 v14, v17  }
0x483: {  	s4 =	simm.s32 $0x1;
	v12 =	vsel vm4, s31, v12;
	vm4 =	vgt.f32 v15, v40;
	v15 =	vsel vm8, s29, v30  }
0x484: {  	v29 =	vmov s4;
	v35 =	vor.u32 v35, v31;
	v38 =	vor.u32 v48, v31  }
0x485: {  	v14 =	vsel vm7, s31, v18;
	vm7 =	vgt.f32 v10, v39;
	v12 =	vsel vm3, s0, v12  }
0x486: {  	v16 =	vld.idx.msk [tilespmem:v22+s2+$0x0], $0xffff;
	v10 =	vmax.f32 v39, v10;
	v15 =	vsel vm4, s30, v15;
	v30 =	vshll.u32 v29, $0x3  }
0x487: {  	v8 =	vld.idx.msk [tilespmem:v8+s2+$0x0], $0xffff;
	v29 =	vand.u32 $0x79, v29;
	v14 =	vsel vm7, s0, v14;
	v41 =	vadd.s32 v4, v30  }
0x488: {  	v42 =	vadd.s32 v2, v30;
	v29 =	vor.u32 v5, v29;
	v46 =	vadd.s32 v3, v30  }
0x489: {  	vm5 =	vgt.f32 v25, v24;
	v32 =	vand.u32 $0x1C00, v41;
	v33 =	vand.u32 $0x3C00, v42  }
0x48a: {  	v17 =	vmax.f32 v20, v19;
	vm12 =	vgt.f32 v19, v20;
	v12 =	vsel vm5, s3, v12  }
0x48b: {  	v32 =	vor.u32 v32, v29;
	v33 =	vor.u32 v33, v29;
	vm9 =	vgt.f32 v16, v17  }
0x48c: {  	v16 =	vsel vm0, s29, v63;
	vm0 =	vgt.f32 v8, v10;
	v8 =	vsel vm6, s31, v15  }
0x48d: {  	v16 =	vsel vm1, s30, v16;
	v8 =	vsel vm12, s0, v8;
	v14 =	vsel vm0, s3, v14  }
0x48e: {  	v10 =	vsel vm2, s31, v16;
	v8 =	vsel vm9, s3, v8;
	v16 =	vshll.u32 v12, $0x3  }
0x48f: {  	s30 =	simm.s32 $0x4;
	v12 =	vand.u32 $0x7F, v12;
	v18 =	vshll.u32 v14, $0x3;
	v14 =	vand.u32 $0x7F, v14  }
0x490: {  	v22 =	vmov s30;
	v10 =	vsel vm10, s0, v10;
	v15 =	vshll.u32 v8, $0x3  }
0x491: {  	s31 =	simm.s32 $0x5;
	v8 =	vand.u32 $0x7F, v8;
	v16 =	vadd.s32 v4, v16;
	v23 =	vshll.u32 v22, $0x3  }
0x492: {  	v24 =	vmov s31;
	v22 =	vand.u32 $0x7C, v22;
	v10 =	vsel vm11, s3, v10  }
0x493: {  	v15 =	vadd.s32 v0, v15;
	v16 =	vand.u32 $0xFFFFFC00, v16;
	v25 =	vadd.s32 v4, v23  }
0x494: {  	v26 =	vadd.s32 v3, v23;
	v27 =	vand.u32 $0x7D, v24;
	v28 =	vadd.s32 v0, v23  }
0x495: {  	v23 =	vadd.s32 v2, v23;
	v17 =	vshll.u32 v10, $0x3;
	v15 =	vand.u32 $0xFFFFFC00, v15  }
0x496: {  	v12 =	vor.u32 v16, v12;
	v10 =	vand.u32 $0x7F, v10;
	v16 =	vadd.s32 v2, v18  }
0x497: {  	v25 =	vand.u32 $0x1C00, v25;
	v8 =	vor.u32 v15, v8;
	v15 =	vadd.s32 v3, v17  }
0x498: {  	v28 =	vand.u32 $0xC00, v28;
	v27 =	vor.u32 v5, v27;
	v15 =	vand.u32 $0xFFFFFC00, v15  }
0x499: {  	s29 =	simm.s32 $0x3;
	v8 =	vor.u32 v5, v8;
	v10 =	vor.u32 v15, v10;
	v15 =	vand.u32 $0xFFFFFC00, v16  }
0x49a: {  	v12 =	vor.u32 v5, v12;
	v14 =	vor.u32 v15, v14;
	v15 =	vmov s29  }
0x49b: {  	v23 =	vand.u32 $0x3C00, v23;
	v10 =	vor.u32 v5, v10;
	v16 =	vshll.u32 v15, $0x3  }
0x49c: {  	v14 =	vor.u32 v5, v14;
	v15 =	vand.u32 $0x7B, v15;
	v17 =	vadd.s32 v4, v16  }
0x49d: {  	v18 =	vadd.s32 v3, v16;
	v19 =	vadd.s32 v0, v16;
	v15 =	vor.u32 v5, v15  }
0x49e: {  	v16 =	vadd.s32 v2, v16;
	v19 =	vand.u32 $0xC00, v19;
	[tilespmem:v8+s22+$0x0] =	vst.idx.msk $0xffff, v6;
	v8 =	vand.u32 $0x2C00, v46  }
0x49f: {  	v17 =	vand.u32 $0x1C00, v17;
	v16 =	vand.u32 $0x3C00, v16;
	[tilespmem:v12+s22+$0x0] =	vst.idx.msk $0xffff, v6;
	v12 =	vand.u32 $0x2C00, v18  }
0x4a0: {  	v18 =	vadd.s32 v0, v30;
	v50 =	vor.u32 v17, v15;
	v52 =	vor.u32 v19, v15  }
0x4a1: {  	[tilespmem:v10+s22+$0x0] =	vst.idx.msk $0xffff, v6;
	v10 =	vand.u32 $0x2C00, v45;
	v18 =	vand.u32 $0xC00, v18;
	v49 =	vor.u32 v12, v15  }
0x4a2: {  	s5 =	simm.s32 $0x0;
	v12 =	vor.u32 v5, v22;
	v51 =	vor.u32 v18, v29;
	[tilespmem:v14+s22+$0x0] =	vst.idx.msk $0xffff, v6;
	v14 =	vand.u32 $0x2C00, v26  }
0x4a3: {  	v54 =	vor.u32 v10, v31;
	v18 =	vor.u32 v34, v31;
	v10 =	vshll.u32 v24, $0x3;
	[hbm4b:s17+s5] =	stream.linear.scatter [tilespmem:s22], [sflag:$0x3], $0x4000, $0x38;
	[tilespmem:$0x10000] =	vst v63  }
0x4a4: {  	v53 =	vor.u32 v14, v12;
	v14 =	vor.u32 v25, v12;
	v25 =	vor.u32 v8, v29;
	_ =	swait.ge [sflag:s23], $0x4000  }
0x4a5: {  	v29 =	vor.u32 v16, v15;
	v8 =	vor.u32 v28, v12;
	v16 =	vor.u32 v23, v12;
	[sflag:s23] =	ssyncset.done $0x0  }
0x4a6: {  	v12 =	vadd.s32 v3, v10;
	v15 =	vadd.s32 v2, v10;
	v17 =	vadd.s32 v4, v10;
	[sflag:s23] =	ssyncadd.s32 $0xFFFFC000  }
0x4a7: {  	v10 =	vadd.s32 v0, v10;
	v12 =	vand.u32 $0x2C00, v12;
	v19 =	vand.u32 $0x3C00, v15;
	_ =	swait.ge [sflag:s26], $0x4000  }
0x4a8: {  	s0 =	simm.s32 $0x6;
	v22 =	vand.u32 $0x1C00, v17;
	v10 =	vand.u32 $0xC00, v10;
	v15 =	vor.u32 v12, v27;
	[sflag:s26] =	ssyncset.done $0x0  }
0x4a9: {  	v17 =	vor.u32 v19, v27;
	v12 =	vor.u32 v22, v27;
	v19 =	vmov s0;
	[sflag:s26] =	ssyncadd.s32 $0xFFFFC000  }
0x4aa: {  	v10 =	vor.u32 v10, v27;
	v22 =	vshll.u32 v19, $0x3;
	[tilespmem:v13+s24+$0x0] =	vst.idx.msk $0xffff, v1;
	v13 =	vand.u32 $0x7E, v19  }
0x4ab: {  	v27 =	vor.u32 v5, v13;
	v13 =	vadd.s32 v4, v22;
	[tilespmem:v7+s24+$0x0] =	vst.idx.msk $0xffff, v1;
	v7 =	vmov s5  }
0x4ac: {  	v13 =	vand.u32 $0x1C00, v13;
	[tilespmem:v11+s24+$0x0] =	vst.idx.msk $0xffff, v1;
	v11 =	vand.u32 $0x78, v7;
	v7 =	vshll.u32 v7, $0x3  }
0x4ad: {  	v19 =	vor.u32 v13, v27;
	v11 =	vor.u32 v5, v11;
	v13 =	vadd.s32 v4, v7  }
0x4ae: {  	v24 =	vadd.s32 v2, v7;
	[tilespmem:v9+s24+$0x0] =	vst.idx.msk $0xffff, v1;
	v26 =	vadd.s32 v3, v7;
	v9 =	vand.u32 $0x1C00, v13  }
0x4af: {  	v7 =	vadd.s32 v0, v7;
	v13 =	vand.u32 $0x3C00, v24;
	v24 =	vor.u32 v9, v11  }
0x4b0: {  	v20 =	vimm.s32 $0x0;
	s3 =	simm.s32 $0x7;
	v7 =	vand.u32 $0xC00, v7;
	v28 =	vor.u32 v13, v11  }
0x4b1: {  	v55 =	vmov s3;
	v23 =	vadd.s32 v3, v22;
	v31 =	vld.idx.msk [tilespmem:v32+s20+$0x0], $0xffff;
	v7 =	vor.u32 v7, v11  }
0x4b2: {  	v32 =	vshll.u32 v55, $0x3;
	v13 =	vld.idx.msk [tilespmem:v18+s20+$0x0], $0xffff;
	v9 =	vand.u32 $0x2C00, v26;
	v18 =	vadd.s32 v2, v22  }
0x4b3: {  	v30 =	vld.idx.msk [tilespmem:v35+s20+$0x0], $0xffff;
	v57 =	vadd.s32 v4, v32;
	v58 =	vadd.s32 v3, v32;
	v22 =	vadd.s32 v0, v22  }
0x4b4: {  	v11 =	vor.u32 v9, v11;
	v9 =	vand.u32 $0x3C00, v18;
	v18 =	vand.u32 $0x2C00, v23;
	v56 =	vld.idx.msk [tilespmem:v24+s20+$0x0], $0xffff  }
0x4b5: {  	v60 =	vand.u32 $0x2C00, v58;
	v22 =	vand.u32 $0xC00, v22;
	v9 =	vor.u32 v9, v27;
	v59 =	vld.idx.msk [tilespmem:v28+s20+$0x0], $0xffff  }
0x4b6: {  	v23 =	vor.u32 v18, v27;
	v18 =	vand.u32 $0x7F, v55;
	v22 =	vor.u32 v22, v27;
	v61 =	vld.idx.msk [tilespmem:v7+s20+$0x0], $0xffff  }
0x4b7: {  	v45 =	vld.idx.msk [tilespmem:v51+s20+$0x0], $0xffff;
	v24 =	vadd.s32 v0, v32;
	v28 =	vor.u32 v5, v18;
	v18 =	vand.u32 $0x1C00, v57  }
0x4b8: {  	v26 =	vld.idx.msk [tilespmem:v33+s20+$0x0], $0xffff;
	v32 =	vadd.s32 v2, v32;
	v7 =	vand.u32 $0xC00, v24;
	v24 =	vor.u32 v18, v28  }
0x4b9: {  	v11 =	vld.idx.msk [tilespmem:v11+s20+$0x0], $0xffff;
	v18 =	vor.u32 v7, v28;
	v7 =	vand.u32 $0x3C00, v32;
	v32 =	vor.u32 v60, v28  }
0x4ba: {  	v62 =	vld.idx.msk [tilespmem:v25+s20+$0x0], $0xffff;
	v7 =	vor.u32 v7, v28;
	vm0 =	vgt.f32 v56, v21;
	v27 =	vmax.f32 v21, v56  }
0x4bb: {  	v37 =	vld.idx.msk [tilespmem:v54+s20+$0x0], $0xffff;
	v36 =	vmax.f32 v21, v59;
	vm1 =	vgt.f32 v61, v21;
	v44 =	vmax.f32 v21, v61  }
0x4bc: {  	v28 =	vld.idx.msk [tilespmem:v38+s20+$0x0], $0xffff;
	vm3 =	vgt.f32 v59, v21;
	vm2 =	vgt.f32 v31, v27;
	v35 =	vmax.f32 v27, v31  }
0x4bd: {  	v25 =	vsel vm0, s5, v20;
	v27 =	vld.idx.msk [tilespmem:v52+s20+$0x0], $0xffff;
	v34 =	vsel vm1, s5, v20;
	vm0 =	vgt.f32 v26, v36  }
0x4be: {  	vm1 =	vgt.f32 v11, v21;
	v11 =	vmax.f32 v21, v11;
	v31 =	vld.idx.msk [tilespmem:v49+s20+$0x0], $0xffff;
	v40 =	vsel vm3, s5, v20  }
0x4bf: {  	v21 =	vld.idx.msk [tilespmem:v29+s20+$0x0], $0xffff;
	vm4 =	vgt.f32 v30, v35;
	v38 =	vsel vm1, s5, v20;
	vm1 =	vgt.f32 v45, v44  }
0x4c0: {  	v29 =	vld.idx.msk [tilespmem:v50+s20+$0x0], $0xffff;
	v63 =	vsel vm2, s4, v25;
	v25 =	vmax.f32 v44, v45;
	v39 =	vmax.f32 v11, v62  }
0x4c1: {  	s5 =	simm.s32 $0x8;
	vm3 =	vgt.f32 v62, v11;
	v20 =	vld.idx.msk [tilespmem:v53+s20+$0x0], $0xffff;
	v11 =	vsel vm4, s1, v63;
	vm2 =	vgt.f32 v37, v39  }
.LBB2_18:
0x4c2: {  	p0 =	slt.u32 s5, $0xF8;
	v33 =	vsel vm3, s4, v38;
	v38 =	vsel vm0, s4, v40;
	v40 =	vld.idx.msk [tilespmem:v14+s20+$0x0], $0xffff;
	s6 =	smov.u32 s5;
	s5 =	sadd.s32 $0x8, s5  }
0x4c3: {  	v34 =	vsel vm1, s4, v34;
	v14 =	vmax.f32 v36, v26;
	v26 =	vmax.f32 v39, v37;
	v16 =	vld.idx.msk [tilespmem:v16+s20+$0x0], $0xffff  }
0x4c4: {  	v30 =	vmax.f32 v35, v30;
	s7 =	sadd.s32 $0x3, s6;
	vm3 =	vgt.f32 v28, v14;
	vm1 =	vgt.f32 v31, v26;
	v17 =	vld.idx.msk [tilespmem:v17+s20+$0x0], $0xffff  }
0x4c5: {  	v28 =	vmax.f32 v14, v28;
	v26 =	vmax.f32 v26, v31;
	v35 =	vmov s7;
	v31 =	vld.idx.msk [tilespmem:v15+s20+$0x0], $0xffff  }
0x4c6: {  	vm6 =	vgt.f32 v21, v28;
	v14 =	vand.u32 $0x7B, v35;
	vm4 =	vgt.f32 v29, v30;
	v19 =	vld.idx.msk [tilespmem:v19+s20+$0x0], $0xffff  }
0x4c7: {  	v15 =	vsel vm2, s1, v33;
	v29 =	vmax.f32 v30, v29;
	vm0 =	vgt.f32 v20, v26;
	v23 =	vld.idx.msk [tilespmem:v23+s20+$0x0], $0xffff  }
0x4c8: {  	v21 =	vmax.f32 v28, v21;
	vm2 =	vgt.f32 v13, v25;
	v13 =	vmax.f32 v25, v13;
	v12 =	vld.idx.msk [tilespmem:v12+s20+$0x0], $0xffff  }
0x4c9: {  	v25 =	vsel vm2, s1, v34;
	vm8 =	vgt.f32 v16, v21;
	v16 =	vmax.f32 v21, v16;
	v21 =	vld.idx.msk [tilespmem:v32+s20+$0x0], $0xffff  }
0x4ca: {  	v20 =	vmax.f32 v26, v20;
	v28 =	vmax.f32 v29, v40;
	v26 =	vmax.f32 v16, v17;
	v24 =	vld.idx.msk [tilespmem:v24+s20+$0x0], $0xffff  }
0x4cb: {  	v30 =	vshll.u32 v35, $0x3;
	v32 =	vmax.f32 v13, v27;
	vm2 =	vgt.f32 v31, v20  }
0x4cc: {  	v33 =	vadd.s32 v4, v30;
	v34 =	vadd.s32 v3, v30;
	vm10 =	vgt.f32 v17, v16  }
0x4cd: {  	vm5 =	vgt.f32 v27, v13;
	v16 =	vadd.s32 v0, v30;
	v13 =	vsel vm4, s29, v11;
	v8 =	vld.idx.msk [tilespmem:v8+s20+$0x0], $0xffff  }
0x4ce: {  	v17 =	vsel vm3, s1, v38;
	v20 =	vmax.f32 v20, v31;
	v27 =	vmax.f32 v28, v12  }
0x4cf: {  	v16 =	vand.u32 $0xC00, v16;
	v35 =	vmax.f32 v20, v23;
	v31 =	vmax.f32 v27, v19  }
0x4d0: {  	vm9 =	vgt.f32 v12, v28;
	v11 =	vmax.f32 v35, v21;
	vm7 =	vgt.f32 v24, v31  }
0x4d1: {  	s9 =	sadd.s32 $0x4, s6;
	vm11 =	vgt.f32 v40, v29;
	vm4 =	vgt.f32 v23, v20;
	vm3 =	vgt.f32 v21, v35;
	v12 =	vld.idx.msk [tilespmem:v22+s20+$0x0], $0xffff  }
0x4d2: {  	s8 =	sadd.s32 $0x5, s6;
	v13 =	vsel vm11, s30, v13;
	v20 =	vmov s9;
	vm11 =	vgt.f32 v19, v27;
	v10 =	vld.idx.msk [tilespmem:v10+s20+$0x0], $0xffff  }
0x4d3: {  	v19 =	vshll.u32 v20, $0x3;
	v22 =	vmov s8;
	v21 =	vmax.f32 v32, v8;
	v23 =	vld.idx.msk [tilespmem:v9+s20+$0x0], $0xffff  }
0x4d4: {  	v35 =	vadd.s32 v3, v19;
	v27 =	vand.u32 $0x7D, v22;
	v9 =	vadd.s32 v4, v19;
	v18 =	vld.idx.msk [tilespmem:v18+s20+$0x0], $0xffff  }
0x4d5: {  	v36 =	vand.u32 $0x7C, v20;
	v20 =	vadd.s32 v0, v19;
	v37 =	vand.u32 $0x1C00, v9  }
0x4d6: {  	v38 =	vand.u32 $0xC00, v20;
	v19 =	vadd.s32 v2, v19;
	v9 =	vor.u32 v5, v27  }
0x4d7: {  	v17 =	vsel vm6, s29, v17;
	v20 =	vmax.f32 v31, v24;
	v19 =	vand.u32 $0x3C00, v19  }
0x4d8: {  	v17 =	vsel vm8, s30, v17;
	vm8 =	vgt.f32 v10, v21;
	v10 =	vmax.f32 v21, v10  }
0x4d9: {  	s4 =	sadd.s32 $0x1, s6;
	s1 =	sadd.s32 $0x2, s6;
	v17 =	vsel vm10, s31, v17;
	v21 =	vmax.f32 v10, v12;
	vm12 =	vgt.f32 v23, v26  }
0x4da: {  	v24 =	vmov s4;
	v27 =	vmov s1;
	vm6 =	vgt.f32 v18, v21  }
0x4db: {  	v28 =	vand.u32 $0x79, v24;
	v24 =	vshll.u32 v24, $0x3;
	vm10 =	vgt.f32 v8, v32  }
0x4dc: {  	v8 =	vadd.s32 v4, v24;
	v29 =	vadd.s32 v2, v24;
	v21 =	vmax.f32 v21, v18;
	v18 =	vld.idx.msk [tilespmem:v7+s20+$0x0], $0xffff  }
0x4dd: {  	v32 =	vor.u32 v5, v28;
	v7 =	vand.u32 $0x1C00, v8;
	v8 =	vsel vm9, s31, v13  }
0x4de: {  	v13 =	vand.u32 $0x3C00, v29;
	vm9 =	vgt.f32 v12, v10;
	v7 =	vor.u32 v7, v32  }
0x4df: {  	v10 =	vand.u32 $0x7A, v27;
	v12 =	vshll.u32 v27, $0x3;
	v8 =	vsel vm11, s0, v8  }
0x4e0: {  	v17 =	vsel vm12, s0, v17;
	v27 =	vadd.s32 v4, v12;
	v29 =	vadd.s32 v3, v12  }
0x4e1: {  	v23 =	vmax.f32 v26, v23;
	v10 =	vor.u32 v5, v10;
	v27 =	vand.u32 $0x1C00, v27  }
0x4e2: {  	v26 =	vadd.s32 v3, v24;
	v39 =	vor.u32 v27, v10;
	vm11 =	vgt.f32 v18, v23  }
0x4e3: {  	v26 =	vand.u32 $0x2C00, v26;
	v28 =	vadd.s32 v2, v12;
	v27 =	vsel vm7, s3, v8  }
0x4e4: {  	v31 =	vsel vm5, s29, v25;
	v8 =	vadd.s32 v0, v12;
	v12 =	vand.u32 $0x3C00, v28  }
0x4e5: {  	v8 =	vand.u32 $0xC00, v8;
	v28 =	vor.u32 v12, v10;
	v25 =	vsel vm11, s3, v17  }
0x4e6: {  	v15 =	vsel vm1, s29, v15;
	s29 =	smov.u32 s7;
	v12 =	vor.u32 v5, v14;
	v14 =	vadd.s32 v2, v30  }
0x4e7: {  	v30 =	vor.u32 v13, v32;
	v13 =	vand.u32 $0x2C00, v34;
	v17 =	vsel vm10, s30, v31  }
0x4e8: {  	v40 =	vand.u32 $0x2C00, v29;
	v31 =	vor.u32 v13, v12;
	v13 =	vsel vm8, s31, v17  }
0x4e9: {  	v17 =	vadd.s32 v0, v24;
	v24 =	vand.u32 $0x1C00, v33;
	v13 =	vsel vm9, s0, v13  }
0x4ea: {  	v15 =	vsel vm0, s30, v15;
	s30 =	smov.u32 s9;
	v17 =	vand.u32 $0xC00, v17;
	v29 =	vor.u32 v24, v12  }
0x4eb: {  	v34 =	vor.u32 v16, v12;
	v16 =	vand.u32 $0x3C00, v14;
	v41 =	vor.u32 v17, v32  }
0x4ec: {  	v15 =	vsel vm2, s31, v15;
	v14 =	vand.u32 $0x2C00, v35;
	s31 =	smov.u32 s8;
	v17 =	vor.u32 v5, v36  }
0x4ed: {  	v15 =	vsel vm4, s0, v15;
	v42 =	vmax.f32 v23, v18;
	v33 =	vor.u32 v14, v17  }
0x4ee: {  	v43 =	vsel vm3, s3, v15;
	v40 =	vor.u32 v40, v10;
	v14 =	vor.u32 v37, v17  }
0x4ef: {  	v35 =	vor.u32 v26, v32;
	v44 =	vor.u32 v16, v12;
	v45 =	vsel vm6, s3, v13  }
0x4f0: {  	v10 =	vor.u32 v8, v10;
	v12 =	vshll.u32 v22, $0x3;
	v8 =	vor.u32 v38, v17  }
0x4f1: {  	v13 =	vadd.s32 v3, v12;
	v15 =	vadd.s32 v2, v12;
	v16 =	vor.u32 v19, v17  }
0x4f2: {  	v17 =	vadd.s32 v4, v12;
	v13 =	vand.u32 $0x2C00, v13;
	v18 =	vand.u32 $0x3C00, v15  }
0x4f3: {  	s0 =	sadd.s32 $0x6, s6;
	v19 =	vand.u32 $0x1C00, v17;
	v15 =	vor.u32 v13, v9;
	v17 =	vor.u32 v18, v9  }
0x4f4: {  	v18 =	vadd.s32 v0, v12;
	v12 =	vor.u32 v19, v9;
	v19 =	vmov s0  }
0x4f5: {  	v22 =	vshll.u32 v19, $0x3;
	v13 =	vld.idx.msk [tilespmem:v10+s20+$0x0], $0xffff;
	v10 =	vand.u32 $0xC00, v18;
	v18 =	vand.u32 $0x7E, v19  }
0x4f6: {  	v10 =	vor.u32 v10, v9;
	v36 =	vor.u32 v5, v18;
	v9 =	vadd.s32 v4, v22  }
0x4f7: {  	v23 =	vadd.s32 v3, v22;
	v18 =	vmov s6;
	v9 =	vand.u32 $0x1C00, v9  }
0x4f8: {  	v24 =	vand.u32 $0x78, v18;
	v18 =	vshll.u32 v18, $0x3;
	v19 =	vor.u32 v9, v36  }
0x4f9: {  	v9 =	vor.u32 v5, v24;
	v24 =	vadd.s32 v4, v18;
	v26 =	vadd.s32 v2, v18  }
0x4fa: {  	v32 =	vadd.s32 v3, v18;
	v24 =	vand.u32 $0x1C00, v24;
	v26 =	vand.u32 $0x3C00, v26  }
0x4fb: {  	v18 =	vadd.s32 v0, v18;
	v24 =	vor.u32 v24, v9;
	v37 =	vor.u32 v26, v9  }
0x4fc: {  	v18 =	vand.u32 $0xC00, v18;
	v26 =	vand.u32 $0x2C00, v32;
	v32 =	vadd.s32 v2, v22  }
0x4fd: {  	s3 =	sadd.s32 $0x7, s6;
	v18 =	vor.u32 v18, v9;
	v38 =	vor.u32 v26, v9;
	v9 =	vand.u32 $0x3C00, v32;
	v26 =	vld.idx.msk [tilespmem:v30+s20+$0x0], $0xffff  }
0x4fe: {  	v32 =	vmov s3;
	v9 =	vor.u32 v9, v36;
	v46 =	vld.idx.msk [tilespmem:v7+s20+$0x0], $0xffff;
	v7 =	vand.u32 $0x2C00, v23  }
0x4ff: {  	v30 =	vld.idx.msk [tilespmem:v39+s20+$0x0], $0xffff;
	v23 =	vor.u32 v7, v36;
	v7 =	vand.u32 $0x7F, v32;
	v32 =	vshll.u32 v32, $0x3  }
0x500: {  	v39 =	vld.idx.msk [tilespmem:v24+s20+$0x0], $0xffff;
	v24 =	vadd.s32 v0, v32;
	v47 =	vadd.s32 v4, v32;
	v48 =	vadd.s32 v3, v32  }
0x501: {  	v7 =	vor.u32 v5, v7;
	v49 =	vld.idx.msk [tilespmem:v37+s20+$0x0], $0xffff;
	v37 =	vand.u32 $0x1C00, v47;
	v47 =	vand.u32 $0x2C00, v48  }
0x502: {  	v32 =	vadd.s32 v2, v32;
	v48 =	vld.idx.msk [tilespmem:v18+s20+$0x0], $0xffff;
	v18 =	vand.u32 $0xC00, v24;
	v24 =	vor.u32 v37, v7  }
0x503: {  	v22 =	vadd.s32 v0, v22;
	v37 =	vand.u32 $0x3C00, v32;
	v38 =	vld.idx.msk [tilespmem:v38+s20+$0x0], $0xffff;
	v18 =	vor.u32 v18, v7  }
0x504: {  	v22 =	vand.u32 $0xC00, v22;
	v32 =	vor.u32 v47, v7;
	v7 =	vor.u32 v37, v7  }
0x505: {  	v22 =	vor.u32 v22, v36;
	v41 =	vld.idx.msk [tilespmem:v41+s20+$0x0], $0xffff  }
0x506: {  	vm0 =	vgt.f32 v39, v20;
	v20 =	vmax.f32 v20, v39;
	v47 =	vld.idx.msk [tilespmem:v35+s20+$0x0], $0xffff  }
0x507: {  	v36 =	vmax.f32 v42, v49;
	vm2 =	vgt.f32 v46, v20;
	v35 =	vmax.f32 v20, v46;
	v37 =	vld.idx.msk [tilespmem:v40+s20+$0x0], $0xffff  }
0x508: {  	v20 =	vsel vm0, s6, v27;
	vm1 =	vgt.f32 v48, v21;
	vm4 =	vgt.f32 v30, v35;
	v27 =	vld.idx.msk [tilespmem:v34+s20+$0x0], $0xffff  }
.Ltmp8:
0x509: {  	v39 =	vmax.f32 v21, v48;
	vm0 =	vgt.f32 v26, v36;
	v34 =	vsel vm1, s6, v45;
	v28 =	vld.idx.msk [tilespmem:v28+s20+$0x0], $0xffff;
	(pc) =	sbr.rel @p0 .LBB2_18-.Ltmp8, $4  }
0x50a: {  	vm3 =	vgt.f32 v49, v42;
	vm1 =	vgt.f32 v38, v11;
	v11 =	vmax.f32 v11, v38;
	v31 =	vld.idx.msk [tilespmem:v31+s20+$0x0], $0xffff  }
0x50b: {  	v20 =	vsel vm2, s4, v20;
	v38 =	vsel vm1, s6, v43;
	vm1 =	vgt.f32 v41, v39;
	v21 =	vld.idx.msk [tilespmem:v44+s20+$0x0], $0xffff  }
0x50c: {  	v40 =	vsel vm3, s6, v25;
	v25 =	vmax.f32 v39, v41;
	v39 =	vmax.f32 v11, v47;
	v29 =	vld.idx.msk [tilespmem:v29+s20+$0x0], $0xffff  }
0x50d: {  	vm3 =	vgt.f32 v47, v11;
	v11 =	vsel vm4, s1, v20;
	vm2 =	vgt.f32 v37, v39;
	v20 =	vld.idx.msk [tilespmem:v33+s20+$0x0], $0xffff  }
0x50e: {  	_ =	sdelay $0x2  }
0x50f: {  	v33 =	vsel vm3, s4, v38;
	v58 =	vsel vm0, s4, v40;
	v34 =	vsel vm1, s4, v34  }
0x510: {  	v14 =	vld.idx.msk [tilespmem:v14+s20+$0x0], $0xffff;
	v26 =	vmax.f32 v36, v26;
	v59 =	vmax.f32 v39, v37;
	v30 =	vmax.f32 v35, v30  }
0x511: {  	v16 =	vld.idx.msk [tilespmem:v16+s20+$0x0], $0xffff;
	vm13 =	vgt.f32 v13, v25;
	v63 =	vmax.f32 v25, v13;
	vm4 =	vgt.f32 v28, v26  }
0x512: {  	v17 =	vld.idx.msk [tilespmem:v17+s20+$0x0], $0xffff;
	vm0 =	vgt.f32 v31, v59;
	v26 =	vmax.f32 v26, v28;
	v60 =	vmax.f32 v59, v31  }
0x513: {  	v15 =	vld.idx.msk [tilespmem:v15+s20+$0x0], $0xffff;
	v61 =	vsel vm2, s1, v33;
	v35 =	vsel vm13, s1, v34;
	v41 =	vmax.f32 v63, v27  }
0x514: {  	v23 =	vld.idx.msk [tilespmem:v23+s20+$0x0], $0xffff;
	vm8 =	vgt.f32 v27, v63;
	vm12 =	vgt.f32 v21, v26;
	v44 =	vsel vm4, s1, v58  }
0x515: {  	v8 =	vld.idx.msk [tilespmem:v8+s20+$0x0], $0xffff;
	v54 =	vsel vm8, s29, v35;
	v55 =	vsel vm0, s29, v61;
	vm5 =	vgt.f32 v29, v30  }
0x516: {  	v12 =	vld.idx.msk [tilespmem:v12+s20+$0x0], $0xffff;
	v62 =	vmax.f32 v30, v29;
	v30 =	vmax.f32 v26, v21;
	v49 =	vsel vm12, s29, v44  }
0x517: {  	v19 =	vld.idx.msk [tilespmem:v19+s20+$0x0], $0xffff;
	vm1 =	vgt.f32 v20, v60;
	v39 =	vmax.f32 v60, v20;
	v11 =	vsel vm5, s29, v11  }
0x518: {  	v10 =	vld.idx.msk [tilespmem:v10+s20+$0x0], $0xffff;
	vm6 =	vgt.f32 v16, v30;
	v16 =	vmax.f32 v30, v16;
	v37 =	vmax.f32 v62, v14  }
0x519: {  	v33 =	vld.idx.msk [tilespmem:v32+s20+$0x0], $0xffff;
	vm2 =	vgt.f32 v15, v39;
	v15 =	vmax.f32 v39, v15;
	vm9 =	vgt.f32 v14, v62  }
0x51a: {  	v42 =	vld.idx.msk [tilespmem:v22+s20+$0x0], $0xffff;
	v48 =	vmax.f32 v41, v8;
	vm4 =	vgt.f32 v8, v41;
	v40 =	vmax.f32 v16, v17  }
0x51b: {  	v9 =	vld.idx.msk [tilespmem:v9+s20+$0x0], $0xffff;
	vm7 =	vgt.f32 v17, v16;
	v43 =	vmax.f32 v37, v12;
	v46 =	vmax.f32 v15, v23  }
0x51c: {  	v36 =	vld.idx.msk [tilespmem:v24+s20+$0x0], $0xffff;
	vm14 =	vgt.f32 v12, v37;
	vm10 =	vgt.f32 v23, v15;
	v11 =	vsel vm9, s30, v11  }
0x51d: {  	v47 =	vld.idx.msk [tilespmem:v18+s20+$0x0], $0xffff;
	v50 =	vsel vm6, s30, v49;
	v51 =	vmax.f32 v48, v10;
	vm6 =	vgt.f32 v10, v48  }
0x51e: {  	v7 =	vld.idx.msk [tilespmem:v7+s20+$0x0], $0xffff;
	v12 =	vsel vm1, s30, v55;
	v45 =	vmax.f32 v43, v19;
	vm11 =	vgt.f32 v33, v46  }
0x51f: {  	vm3 =	vgt.f32 v19, v43;
	v52 =	vsel vm7, s31, v50;
	v53 =	vmax.f32 v51, v42  }
0x520: {  	vm7 =	vgt.f32 v9, v40;
	v11 =	vsel vm14, s31, v11;
	vm12 =	vgt.f32 v42, v51  }
0x521: {  	v9 =	vmax.f32 v40, v9;
	v56 =	vsel vm2, s31, v12;
	vm5 =	vgt.f32 v36, v45  }
0x522: {  	vm9 =	vgt.f32 v47, v53;
	v8 =	vsel vm3, s0, v11;
	v10 =	vsel vm7, s0, v52  }
0x523: {  	v11 =	vsel vm4, s30, v54;
	vm15 =	vgt.f32 v7, v9;
	v9 =	vsel vm10, s0, v56  }
0x524: {  	v7 =	vsel vm6, s31, v11;
	v8 =	vsel vm5, s3, v8;
	v10 =	vsel vm15, s3, v10  }
0x525: {  	v9 =	vsel vm11, s3, v9;
	v7 =	vsel vm12, s0, v7;
	v58 =	vshll.u32 v8, $0x3  }
0x526: {  	v59 =	vshll.u32 v9, $0x3;
	v8 =	vand.u32 $0x7F, v8;
	v7 =	vsel vm9, s3, v7  }
0x527: {  	v60 =	vshll.u32 v10, $0x3;
	v9 =	vand.u32 $0x7F, v9;
	v57 =	vshll.u32 v7, $0x3  }
0x528: {  	v10 =	vand.u32 $0x7F, v10;
	v12 =	vadd.s32 v4, v58;
	v11 =	vadd.s32 v0, v57  }
0x529: {  	v61 =	vadd.s32 v3, v59;
	v7 =	vand.u32 $0x7F, v7;
	v11 =	vand.u32 $0xFFFFFC00, v11  }
0x52a: {  	v62 =	vadd.s32 v2, v60;
	v12 =	vand.u32 $0xFFFFFC00, v12;
	v7 =	vor.u32 v11, v7  }
0x52b: {  	v8 =	vor.u32 v12, v8;
	v11 =	vand.u32 $0xFFFFFC00, v61;
	v7 =	vor.u32 v5, v7  }
0x52c: {  	v63 =	vand.u32 $0xFFFFFC00, v62;
	v8 =	vor.u32 v5, v8;
	v9 =	vor.u32 v11, v9  }
0x52d: {  	v10 =	vor.u32 v63, v10;
	v9 =	vor.u32 v5, v9  }
0x52e: {  	v10 =	vor.u32 v5, v10;
	_ =	sdelay $0x1  }
0x52f: {  	[tilespmem:v7+s24+$0x0] =	vst.idx.msk $0xffff, v6  }
0x530: {  	[tilespmem:v8+s24+$0x0] =	vst.idx.msk $0xffff, v6  }
0x531: {  	[tilespmem:v9+s24+$0x0] =	vst.idx.msk $0xffff, v6  }
0x532: {  	s28 =	sadd.s32 $0x1, s28;
	[tilespmem:v10+s24+$0x0] =	vst.idx.msk $0xffff, v6  }
0x533: {  	[hbm4b:s18+s2] =	stream.linear.scatter [tilespmem:s24], [sflag:$0x4], $0x4000, $0x38;
	[tilespmem:$0x10000] =	vst v63  }
0x534: {  	p0 =	sne.s32 s28, s19;
	_ =	swait.ge [sflag:s25], $0x4000  }
.Ltmp9:
0x535: {  	[sflag:s25] =	ssyncset.done $0x0;
	(pc) =	sbr.rel @p0 .LBB2_1-.Ltmp9, $4  }
0x536: {  	[sflag:s25] =	ssyncadd.s32 $0xFFFFC000  }
0x537: {  	_ =	swait.ge [sflag:s26], $0x4000  }
0x538: {  	[sflag:s26] =	ssyncset.done $0x0  }
0x539: {  	[sflag:s26] =	ssyncadd.s32 $0xFFFFC000  }
0x53a: {  	_ =	sfence.sel $0x180000  }
0x53b: {  	[bflag:$0x0] =	sbarrier.arrive $0xFFFF  }
0x53c: {  	_ =	strace $0x90000047  }
0x53d: {  	s0 =	stileid.u32;
	[bflag:$0x2] =	sbarrier.arrive $0xFFFF  }
0x53e: {  	p0 =	sne.s32 s0, $0x0;
	s0 =	rddreg [dreg:$0x2]  }
0x53f: {  	s0 =	sadd.s32 @!p0 $0x100000, s0  }
0x540: {  	[sflag:s0] =	ssyncadd.tile.s32 @!p0 $0x1;
	_ =	shalt  }
.Lfunc_end2:
_tile_overlayer_lowered:
.L_overlay_start_2:
0x541: {  	(tag) =	ssettag $0x2  }
0x542: {  	s0 =	rddreg [dreg:$0x0];
	s2 =	stileid.u32  }
0x543: {  	s1 =	rddreg [dreg:$0x1];
	p0 =	sne.s32 s2, $0x0  }
0x544: {  	s3 =	rddreg [dreg:$0x2];
	[bflag:$0x3] =	sbarrier.arrive $0xFFFF;
	s2 =	simm.s32 @!p0 $0x1C05  }
0x545: {  	[timem:s3], [sflag:s2] =	dma.local @!p0 [hbm:s0], s1  }
0x546: {  	s0 =	simm.s32 @!p0 $0x5  }
0x547: {  	_ =	swait.ge @!p0 [sflag:s0], s1  }
0x548: {  	s1 =	ssub.s32 @!p0 $0x0, s1;
	[sflag:s0] =	ssyncset.done @!p0 $0x0  }
0x549: {  	[sflag:s0] =	ssyncadd.s32 @!p0 s1  }
0x54a: {  	[bflag:$0x3] =	sbarrier.arrive $0xFFFF  }
0x54b: {  	_ =	shalt  }

</sc_bundles>
